<compile_context>
chip_gen: v7x
topology: tpu7x:2x2x1
jax: 0.10.2.dev20260603
libtpu: 0.0.44.dev20260713+nightly
codegen_flags: <defaults>
</compile_context>

<pallas_src>
import dataclasses
import functools

import jax
import jax.numpy as jnp
from jax import lax
from jax.experimental import pallas as pl
from jax.experimental.pallas import tpu as pltpu
from jax.experimental.pallas import tpu_sc as plsc

NC = 2
NS = 16
NW = NC * NS
LANES = 16
WT = 128
HTPK = 8


def _sc_body(htp_hbm, idx_hbm, w_hbm, out_hbm,
             idx_a, idx_b, htp_a, htp_b, b0_a, b1_a, b0_b, b1_b,
             p0_a, p1_a, p0_b, p1_b, w0_a, w1_a, w0_b, w1_b, out_a, out_b,
             semi_a, semi_b, semh_a, semh_b,
             semw0_a, semw1_a, semw0_b, semw1_b, semo_a, semo_b,
             n_win, per_w, d):
    wid = lax.axis_index("s") * NC + lax.axis_index("c")
    iot = lax.iota(jnp.int32, LANES)
    t_iters = n_win // 2

    def wbase(win):
        return wid * per_w + win * WT

    def issue_idx(win, idx_v, sem):
        pltpu.make_async_copy(idx_hbm.at[pl.ds(wbase(win), WT)],
                              idx_v, sem).start()

    def wait_idx(idx_v, sem):
        pltpu.make_async_copy(idx_hbm.at[pl.ds(0, WT)], idx_v, sem).wait()

    def issue_htp(rowi_v, htp_v, sem):
        pltpu.make_async_copy(htp_hbm.at[rowi_v], htp_v, sem).start()

    def wait_htp(rowi_v, htp_v, sem):
        pltpu.make_async_copy(htp_hbm.at[rowi_v], htp_v, sem).wait()

    def issue_w(b_v, w_v, sem):
        pltpu.make_async_copy(w_hbm.at[b_v], w_v, sem).start()

    def wait_w(b_v, w_v, sem):
        pltpu.make_async_copy(w_hbm.at[b_v], w_v, sem).wait()

    def issue_out(out_v, win, sem):
        pltpu.make_async_copy(out_v, out_hbm.at[pl.ds(wbase(win), WT)],
                              sem).start()

    def wait_out(out_v, sem):
        pltpu.make_async_copy(out_v, out_hbm.at[pl.ds(0, WT)], sem).wait()

    def phase_a(idx_v, htp_v, b0_v, b1_v, p0_v, p1_v):
        @plsc.parallel_loop(0, WT // LANES, unroll=2)
        def _abl(g):
            off = pl.multiple_of(g * LANES, LANES)
            b0_v[pl.ds(off, LANES)] = (iot * 6151 + off * 131 + wid * 997) & 65535
            b1_v[pl.ds(off, LANES)] = (iot * 4093 + off * 177 + wid * 1013) & 65535
            p0_v[pl.ds(off, LANES)] = plsc.bitcast(iot + off, jnp.float32)
            p1_v[pl.ds(off, LANES)] = plsc.bitcast(iot + off, jnp.float32)
        return

        @plsc.parallel_loop(0, WT // LANES, unroll=2)
        def _pa(g):
            off = pl.multiple_of(g * LANES, LANES)
            tv = idx_v[pl.ds(off, LANES)]
            rowv = iot + off
            h0 = plsc.load_gather(htp_v, [rowv, jnp.full((LANES,), 0, jnp.int32)])
            h1 = plsc.load_gather(htp_v, [rowv, jnp.full((LANES,), 1, jnp.int32)])
            pb0 = plsc.load_gather(htp_v, [rowv, jnp.full((LANES,), 2, jnp.int32)])
            pb1 = plsc.load_gather(htp_v, [rowv, jnp.full((LANES,), 3, jnp.int32)])
            nz = tv != 0
            zero = jnp.zeros((LANES,), jnp.int32)
            b0_v[pl.ds(off, LANES)] = jnp.where(nz, h0, zero)
            b1_v[pl.ds(off, LANES)] = jnp.where(nz, h1, zero)
            p0_v[pl.ds(off, LANES)] = plsc.bitcast(pb0, jnp.float32)
            p1_v[pl.ds(off, LANES)] = plsc.bitcast(pb1, jnp.float32)

    def phase_b(p0_v, p1_v, w0_v, w1_v, out_v):
        @plsc.parallel_loop(0, WT // LANES, unroll=2)
        def _pb(g):
            off = pl.multiple_of(g * LANES, LANES)
            p0vec = p0_v[pl.ds(off, LANES)]
            p1vec = p1_v[pl.ds(off, LANES)]
            for j in range(LANES):
                t = off + j
                p0s = p0vec[j]
                p1s = p1vec[j]
                for c in range(d // LANES):
                    w0c = w0_v[t, pl.ds(c * LANES, LANES)]
                    w1c = w1_v[t, pl.ds(c * LANES, LANES)]
                    out_v[t, pl.ds(c * LANES, LANES)] = w0c * p0s + w1c * p1s

    pltpu.sync_copy(idx_hbm.at[pl.ds(wbase(0), WT)], idx_a)
    issue_htp(idx_a, htp_a, semh_a)
    issue_idx(1, idx_b, semi_b)

    @pl.loop(0, t_iters)
    def _iter(t):
        k0 = 2 * t
        k1 = k0 + 1

        wait_htp(idx_a, htp_a, semh_a)
        phase_a(idx_a, htp_a, b0_a, b1_a, p0_a, p1_a)
        issue_w(b0_a, w0_a, semw0_a)
        issue_w(b1_a, w1_a, semw1_a)

        wait_idx(idx_b, semi_b)
        issue_htp(idx_b, htp_b, semh_b)

        @pl.when(t > 0)
        def _():
            wait_w(b0_b, w0_b, semw0_b)
            wait_w(b1_b, w1_b, semw1_b)

            @pl.when(t > 1)
            def _():
                wait_out(out_b, semo_b)

            phase_b(p0_b, p1_b, w0_b, w1_b, out_b)
            issue_out(out_b, k0 - 1, semo_b)

        @pl.when(t < t_iters - 1)
        def _():
            issue_idx(k0 + 2, idx_a, semi_a)

        wait_htp(idx_b, htp_b, semh_b)
        phase_a(idx_b, htp_b, b0_b, b1_b, p0_b, p1_b)
        issue_w(b0_b, w0_b, semw0_b)
        issue_w(b1_b, w1_b, semw1_b)

        @pl.when(t < t_iters - 1)
        def _():
            wait_idx(idx_a, semi_a)
            issue_htp(idx_a, htp_a, semh_a)

        wait_w(b0_a, w0_a, semw0_a)
        wait_w(b1_a, w1_a, semw1_a)

        @pl.when(t > 0)
        def _():
            wait_out(out_a, semo_a)

        phase_b(p0_a, p1_a, w0_a, w1_a, out_a)
        issue_out(out_a, k0, semo_a)

        @pl.when(t < t_iters - 1)
        def _():
            issue_idx(k0 + 3, idx_b, semi_b)

    wait_w(b0_b, w0_b, semw0_b)
    wait_w(b1_b, w1_b, semw1_b)
    wait_out(out_b, semo_b)
    phase_b(p0_b, p1_b, w0_b, w1_b, out_b)
    issue_out(out_b, n_win - 1, semo_b)
    wait_out(out_a, semo_a)
    wait_out(out_b, semo_b)


def kernel(indices, W, hash_tables, p):
    b, l = indices.shape
    d = W.shape[1]
    n = b * l
    per_w = n // NW
    n_win = per_w // WT

    htp = jnp.concatenate(
        [hash_tables, lax.bitcast_convert_type(p, jnp.int32),
         jnp.zeros((hash_tables.shape[0], HTPK - 4), jnp.int32)], axis=1)
    idx1 = indices.reshape(n)

    mesh = plsc.VectorSubcoreMesh(core_axis_name="c", subcore_axis_name="s",
                                  num_cores=NC, num_subcores=NS)
    body = functools.partial(_sc_body, n_win=n_win, per_w=per_w, d=d)
    cp = pltpu.CompilerParams()
    for fld, val in (("needs_layout_passes", False),
                     ("use_tc_tiling_on_sc", False)):
        if fld in pltpu.CompilerParams.__dataclass_fields__:
            cp = dataclasses.replace(cp, **{fld: val})
    run = pl.kernel(
        body,
        out_type=jax.ShapeDtypeStruct((n, d), jnp.float32),
        mesh=mesh,
        compiler_params=cp,
        scratch_types=[
            pltpu.VMEM((WT,), jnp.int32),
            pltpu.VMEM((WT,), jnp.int32),
            pltpu.VMEM((WT, HTPK), jnp.int32),
            pltpu.VMEM((WT, HTPK), jnp.int32),
            pltpu.VMEM((WT,), jnp.int32),
            pltpu.VMEM((WT,), jnp.int32),
            pltpu.VMEM((WT,), jnp.int32),
            pltpu.VMEM((WT,), jnp.int32),
            pltpu.VMEM((WT,), jnp.float32),
            pltpu.VMEM((WT,), jnp.float32),
            pltpu.VMEM((WT,), jnp.float32),
            pltpu.VMEM((WT,), jnp.float32),
            pltpu.VMEM((WT, d), jnp.float32),
            pltpu.VMEM((WT, d), jnp.float32),
            pltpu.VMEM((WT, d), jnp.float32),
            pltpu.VMEM((WT, d), jnp.float32),
            pltpu.VMEM((WT, d), jnp.float32),
            pltpu.VMEM((WT, d), jnp.float32),
            pltpu.SemaphoreType.DMA,
            pltpu.SemaphoreType.DMA,
            pltpu.SemaphoreType.DMA,
            pltpu.SemaphoreType.DMA,
            pltpu.SemaphoreType.DMA,
            pltpu.SemaphoreType.DMA,
            pltpu.SemaphoreType.DMA,
            pltpu.SemaphoreType.DMA,
            pltpu.SemaphoreType.DMA,
            pltpu.SemaphoreType.DMA,
        ],
    )
    out = run(htp, idx1, W)
    return out.reshape(b, l, d)

# --- scband reference (transcript-rebuilt; emitter-appended) ---
"""Pipeline reference for scband-multi-hashing-layer-dropout-79448305042059 (READ-ONLY COPY).

The authoritative reference and input builder live on the scoring server;
editing this copy changes nothing except your own understanding.
"""

import jax, jax.numpy as jnp
import numpy as np

WORD_COUNT = 1000000   # word_count_including_zero_token
NUM_BUCKETS = 100000   # W.shape[0] before the prepended zero row
EMBED_DIM = 32
NUM_HASH = 2
B, L = 4096, 200


def setup_inputs(seed: int = 0) -> dict:
    key = jax.random.key(seed)
    k1, k2, k3, k4 = jax.random.split(key, 4)
    # token ids in [0, WORD_COUNT); id 0 is the masked/zero token
    indices = jax.random.randint(k1, (B, L), 0, WORD_COUNT, dtype=jnp.int32)
    # hash tables: values in [1, NUM_BUCKETS], row 0 of W is the zero row
    hash_tables = (
        jax.random.randint(k2, (WORD_COUNT, NUM_HASH), 0, 2 ** 16, dtype=jnp.int32)
        % NUM_BUCKETS
        + 1
    )
    # embedding table with a prepended all-zero row (index 0)
    W = 0.05 * jax.random.normal(k3, (NUM_BUCKETS + 1, EMBED_DIM), dtype=jnp.float32)
    W = W.at[0].set(0.0)
    # per-(word, hash_fun) importance weights
    p = jax.random.uniform(k4, (WORD_COUNT, NUM_HASH), dtype=jnp.float32)
    return {"indices": indices, "W": W, "hash_tables": hash_tables, "p": p}


def reference(indices, W, hash_tables, p):
    # gather bucket ids for every token and every hash function: [B, L, NUM_HASH]
    idx_bucket_all = jnp.take(hash_tables, indices, axis=0)
    # zero token maps to bucket 0 (the zero embedding row)
    nonzero = (indices != 0).astype(jnp.int32)  # [B, L]
    out = jnp.zeros((indices.shape[0], indices.shape[1], W.shape[1]), dtype=W.dtype)
    for h in range(NUM_HASH):
        idx = idx_bucket_all[:, :, h] * nonzero            # [B, L]
        W0 = jnp.take(W, idx, axis=0)                      # [B, L, D]
        p0 = jnp.take(p[:, h], indices, axis=0)            # [B, L]
        out = out + W0 * p0[..., None]
    return out

if __name__ == "__main__":
    import jax
    _d = setup_inputs()
    print(jax.jit(kernel)(*tuple(_d.values())))

</pallas_src>

<mosaic_0001>
#map = affine_map<(d0, d1) -> (0, 0)>
#map1 = affine_map<(d0, d1) -> (0)>
module attributes {stable_mosaic.version = 14 : i64} {
  func.func @_sc_body(%arg0: i32, %arg1: i32, %arg2: memref<1000000x8xi32, #tpu.memory_space<hbm>>, %arg3: memref<819200xi32, #tpu.memory_space<hbm>>, %arg4: memref<100001x32xf32, #tpu.memory_space<hbm>>, %arg5: memref<819200x32xf32, #tpu.memory_space<hbm>>, %arg6: memref<128xi32, #tpu.memory_space<vmem>>, %arg7: memref<128xi32, #tpu.memory_space<vmem>>, %arg8: memref<128x8xi32, #tpu.memory_space<vmem>>, %arg9: memref<128x8xi32, #tpu.memory_space<vmem>>, %arg10: memref<128xi32, #tpu.memory_space<vmem>>, %arg11: memref<128xi32, #tpu.memory_space<vmem>>, %arg12: memref<128xi32, #tpu.memory_space<vmem>>, %arg13: memref<128xi32, #tpu.memory_space<vmem>>, %arg14: memref<128xf32, #tpu.memory_space<vmem>>, %arg15: memref<128xf32, #tpu.memory_space<vmem>>, %arg16: memref<128xf32, #tpu.memory_space<vmem>>, %arg17: memref<128xf32, #tpu.memory_space<vmem>>, %arg18: memref<128x32xf32, #tpu.memory_space<vmem>>, %arg19: memref<128x32xf32, #tpu.memory_space<vmem>>, %arg20: memref<128x32xf32, #tpu.memory_space<vmem>>, %arg21: memref<128x32xf32, #tpu.memory_space<vmem>>, %arg22: memref<128x32xf32, #tpu.memory_space<vmem>>, %arg23: memref<128x32xf32, #tpu.memory_space<vmem>>, %arg24: memref<!tpu.dma_semaphore, #tpu.memory_space<semaphore_mem>>, %arg25: memref<!tpu.dma_semaphore, #tpu.memory_space<semaphore_mem>>, %arg26: memref<!tpu.dma_semaphore, #tpu.memory_space<semaphore_mem>>, %arg27: memref<!tpu.dma_semaphore, #tpu.memory_space<semaphore_mem>>, %arg28: memref<!tpu.dma_semaphore, #tpu.memory_space<semaphore_mem>>, %arg29: memref<!tpu.dma_semaphore, #tpu.memory_space<semaphore_mem>>, %arg30: memref<!tpu.dma_semaphore, #tpu.memory_space<semaphore_mem>>, %arg31: memref<!tpu.dma_semaphore, #tpu.memory_space<semaphore_mem>>, %arg32: memref<!tpu.dma_semaphore, #tpu.memory_space<semaphore_mem>>, %arg33: memref<!tpu.dma_semaphore, #tpu.memory_space<semaphore_mem>>) attributes {dimension_semantics = [#tpu.dimension_semantics<core_parallel>, #tpu.dimension_semantics<subcore_parallel>], iteration_bounds = array<i64: 2, 16>, scalar_prefetch = 0 : i64, scratch_operands = 28 : i64, tpu.core_type = #tpu.core_type<sc_vector_subcore>, window_params = [{transform_indices = #map}, {transform_indices = #map1}, {transform_indices = #map}, {transform_indices = #map}]} {
    %mul3A = arith.constant 2 : i32
    %mul3A_0 = arith.muli %arg1, %mul3A : i32
    %add3A = arith.addi %mul3A_0, %arg0 : i32
    %iota3A = tpu.iota {dimensions = array<i32: 0>} : vector<16xi32>
    %mul3A_1 = arith.constant 25600 : i32
    %mul3A_2 = arith.muli %add3A, %mul3A_1 : i32
    %add3A_3 = arith.constant 0 : i32
    %add3A_4 = arith.addi %mul3A_2, %add3A_3 : i32
    "tpu.region"() ({
      %run_scoped3A = tpu.sem_alloc : memref<!tpu.dma_semaphore, #tpu.memory_space<semaphore_mem>>
      %dma_start3A_50 = tpu.memref_slice %arg3[%add3A_4] : memref<819200xi32, #tpu.memory_space<hbm>> -> memref<128xi32, #tpu.memory_space<hbm>>
      %dma_start3A_51 = tpu.memref_slice %arg3[%add3A_4] : memref<819200xi32, #tpu.memory_space<hbm>> -> memref<128xi32, #tpu.memory_space<hbm>>
      tpu.enqueue_dma source(%dma_start3A_51 : memref<128xi32, #tpu.memory_space<hbm>>) target(%arg6 : memref<128xi32, #tpu.memory_space<vmem>>) target_semaphore(%run_scoped3A : memref<!tpu.dma_semaphore, #tpu.memory_space<semaphore_mem>>)
      %dma_wait3A_52 = tpu.memref_slice %arg3[%add3A_4] : memref<819200xi32, #tpu.memory_space<hbm>> -> memref<128xi32, #tpu.memory_space<hbm>>
      %dma_wait3A_53 = tpu.memref_slice %arg3[%add3A_4] : memref<819200xi32, #tpu.memory_space<hbm>> -> memref<128xi32, #tpu.memory_space<hbm>>
      tpu.wait_dma2 semaphore(%run_scoped3A : memref<!tpu.dma_semaphore, #tpu.memory_space<semaphore_mem>>) src(%dma_wait3A_53 : memref<128xi32, #tpu.memory_space<hbm>>) dst(%arg6 : memref<128xi32, #tpu.memory_space<vmem>>)
      tpu.yield
    }) : () -> ()
    %dma_start3A = arith.constant 0 : i32
    %dma_start3A_5 = arith.constant 0 : i32
    %dma_start3A_6 = tpu.memref_slice %arg2[%dma_start3A, %dma_start3A_5] : memref<1000000x8xi32, #tpu.memory_space<hbm>> -> memref<1000000x8xi32, #tpu.memory_space<hbm>>
    tpu.enqueue_indirect_dma source(%dma_start3A_6 : memref<1000000x8xi32, #tpu.memory_space<hbm>>) target(%arg8 : memref<128x8xi32, #tpu.memory_space<vmem>>) offsets(%arg6 : memref<128xi32, #tpu.memory_space<vmem>>) semaphore(%arg26 : memref<!tpu.dma_semaphore, #tpu.memory_space<semaphore_mem>>)
    %mul3A_7 = arith.constant 25600 : i32
    %mul3A_8 = arith.muli %add3A, %mul3A_7 : i32
    %add3A_9 = arith.constant 128 : i32
    %add3A_10 = arith.addi %mul3A_8, %add3A_9 : i32
    %dma_start3A_11 = tpu.memref_slice %arg3[%add3A_10] : memref<819200xi32, #tpu.memory_space<hbm>> -> memref<128xi32, #tpu.memory_space<hbm>>
    %dma_start3A_12 = tpu.memref_slice %arg3[%add3A_10] : memref<819200xi32, #tpu.memory_space<hbm>> -> memref<128xi32, #tpu.memory_space<hbm>>
    tpu.enqueue_dma source(%dma_start3A_12 : memref<128xi32, #tpu.memory_space<hbm>>) target(%arg7 : memref<128xi32, #tpu.memory_space<vmem>>) target_semaphore(%arg25 : memref<!tpu.dma_semaphore, #tpu.memory_space<semaphore_mem>>)
    %scan3A = arith.constant 0 : i32
    %scan3A_13 = arith.constant 100 : i32
    %scan3A_14 = arith.addi %scan3A, %scan3A_13 : i32
    %scan3A_15 = arith.constant 1 : i32
    scf.for %scan3A_50 = %scan3A to %scan3A_14 step %scan3A_15  : i32 {
      %mul3A_51 = arith.constant 1 : i32
      %mul3A_52 = arith.muli %scan3A_50, %mul3A_51 : i32
      %add3A_53 = arith.constant 0 : i32
      %add3A_54 = arith.addi %add3A_53, %mul3A_52 : i32
      %mul3A_55 = arith.constant 2 : i32
      %mul3A_56 = arith.muli %mul3A_55, %add3A_54 : i32
      %add3A_57 = arith.constant 1 : i32
      %add3A_58 = arith.addi %mul3A_56, %add3A_57 : i32
      %dma_wait3A_59 = arith.constant 0 : i32
      %dma_wait3A_60 = arith.constant 0 : i32
      %dma_wait3A_61 = tpu.memref_slice %arg2[%dma_wait3A_59, %dma_wait3A_60] : memref<1000000x8xi32, #tpu.memory_space<hbm>> -> memref<1000000x8xi32, #tpu.memory_space<hbm>>
      tpu.wait_indirect_dma semaphore(%arg26 : memref<!tpu.dma_semaphore, #tpu.memory_space<semaphore_mem>>) src(%dma_wait3A_61 : memref<1000000x8xi32, #tpu.memory_space<hbm>>) dst(%arg8 : memref<128x8xi32, #tpu.memory_space<vmem>>)
      %parallel_loop3A_62 = arith.constant 0 : i32
      %parallel_loop3A_63 = arith.constant 8 : i32
      %parallel_loop3A_64 = arith.constant 1 : i32
      scf.for %parallel_loop3A_129 = %parallel_loop3A_62 to %parallel_loop3A_63 step %parallel_loop3A_64  : i32 {
        %parallel_loop3A_130 = arith.constant 16 : i32
        %parallel_loop3A_131 = arith.muli %parallel_loop3A_129, %parallel_loop3A_130 : i32
        %parallel_loop3A_132 = tpu.assume_multiple %parallel_loop3A_131, 16 : i32
        %parallel_loop3A_133 = arith.constant 6151 : i32
        %parallel_loop3A_134 = vector.broadcast %parallel_loop3A_133 : i32 to vector<16xi32>
        %parallel_loop3A_135 = arith.muli %iota3A, %parallel_loop3A_134 : vector<16xi32>
        %parallel_loop3A_136 = arith.constant 131 : i32
        %parallel_loop3A_137 = arith.muli %parallel_loop3A_132, %parallel_loop3A_136 : i32
        %parallel_loop3A_138 = vector.broadcast %parallel_loop3A_137 : i32 to vector<16xi32>
        %parallel_loop3A_139 = arith.addi %parallel_loop3A_135, %parallel_loop3A_138 : vector<16xi32>
        %parallel_loop3A_140 = arith.constant 997 : i32
        %parallel_loop3A_141 = arith.muli %add3A, %parallel_loop3A_140 : i32
        %parallel_loop3A_142 = vector.broadcast %parallel_loop3A_141 : i32 to vector<16xi32>
        %parallel_loop3A_143 = arith.addi %parallel_loop3A_139, %parallel_loop3A_142 : vector<16xi32>
        %parallel_loop3A_144 = arith.constant 65535 : i32
        %parallel_loop3A_145 = vector.broadcast %parallel_loop3A_144 : i32 to vector<16xi32>
        %parallel_loop3A_146 = arith.andi %parallel_loop3A_143, %parallel_loop3A_145 : vector<16xi32>
        %parallel_loop3A_147 = arith.index_cast %parallel_loop3A_132 : i32 to index
        %parallel_loop3A_148 = tpu.vector_load %arg10[%parallel_loop3A_147] {strides = array<i32>} : memref<128xi32, #tpu.memory_space<vmem>>, vector<16xi32>,
        tpu.vector_store %arg10[%parallel_loop3A_147], %parallel_loop3A_146 {strides = array<i32>} : memref<128xi32, #tpu.memory_space<vmem>>, vector<16xi32>,
        %parallel_loop3A_149 = arith.constant 4093 : i32
        %parallel_loop3A_150 = vector.broadcast %parallel_loop3A_149 : i32 to vector<16xi32>
        %parallel_loop3A_151 = arith.muli %iota3A, %parallel_loop3A_150 : vector<16xi32>
        %parallel_loop3A_152 = arith.constant 177 : i32
        %parallel_loop3A_153 = arith.muli %parallel_loop3A_132, %parallel_loop3A_152 : i32
        %parallel_loop3A_154 = vector.broadcast %parallel_loop3A_153 : i32 to vector<16xi32>
        %parallel_loop3A_155 = arith.addi %parallel_loop3A_151, %parallel_loop3A_154 : vector<16xi32>
        %parallel_loop3A_156 = arith.constant 1013 : i32
        %parallel_loop3A_157 = arith.muli %add3A, %parallel_loop3A_156 : i32
        %parallel_loop3A_158 = vector.broadcast %parallel_loop3A_157 : i32 to vector<16xi32>
        %parallel_loop3A_159 = arith.addi %parallel_loop3A_155, %parallel_loop3A_158 : vector<16xi32>
        %parallel_loop3A_160 = arith.constant 65535 : i32
        %parallel_loop3A_161 = vector.broadcast %parallel_loop3A_160 : i32 to vector<16xi32>
        %parallel_loop3A_162 = arith.andi %parallel_loop3A_159, %parallel_loop3A_161 : vector<16xi32>
        %parallel_loop3A_163 = arith.index_cast %parallel_loop3A_132 : i32 to index
        %parallel_loop3A_164 = tpu.vector_load %arg11[%parallel_loop3A_163] {strides = array<i32>} : memref<128xi32, #tpu.memory_space<vmem>>, vector<16xi32>,
        tpu.vector_store %arg11[%parallel_loop3A_163], %parallel_loop3A_162 {strides = array<i32>} : memref<128xi32, #tpu.memory_space<vmem>>, vector<16xi32>,
        %parallel_loop3A_165 = vector.broadcast %parallel_loop3A_132 : i32 to vector<16xi32>
        %parallel_loop3A_166 = arith.addi %iota3A, %parallel_loop3A_165 : vector<16xi32>
        %parallel_loop3A_167 = vector.bitcast %parallel_loop3A_166 : vector<16xi32> to vector<16xf32>
        %parallel_loop3A_168 = arith.index_cast %parallel_loop3A_132 : i32 to index
        %parallel_loop3A_169 = tpu.vector_load %arg14[%parallel_loop3A_168] {strides = array<i32>} : memref<128xf32, #tpu.memory_space<vmem>>, vector<16xf32>,
        tpu.vector_store %arg14[%parallel_loop3A_168], %parallel_loop3A_167 {strides = array<i32>} : memref<128xf32, #tpu.memory_space<vmem>>, vector<16xf32>,
        %parallel_loop3A_170 = vector.broadcast %parallel_loop3A_132 : i32 to vector<16xi32>
        %parallel_loop3A_171 = arith.addi %iota3A, %parallel_loop3A_170 : vector<16xi32>
        %parallel_loop3A_172 = vector.bitcast %parallel_loop3A_171 : vector<16xi32> to vector<16xf32>
        %parallel_loop3A_173 = arith.index_cast %parallel_loop3A_132 : i32 to index
        %parallel_loop3A_174 = tpu.vector_load %arg15[%parallel_loop3A_173] {strides = array<i32>} : memref<128xf32, #tpu.memory_space<vmem>>, vector<16xf32>,
        tpu.vector_store %arg15[%parallel_loop3A_173], %parallel_loop3A_172 {strides = array<i32>} : memref<128xf32, #tpu.memory_space<vmem>>, vector<16xf32>,
      } {sc.loop_unroll_factor = 2 : i64, sc.parallel_access}
      %dma_start3A_65 = arith.constant 0 : i32
      %dma_start3A_66 = arith.constant 0 : i32
      %dma_start3A_67 = tpu.memref_slice %arg4[%dma_start3A_65, %dma_start3A_66] : memref<100001x32xf32, #tpu.memory_space<hbm>> -> memref<100001x32xf32, #tpu.memory_space<hbm>>
      tpu.enqueue_indirect_dma source(%dma_start3A_67 : memref<100001x32xf32, #tpu.memory_space<hbm>>) target(%arg18 : memref<128x32xf32, #tpu.memory_space<vmem>>) offsets(%arg10 : memref<128xi32, #tpu.memory_space<vmem>>) semaphore(%arg28 : memref<!tpu.dma_semaphore, #tpu.memory_space<semaphore_mem>>)
      %dma_start3A_68 = arith.constant 0 : i32
      %dma_start3A_69 = arith.constant 0 : i32
      %dma_start3A_70 = tpu.memref_slice %arg4[%dma_start3A_68, %dma_start3A_69] : memref<100001x32xf32, #tpu.memory_space<hbm>> -> memref<100001x32xf32, #tpu.memory_space<hbm>>
      tpu.enqueue_indirect_dma source(%dma_start3A_70 : memref<100001x32xf32, #tpu.memory_space<hbm>>) target(%arg19 : memref<128x32xf32, #tpu.memory_space<vmem>>) offsets(%arg11 : memref<128xi32, #tpu.memory_space<vmem>>) semaphore(%arg29 : memref<!tpu.dma_semaphore, #tpu.memory_space<semaphore_mem>>)
      %dma_wait3A_71 = arith.constant 0 : i32
      %dma_wait3A_72 = tpu.memref_slice %arg3[%dma_wait3A_71] : memref<819200xi32, #tpu.memory_space<hbm>> -> memref<128xi32, #tpu.memory_space<hbm>>
      %dma_wait3A_73 = arith.constant 0 : i32
      %dma_wait3A_74 = tpu.memref_slice %arg3[%dma_wait3A_73] : memref<819200xi32, #tpu.memory_space<hbm>> -> memref<128xi32, #tpu.memory_space<hbm>>
      tpu.wait_dma2 semaphore(%arg25 : memref<!tpu.dma_semaphore, #tpu.memory_space<semaphore_mem>>) src(%dma_wait3A_74 : memref<128xi32, #tpu.memory_space<hbm>>) dst(%arg7 : memref<128xi32, #tpu.memory_space<vmem>>)
      %dma_start3A_75 = arith.constant 0 : i32
      %dma_start3A_76 = arith.constant 0 : i32
      %dma_start3A_77 = tpu.memref_slice %arg2[%dma_start3A_75, %dma_start3A_76] : memref<1000000x8xi32, #tpu.memory_space<hbm>> -> memref<1000000x8xi32, #tpu.memory_space<hbm>>
      tpu.enqueue_indirect_dma source(%dma_start3A_77 : memref<1000000x8xi32, #tpu.memory_space<hbm>>) target(%arg9 : memref<128x8xi32, #tpu.memory_space<vmem>>) offsets(%arg7 : memref<128xi32, #tpu.memory_space<vmem>>) semaphore(%arg27 : memref<!tpu.dma_semaphore, #tpu.memory_space<semaphore_mem>>)
      %gt3A = arith.constant 0 : i32
      %gt3A_78 = arith.cmpi sgt, %add3A_54, %gt3A : i32
      %convert_element_type3A = arith.extui %gt3A_78 : i1 to i32
      %cond3A = arith.constant 0 : i32
      %cond3A_79 = arith.cmpi ne, %convert_element_type3A, %cond3A : i32
      scf.if %cond3A_79 {
        %dma_wait3A_129 = arith.constant 0 : i32
        %dma_wait3A_130 = arith.constant 0 : i32
        %dma_wait3A_131 = tpu.memref_slice %arg4[%dma_wait3A_129, %dma_wait3A_130] : memref<100001x32xf32, #tpu.memory_space<hbm>> -> memref<100001x32xf32, #tpu.memory_space<hbm>>
        tpu.wait_indirect_dma semaphore(%arg30 : memref<!tpu.dma_semaphore, #tpu.memory_space<semaphore_mem>>) src(%dma_wait3A_131 : memref<100001x32xf32, #tpu.memory_space<hbm>>) dst(%arg20 : memref<128x32xf32, #tpu.memory_space<vmem>>)
        %dma_wait3A_132 = arith.constant 0 : i32
        %dma_wait3A_133 = arith.constant 0 : i32
        %dma_wait3A_134 = tpu.memref_slice %arg4[%dma_wait3A_132, %dma_wait3A_133] : memref<100001x32xf32, #tpu.memory_space<hbm>> -> memref<100001x32xf32, #tpu.memory_space<hbm>>
        tpu.wait_indirect_dma semaphore(%arg31 : memref<!tpu.dma_semaphore, #tpu.memory_space<semaphore_mem>>) src(%dma_wait3A_134 : memref<100001x32xf32, #tpu.memory_space<hbm>>) dst(%arg21 : memref<128x32xf32, #tpu.memory_space<vmem>>)
        %gt3A_135 = arith.constant 1 : i32
        %gt3A_136 = arith.cmpi sgt, %add3A_54, %gt3A_135 : i32
        %convert_element_type3A_137 = arith.extui %gt3A_136 : i1 to i32
        %cond3A_138 = arith.constant 0 : i32
        %cond3A_139 = arith.cmpi ne, %convert_element_type3A_137, %cond3A_138 : i32
        scf.if %cond3A_139 {
          %dma_wait3A_153 = arith.constant 0 : i32
          %dma_wait3A_154 = arith.constant 0 : i32
          %dma_wait3A_155 = tpu.memref_slice %arg5[%dma_wait3A_153, %dma_wait3A_154] : memref<819200x32xf32, #tpu.memory_space<hbm>> -> memref<128x32xf32, #tpu.memory_space<hbm>>
          %dma_wait3A_156 = arith.constant 0 : i32
          %dma_wait3A_157 = arith.constant 0 : i32
          %dma_wait3A_158 = tpu.memref_slice %arg5[%dma_wait3A_156, %dma_wait3A_157] : memref<819200x32xf32, #tpu.memory_space<hbm>> -> memref<128x32xf32, #tpu.memory_space<hbm>>
          tpu.wait_dma2 semaphore(%arg33 : memref<!tpu.dma_semaphore, #tpu.memory_space<semaphore_mem>>) src(%arg23 : memref<128x32xf32, #tpu.memory_space<vmem>>) dst(%dma_wait3A_158 : memref<128x32xf32, #tpu.memory_space<hbm>>)
        } else {
        }
        %parallel_loop3A_140 = arith.constant 0 : i32
        %parallel_loop3A_141 = arith.constant 8 : i32
        %parallel_loop3A_142 = arith.constant 1 : i32
        scf.for %parallel_loop3A_153 = %parallel_loop3A_140 to %parallel_loop3A_141 step %parallel_loop3A_142  : i32 {
          %parallel_loop3A_154 = arith.constant 16 : i32
          %parallel_loop3A_155 = arith.muli %parallel_loop3A_153, %parallel_loop3A_154 : i32
          %parallel_loop3A_156 = tpu.assume_multiple %parallel_loop3A_155, 16 : i32
          %parallel_loop3A_157 = arith.index_cast %parallel_loop3A_156 : i32 to index
          %parallel_loop3A_158 = tpu.vector_load %arg16[%parallel_loop3A_157] {strides = array<i32>} : memref<128xf32, #tpu.memory_space<vmem>>, vector<16xf32>,
          %parallel_loop3A_159 = arith.index_cast %parallel_loop3A_156 : i32 to index
          %parallel_loop3A_160 = tpu.vector_load %arg17[%parallel_loop3A_159] {strides = array<i32>} : memref<128xf32, #tpu.memory_space<vmem>>, vector<16xf32>,
          %parallel_loop3A_161 = arith.constant 0 : i32
          %parallel_loop3A_162 = arith.addi %parallel_loop3A_156, %parallel_loop3A_161 : i32
          %parallel_loop3A_163 = vector.extract_strided_slice %parallel_loop3A_158 {offsets = [0], sizes = [1], strides = [1]} : vector<16xf32> to vector<1xf32>
          %parallel_loop3A_164 = vector.extract %parallel_loop3A_163[0] : f32 from vector<1xf32>
          %parallel_loop3A_165 = vector.extract_strided_slice %parallel_loop3A_160 {offsets = [0], sizes = [1], strides = [1]} : vector<16xf32> to vector<1xf32>
          %parallel_loop3A_166 = vector.extract %parallel_loop3A_165[0] : f32 from vector<1xf32>
          %parallel_loop3A_167 = arith.index_cast %parallel_loop3A_162 : i32 to index
          %parallel_loop3A_168 = arith.constant 0 : index
          %parallel_loop3A_169 = tpu.vector_load %arg20[%parallel_loop3A_167, %parallel_loop3A_168] {strides = array<i32>} : memref<128x32xf32, #tpu.memory_space<vmem>>, vector<16xf32>,
          %parallel_loop3A_170 = arith.index_cast %parallel_loop3A_162 : i32 to index
          %parallel_loop3A_171 = arith.constant 0 : index
          %parallel_loop3A_172 = tpu.vector_load %arg21[%parallel_loop3A_170, %parallel_loop3A_171] {strides = array<i32>} : memref<128x32xf32, #tpu.memory_space<vmem>>, vector<16xf32>,
          %parallel_loop3A_173 = vector.broadcast %parallel_loop3A_164 : f32 to vector<16xf32>
          %parallel_loop3A_174 = arith.mulf %parallel_loop3A_169, %parallel_loop3A_173 : vector<16xf32>
          %parallel_loop3A_175 = vector.broadcast %parallel_loop3A_166 : f32 to vector<16xf32>
          %parallel_loop3A_176 = arith.mulf %parallel_loop3A_172, %parallel_loop3A_175 : vector<16xf32>
          %parallel_loop3A_177 = arith.addf %parallel_loop3A_174, %parallel_loop3A_176 : vector<16xf32>
          %parallel_loop3A_178 = arith.index_cast %parallel_loop3A_162 : i32 to index
          %parallel_loop3A_179 = arith.constant 0 : index
          %parallel_loop3A_180 = tpu.vector_load %arg23[%parallel_loop3A_178, %parallel_loop3A_179] {strides = array<i32>} : memref<128x32xf32, #tpu.memory_space<vmem>>, vector<16xf32>,
          tpu.vector_store %arg23[%parallel_loop3A_178, %parallel_loop3A_179], %parallel_loop3A_177 {strides = array<i32>} : memref<128x32xf32, #tpu.memory_space<vmem>>, vector<16xf32>,
          %parallel_loop3A_181 = arith.index_cast %parallel_loop3A_162 : i32 to index
          %parallel_loop3A_182 = arith.constant 16 : index
          %parallel_loop3A_183 = tpu.vector_load %arg20[%parallel_loop3A_181, %parallel_loop3A_182] {strides = array<i32>} : memref<128x32xf32, #tpu.memory_space<vmem>>, vector<16xf32>,
          %parallel_loop3A_184 = arith.index_cast %parallel_loop3A_162 : i32 to index
          %parallel_loop3A_185 = arith.constant 16 : index
          %parallel_loop3A_186 = tpu.vector_load %arg21[%parallel_loop3A_184, %parallel_loop3A_185] {strides = array<i32>} : memref<128x32xf32, #tpu.memory_space<vmem>>, vector<16xf32>,
          %parallel_loop3A_187 = vector.broadcast %parallel_loop3A_164 : f32 to vector<16xf32>
          %parallel_loop3A_188 = arith.mulf %parallel_loop3A_183, %parallel_loop3A_187 : vector<16xf32>
          %parallel_loop3A_189 = vector.broadcast %parallel_loop3A_166 : f32 to vector<16xf32>
          %parallel_loop3A_190 = arith.mulf %parallel_loop3A_186, %parallel_loop3A_189 : vector<16xf32>
          %parallel_loop3A_191 = arith.addf %parallel_loop3A_188, %parallel_loop3A_190 : vector<16xf32>
          %parallel_loop3A_192 = arith.index_cast %parallel_loop3A_162 : i32 to index
          %parallel_loop3A_193 = arith.constant 16 : index
          %parallel_loop3A_194 = tpu.vector_load %arg23[%parallel_loop3A_192, %parallel_loop3A_193] {strides = array<i32>} : memref<128x32xf32, #tpu.memory_space<vmem>>, vector<16xf32>,
          tpu.vector_store %arg23[%parallel_loop3A_192, %parallel_loop3A_193], %parallel_loop3A_191 {strides = array<i32>} : memref<128x32xf32, #tpu.memory_space<vmem>>, vector<16xf32>,
          %parallel_loop3A_195 = arith.constant 1 : i32
          %parallel_loop3A_196 = arith.addi %parallel_loop3A_156, %parallel_loop3A_195 : i32
          %parallel_loop3A_197 = vector.extract_strided_slice %parallel_loop3A_158 {offsets = [1], sizes = [1], strides = [1]} : vector<16xf32> to vector<1xf32>
          %parallel_loop3A_198 = vector.extract %parallel_loop3A_197[0] : f32 from vector<1xf32>
          %parallel_loop3A_199 = vector.extract_strided_slice %parallel_loop3A_160 {offsets = [1], sizes = [1], strides = [1]} : vector<16xf32> to vector<1xf32>
          %parallel_loop3A_200 = vector.extract %parallel_loop3A_199[0] : f32 from vector<1xf32>
          %parallel_loop3A_201 = arith.index_cast %parallel_loop3A_196 : i32 to index
          %parallel_loop3A_202 = arith.constant 0 : index
          %parallel_loop3A_203 = tpu.vector_load %arg20[%parallel_loop3A_201, %parallel_loop3A_202] {strides = array<i32>} : memref<128x32xf32, #tpu.memory_space<vmem>>, vector<16xf32>,
          %parallel_loop3A_204 = arith.index_cast %parallel_loop3A_196 : i32 to index
          %parallel_loop3A_205 = arith.constant 0 : index
          %parallel_loop3A_206 = tpu.vector_load %arg21[%parallel_loop3A_204, %parallel_loop3A_205] {strides = array<i32>} : memref<128x32xf32, #tpu.memory_space<vmem>>, vector<16xf32>,
          %parallel_loop3A_207 = vector.broadcast %parallel_loop3A_198 : f32 to vector<16xf32>
          %parallel_loop3A_208 = arith.mulf %parallel_loop3A_203, %parallel_loop3A_207 : vector<16xf32>
          %parallel_loop3A_209 = vector.broadcast %parallel_loop3A_200 : f32 to vector<16xf32>
          %parallel_loop3A_210 = arith.mulf %parallel_loop3A_206, %parallel_loop3A_209 : vector<16xf32>
          %parallel_loop3A_211 = arith.addf %parallel_loop3A_208, %parallel_loop3A_210 : vector<16xf32>
          %parallel_loop3A_212 = arith.index_cast %parallel_loop3A_196 : i32 to index
          %parallel_loop3A_213 = arith.constant 0 : index
          %parallel_loop3A_214 = tpu.vector_load %arg23[%parallel_loop3A_212, %parallel_loop3A_213] {strides = array<i32>} : memref<128x32xf32, #tpu.memory_space<vmem>>, vector<16xf32>,
          tpu.vector_store %arg23[%parallel_loop3A_212, %parallel_loop3A_213], %parallel_loop3A_211 {strides = array<i32>} : memref<128x32xf32, #tpu.memory_space<vmem>>, vector<16xf32>,
          %parallel_loop3A_215 = arith.index_cast %parallel_loop3A_196 : i32 to index
          %parallel_loop3A_216 = arith.constant 16 : index
          %parallel_loop3A_217 = tpu.vector_load %arg20[%parallel_loop3A_215, %parallel_loop3A_216] {strides = array<i32>} : memref<128x32xf32, #tpu.memory_space<vmem>>, vector<16xf32>,
          %parallel_loop3A_218 = arith.index_cast %parallel_loop3A_196 : i32 to index
          %parallel_loop3A_219 = arith.constant 16 : index
          %parallel_loop3A_220 = tpu.vector_load %arg21[%parallel_loop3A_218, %parallel_loop3A_219] {strides = array<i32>} : memref<128x32xf32, #tpu.memory_space<vmem>>, vector<16xf32>,
          %parallel_loop3A_221 = vector.broadcast %parallel_loop3A_198 : f32 to vector<16xf32>
          %parallel_loop3A_222 = arith.mulf %parallel_loop3A_217, %parallel_loop3A_221 : vector<16xf32>
          %parallel_loop3A_223 = vector.broadcast %parallel_loop3A_200 : f32 to vector<16xf32>
          %parallel_loop3A_224 = arith.mulf %parallel_loop3A_220, %parallel_loop3A_223 : vector<16xf32>
          %parallel_loop3A_225 = arith.addf %parallel_loop3A_222, %parallel_loop3A_224 : vector<16xf32>
          %parallel_loop3A_226 = arith.index_cast %parallel_loop3A_196 : i32 to index
          %parallel_loop3A_227 = arith.constant 16 : index
          %parallel_loop3A_228 = tpu.vector_load %arg23[%parallel_loop3A_226, %parallel_loop3A_227] {strides = array<i32>} : memref<128x32xf32, #tpu.memory_space<vmem>>, vector<16xf32>,
          tpu.vector_store %arg23[%parallel_loop3A_226, %parallel_loop3A_227], %parallel_loop3A_225 {strides = array<i32>} : memref<128x32xf32, #tpu.memory_space<vmem>>, vector<16xf32>,
          %parallel_loop3A_229 = arith.constant 2 : i32
          %parallel_loop3A_230 = arith.addi %parallel_loop3A_156, %parallel_loop3A_229 : i32
          %parallel_loop3A_231 = vector.extract_strided_slice %parallel_loop3A_158 {offsets = [2], sizes = [1], strides = [1]} : vector<16xf32> to vector<1xf32>
          %parallel_loop3A_232 = vector.extract %parallel_loop3A_231[0] : f32 from vector<1xf32>
          %parallel_loop3A_233 = vector.extract_strided_slice %parallel_loop3A_160 {offsets = [2], sizes = [1], strides = [1]} : vector<16xf32> to vector<1xf32>
          %parallel_loop3A_234 = vector.extract %parallel_loop3A_233[0] : f32 from vector<1xf32>
          %parallel_loop3A_235 = arith.index_cast %parallel_loop3A_230 : i32 to index
          %parallel_loop3A_236 = arith.constant 0 : index
          %parallel_loop3A_237 = tpu.vector_load %arg20[%parallel_loop3A_235, %parallel_loop3A_236] {strides = array<i32>} : memref<128x32xf32, #tpu.memory_space<vmem>>, vector<16xf32>,
          %parallel_loop3A_238 = arith.index_cast %parallel_loop3A_230 : i32 to index
          %parallel_loop3A_239 = arith.constant 0 : index
          %parallel_loop3A_240 = tpu.vector_load %arg21[%parallel_loop3A_238, %parallel_loop3A_239] {strides = array<i32>} : memref<128x32xf32, #tpu.memory_space<vmem>>, vector<16xf32>,
          %parallel_loop3A_241 = vector.broadcast %parallel_loop3A_232 : f32 to vector<16xf32>
          %parallel_loop3A_242 = arith.mulf %parallel_loop3A_237, %parallel_loop3A_241 : vector<16xf32>
          %parallel_loop3A_243 = vector.broadcast %parallel_loop3A_234 : f32 to vector<16xf32>
          %parallel_loop3A_244 = arith.mulf %parallel_loop3A_240, %parallel_loop3A_243 : vector<16xf32>
          %parallel_loop3A_245 = arith.addf %parallel_loop3A_242, %parallel_loop3A_244 : vector<16xf32>
          %parallel_loop3A_246 = arith.index_cast %parallel_loop3A_230 : i32 to index
          %parallel_loop3A_247 = arith.constant 0 : index
          %parallel_loop3A_248 = tpu.vector_load %arg23[%parallel_loop3A_246, %parallel_loop3A_247] {strides = array<i32>} : memref<128x32xf32, #tpu.memory_space<vmem>>, vector<16xf32>,
          tpu.vector_store %arg23[%parallel_loop3A_246, %parallel_loop3A_247], %parallel_loop3A_245 {strides = array<i32>} : memref<128x32xf32, #tpu.memory_space<vmem>>, vector<16xf32>,
          %parallel_loop3A_249 = arith.index_cast %parallel_loop3A_230 : i32 to index
          %parallel_loop3A_250 = arith.constant 16 : index
          %parallel_loop3A_251 = tpu.vector_load %arg20[%parallel_loop3A_249, %parallel_loop3A_250] {strides = array<i32>} : memref<128x32xf32, #tpu.memory_space<vmem>>, vector<16xf32>,
          %parallel_loop3A_252 = arith.index_cast %parallel_loop3A_230 : i32 to index
          %parallel_loop3A_253 = arith.constant 16 : index
          %parallel_loop3A_254 = tpu.vector_load %arg21[%parallel_loop3A_252, %parallel_loop3A_253] {strides = array<i32>} : memref<128x32xf32, #tpu.memory_space<vmem>>, vector<16xf32>,
          %parallel_loop3A_255 = vector.broadcast %parallel_loop3A_232 : f32 to vector<16xf32>
          %parallel_loop3A_256 = arith.mulf %parallel_loop3A_251, %parallel_loop3A_255 : vector<16xf32>
          %parallel_loop3A_257 = vector.broadcast %parallel_loop3A_234 : f32 to vector<16xf32>
          %parallel_loop3A_258 = arith.mulf %parallel_loop3A_254, %parallel_loop3A_257 : vector<16xf32>
          %parallel_loop3A_259 = arith.addf %parallel_loop3A_256, %parallel_loop3A_258 : vector<16xf32>
          %parallel_loop3A_260 = arith.index_cast %parallel_loop3A_230 : i32 to index
          %parallel_loop3A_261 = arith.constant 16 : index
          %parallel_loop3A_262 = tpu.vector_load %arg23[%parallel_loop3A_260, %parallel_loop3A_261] {strides = array<i32>} : memref<128x32xf32, #tpu.memory_space<vmem>>, vector<16xf32>,
          tpu.vector_store %arg23[%parallel_loop3A_260, %parallel_loop3A_261], %parallel_loop3A_259 {strides = array<i32>} : memref<128x32xf32, #tpu.memory_space<vmem>>, vector<16xf32>,
          %parallel_loop3A_263 = arith.constant 3 : i32
          %parallel_loop3A_264 = arith.addi %parallel_loop3A_156, %parallel_loop3A_263 : i32
          %parallel_loop3A_265 = vector.extract_strided_slice %parallel_loop3A_158 {offsets = [3], sizes = [1], strides = [1]} : vector<16xf32> to vector<1xf32>
          %parallel_loop3A_266 = vector.extract %parallel_loop3A_265[0] : f32 from vector<1xf32>
          %parallel_loop3A_267 = vector.extract_strided_slice %parallel_loop3A_160 {offsets = [3], sizes = [1], strides = [1]} : vector<16xf32> to vector<1xf32>
          %parallel_loop3A_268 = vector.extract %parallel_loop3A_267[0] : f32 from vector<1xf32>
          %parallel_loop3A_269 = arith.index_cast %parallel_loop3A_264 : i32 to index
          %parallel_loop3A_270 = arith.constant 0 : index
          %parallel_loop3A_271 = tpu.vector_load %arg20[%parallel_loop3A_269, %parallel_loop3A_270] {strides = array<i32>} : memref<128x32xf32, #tpu.memory_space<vmem>>, vector<16xf32>,
          %parallel_loop3A_272 = arith.index_cast %parallel_loop3A_264 : i32 to index
          %parallel_loop3A_273 = arith.constant 0 : index
          %parallel_loop3A_274 = tpu.vector_load %arg21[%parallel_loop3A_272, %parallel_loop3A_273] {strides = array<i32>} : memref<128x32xf32, #tpu.memory_space<vmem>>, vector<16xf32>,
          %parallel_loop3A_275 = vector.broadcast %parallel_loop3A_266 : f32 to vector<16xf32>
          %parallel_loop3A_276 = arith.mulf %parallel_loop3A_271, %parallel_loop3A_275 : vector<16xf32>
          %parallel_loop3A_277 = vector.broadcast %parallel_loop3A_268 : f32 to vector<16xf32>
          %parallel_loop3A_278 = arith.mulf %parallel_loop3A_274, %parallel_loop3A_277 : vector<16xf32>
          %parallel_loop3A_279 = arith.addf %parallel_loop3A_276, %parallel_loop3A_278 : vector<16xf32>
          %parallel_loop3A_280 = arith.index_cast %parallel_loop3A_264 : i32 to index
          %parallel_loop3A_281 = arith.constant 0 : index
          %parallel_loop3A_282 = tpu.vector_load %arg23[%parallel_loop3A_280, %parallel_loop3A_281] {strides = array<i32>} : memref<128x32xf32, #tpu.memory_space<vmem>>, vector<16xf32>,
          tpu.vector_store %arg23[%parallel_loop3A_280, %parallel_loop3A_281], %parallel_loop3A_279 {strides = array<i32>} : memref<128x32xf32, #tpu.memory_space<vmem>>, vector<16xf32>,
          %parallel_loop3A_283 = arith.index_cast %parallel_loop3A_264 : i32 to index
          %parallel_loop3A_284 = arith.constant 16 : index
          %parallel_loop3A_285 = tpu.vector_load %arg20[%parallel_loop3A_283, %parallel_loop3A_284] {strides = array<i32>} : memref<128x32xf32, #tpu.memory_space<vmem>>, vector<16xf32>,
          %parallel_loop3A_286 = arith.index_cast %parallel_loop3A_264 : i32 to index
          %parallel_loop3A_287 = arith.constant 16 : index
          %parallel_loop3A_288 = tpu.vector_load %arg21[%parallel_loop3A_286, %parallel_loop3A_287] {strides = array<i32>} : memref<128x32xf32, #tpu.memory_space<vmem>>, vector<16xf32>,
          %parallel_loop3A_289 = vector.broadcast %parallel_loop3A_266 : f32 to vector<16xf32>
          %parallel_loop3A_290 = arith.mulf %parallel_loop3A_285, %parallel_loop3A_289 : vector<16xf32>
          %parallel_loop3A_291 = vector.broadcast %parallel_loop3A_268 : f32 to vector<16xf32>
          %parallel_loop3A_292 = arith.mulf %parallel_loop3A_288, %parallel_loop3A_291 : vector<16xf32>
          %parallel_loop3A_293 = arith.addf %parallel_loop3A_290, %parallel_loop3A_292 : vector<16xf32>
          %parallel_loop3A_294 = arith.index_cast %parallel_loop3A_264 : i32 to index
          %parallel_loop3A_295 = arith.constant 16 : index
          %parallel_loop3A_296 = tpu.vector_load %arg23[%parallel_loop3A_294, %parallel_loop3A_295] {strides = array<i32>} : memref<128x32xf32, #tpu.memory_space<vmem>>, vector<16xf32>,
          tpu.vector_store %arg23[%parallel_loop3A_294, %parallel_loop3A_295], %parallel_loop3A_293 {strides = array<i32>} : memref<128x32xf32, #tpu.memory_space<vmem>>, vector<16xf32>,
          %parallel_loop3A_297 = arith.constant 4 : i32
          %parallel_loop3A_298 = arith.addi %parallel_loop3A_156, %parallel_loop3A_297 : i32
          %parallel_loop3A_299 = vector.extract_strided_slice %parallel_loop3A_158 {offsets = [4], sizes = [1], strides = [1]} : vector<16xf32> to vector<1xf32>
          %parallel_loop3A_300 = vector.extract %parallel_loop3A_299[0] : f32 from vector<1xf32>
          %parallel_loop3A_301 = vector.extract_strided_slice %parallel_loop3A_160 {offsets = [4], sizes = [1], strides = [1]} : vector<16xf32> to vector<1xf32>
          %parallel_loop3A_302 = vector.extract %parallel_loop3A_301[0] : f32 from vector<1xf32>
          %parallel_loop3A_303 = arith.index_cast %parallel_loop3A_298 : i32 to index
          %parallel_loop3A_304 = arith.constant 0 : index
          %parallel_loop3A_305 = tpu.vector_load %arg20[%parallel_loop3A_303, %parallel_loop3A_304] {strides = array<i32>} : memref<128x32xf32, #tpu.memory_space<vmem>>, vector<16xf32>,
          %parallel_loop3A_306 = arith.index_cast %parallel_loop3A_298 : i32 to index
          %parallel_loop3A_307 = arith.constant 0 : index
          %parallel_loop3A_308 = tpu.vector_load %arg21[%parallel_loop3A_306, %parallel_loop3A_307] {strides = array<i32>} : memref<128x32xf32, #tpu.memory_space<vmem>>, vector<16xf32>,
          %parallel_loop3A_309 = vector.broadcast %parallel_loop3A_300 : f32 to vector<16xf32>
          %parallel_loop3A_310 = arith.mulf %parallel_loop3A_305, %parallel_loop3A_309 : vector<16xf32>
          %parallel_loop3A_311 = vector.broadcast %parallel_loop3A_302 : f32 to vector<16xf32>
          %parallel_loop3A_312 = arith.mulf %parallel_loop3A_308, %parallel_loop3A_311 : vector<16xf32>
          %parallel_loop3A_313 = arith.addf %parallel_loop3A_310, %parallel_loop3A_312 : vector<16xf32>
          %parallel_loop3A_314 = arith.index_cast %parallel_loop3A_298 : i32 to index
          %parallel_loop3A_315 = arith.constant 0 : index
          %parallel_loop3A_316 = tpu.vector_load %arg23[%parallel_loop3A_314, %parallel_loop3A_315] {strides = array<i32>} : memref<128x32xf32, #tpu.memory_space<vmem>>, vector<16xf32>,
          tpu.vector_store %arg23[%parallel_loop3A_314, %parallel_loop3A_315], %parallel_loop3A_313 {strides = array<i32>} : memref<128x32xf32, #tpu.memory_space<vmem>>, vector<16xf32>,
          %parallel_loop3A_317 = arith.index_cast %parallel_loop3A_298 : i32 to index
          %parallel_loop3A_318 = arith.constant 16 : index
          %parallel_loop3A_319 = tpu.vector_load %arg20[%parallel_loop3A_317, %parallel_loop3A_318] {strides = array<i32>} : memref<128x32xf32, #tpu.memory_space<vmem>>, vector<16xf32>,
          %parallel_loop3A_320 = arith.index_cast %parallel_loop3A_298 : i32 to index
          %parallel_loop3A_321 = arith.constant 16 : index
          %parallel_loop3A_322 = tpu.vector_load %arg21[%parallel_loop3A_320, %parallel_loop3A_321] {strides = array<i32>} : memref<128x32xf32, #tpu.memory_space<vmem>>, vector<16xf32>,
          %parallel_loop3A_323 = vector.broadcast %parallel_loop3A_300 : f32 to vector<16xf32>
          %parallel_loop3A_324 = arith.mulf %parallel_loop3A_319, %parallel_loop3A_323 : vector<16xf32>
          %parallel_loop3A_325 = vector.broadcast %parallel_loop3A_302 : f32 to vector<16xf32>
          %parallel_loop3A_326 = arith.mulf %parallel_loop3A_322, %parallel_loop3A_325 : vector<16xf32>
          %parallel_loop3A_327 = arith.addf %parallel_loop3A_324, %parallel_loop3A_326 : vector<16xf32>
          %parallel_loop3A_328 = arith.index_cast %parallel_loop3A_298 : i32 to index
          %parallel_loop3A_329 = arith.constant 16 : index
          %parallel_loop3A_330 = tpu.vector_load %arg23[%parallel_loop3A_328, %parallel_loop3A_329] {strides = array<i32>} : memref<128x32xf32, #tpu.memory_space<vmem>>, vector<16xf32>,
          tpu.vector_store %arg23[%parallel_loop3A_328, %parallel_loop3A_329], %parallel_loop3A_327 {strides = array<i32>} : memref<128x32xf32, #tpu.memory_space<vmem>>, vector<16xf32>,
          %parallel_loop3A_331 = arith.constant 5 : i32
          %parallel_loop3A_332 = arith.addi %parallel_loop3A_156, %parallel_loop3A_331 : i32
          %parallel_loop3A_333 = vector.extract_strided_slice %parallel_loop3A_158 {offsets = [5], sizes = [1], strides = [1]} : vector<16xf32> to vector<1xf32>
          %parallel_loop3A_334 = vector.extract %parallel_loop3A_333[0] : f32 from vector<1xf32>
          %parallel_loop3A_335 = vector.extract_strided_slice %parallel_loop3A_160 {offsets = [5], sizes = [1], strides = [1]} : vector<16xf32> to vector<1xf32>
          %parallel_loop3A_336 = vector.extract %parallel_loop3A_335[0] : f32 from vector<1xf32>
          %parallel_loop3A_337 = arith.index_cast %parallel_loop3A_332 : i32 to index
          %parallel_loop3A_338 = arith.constant 0 : index
          %parallel_loop3A_339 = tpu.vector_load %arg20[%parallel_loop3A_337, %parallel_loop3A_338] {strides = array<i32>} : memref<128x32xf32, #tpu.memory_space<vmem>>, vector<16xf32>,
          %parallel_loop3A_340 = arith.index_cast %parallel_loop3A_332 : i32 to index
          %parallel_loop3A_341 = arith.constant 0 : index
          %parallel_loop3A_342 = tpu.vector_load %arg21[%parallel_loop3A_340, %parallel_loop3A_341] {strides = array<i32>} : memref<128x32xf32, #tpu.memory_space<vmem>>, vector<16xf32>,
          %parallel_loop3A_343 = vector.broadcast %parallel_loop3A_334 : f32 to vector<16xf32>
          %parallel_loop3A_344 = arith.mulf %parallel_loop3A_339, %parallel_loop3A_343 : vector<16xf32>
          %parallel_loop3A_345 = vector.broadcast %parallel_loop3A_336 : f32 to vector<16xf32>
          %parallel_loop3A_346 = arith.mulf %parallel_loop3A_342, %parallel_loop3A_345 : vector<16xf32>
          %parallel_loop3A_347 = arith.addf %parallel_loop3A_344, %parallel_loop3A_346 : vector<16xf32>
          %parallel_loop3A_348 = arith.index_cast %parallel_loop3A_332 : i32 to index
          %parallel_loop3A_349 = arith.constant 0 : index
          %parallel_loop3A_350 = tpu.vector_load %arg23[%parallel_loop3A_348, %parallel_loop3A_349] {strides = array<i32>} : memref<128x32xf32, #tpu.memory_space<vmem>>, vector<16xf32>,
          tpu.vector_store %arg23[%parallel_loop3A_348, %parallel_loop3A_349], %parallel_loop3A_347 {strides = array<i32>} : memref<128x32xf32, #tpu.memory_space<vmem>>, vector<16xf32>,
          %parallel_loop3A_351 = arith.index_cast %parallel_loop3A_332 : i32 to index
          %parallel_loop3A_352 = arith.constant 16 : index
          %parallel_loop3A_353 = tpu.vector_load %arg20[%parallel_loop3A_351, %parallel_loop3A_352] {strides = array<i32>} : memref<128x32xf32, #tpu.memory_space<vmem>>, vector<16xf32>,
          %parallel_loop3A_354 = arith.index_cast %parallel_loop3A_332 : i32 to index
          %parallel_loop3A_355 = arith.constant 16 : index
          %parallel_loop3A_356 = tpu.vector_load %arg21[%parallel_loop3A_354, %parallel_loop3A_355] {strides = array<i32>} : memref<128x32xf32, #tpu.memory_space<vmem>>, vector<16xf32>,
          %parallel_loop3A_357 = vector.broadcast %parallel_loop3A_334 : f32 to vector<16xf32>
          %parallel_loop3A_358 = arith.mulf %parallel_loop3A_353, %parallel_loop3A_357 : vector<16xf32>
          %parallel_loop3A_359 = vector.broadcast %parallel_loop3A_336 : f32 to vector<16xf32>
          %parallel_loop3A_360 = arith.mulf %parallel_loop3A_356, %parallel_loop3A_359 : vector<16xf32>
          %parallel_loop3A_361 = arith.addf %parallel_loop3A_358, %parallel_loop3A_360 : vector<16xf32>
          %parallel_loop3A_362 = arith.index_cast %parallel_loop3A_332 : i32 to index
          %parallel_loop3A_363 = arith.constant 16 : index
          %parallel_loop3A_364 = tpu.vector_load %arg23[%parallel_loop3A_362, %parallel_loop3A_363] {strides = array<i32>} : memref<128x32xf32, #tpu.memory_space<vmem>>, vector<16xf32>,
          tpu.vector_store %arg23[%parallel_loop3A_362, %parallel_loop3A_363], %parallel_loop3A_361 {strides = array<i32>} : memref<128x32xf32, #tpu.memory_space<vmem>>, vector<16xf32>,
          %parallel_loop3A_365 = arith.constant 6 : i32
          %parallel_loop3A_366 = arith.addi %parallel_loop3A_156, %parallel_loop3A_365 : i32
          %parallel_loop3A_367 = vector.extract_strided_slice %parallel_loop3A_158 {offsets = [6], sizes = [1], strides = [1]} : vector<16xf32> to vector<1xf32>
          %parallel_loop3A_368 = vector.extract %parallel_loop3A_367[0] : f32 from vector<1xf32>
          %parallel_loop3A_369 = vector.extract_strided_slice %parallel_loop3A_160 {offsets = [6], sizes = [1], strides = [1]} : vector<16xf32> to vector<1xf32>
          %parallel_loop3A_370 = vector.extract %parallel_loop3A_369[0] : f32 from vector<1xf32>
          %parallel_loop3A_371 = arith.index_cast %parallel_loop3A_366 : i32 to index
          %parallel_loop3A_372 = arith.constant 0 : index
          %parallel_loop3A_373 = tpu.vector_load %arg20[%parallel_loop3A_371, %parallel_loop3A_372] {strides = array<i32>} : memref<128x32xf32, #tpu.memory_space<vmem>>, vector<16xf32>,
          %parallel_loop3A_374 = arith.index_cast %parallel_loop3A_366 : i32 to index
          %parallel_loop3A_375 = arith.constant 0 : index
          %parallel_loop3A_376 = tpu.vector_load %arg21[%parallel_loop3A_374, %parallel_loop3A_375] {strides = array<i32>} : memref<128x32xf32, #tpu.memory_space<vmem>>, vector<16xf32>,
          %parallel_loop3A_377 = vector.broadcast %parallel_loop3A_368 : f32 to vector<16xf32>
          %parallel_loop3A_378 = arith.mulf %parallel_loop3A_373, %parallel_loop3A_377 : vector<16xf32>
          %parallel_loop3A_379 = vector.broadcast %parallel_loop3A_370 : f32 to vector<16xf32>
          %parallel_loop3A_380 = arith.mulf %parallel_loop3A_376, %parallel_loop3A_379 : vector<16xf32>
          %parallel_loop3A_381 = arith.addf %parallel_loop3A_378, %parallel_loop3A_380 : vector<16xf32>
          %parallel_loop3A_382 = arith.index_cast %parallel_loop3A_366 : i32 to index
          %parallel_loop3A_383 = arith.constant 0 : index
          %parallel_loop3A_384 = tpu.vector_load %arg23[%parallel_loop3A_382, %parallel_loop3A_383] {strides = array<i32>} : memref<128x32xf32, #tpu.memory_space<vmem>>, vector<16xf32>,
          tpu.vector_store %arg23[%parallel_loop3A_382, %parallel_loop3A_383], %parallel_loop3A_381 {strides = array<i32>} : memref<128x32xf32, #tpu.memory_space<vmem>>, vector<16xf32>,
          %parallel_loop3A_385 = arith.index_cast %parallel_loop3A_366 : i32 to index
          %parallel_loop3A_386 = arith.constant 16 : index
          %parallel_loop3A_387 = tpu.vector_load %arg20[%parallel_loop3A_385, %parallel_loop3A_386] {strides = array<i32>} : memref<128x32xf32, #tpu.memory_space<vmem>>, vector<16xf32>,
          %parallel_loop3A_388 = arith.index_cast %parallel_loop3A_366 : i32 to index
          %parallel_loop3A_389 = arith.constant 16 : index
          %parallel_loop3A_390 = tpu.vector_load %arg21[%parallel_loop3A_388, %parallel_loop3A_389] {strides = array<i32>} : memref<128x32xf32, #tpu.memory_space<vmem>>, vector<16xf32>,
          %parallel_loop3A_391 = vector.broadcast %parallel_loop3A_368 : f32 to vector<16xf32>
          %parallel_loop3A_392 = arith.mulf %parallel_loop3A_387, %parallel_loop3A_391 : vector<16xf32>
          %parallel_loop3A_393 = vector.broadcast %parallel_loop3A_370 : f32 to vector<16xf32>
          %parallel_loop3A_394 = arith.mulf %parallel_loop3A_390, %parallel_loop3A_393 : vector<16xf32>
          %parallel_loop3A_395 = arith.addf %parallel_loop3A_392, %parallel_loop3A_394 : vector<16xf32>
          %parallel_loop3A_396 = arith.index_cast %parallel_loop3A_366 : i32 to index
          %parallel_loop3A_397 = arith.constant 16 : index
          %parallel_loop3A_398 = tpu.vector_load %arg23[%parallel_loop3A_396, %parallel_loop3A_397] {strides = array<i32>} : memref<128x32xf32, #tpu.memory_space<vmem>>, vector<16xf32>,
          tpu.vector_store %arg23[%parallel_loop3A_396, %parallel_loop3A_397], %parallel_loop3A_395 {strides = array<i32>} : memref<128x32xf32, #tpu.memory_space<vmem>>, vector<16xf32>,
          %parallel_loop3A_399 = arith.constant 7 : i32
          %parallel_loop3A_400 = arith.addi %parallel_loop3A_156, %parallel_loop3A_399 : i32
          %parallel_loop3A_401 = vector.extract_strided_slice %parallel_loop3A_158 {offsets = [7], sizes = [1], strides = [1]} : vector<16xf32> to vector<1xf32>
          %parallel_loop3A_402 = vector.extract %parallel_loop3A_401[0] : f32 from vector<1xf32>
          %parallel_loop3A_403 = vector.extract_strided_slice %parallel_loop3A_160 {offsets = [7], sizes = [1], strides = [1]} : vector<16xf32> to vector<1xf32>
          %parallel_loop3A_404 = vector.extract %parallel_loop3A_403[0] : f32 from vector<1xf32>
          %parallel_loop3A_405 = arith.index_cast %parallel_loop3A_400 : i32 to index
          %parallel_loop3A_406 = arith.constant 0 : index
          %parallel_loop3A_407 = tpu.vector_load %arg20[%parallel_loop3A_405, %parallel_loop3A_406] {strides = array<i32>} : memref<128x32xf32, #tpu.memory_space<vmem>>, vector<16xf32>,
          %parallel_loop3A_408 = arith.index_cast %parallel_loop3A_400 : i32 to index
          %parallel_loop3A_409 = arith.constant 0 : index
          %parallel_loop3A_410 = tpu.vector_load %arg21[%parallel_loop3A_408, %parallel_loop3A_409] {strides = array<i32>} : memref<128x32xf32, #tpu.memory_space<vmem>>, vector<16xf32>,
          %parallel_loop3A_411 = vector.broadcast %parallel_loop3A_402 : f32 to vector<16xf32>
          %parallel_loop3A_412 = arith.mulf %parallel_loop3A_407, %parallel_loop3A_411 : vector<16xf32>
          %parallel_loop3A_413 = vector.broadcast %parallel_loop3A_404 : f32 to vector<16xf32>
          %parallel_loop3A_414 = arith.mulf %parallel_loop3A_410, %parallel_loop3A_413 : vector<16xf32>
          %parallel_loop3A_415 = arith.addf %parallel_loop3A_412, %parallel_loop3A_414 : vector<16xf32>
          %parallel_loop3A_416 = arith.index_cast %parallel_loop3A_400 : i32 to index
          %parallel_loop3A_417 = arith.constant 0 : index
          %parallel_loop3A_418 = tpu.vector_load %arg23[%parallel_loop3A_416, %parallel_loop3A_417] {strides = array<i32>} : memref<128x32xf32, #tpu.memory_space<vmem>>, vector<16xf32>,
          tpu.vector_store %arg23[%parallel_loop3A_416, %parallel_loop3A_417], %parallel_loop3A_415 {strides = array<i32>} : memref<128x32xf32, #tpu.memory_space<vmem>>, vector<16xf32>,
          %parallel_loop3A_419 = arith.index_cast %parallel_loop3A_400 : i32 to index
          %parallel_loop3A_420 = arith.constant 16 : index
          %parallel_loop3A_421 = tpu.vector_load %arg20[%parallel_loop3A_419, %parallel_loop3A_420] {strides = array<i32>} : memref<128x32xf32, #tpu.memory_space<vmem>>, vector<16xf32>,
          %parallel_loop3A_422 = arith.index_cast %parallel_loop3A_400 : i32 to index
          %parallel_loop3A_423 = arith.constant 16 : index
          %parallel_loop3A_424 = tpu.vector_load %arg21[%parallel_loop3A_422, %parallel_loop3A_423] {strides = array<i32>} : memref<128x32xf32, #tpu.memory_space<vmem>>, vector<16xf32>,
          %parallel_loop3A_425 = vector.broadcast %parallel_loop3A_402 : f32 to vector<16xf32>
          %parallel_loop3A_426 = arith.mulf %parallel_loop3A_421, %parallel_loop3A_425 : vector<16xf32>
          %parallel_loop3A_427 = vector.broadcast %parallel_loop3A_404 : f32 to vector<16xf32>
          %parallel_loop3A_428 = arith.mulf %parallel_loop3A_424, %parallel_loop3A_427 : vector<16xf32>
          %parallel_loop3A_429 = arith.addf %parallel_loop3A_426, %parallel_loop3A_428 : vector<16xf32>
          %parallel_loop3A_430 = arith.index_cast %parallel_loop3A_400 : i32 to index
          %parallel_loop3A_431 = arith.constant 16 : index
          %parallel_loop3A_432 = tpu.vector_load %arg23[%parallel_loop3A_430, %parallel_loop3A_431] {strides = array<i32>} : memref<128x32xf32, #tpu.memory_space<vmem>>, vector<16xf32>,
          tpu.vector_store %arg23[%parallel_loop3A_430, %parallel_loop3A_431], %parallel_loop3A_429 {strides = array<i32>} : memref<128x32xf32, #tpu.memory_space<vmem>>, vector<16xf32>,
          %parallel_loop3A_433 = arith.constant 8 : i32
          %parallel_loop3A_434 = arith.addi %parallel_loop3A_156, %parallel_loop3A_433 : i32
          %parallel_loop3A_435 = vector.extract_strided_slice %parallel_loop3A_158 {offsets = [8], sizes = [1], strides = [1]} : vector<16xf32> to vector<1xf32>
          %parallel_loop3A_436 = vector.extract %parallel_loop3A_435[0] : f32 from vector<1xf32>
          %parallel_loop3A_437 = vector.extract_strided_slice %parallel_loop3A_160 {offsets = [8], sizes = [1], strides = [1]} : vector<16xf32> to vector<1xf32>
          %parallel_loop3A_438 = vector.extract %parallel_loop3A_437[0] : f32 from vector<1xf32>
          %parallel_loop3A_439 = arith.index_cast %parallel_loop3A_434 : i32 to index
          %parallel_loop3A_440 = arith.constant 0 : index
          %parallel_loop3A_441 = tpu.vector_load %arg20[%parallel_loop3A_439, %parallel_loop3A_440] {strides = array<i32>} : memref<128x32xf32, #tpu.memory_space<vmem>>, vector<16xf32>,
          %parallel_loop3A_442 = arith.index_cast %parallel_loop3A_434 : i32 to index
          %parallel_loop3A_443 = arith.constant 0 : index
          %parallel_loop3A_444 = tpu.vector_load %arg21[%parallel_loop3A_442, %parallel_loop3A_443] {strides = array<i32>} : memref<128x32xf32, #tpu.memory_space<vmem>>, vector<16xf32>,
          %parallel_loop3A_445 = vector.broadcast %parallel_loop3A_436 : f32 to vector<16xf32>
          %parallel_loop3A_446 = arith.mulf %parallel_loop3A_441, %parallel_loop3A_445 : vector<16xf32>
          %parallel_loop3A_447 = vector.broadcast %parallel_loop3A_438 : f32 to vector<16xf32>
          %parallel_loop3A_448 = arith.mulf %parallel_loop3A_444, %parallel_loop3A_447 : vector<16xf32>
          %parallel_loop3A_449 = arith.addf %parallel_loop3A_446, %parallel_loop3A_448 : vector<16xf32>
          %parallel_loop3A_450 = arith.index_cast %parallel_loop3A_434 : i32 to index
          %parallel_loop3A_451 = arith.constant 0 : index
          %parallel_loop3A_452 = tpu.vector_load %arg23[%parallel_loop3A_450, %parallel_loop3A_451] {strides = array<i32>} : memref<128x32xf32, #tpu.memory_space<vmem>>, vector<16xf32>,
          tpu.vector_store %arg23[%parallel_loop3A_450, %parallel_loop3A_451], %parallel_loop3A_449 {strides = array<i32>} : memref<128x32xf32, #tpu.memory_space<vmem>>, vector<16xf32>,
          %parallel_loop3A_453 = arith.index_cast %parallel_loop3A_434 : i32 to index
          %parallel_loop3A_454 = arith.constant 16 : index
          %parallel_loop3A_455 = tpu.vector_load %arg20[%parallel_loop3A_453, %parallel_loop3A_454] {strides = array<i32>} : memref<128x32xf32, #tpu.memory_space<vmem>>, vector<16xf32>,
          %parallel_loop3A_456 = arith.index_cast %parallel_loop3A_434 : i32 to index
          %parallel_loop3A_457 = arith.constant 16 : index
          %parallel_loop3A_458 = tpu.vector_load %arg21[%parallel_loop3A_456, %parallel_loop3A_457] {strides = array<i32>} : memref<128x32xf32, #tpu.memory_space<vmem>>, vector<16xf32>,
          %parallel_loop3A_459 = vector.broadcast %parallel_loop3A_436 : f32 to vector<16xf32>
          %parallel_loop3A_460 = arith.mulf %parallel_loop3A_455, %parallel_loop3A_459 : vector<16xf32>
          %parallel_loop3A_461 = vector.broadcast %parallel_loop3A_438 : f32 to vector<16xf32>
          %parallel_loop3A_462 = arith.mulf %parallel_loop3A_458, %parallel_loop3A_461 : vector<16xf32>
          %parallel_loop3A_463 = arith.addf %parallel_loop3A_460, %parallel_loop3A_462 : vector<16xf32>
          %parallel_loop3A_464 = arith.index_cast %parallel_loop3A_434 : i32 to index
          %parallel_loop3A_465 = arith.constant 16 : index
          %parallel_loop3A_466 = tpu.vector_load %arg23[%parallel_loop3A_464, %parallel_loop3A_465] {strides = array<i32>} : memref<128x32xf32, #tpu.memory_space<vmem>>, vector<16xf32>,
          tpu.vector_store %arg23[%parallel_loop3A_464, %parallel_loop3A_465], %parallel_loop3A_463 {strides = array<i32>} : memref<128x32xf32, #tpu.memory_space<vmem>>, vector<16xf32>,
          %parallel_loop3A_467 = arith.constant 9 : i32
          %parallel_loop3A_468 = arith.addi %parallel_loop3A_156, %parallel_loop3A_467 : i32
          %parallel_loop3A_469 = vector.extract_strided_slice %parallel_loop3A_158 {offsets = [9], sizes = [1], strides = [1]} : vector<16xf32> to vector<1xf32>
          %parallel_loop3A_470 = vector.extract %parallel_loop3A_469[0] : f32 from vector<1xf32>
          %parallel_loop3A_471 = vector.extract_strided_slice %parallel_loop3A_160 {offsets = [9], sizes = [1], strides = [1]} : vector<16xf32> to vector<1xf32>
          %parallel_loop3A_472 = vector.extract %parallel_loop3A_471[0] : f32 from vector<1xf32>
          %parallel_loop3A_473 = arith.index_cast %parallel_loop3A_468 : i32 to index
          %parallel_loop3A_474 = arith.constant 0 : index
          %parallel_loop3A_475 = tpu.vector_load %arg20[%parallel_loop3A_473, %parallel_loop3A_474] {strides = array<i32>} : memref<128x32xf32, #tpu.memory_space<vmem>>, vector<16xf32>,
          %parallel_loop3A_476 = arith.index_cast %parallel_loop3A_468 : i32 to index
          %parallel_loop3A_477 = arith.constant 0 : index
          %parallel_loop3A_478 = tpu.vector_load %arg21[%parallel_loop3A_476, %parallel_loop3A_477] {strides = array<i32>} : memref<128x32xf32, #tpu.memory_space<vmem>>, vector<16xf32>,
          %parallel_loop3A_479 = vector.broadcast %parallel_loop3A_470 : f32 to vector<16xf32>
          %parallel_loop3A_480 = arith.mulf %parallel_loop3A_475, %parallel_loop3A_479 : vector<16xf32>
          %parallel_loop3A_481 = vector.broadcast %parallel_loop3A_472 : f32 to vector<16xf32>
          %parallel_loop3A_482 = arith.mulf %parallel_loop3A_478, %parallel_loop3A_481 : vector<16xf32>
          %parallel_loop3A_483 = arith.addf %parallel_loop3A_480, %parallel_loop3A_482 : vector<16xf32>
          %parallel_loop3A_484 = arith.index_cast %parallel_loop3A_468 : i32 to index
          %parallel_loop3A_485 = arith.constant 0 : index
          %parallel_loop3A_486 = tpu.vector_load %arg23[%parallel_loop3A_484, %parallel_loop3A_485] {strides = array<i32>} : memref<128x32xf32, #tpu.memory_space<vmem>>, vector<16xf32>,
          tpu.vector_store %arg23[%parallel_loop3A_484, %parallel_loop3A_485], %parallel_loop3A_483 {strides = array<i32>} : memref<128x32xf32, #tpu.memory_space<vmem>>, vector<16xf32>,
          %parallel_loop3A_487 = arith.index_cast %parallel_loop3A_468 : i32 to index
          %parallel_loop3A_488 = arith.constant 16 : index
          %parallel_loop3A_489 = tpu.vector_load %arg20[%parallel_loop3A_487, %parallel_loop3A_488] {strides = array<i32>} : memref<128x32xf32, #tpu.memory_space<vmem>>, vector<16xf32>,
          %parallel_loop3A_490 = arith.index_cast %parallel_loop3A_468 : i32 to index
          %parallel_loop3A_491 = arith.constant 16 : index
          %parallel_loop3A_492 = tpu.vector_load %arg21[%parallel_loop3A_490, %parallel_loop3A_491] {strides = array<i32>} : memref<128x32xf32, #tpu.memory_space<vmem>>, vector<16xf32>,
          %parallel_loop3A_493 = vector.broadcast %parallel_loop3A_470 : f32 to vector<16xf32>
          %parallel_loop3A_494 = arith.mulf %parallel_loop3A_489, %parallel_loop3A_493 : vector<16xf32>
          %parallel_loop3A_495 = vector.broadcast %parallel_loop3A_472 : f32 to vector<16xf32>
          %parallel_loop3A_496 = arith.mulf %parallel_loop3A_492, %parallel_loop3A_495 : vector<16xf32>
          %parallel_loop3A_497 = arith.addf %parallel_loop3A_494, %parallel_loop3A_496 : vector<16xf32>
          %parallel_loop3A_498 = arith.index_cast %parallel_loop3A_468 : i32 to index
          %parallel_loop3A_499 = arith.constant 16 : index
          %parallel_loop3A_500 = tpu.vector_load %arg23[%parallel_loop3A_498, %parallel_loop3A_499] {strides = array<i32>} : memref<128x32xf32, #tpu.memory_space<vmem>>, vector<16xf32>,
          tpu.vector_store %arg23[%parallel_loop3A_498, %parallel_loop3A_499], %parallel_loop3A_497 {strides = array<i32>} : memref<128x32xf32, #tpu.memory_space<vmem>>, vector<16xf32>,
          %parallel_loop3A_501 = arith.constant 10 : i32
          %parallel_loop3A_502 = arith.addi %parallel_loop3A_156, %parallel_loop3A_501 : i32
          %parallel_loop3A_503 = vector.extract_strided_slice %parallel_loop3A_158 {offsets = [10], sizes = [1], strides = [1]} : vector<16xf32> to vector<1xf32>
          %parallel_loop3A_504 = vector.extract %parallel_loop3A_503[0] : f32 from vector<1xf32>
          %parallel_loop3A_505 = vector.extract_strided_slice %parallel_loop3A_160 {offsets = [10], sizes = [1], strides = [1]} : vector<16xf32> to vector<1xf32>
          %parallel_loop3A_506 = vector.extract %parallel_loop3A_505[0] : f32 from vector<1xf32>
          %parallel_loop3A_507 = arith.index_cast %parallel_loop3A_502 : i32 to index
          %parallel_loop3A_508 = arith.constant 0 : index
          %parallel_loop3A_509 = tpu.vector_load %arg20[%parallel_loop3A_507, %parallel_loop3A_508] {strides = array<i32>} : memref<128x32xf32, #tpu.memory_space<vmem>>, vector<16xf32>,
          %parallel_loop3A_510 = arith.index_cast %parallel_loop3A_502 : i32 to index
          %parallel_loop3A_511 = arith.constant 0 : index
          %parallel_loop3A_512 = tpu.vector_load %arg21[%parallel_loop3A_510, %parallel_loop3A_511] {strides = array<i32>} : memref<128x32xf32, #tpu.memory_space<vmem>>, vector<16xf32>,
          %parallel_loop3A_513 = vector.broadcast %parallel_loop3A_504 : f32 to vector<16xf32>
          %parallel_loop3A_514 = arith.mulf %parallel_loop3A_509, %parallel_loop3A_513 : vector<16xf32>
          %parallel_loop3A_515 = vector.broadcast %parallel_loop3A_506 : f32 to vector<16xf32>
          %parallel_loop3A_516 = arith.mulf %parallel_loop3A_512, %parallel_loop3A_515 : vector<16xf32>
          %parallel_loop3A_517 = arith.addf %parallel_loop3A_514, %parallel_loop3A_516 : vector<16xf32>
          %parallel_loop3A_518 = arith.index_cast %parallel_loop3A_502 : i32 to index
          %parallel_loop3A_519 = arith.constant 0 : index
          %parallel_loop3A_520 = tpu.vector_load %arg23[%parallel_loop3A_518, %parallel_loop3A_519] {strides = array<i32>} : memref<128x32xf32, #tpu.memory_space<vmem>>, vector<16xf32>,
          tpu.vector_store %arg23[%parallel_loop3A_518, %parallel_loop3A_519], %parallel_loop3A_517 {strides = array<i32>} : memref<128x32xf32, #tpu.memory_space<vmem>>, vector<16xf32>,
          %parallel_loop3A_521 = arith.index_cast %parallel_loop3A_502 : i32 to index
          %parallel_loop3A_522 = arith.constant 16 : index
          %parallel_loop3A_523 = tpu.vector_load %arg20[%parallel_loop3A_521, %parallel_loop3A_522] {strides = array<i32>} : memref<128x32xf32, #tpu.memory_space<vmem>>, vector<16xf32>,
          %parallel_loop3A_524 = arith.index_cast %parallel_loop3A_502 : i32 to index
          %parallel_loop3A_525 = arith.constant 16 : index
          %parallel_loop3A_526 = tpu.vector_load %arg21[%parallel_loop3A_524, %parallel_loop3A_525] {strides = array<i32>} : memref<128x32xf32, #tpu.memory_space<vmem>>, vector<16xf32>,
          %parallel_loop3A_527 = vector.broadcast %parallel_loop3A_504 : f32 to vector<16xf32>
          %parallel_loop3A_528 = arith.mulf %parallel_loop3A_523, %parallel_loop3A_527 : vector<16xf32>
          %parallel_loop3A_529 = vector.broadcast %parallel_loop3A_506 : f32 to vector<16xf32>
          %parallel_loop3A_530 = arith.mulf %parallel_loop3A_526, %parallel_loop3A_529 : vector<16xf32>
          %parallel_loop3A_531 = arith.addf %parallel_loop3A_528, %parallel_loop3A_530 : vector<16xf32>
          %parallel_loop3A_532 = arith.index_cast %parallel_loop3A_502 : i32 to index
          %parallel_loop3A_533 = arith.constant 16 : index
          %parallel_loop3A_534 = tpu.vector_load %arg23[%parallel_loop3A_532, %parallel_loop3A_533] {strides = array<i32>} : memref<128x32xf32, #tpu.memory_space<vmem>>, vector<16xf32>,
          tpu.vector_store %arg23[%parallel_loop3A_532, %parallel_loop3A_533], %parallel_loop3A_531 {strides = array<i32>} : memref<128x32xf32, #tpu.memory_space<vmem>>, vector<16xf32>,
          %parallel_loop3A_535 = arith.constant 11 : i32
          %parallel_loop3A_536 = arith.addi %parallel_loop3A_156, %parallel_loop3A_535 : i32
          %parallel_loop3A_537 = vector.extract_strided_slice %parallel_loop3A_158 {offsets = [11], sizes = [1], strides = [1]} : vector<16xf32> to vector<1xf32>
          %parallel_loop3A_538 = vector.extract %parallel_loop3A_537[0] : f32 from vector<1xf32>
          %parallel_loop3A_539 = vector.extract_strided_slice %parallel_loop3A_160 {offsets = [11], sizes = [1], strides = [1]} : vector<16xf32> to vector<1xf32>
          %parallel_loop3A_540 = vector.extract %parallel_loop3A_539[0] : f32 from vector<1xf32>
          %parallel_loop3A_541 = arith.index_cast %parallel_loop3A_536 : i32 to index
          %parallel_loop3A_542 = arith.constant 0 : index
          %parallel_loop3A_543 = tpu.vector_load %arg20[%parallel_loop3A_541, %parallel_loop3A_542] {strides = array<i32>} : memref<128x32xf32, #tpu.memory_space<vmem>>, vector<16xf32>,
          %parallel_loop3A_544 = arith.index_cast %parallel_loop3A_536 : i32 to index
          %parallel_loop3A_545 = arith.constant 0 : index
          %parallel_loop3A_546 = tpu.vector_load %arg21[%parallel_loop3A_544, %parallel_loop3A_545] {strides = array<i32>} : memref<128x32xf32, #tpu.memory_space<vmem>>, vector<16xf32>,
          %parallel_loop3A_547 = vector.broadcast %parallel_loop3A_538 : f32 to vector<16xf32>
          %parallel_loop3A_548 = arith.mulf %parallel_loop3A_543, %parallel_loop3A_547 : vector<16xf32>
          %parallel_loop3A_549 = vector.broadcast %parallel_loop3A_540 : f32 to vector<16xf32>
          %parallel_loop3A_550 = arith.mulf %parallel_loop3A_546, %parallel_loop3A_549 : vector<16xf32>
          %parallel_loop3A_551 = arith.addf %parallel_loop3A_548, %parallel_loop3A_550 : vector<16xf32>
          %parallel_loop3A_552 = arith.index_cast %parallel_loop3A_536 : i32 to index
          %parallel_loop3A_553 = arith.constant 0 : index
          %parallel_loop3A_554 = tpu.vector_load %arg23[%parallel_loop3A_552, %parallel_loop3A_553] {strides = array<i32>} : memref<128x32xf32, #tpu.memory_space<vmem>>, vector<16xf32>,
          tpu.vector_store %arg23[%parallel_loop3A_552, %parallel_loop3A_553], %parallel_loop3A_551 {strides = array<i32>} : memref<128x32xf32, #tpu.memory_space<vmem>>, vector<16xf32>,
          %parallel_loop3A_555 = arith.index_cast %parallel_loop3A_536 : i32 to index
          %parallel_loop3A_556 = arith.constant 16 : index
          %parallel_loop3A_557 = tpu.vector_load %arg20[%parallel_loop3A_555, %parallel_loop3A_556] {strides = array<i32>} : memref<128x32xf32, #tpu.memory_space<vmem>>, vector<16xf32>,
          %parallel_loop3A_558 = arith.index_cast %parallel_loop3A_536 : i32 to index
          %parallel_loop3A_559 = arith.constant 16 : index
          %parallel_loop3A_560 = tpu.vector_load %arg21[%parallel_loop3A_558, %parallel_loop3A_559] {strides = array<i32>} : memref<128x32xf32, #tpu.memory_space<vmem>>, vector<16xf32>,
          %parallel_loop3A_561 = vector.broadcast %parallel_loop3A_538 : f32 to vector<16xf32>
          %parallel_loop3A_562 = arith.mulf %parallel_loop3A_557, %parallel_loop3A_561 : vector<16xf32>
          %parallel_loop3A_563 = vector.broadcast %parallel_loop3A_540 : f32 to vector<16xf32>
          %parallel_loop3A_564 = arith.mulf %parallel_loop3A_560, %parallel_loop3A_563 : vector<16xf32>
          %parallel_loop3A_565 = arith.addf %parallel_loop3A_562, %parallel_loop3A_564 : vector<16xf32>
          %parallel_loop3A_566 = arith.index_cast %parallel_loop3A_536 : i32 to index
          %parallel_loop3A_567 = arith.constant 16 : index
          %parallel_loop3A_568 = tpu.vector_load %arg23[%parallel_loop3A_566, %parallel_loop3A_567] {strides = array<i32>} : memref<128x32xf32, #tpu.memory_space<vmem>>, vector<16xf32>,
          tpu.vector_store %arg23[%parallel_loop3A_566, %parallel_loop3A_567], %parallel_loop3A_565 {strides = array<i32>} : memref<128x32xf32, #tpu.memory_space<vmem>>, vector<16xf32>,
          %parallel_loop3A_569 = arith.constant 12 : i32
          %parallel_loop3A_570 = arith.addi %parallel_loop3A_156, %parallel_loop3A_569 : i32
          %parallel_loop3A_571 = vector.extract_strided_slice %parallel_loop3A_158 {offsets = [12], sizes = [1], strides = [1]} : vector<16xf32> to vector<1xf32>
          %parallel_loop3A_572 = vector.extract %parallel_loop3A_571[0] : f32 from vector<1xf32>
          %parallel_loop3A_573 = vector.extract_strided_slice %parallel_loop3A_160 {offsets = [12], sizes = [1], strides = [1]} : vector<16xf32> to vector<1xf32>
          %parallel_loop3A_574 = vector.extract %parallel_loop3A_573[0] : f32 from vector<1xf32>
          %parallel_loop3A_575 = arith.index_cast %parallel_loop3A_570 : i32 to index
          %parallel_loop3A_576 = arith.constant 0 : index
          %parallel_loop3A_577 = tpu.vector_load %arg20[%parallel_loop3A_575, %parallel_loop3A_576] {strides = array<i32>} : memref<128x32xf32, #tpu.memory_space<vmem>>, vector<16xf32>,
          %parallel_loop3A_578 = arith.index_cast %parallel_loop3A_570 : i32 to index
          %parallel_loop3A_579 = arith.constant 0 : index
          %parallel_loop3A_580 = tpu.vector_load %arg21[%parallel_loop3A_578, %parallel_loop3A_579] {strides = array<i32>} : memref<128x32xf32, #tpu.memory_space<vmem>>, vector<16xf32>,
          %parallel_loop3A_581 = vector.broadcast %parallel_loop3A_572 : f32 to vector<16xf32>
          %parallel_loop3A_582 = arith.mulf %parallel_loop3A_577, %parallel_loop3A_581 : vector<16xf32>
          %parallel_loop3A_583 = vector.broadcast %parallel_loop3A_574 : f32 to vector<16xf32>
          %parallel_loop3A_584 = arith.mulf %parallel_loop3A_580, %parallel_loop3A_583 : vector<16xf32>
          %parallel_loop3A_585 = arith.addf %parallel_loop3A_582, %parallel_loop3A_584 : vector<16xf32>
          %parallel_loop3A_586 = arith.index_cast %parallel_loop3A_570 : i32 to index
          %parallel_loop3A_587 = arith.constant 0 : index
          %parallel_loop3A_588 = tpu.vector_load %arg23[%parallel_loop3A_586, %parallel_loop3A_587] {strides = array<i32>} : memref<128x32xf32, #tpu.memory_space<vmem>>, vector<16xf32>,
          tpu.vector_store %arg23[%parallel_loop3A_586, %parallel_loop3A_587], %parallel_loop3A_585 {strides = array<i32>} : memref<128x32xf32, #tpu.memory_space<vmem>>, vector<16xf32>,
          %parallel_loop3A_589 = arith.index_cast %parallel_loop3A_570 : i32 to index
          %parallel_loop3A_590 = arith.constant 16 : index
          %parallel_loop3A_591 = tpu.vector_load %arg20[%parallel_loop3A_589, %parallel_loop3A_590] {strides = array<i32>} : memref<128x32xf32, #tpu.memory_space<vmem>>, vector<16xf32>,
          %parallel_loop3A_592 = arith.index_cast %parallel_loop3A_570 : i32 to index
          %parallel_loop3A_593 = arith.constant 16 : index
          %parallel_loop3A_594 = tpu.vector_load %arg21[%parallel_loop3A_592, %parallel_loop3A_593] {strides = array<i32>} : memref<128x32xf32, #tpu.memory_space<vmem>>, vector<16xf32>,
          %parallel_loop3A_595 = vector.broadcast %parallel_loop3A_572 : f32 to vector<16xf32>
          %parallel_loop3A_596 = arith.mulf %parallel_loop3A_591, %parallel_loop3A_595 : vector<16xf32>
          %parallel_loop3A_597 = vector.broadcast %parallel_loop3A_574 : f32 to vector<16xf32>
          %parallel_loop3A_598 = arith.mulf %parallel_loop3A_594, %parallel_loop3A_597 : vector<16xf32>
          %parallel_loop3A_599 = arith.addf %parallel_loop3A_596, %parallel_loop3A_598 : vector<16xf32>
          %parallel_loop3A_600 = arith.index_cast %parallel_loop3A_570 : i32 to index
          %parallel_loop3A_601 = arith.constant 16 : index
          %parallel_loop3A_602 = tpu.vector_load %arg23[%parallel_loop3A_600, %parallel_loop3A_601] {strides = array<i32>} : memref<128x32xf32, #tpu.memory_space<vmem>>, vector<16xf32>,
          tpu.vector_store %arg23[%parallel_loop3A_600, %parallel_loop3A_601], %parallel_loop3A_599 {strides = array<i32>} : memref<128x32xf32, #tpu.memory_space<vmem>>, vector<16xf32>,
          %parallel_loop3A_603 = arith.constant 13 : i32
          %parallel_loop3A_604 = arith.addi %parallel_loop3A_156, %parallel_loop3A_603 : i32
          %parallel_loop3A_605 = vector.extract_strided_slice %parallel_loop3A_158 {offsets = [13], sizes = [1], strides = [1]} : vector<16xf32> to vector<1xf32>
          %parallel_loop3A_606 = vector.extract %parallel_loop3A_605[0] : f32 from vector<1xf32>
          %parallel_loop3A_607 = vector.extract_strided_slice %parallel_loop3A_160 {offsets = [13], sizes = [1], strides = [1]} : vector<16xf32> to vector<1xf32>
          %parallel_loop3A_608 = vector.extract %parallel_loop3A_607[0] : f32 from vector<1xf32>
          %parallel_loop3A_609 = arith.index_cast %parallel_loop3A_604 : i32 to index
          %parallel_loop3A_610 = arith.constant 0 : index
          %parallel_loop3A_611 = tpu.vector_load %arg20[%parallel_loop3A_609, %parallel_loop3A_610] {strides = array<i32>} : memref<128x32xf32, #tpu.memory_space<vmem>>, vector<16xf32>,
          %parallel_loop3A_612 = arith.index_cast %parallel_loop3A_604 : i32 to index
          %parallel_loop3A_613 = arith.constant 0 : index
          %parallel_loop3A_614 = tpu.vector_load %arg21[%parallel_loop3A_612, %parallel_loop3A_613] {strides = array<i32>} : memref<128x32xf32, #tpu.memory_space<vmem>>, vector<16xf32>,
          %parallel_loop3A_615 = vector.broadcast %parallel_loop3A_606 : f32 to vector<16xf32>
          %parallel_loop3A_616 = arith.mulf %parallel_loop3A_611, %parallel_loop3A_615 : vector<16xf32>
          %parallel_loop3A_617 = vector.broadcast %parallel_loop3A_608 : f32 to vector<16xf32>
          %parallel_loop3A_618 = arith.mulf %parallel_loop3A_614, %parallel_loop3A_617 : vector<16xf32>
          %parallel_loop3A_619 = arith.addf %parallel_loop3A_616, %parallel_loop3A_618 : vector<16xf32>
          %parallel_loop3A_620 = arith.index_cast %parallel_loop3A_604 : i32 to index
          %parallel_loop3A_621 = arith.constant 0 : index
          %parallel_loop3A_622 = tpu.vector_load %arg23[%parallel_loop3A_620, %parallel_loop3A_621] {strides = array<i32>} : memref<128x32xf32, #tpu.memory_space<vmem>>, vector<16xf32>,
          tpu.vector_store %arg23[%parallel_loop3A_620, %parallel_loop3A_621], %parallel_loop3A_619 {strides = array<i32>} : memref<128x32xf32, #tpu.memory_space<vmem>>, vector<16xf32>,
          %parallel_loop3A_623 = arith.index_cast %parallel_loop3A_604 : i32 to index
          %parallel_loop3A_624 = arith.constant 16 : index
          %parallel_loop3A_625 = tpu.vector_load %arg20[%parallel_loop3A_623, %parallel_loop3A_624] {strides = array<i32>} : memref<128x32xf32, #tpu.memory_space<vmem>>, vector<16xf32>,
          %parallel_loop3A_626 = arith.index_cast %parallel_loop3A_604 : i32 to index
          %parallel_loop3A_627 = arith.constant 16 : index
          %parallel_loop3A_628 = tpu.vector_load %arg21[%parallel_loop3A_626, %parallel_loop3A_627] {strides = array<i32>} : memref<128x32xf32, #tpu.memory_space<vmem>>, vector<16xf32>,
          %parallel_loop3A_629 = vector.broadcast %parallel_loop3A_606 : f32 to vector<16xf32>
          %parallel_loop3A_630 = arith.mulf %parallel_loop3A_625, %parallel_loop3A_629 : vector<16xf32>
          %parallel_loop3A_631 = vector.broadcast %parallel_loop3A_608 : f32 to vector<16xf32>
          %parallel_loop3A_632 = arith.mulf %parallel_loop3A_628, %parallel_loop3A_631 : vector<16xf32>
          %parallel_loop3A_633 = arith.addf %parallel_loop3A_630, %parallel_loop3A_632 : vector<16xf32>
          %parallel_loop3A_634 = arith.index_cast %parallel_loop3A_604 : i32 to index
          %parallel_loop3A_635 = arith.constant 16 : index
          %parallel_loop3A_636 = tpu.vector_load %arg23[%parallel_loop3A_634, %parallel_loop3A_635] {strides = array<i32>} : memref<128x32xf32, #tpu.memory_space<vmem>>, vector<16xf32>,
          tpu.vector_store %arg23[%parallel_loop3A_634, %parallel_loop3A_635], %parallel_loop3A_633 {strides = array<i32>} : memref<128x32xf32, #tpu.memory_space<vmem>>, vector<16xf32>,
          %parallel_loop3A_637 = arith.constant 14 : i32
          %parallel_loop3A_638 = arith.addi %parallel_loop3A_156, %parallel_loop3A_637 : i32
          %parallel_loop3A_639 = vector.extract_strided_slice %parallel_loop3A_158 {offsets = [14], sizes = [1], strides = [1]} : vector<16xf32> to vector<1xf32>
          %parallel_loop3A_640 = vector.extract %parallel_loop3A_639[0] : f32 from vector<1xf32>
          %parallel_loop3A_641 = vector.extract_strided_slice %parallel_loop3A_160 {offsets = [14], sizes = [1], strides = [1]} : vector<16xf32> to vector<1xf32>
          %parallel_loop3A_642 = vector.extract %parallel_loop3A_641[0] : f32 from vector<1xf32>
          %parallel_loop3A_643 = arith.index_cast %parallel_loop3A_638 : i32 to index
          %parallel_loop3A_644 = arith.constant 0 : index
          %parallel_loop3A_645 = tpu.vector_load %arg20[%parallel_loop3A_643, %parallel_loop3A_644] {strides = array<i32>} : memref<128x32xf32, #tpu.memory_space<vmem>>, vector<16xf32>,
          %parallel_loop3A_646 = arith.index_cast %parallel_loop3A_638 : i32 to index
          %parallel_loop3A_647 = arith.constant 0 : index
          %parallel_loop3A_648 = tpu.vector_load %arg21[%parallel_loop3A_646, %parallel_loop3A_647] {strides = array<i32>} : memref<128x32xf32, #tpu.memory_space<vmem>>, vector<16xf32>,
          %parallel_loop3A_649 = vector.broadcast %parallel_loop3A_640 : f32 to vector<16xf32>
          %parallel_loop3A_650 = arith.mulf %parallel_loop3A_645, %parallel_loop3A_649 : vector<16xf32>
          %parallel_loop3A_651 = vector.broadcast %parallel_loop3A_642 : f32 to vector<16xf32>
          %parallel_loop3A_652 = arith.mulf %parallel_loop3A_648, %parallel_loop3A_651 : vector<16xf32>
          %parallel_loop3A_653 = arith.addf %parallel_loop3A_650, %parallel_loop3A_652 : vector<16xf32>
          %parallel_loop3A_654 = arith.index_cast %parallel_loop3A_638 : i32 to index
          %parallel_loop3A_655 = arith.constant 0 : index
          %parallel_loop3A_656 = tpu.vector_load %arg23[%parallel_loop3A_654, %parallel_loop3A_655] {strides = array<i32>} : memref<128x32xf32, #tpu.memory_space<vmem>>, vector<16xf32>,
          tpu.vector_store %arg23[%parallel_loop3A_654, %parallel_loop3A_655], %parallel_loop3A_653 {strides = array<i32>} : memref<128x32xf32, #tpu.memory_space<vmem>>, vector<16xf32>,
          %parallel_loop3A_657 = arith.index_cast %parallel_loop3A_638 : i32 to index
          %parallel_loop3A_658 = arith.constant 16 : index
          %parallel_loop3A_659 = tpu.vector_load %arg20[%parallel_loop3A_657, %parallel_loop3A_658] {strides = array<i32>} : memref<128x32xf32, #tpu.memory_space<vmem>>, vector<16xf32>,
          %parallel_loop3A_660 = arith.index_cast %parallel_loop3A_638 : i32 to index
          %parallel_loop3A_661 = arith.constant 16 : index
          %parallel_loop3A_662 = tpu.vector_load %arg21[%parallel_loop3A_660, %parallel_loop3A_661] {strides = array<i32>} : memref<128x32xf32, #tpu.memory_space<vmem>>, vector<16xf32>,
          %parallel_loop3A_663 = vector.broadcast %parallel_loop3A_640 : f32 to vector<16xf32>
          %parallel_loop3A_664 = arith.mulf %parallel_loop3A_659, %parallel_loop3A_663 : vector<16xf32>
          %parallel_loop3A_665 = vector.broadcast %parallel_loop3A_642 : f32 to vector<16xf32>
          %parallel_loop3A_666 = arith.mulf %parallel_loop3A_662, %parallel_loop3A_665 : vector<16xf32>
          %parallel_loop3A_667 = arith.addf %parallel_loop3A_664, %parallel_loop3A_666 : vector<16xf32>
          %parallel_loop3A_668 = arith.index_cast %parallel_loop3A_638 : i32 to index
          %parallel_loop3A_669 = arith.constant 16 : index
          %parallel_loop3A_670 = tpu.vector_load %arg23[%parallel_loop3A_668, %parallel_loop3A_669] {strides = array<i32>} : memref<128x32xf32, #tpu.memory_space<vmem>>, vector<16xf32>,
          tpu.vector_store %arg23[%parallel_loop3A_668, %parallel_loop3A_669], %parallel_loop3A_667 {strides = array<i32>} : memref<128x32xf32, #tpu.memory_space<vmem>>, vector<16xf32>,
          %parallel_loop3A_671 = arith.constant 15 : i32
          %parallel_loop3A_672 = arith.addi %parallel_loop3A_156, %parallel_loop3A_671 : i32
          %parallel_loop3A_673 = vector.extract_strided_slice %parallel_loop3A_158 {offsets = [15], sizes = [1], strides = [1]} : vector<16xf32> to vector<1xf32>
          %parallel_loop3A_674 = vector.extract %parallel_loop3A_673[0] : f32 from vector<1xf32>
          %parallel_loop3A_675 = vector.extract_strided_slice %parallel_loop3A_160 {offsets = [15], sizes = [1], strides = [1]} : vector<16xf32> to vector<1xf32>
          %parallel_loop3A_676 = vector.extract %parallel_loop3A_675[0] : f32 from vector<1xf32>
          %parallel_loop3A_677 = arith.index_cast %parallel_loop3A_672 : i32 to index
          %parallel_loop3A_678 = arith.constant 0 : index
          %parallel_loop3A_679 = tpu.vector_load %arg20[%parallel_loop3A_677, %parallel_loop3A_678] {strides = array<i32>} : memref<128x32xf32, #tpu.memory_space<vmem>>, vector<16xf32>,
          %parallel_loop3A_680 = arith.index_cast %parallel_loop3A_672 : i32 to index
          %parallel_loop3A_681 = arith.constant 0 : index
          %parallel_loop3A_682 = tpu.vector_load %arg21[%parallel_loop3A_680, %parallel_loop3A_681] {strides = array<i32>} : memref<128x32xf32, #tpu.memory_space<vmem>>, vector<16xf32>,
          %parallel_loop3A_683 = vector.broadcast %parallel_loop3A_674 : f32 to vector<16xf32>
          %parallel_loop3A_684 = arith.mulf %parallel_loop3A_679, %parallel_loop3A_683 : vector<16xf32>
          %parallel_loop3A_685 = vector.broadcast %parallel_loop3A_676 : f32 to vector<16xf32>
          %parallel_loop3A_686 = arith.mulf %parallel_loop3A_682, %parallel_loop3A_685 : vector<16xf32>
          %parallel_loop3A_687 = arith.addf %parallel_loop3A_684, %parallel_loop3A_686 : vector<16xf32>
          %parallel_loop3A_688 = arith.index_cast %parallel_loop3A_672 : i32 to index
          %parallel_loop3A_689 = arith.constant 0 : index
          %parallel_loop3A_690 = tpu.vector_load %arg23[%parallel_loop3A_688, %parallel_loop3A_689] {strides = array<i32>} : memref<128x32xf32, #tpu.memory_space<vmem>>, vector<16xf32>,
          tpu.vector_store %arg23[%parallel_loop3A_688, %parallel_loop3A_689], %parallel_loop3A_687 {strides = array<i32>} : memref<128x32xf32, #tpu.memory_space<vmem>>, vector<16xf32>,
          %parallel_loop3A_691 = arith.index_cast %parallel_loop3A_672 : i32 to index
          %parallel_loop3A_692 = arith.constant 16 : index
          %parallel_loop3A_693 = tpu.vector_load %arg20[%parallel_loop3A_691, %parallel_loop3A_692] {strides = array<i32>} : memref<128x32xf32, #tpu.memory_space<vmem>>, vector<16xf32>,
          %parallel_loop3A_694 = arith.index_cast %parallel_loop3A_672 : i32 to index
          %parallel_loop3A_695 = arith.constant 16 : index
          %parallel_loop3A_696 = tpu.vector_load %arg21[%parallel_loop3A_694, %parallel_loop3A_695] {strides = array<i32>} : memref<128x32xf32, #tpu.memory_space<vmem>>, vector<16xf32>,
          %parallel_loop3A_697 = vector.broadcast %parallel_loop3A_674 : f32 to vector<16xf32>
          %parallel_loop3A_698 = arith.mulf %parallel_loop3A_693, %parallel_loop3A_697 : vector<16xf32>
          %parallel_loop3A_699 = vector.broadcast %parallel_loop3A_676 : f32 to vector<16xf32>
          %parallel_loop3A_700 = arith.mulf %parallel_loop3A_696, %parallel_loop3A_699 : vector<16xf32>
          %parallel_loop3A_701 = arith.addf %parallel_loop3A_698, %parallel_loop3A_700 : vector<16xf32>
          %parallel_loop3A_702 = arith.index_cast %parallel_loop3A_672 : i32 to index
          %parallel_loop3A_703 = arith.constant 16 : index
          %parallel_loop3A_704 = tpu.vector_load %arg23[%parallel_loop3A_702, %parallel_loop3A_703] {strides = array<i32>} : memref<128x32xf32, #tpu.memory_space<vmem>>, vector<16xf32>,
          tpu.vector_store %arg23[%parallel_loop3A_702, %parallel_loop3A_703], %parallel_loop3A_701 {strides = array<i32>} : memref<128x32xf32, #tpu.memory_space<vmem>>, vector<16xf32>,
        } {sc.loop_unroll_factor = 2 : i64, sc.parallel_access}
        %sub3A = arith.constant 1 : i32
        %sub3A_143 = arith.subi %mul3A_56, %sub3A : i32
        %mul3A_144 = arith.constant 25600 : i32
        %mul3A_145 = arith.muli %add3A, %mul3A_144 : i32
        %mul3A_146 = arith.constant 128 : i32
        %mul3A_147 = arith.muli %sub3A_143, %mul3A_146 : i32
        %add3A_148 = arith.addi %mul3A_145, %mul3A_147 : i32
        %dma_start3A_149 = arith.constant 0 : i32
        %dma_start3A_150 = tpu.memref_slice %arg5[%add3A_148, %dma_start3A_149] : memref<819200x32xf32, #tpu.memory_space<hbm>> -> memref<128x32xf32, #tpu.memory_space<hbm>>
        %dma_start3A_151 = arith.constant 0 : i32
        %dma_start3A_152 = tpu.memref_slice %arg5[%add3A_148, %dma_start3A_151] : memref<819200x32xf32, #tpu.memory_space<hbm>> -> memref<128x32xf32, #tpu.memory_space<hbm>>
        tpu.enqueue_dma source(%arg23 : memref<128x32xf32, #tpu.memory_space<vmem>>) target(%dma_start3A_152 : memref<128x32xf32, #tpu.memory_space<hbm>>) target_semaphore(%arg33 : memref<!tpu.dma_semaphore, #tpu.memory_space<semaphore_mem>>)
      } else {
      }
      %lt3A = arith.constant 99 : i32
      %lt3A_80 = arith.cmpi slt, %add3A_54, %lt3A : i32
      %convert_element_type3A_81 = arith.extui %lt3A_80 : i1 to i32
      %cond3A_82 = arith.constant 0 : i32
      %cond3A_83 = arith.cmpi ne, %convert_element_type3A_81, %cond3A_82 : i32
      scf.if %cond3A_83 {
        %add3A_129 = arith.constant 2 : i32
        %add3A_130 = arith.addi %mul3A_56, %add3A_129 : i32
        %mul3A_131 = arith.constant 25600 : i32
        %mul3A_132 = arith.muli %add3A, %mul3A_131 : i32
        %mul3A_133 = arith.constant 128 : i32
        %mul3A_134 = arith.muli %add3A_130, %mul3A_133 : i32
        %add3A_135 = arith.addi %mul3A_132, %mul3A_134 : i32
        %dma_start3A_136 = tpu.memref_slice %arg3[%add3A_135] : memref<819200xi32, #tpu.memory_space<hbm>> -> memref<128xi32, #tpu.memory_space<hbm>>
        %dma_start3A_137 = tpu.memref_slice %arg3[%add3A_135] : memref<819200xi32, #tpu.memory_space<hbm>> -> memref<128xi32, #tpu.memory_space<hbm>>
        tpu.enqueue_dma source(%dma_start3A_137 : memref<128xi32, #tpu.memory_space<hbm>>) target(%arg6 : memref<128xi32, #tpu.memory_space<vmem>>) target_semaphore(%arg24 : memref<!tpu.dma_semaphore, #tpu.memory_space<semaphore_mem>>)
      } else {
      }
      %dma_wait3A_84 = arith.constant 0 : i32
      %dma_wait3A_85 = arith.constant 0 : i32
      %dma_wait3A_86 = tpu.memref_slice %arg2[%dma_wait3A_84, %dma_wait3A_85] : memref<1000000x8xi32, #tpu.memory_space<hbm>> -> memref<1000000x8xi32, #tpu.memory_space<hbm>>
      tpu.wait_indirect_dma semaphore(%arg27 : memref<!tpu.dma_semaphore, #tpu.memory_space<semaphore_mem>>) src(%dma_wait3A_86 : memref<1000000x8xi32, #tpu.memory_space<hbm>>) dst(%arg9 : memref<128x8xi32, #tpu.memory_space<vmem>>)
      %parallel_loop3A_87 = arith.constant 0 : i32
      %parallel_loop3A_88 = arith.constant 8 : i32
      %parallel_loop3A_89 = arith.constant 1 : i32
      scf.for %parallel_loop3A_129 = %parallel_loop3A_87 to %parallel_loop3A_88 step %parallel_loop3A_89  : i32 {
        %parallel_loop3A_130 = arith.constant 16 : i32
        %parallel_loop3A_131 = arith.muli %parallel_loop3A_129, %parallel_loop3A_130 : i32
        %parallel_loop3A_132 = tpu.assume_multiple %parallel_loop3A_131, 16 : i32
        %parallel_loop3A_133 = arith.constant 6151 : i32
        %parallel_loop3A_134 = vector.broadcast %parallel_loop3A_133 : i32 to vector<16xi32>
        %parallel_loop3A_135 = arith.muli %iota3A, %parallel_loop3A_134 : vector<16xi32>
        %parallel_loop3A_136 = arith.constant 131 : i32
        %parallel_loop3A_137 = arith.muli %parallel_loop3A_132, %parallel_loop3A_136 : i32
        %parallel_loop3A_138 = vector.broadcast %parallel_loop3A_137 : i32 to vector<16xi32>
        %parallel_loop3A_139 = arith.addi %parallel_loop3A_135, %parallel_loop3A_138 : vector<16xi32>
        %parallel_loop3A_140 = arith.constant 997 : i32
        %parallel_loop3A_141 = arith.muli %add3A, %parallel_loop3A_140 : i32
        %parallel_loop3A_142 = vector.broadcast %parallel_loop3A_141 : i32 to vector<16xi32>
        %parallel_loop3A_143 = arith.addi %parallel_loop3A_139, %parallel_loop3A_142 : vector<16xi32>
        %parallel_loop3A_144 = arith.constant 65535 : i32
        %parallel_loop3A_145 = vector.broadcast %parallel_loop3A_144 : i32 to vector<16xi32>
        %parallel_loop3A_146 = arith.andi %parallel_loop3A_143, %parallel_loop3A_145 : vector<16xi32>
        %parallel_loop3A_147 = arith.index_cast %parallel_loop3A_132 : i32 to index
        %parallel_loop3A_148 = tpu.vector_load %arg12[%parallel_loop3A_147] {strides = array<i32>} : memref<128xi32, #tpu.memory_space<vmem>>, vector<16xi32>,
        tpu.vector_store %arg12[%parallel_loop3A_147], %parallel_loop3A_146 {strides = array<i32>} : memref<128xi32, #tpu.memory_space<vmem>>, vector<16xi32>,
        %parallel_loop3A_149 = arith.constant 4093 : i32
        %parallel_loop3A_150 = vector.broadcast %parallel_loop3A_149 : i32 to vector<16xi32>
        %parallel_loop3A_151 = arith.muli %iota3A, %parallel_loop3A_150 : vector<16xi32>
        %parallel_loop3A_152 = arith.constant 177 : i32
        %parallel_loop3A_153 = arith.muli %parallel_loop3A_132, %parallel_loop3A_152 : i32
        %parallel_loop3A_154 = vector.broadcast %parallel_loop3A_153 : i32 to vector<16xi32>
        %parallel_loop3A_155 = arith.addi %parallel_loop3A_151, %parallel_loop3A_154 : vector<16xi32>
        %parallel_loop3A_156 = arith.constant 1013 : i32
        %parallel_loop3A_157 = arith.muli %add3A, %parallel_loop3A_156 : i32
        %parallel_loop3A_158 = vector.broadcast %parallel_loop3A_157 : i32 to vector<16xi32>
        %parallel_loop3A_159 = arith.addi %parallel_loop3A_155, %parallel_loop3A_158 : vector<16xi32>
        %parallel_loop3A_160 = arith.constant 65535 : i32
        %parallel_loop3A_161 = vector.broadcast %parallel_loop3A_160 : i32 to vector<16xi32>
        %parallel_loop3A_162 = arith.andi %parallel_loop3A_159, %parallel_loop3A_161 : vector<16xi32>
        %parallel_loop3A_163 = arith.index_cast %parallel_loop3A_132 : i32 to index
        %parallel_loop3A_164 = tpu.vector_load %arg13[%parallel_loop3A_163] {strides = array<i32>} : memref<128xi32, #tpu.memory_space<vmem>>, vector<16xi32>,
        tpu.vector_store %arg13[%parallel_loop3A_163], %parallel_loop3A_162 {strides = array<i32>} : memref<128xi32, #tpu.memory_space<vmem>>, vector<16xi32>,
        %parallel_loop3A_165 = vector.broadcast %parallel_loop3A_132 : i32 to vector<16xi32>
        %parallel_loop3A_166 = arith.addi %iota3A, %parallel_loop3A_165 : vector<16xi32>
        %parallel_loop3A_167 = vector.bitcast %parallel_loop3A_166 : vector<16xi32> to vector<16xf32>
        %parallel_loop3A_168 = arith.index_cast %parallel_loop3A_132 : i32 to index
        %parallel_loop3A_169 = tpu.vector_load %arg16[%parallel_loop3A_168] {strides = array<i32>} : memref<128xf32, #tpu.memory_space<vmem>>, vector<16xf32>,
        tpu.vector_store %arg16[%parallel_loop3A_168], %parallel_loop3A_167 {strides = array<i32>} : memref<128xf32, #tpu.memory_space<vmem>>, vector<16xf32>,
        %parallel_loop3A_170 = vector.broadcast %parallel_loop3A_132 : i32 to vector<16xi32>
        %parallel_loop3A_171 = arith.addi %iota3A, %parallel_loop3A_170 : vector<16xi32>
        %parallel_loop3A_172 = vector.bitcast %parallel_loop3A_171 : vector<16xi32> to vector<16xf32>
        %parallel_loop3A_173 = arith.index_cast %parallel_loop3A_132 : i32 to index
        %parallel_loop3A_174 = tpu.vector_load %arg17[%parallel_loop3A_173] {strides = array<i32>} : memref<128xf32, #tpu.memory_space<vmem>>, vector<16xf32>,
        tpu.vector_store %arg17[%parallel_loop3A_173], %parallel_loop3A_172 {strides = array<i32>} : memref<128xf32, #tpu.memory_space<vmem>>, vector<16xf32>,
      } {sc.loop_unroll_factor = 2 : i64, sc.parallel_access}
      %dma_start3A_90 = arith.constant 0 : i32
      %dma_start3A_91 = arith.constant 0 : i32
      %dma_start3A_92 = tpu.memref_slice %arg4[%dma_start3A_90, %dma_start3A_91] : memref<100001x32xf32, #tpu.memory_space<hbm>> -> memref<100001x32xf32, #tpu.memory_space<hbm>>
      tpu.enqueue_indirect_dma source(%dma_start3A_92 : memref<100001x32xf32, #tpu.memory_space<hbm>>) target(%arg20 : memref<128x32xf32, #tpu.memory_space<vmem>>) offsets(%arg12 : memref<128xi32, #tpu.memory_space<vmem>>) semaphore(%arg30 : memref<!tpu.dma_semaphore, #tpu.memory_space<semaphore_mem>>)
      %dma_start3A_93 = arith.constant 0 : i32
      %dma_start3A_94 = arith.constant 0 : i32
      %dma_start3A_95 = tpu.memref_slice %arg4[%dma_start3A_93, %dma_start3A_94] : memref<100001x32xf32, #tpu.memory_space<hbm>> -> memref<100001x32xf32, #tpu.memory_space<hbm>>
      tpu.enqueue_indirect_dma source(%dma_start3A_95 : memref<100001x32xf32, #tpu.memory_space<hbm>>) target(%arg21 : memref<128x32xf32, #tpu.memory_space<vmem>>) offsets(%arg13 : memref<128xi32, #tpu.memory_space<vmem>>) semaphore(%arg31 : memref<!tpu.dma_semaphore, #tpu.memory_space<semaphore_mem>>)
      %lt3A_96 = arith.constant 99 : i32
      %lt3A_97 = arith.cmpi slt, %add3A_54, %lt3A_96 : i32
      %convert_element_type3A_98 = arith.extui %lt3A_97 : i1 to i32
      %cond3A_99 = arith.constant 0 : i32
      %cond3A_100 = arith.cmpi ne, %convert_element_type3A_98, %cond3A_99 : i32
      scf.if %cond3A_100 {
        %dma_wait3A_129 = arith.constant 0 : i32
        %dma_wait3A_130 = tpu.memref_slice %arg3[%dma_wait3A_129] : memref<819200xi32, #tpu.memory_space<hbm>> -> memref<128xi32, #tpu.memory_space<hbm>>
        %dma_wait3A_131 = arith.constant 0 : i32
        %dma_wait3A_132 = tpu.memref_slice %arg3[%dma_wait3A_131] : memref<819200xi32, #tpu.memory_space<hbm>> -> memref<128xi32, #tpu.memory_space<hbm>>
        tpu.wait_dma2 semaphore(%arg24 : memref<!tpu.dma_semaphore, #tpu.memory_space<semaphore_mem>>) src(%dma_wait3A_132 : memref<128xi32, #tpu.memory_space<hbm>>) dst(%arg6 : memref<128xi32, #tpu.memory_space<vmem>>)
        %dma_start3A_133 = arith.constant 0 : i32
        %dma_start3A_134 = arith.constant 0 : i32
        %dma_start3A_135 = tpu.memref_slice %arg2[%dma_start3A_133, %dma_start3A_134] : memref<1000000x8xi32, #tpu.memory_space<hbm>> -> memref<1000000x8xi32, #tpu.memory_space<hbm>>
        tpu.enqueue_indirect_dma source(%dma_start3A_135 : memref<1000000x8xi32, #tpu.memory_space<hbm>>) target(%arg8 : memref<128x8xi32, #tpu.memory_space<vmem>>) offsets(%arg6 : memref<128xi32, #tpu.memory_space<vmem>>) semaphore(%arg26 : memref<!tpu.dma_semaphore, #tpu.memory_space<semaphore_mem>>)
      } else {
      }
      %dma_wait3A_101 = arith.constant 0 : i32
      %dma_wait3A_102 = arith.constant 0 : i32
      %dma_wait3A_103 = tpu.memref_slice %arg4[%dma_wait3A_101, %dma_wait3A_102] : memref<100001x32xf32, #tpu.memory_space<hbm>> -> memref<100001x32xf32, #tpu.memory_space<hbm>>
      tpu.wait_indirect_dma semaphore(%arg28 : memref<!tpu.dma_semaphore, #tpu.memory_space<semaphore_mem>>) src(%dma_wait3A_103 : memref<100001x32xf32, #tpu.memory_space<hbm>>) dst(%arg18 : memref<128x32xf32, #tpu.memory_space<vmem>>)
      %dma_wait3A_104 = arith.constant 0 : i32
      %dma_wait3A_105 = arith.constant 0 : i32
      %dma_wait3A_106 = tpu.memref_slice %arg4[%dma_wait3A_104, %dma_wait3A_105] : memref<100001x32xf32, #tpu.memory_space<hbm>> -> memref<100001x32xf32, #tpu.memory_space<hbm>>
      tpu.wait_indirect_dma semaphore(%arg29 : memref<!tpu.dma_semaphore, #tpu.memory_space<semaphore_mem>>) src(%dma_wait3A_106 : memref<100001x32xf32, #tpu.memory_space<hbm>>) dst(%arg19 : memref<128x32xf32, #tpu.memory_space<vmem>>)
      %gt3A_107 = arith.constant 0 : i32
      %gt3A_108 = arith.cmpi sgt, %add3A_54, %gt3A_107 : i32
      %convert_element_type3A_109 = arith.extui %gt3A_108 : i1 to i32
      %cond3A_110 = arith.constant 0 : i32
      %cond3A_111 = arith.cmpi ne, %convert_element_type3A_109, %cond3A_110 : i32
      scf.if %cond3A_111 {
        %dma_wait3A_129 = arith.constant 0 : i32
        %dma_wait3A_130 = arith.constant 0 : i32
        %dma_wait3A_131 = tpu.memref_slice %arg5[%dma_wait3A_129, %dma_wait3A_130] : memref<819200x32xf32, #tpu.memory_space<hbm>> -> memref<128x32xf32, #tpu.memory_space<hbm>>
        %dma_wait3A_132 = arith.constant 0 : i32
        %dma_wait3A_133 = arith.constant 0 : i32
        %dma_wait3A_134 = tpu.memref_slice %arg5[%dma_wait3A_132, %dma_wait3A_133] : memref<819200x32xf32, #tpu.memory_space<hbm>> -> memref<128x32xf32, #tpu.memory_space<hbm>>
        tpu.wait_dma2 semaphore(%arg32 : memref<!tpu.dma_semaphore, #tpu.memory_space<semaphore_mem>>) src(%arg22 : memref<128x32xf32, #tpu.memory_space<vmem>>) dst(%dma_wait3A_134 : memref<128x32xf32, #tpu.memory_space<hbm>>)
      } else {
      }
      %parallel_loop3A_112 = arith.constant 0 : i32
      %parallel_loop3A_113 = arith.constant 8 : i32
      %parallel_loop3A_114 = arith.constant 1 : i32
      scf.for %parallel_loop3A_129 = %parallel_loop3A_112 to %parallel_loop3A_113 step %parallel_loop3A_114  : i32 {
        %parallel_loop3A_130 = arith.constant 16 : i32
        %parallel_loop3A_131 = arith.muli %parallel_loop3A_129, %parallel_loop3A_130 : i32
        %parallel_loop3A_132 = tpu.assume_multiple %parallel_loop3A_131, 16 : i32
        %parallel_loop3A_133 = arith.index_cast %parallel_loop3A_132 : i32 to index
        %parallel_loop3A_134 = tpu.vector_load %arg14[%parallel_loop3A_133] {strides = array<i32>} : memref<128xf32, #tpu.memory_space<vmem>>, vector<16xf32>,
        %parallel_loop3A_135 = arith.index_cast %parallel_loop3A_132 : i32 to index
        %parallel_loop3A_136 = tpu.vector_load %arg15[%parallel_loop3A_135] {strides = array<i32>} : memref<128xf32, #tpu.memory_space<vmem>>, vector<16xf32>,
        %parallel_loop3A_137 = arith.constant 0 : i32
        %parallel_loop3A_138 = arith.addi %parallel_loop3A_132, %parallel_loop3A_137 : i32
        %parallel_loop3A_139 = vector.extract_strided_slice %parallel_loop3A_134 {offsets = [0], sizes = [1], strides = [1]} : vector<16xf32> to vector<1xf32>
        %parallel_loop3A_140 = vector.extract %parallel_loop3A_139[0] : f32 from vector<1xf32>
        %parallel_loop3A_141 = vector.extract_strided_slice %parallel_loop3A_136 {offsets = [0], sizes = [1], strides = [1]} : vector<16xf32> to vector<1xf32>
        %parallel_loop3A_142 = vector.extract %parallel_loop3A_141[0] : f32 from vector<1xf32>
        %parallel_loop3A_143 = arith.index_cast %parallel_loop3A_138 : i32 to index
        %parallel_loop3A_144 = arith.constant 0 : index
        %parallel_loop3A_145 = tpu.vector_load %arg18[%parallel_loop3A_143, %parallel_loop3A_144] {strides = array<i32>} : memref<128x32xf32, #tpu.memory_space<vmem>>, vector<16xf32>,
        %parallel_loop3A_146 = arith.index_cast %parallel_loop3A_138 : i32 to index
        %parallel_loop3A_147 = arith.constant 0 : index
        %parallel_loop3A_148 = tpu.vector_load %arg19[%parallel_loop3A_146, %parallel_loop3A_147] {strides = array<i32>} : memref<128x32xf32, #tpu.memory_space<vmem>>, vector<16xf32>,
        %parallel_loop3A_149 = vector.broadcast %parallel_loop3A_140 : f32 to vector<16xf32>
        %parallel_loop3A_150 = arith.mulf %parallel_loop3A_145, %parallel_loop3A_149 : vector<16xf32>
        %parallel_loop3A_151 = vector.broadcast %parallel_loop3A_142 : f32 to vector<16xf32>
        %parallel_loop3A_152 = arith.mulf %parallel_loop3A_148, %parallel_loop3A_151 : vector<16xf32>
        %parallel_loop3A_153 = arith.addf %parallel_loop3A_150, %parallel_loop3A_152 : vector<16xf32>
        %parallel_loop3A_154 = arith.index_cast %parallel_loop3A_138 : i32 to index
        %parallel_loop3A_155 = arith.constant 0 : index
        %parallel_loop3A_156 = tpu.vector_load %arg22[%parallel_loop3A_154, %parallel_loop3A_155] {strides = array<i32>} : memref<128x32xf32, #tpu.memory_space<vmem>>, vector<16xf32>,
        tpu.vector_store %arg22[%parallel_loop3A_154, %parallel_loop3A_155], %parallel_loop3A_153 {strides = array<i32>} : memref<128x32xf32, #tpu.memory_space<vmem>>, vector<16xf32>,
        %parallel_loop3A_157 = arith.index_cast %parallel_loop3A_138 : i32 to index
        %parallel_loop3A_158 = arith.constant 16 : index
        %parallel_loop3A_159 = tpu.vector_load %arg18[%parallel_loop3A_157, %parallel_loop3A_158] {strides = array<i32>} : memref<128x32xf32, #tpu.memory_space<vmem>>, vector<16xf32>,
        %parallel_loop3A_160 = arith.index_cast %parallel_loop3A_138 : i32 to index
        %parallel_loop3A_161 = arith.constant 16 : index
        %parallel_loop3A_162 = tpu.vector_load %arg19[%parallel_loop3A_160, %parallel_loop3A_161] {strides = array<i32>} : memref<128x32xf32, #tpu.memory_space<vmem>>, vector<16xf32>,
        %parallel_loop3A_163 = vector.broadcast %parallel_loop3A_140 : f32 to vector<16xf32>
        %parallel_loop3A_164 = arith.mulf %parallel_loop3A_159, %parallel_loop3A_163 : vector<16xf32>
        %parallel_loop3A_165 = vector.broadcast %parallel_loop3A_142 : f32 to vector<16xf32>
        %parallel_loop3A_166 = arith.mulf %parallel_loop3A_162, %parallel_loop3A_165 : vector<16xf32>
        %parallel_loop3A_167 = arith.addf %parallel_loop3A_164, %parallel_loop3A_166 : vector<16xf32>
        %parallel_loop3A_168 = arith.index_cast %parallel_loop3A_138 : i32 to index
        %parallel_loop3A_169 = arith.constant 16 : index
        %parallel_loop3A_170 = tpu.vector_load %arg22[%parallel_loop3A_168, %parallel_loop3A_169] {strides = array<i32>} : memref<128x32xf32, #tpu.memory_space<vmem>>, vector<16xf32>,
        tpu.vector_store %arg22[%parallel_loop3A_168, %parallel_loop3A_169], %parallel_loop3A_167 {strides = array<i32>} : memref<128x32xf32, #tpu.memory_space<vmem>>, vector<16xf32>,
        %parallel_loop3A_171 = arith.constant 1 : i32
        %parallel_loop3A_172 = arith.addi %parallel_loop3A_132, %parallel_loop3A_171 : i32
        %parallel_loop3A_173 = vector.extract_strided_slice %parallel_loop3A_134 {offsets = [1], sizes = [1], strides = [1]} : vector<16xf32> to vector<1xf32>
        %parallel_loop3A_174 = vector.extract %parallel_loop3A_173[0] : f32 from vector<1xf32>
        %parallel_loop3A_175 = vector.extract_strided_slice %parallel_loop3A_136 {offsets = [1], sizes = [1], strides = [1]} : vector<16xf32> to vector<1xf32>
        %parallel_loop3A_176 = vector.extract %parallel_loop3A_175[0] : f32 from vector<1xf32>
        %parallel_loop3A_177 = arith.index_cast %parallel_loop3A_172 : i32 to index
        %parallel_loop3A_178 = arith.constant 0 : index
        %parallel_loop3A_179 = tpu.vector_load %arg18[%parallel_loop3A_177, %parallel_loop3A_178] {strides = array<i32>} : memref<128x32xf32, #tpu.memory_space<vmem>>, vector<16xf32>,
        %parallel_loop3A_180 = arith.index_cast %parallel_loop3A_172 : i32 to index
        %parallel_loop3A_181 = arith.constant 0 : index
        %parallel_loop3A_182 = tpu.vector_load %arg19[%parallel_loop3A_180, %parallel_loop3A_181] {strides = array<i32>} : memref<128x32xf32, #tpu.memory_space<vmem>>, vector<16xf32>,
        %parallel_loop3A_183 = vector.broadcast %parallel_loop3A_174 : f32 to vector<16xf32>
        %parallel_loop3A_184 = arith.mulf %parallel_loop3A_179, %parallel_loop3A_183 : vector<16xf32>
        %parallel_loop3A_185 = vector.broadcast %parallel_loop3A_176 : f32 to vector<16xf32>
        %parallel_loop3A_186 = arith.mulf %parallel_loop3A_182, %parallel_loop3A_185 : vector<16xf32>
        %parallel_loop3A_187 = arith.addf %parallel_loop3A_184, %parallel_loop3A_186 : vector<16xf32>
        %parallel_loop3A_188 = arith.index_cast %parallel_loop3A_172 : i32 to index
        %parallel_loop3A_189 = arith.constant 0 : index
        %parallel_loop3A_190 = tpu.vector_load %arg22[%parallel_loop3A_188, %parallel_loop3A_189] {strides = array<i32>} : memref<128x32xf32, #tpu.memory_space<vmem>>, vector<16xf32>,
        tpu.vector_store %arg22[%parallel_loop3A_188, %parallel_loop3A_189], %parallel_loop3A_187 {strides = array<i32>} : memref<128x32xf32, #tpu.memory_space<vmem>>, vector<16xf32>,
        %parallel_loop3A_191 = arith.index_cast %parallel_loop3A_172 : i32 to index
        %parallel_loop3A_192 = arith.constant 16 : index
        %parallel_loop3A_193 = tpu.vector_load %arg18[%parallel_loop3A_191, %parallel_loop3A_192] {strides = array<i32>} : memref<128x32xf32, #tpu.memory_space<vmem>>, vector<16xf32>,
        %parallel_loop3A_194 = arith.index_cast %parallel_loop3A_172 : i32 to index
        %parallel_loop3A_195 = arith.constant 16 : index
        %parallel_loop3A_196 = tpu.vector_load %arg19[%parallel_loop3A_194, %parallel_loop3A_195] {strides = array<i32>} : memref<128x32xf32, #tpu.memory_space<vmem>>, vector<16xf32>,
        %parallel_loop3A_197 = vector.broadcast %parallel_loop3A_174 : f32 to vector<16xf32>
        %parallel_loop3A_198 = arith.mulf %parallel_loop3A_193, %parallel_loop3A_197 : vector<16xf32>
        %parallel_loop3A_199 = vector.broadcast %parallel_loop3A_176 : f32 to vector<16xf32>
        %parallel_loop3A_200 = arith.mulf %parallel_loop3A_196, %parallel_loop3A_199 : vector<16xf32>
        %parallel_loop3A_201 = arith.addf %parallel_loop3A_198, %parallel_loop3A_200 : vector<16xf32>
        %parallel_loop3A_202 = arith.index_cast %parallel_loop3A_172 : i32 to index
        %parallel_loop3A_203 = arith.constant 16 : index
        %parallel_loop3A_204 = tpu.vector_load %arg22[%parallel_loop3A_202, %parallel_loop3A_203] {strides = array<i32>} : memref<128x32xf32, #tpu.memory_space<vmem>>, vector<16xf32>,
        tpu.vector_store %arg22[%parallel_loop3A_202, %parallel_loop3A_203], %parallel_loop3A_201 {strides = array<i32>} : memref<128x32xf32, #tpu.memory_space<vmem>>, vector<16xf32>,
        %parallel_loop3A_205 = arith.constant 2 : i32
        %parallel_loop3A_206 = arith.addi %parallel_loop3A_132, %parallel_loop3A_205 : i32
        %parallel_loop3A_207 = vector.extract_strided_slice %parallel_loop3A_134 {offsets = [2], sizes = [1], strides = [1]} : vector<16xf32> to vector<1xf32>
        %parallel_loop3A_208 = vector.extract %parallel_loop3A_207[0] : f32 from vector<1xf32>
        %parallel_loop3A_209 = vector.extract_strided_slice %parallel_loop3A_136 {offsets = [2], sizes = [1], strides = [1]} : vector<16xf32> to vector<1xf32>
        %parallel_loop3A_210 = vector.extract %parallel_loop3A_209[0] : f32 from vector<1xf32>
        %parallel_loop3A_211 = arith.index_cast %parallel_loop3A_206 : i32 to index
        %parallel_loop3A_212 = arith.constant 0 : index
        %parallel_loop3A_213 = tpu.vector_load %arg18[%parallel_loop3A_211, %parallel_loop3A_212] {strides = array<i32>} : memref<128x32xf32, #tpu.memory_space<vmem>>, vector<16xf32>,
        %parallel_loop3A_214 = arith.index_cast %parallel_loop3A_206 : i32 to index
        %parallel_loop3A_215 = arith.constant 0 : index
        %parallel_loop3A_216 = tpu.vector_load %arg19[%parallel_loop3A_214, %parallel_loop3A_215] {strides = array<i32>} : memref<128x32xf32, #tpu.memory_space<vmem>>, vector<16xf32>,
        %parallel_loop3A_217 = vector.broadcast %parallel_loop3A_208 : f32 to vector<16xf32>
        %parallel_loop3A_218 = arith.mulf %parallel_loop3A_213, %parallel_loop3A_217 : vector<16xf32>
        %parallel_loop3A_219 = vector.broadcast %parallel_loop3A_210 : f32 to vector<16xf32>
        %parallel_loop3A_220 = arith.mulf %parallel_loop3A_216, %parallel_loop3A_219 : vector<16xf32>
        %parallel_loop3A_221 = arith.addf %parallel_loop3A_218, %parallel_loop3A_220 : vector<16xf32>
        %parallel_loop3A_222 = arith.index_cast %parallel_loop3A_206 : i32 to index
        %parallel_loop3A_223 = arith.constant 0 : index
        %parallel_loop3A_224 = tpu.vector_load %arg22[%parallel_loop3A_222, %parallel_loop3A_223] {strides = array<i32>} : memref<128x32xf32, #tpu.memory_space<vmem>>, vector<16xf32>,
        tpu.vector_store %arg22[%parallel_loop3A_222, %parallel_loop3A_223], %parallel_loop3A_221 {strides = array<i32>} : memref<128x32xf32, #tpu.memory_space<vmem>>, vector<16xf32>,
        %parallel_loop3A_225 = arith.index_cast %parallel_loop3A_206 : i32 to index
        %parallel_loop3A_226 = arith.constant 16 : index
        %parallel_loop3A_227 = tpu.vector_load %arg18[%parallel_loop3A_225, %parallel_loop3A_226] {strides = array<i32>} : memref<128x32xf32, #tpu.memory_space<vmem>>, vector<16xf32>,
        %parallel_loop3A_228 = arith.index_cast %parallel_loop3A_206 : i32 to index
        %parallel_loop3A_229 = arith.constant 16 : index
        %parallel_loop3A_230 = tpu.vector_load %arg19[%parallel_loop3A_228, %parallel_loop3A_229] {strides = array<i32>} : memref<128x32xf32, #tpu.memory_space<vmem>>, vector<16xf32>,
        %parallel_loop3A_231 = vector.broadcast %parallel_loop3A_208 : f32 to vector<16xf32>
        %parallel_loop3A_232 = arith.mulf %parallel_loop3A_227, %parallel_loop3A_231 : vector<16xf32>
        %parallel_loop3A_233 = vector.broadcast %parallel_loop3A_210 : f32 to vector<16xf32>
        %parallel_loop3A_234 = arith.mulf %parallel_loop3A_230, %parallel_loop3A_233 : vector<16xf32>
        %parallel_loop3A_235 = arith.addf %parallel_loop3A_232, %parallel_loop3A_234 : vector<16xf32>
        %parallel_loop3A_236 = arith.index_cast %parallel_loop3A_206 : i32 to index
        %parallel_loop3A_237 = arith.constant 16 : index
        %parallel_loop3A_238 = tpu.vector_load %arg22[%parallel_loop3A_236, %parallel_loop3A_237] {strides = array<i32>} : memref<128x32xf32, #tpu.memory_space<vmem>>, vector<16xf32>,
        tpu.vector_store %arg22[%parallel_loop3A_236, %parallel_loop3A_237], %parallel_loop3A_235 {strides = array<i32>} : memref<128x32xf32, #tpu.memory_space<vmem>>, vector<16xf32>,
        %parallel_loop3A_239 = arith.constant 3 : i32
        %parallel_loop3A_240 = arith.addi %parallel_loop3A_132, %parallel_loop3A_239 : i32
        %parallel_loop3A_241 = vector.extract_strided_slice %parallel_loop3A_134 {offsets = [3], sizes = [1], strides = [1]} : vector<16xf32> to vector<1xf32>
        %parallel_loop3A_242 = vector.extract %parallel_loop3A_241[0] : f32 from vector<1xf32>
        %parallel_loop3A_243 = vector.extract_strided_slice %parallel_loop3A_136 {offsets = [3], sizes = [1], strides = [1]} : vector<16xf32> to vector<1xf32>
        %parallel_loop3A_244 = vector.extract %parallel_loop3A_243[0] : f32 from vector<1xf32>
        %parallel_loop3A_245 = arith.index_cast %parallel_loop3A_240 : i32 to index
        %parallel_loop3A_246 = arith.constant 0 : index
        %parallel_loop3A_247 = tpu.vector_load %arg18[%parallel_loop3A_245, %parallel_loop3A_246] {strides = array<i32>} : memref<128x32xf32, #tpu.memory_space<vmem>>, vector<16xf32>,
        %parallel_loop3A_248 = arith.index_cast %parallel_loop3A_240 : i32 to index
        %parallel_loop3A_249 = arith.constant 0 : index
        %parallel_loop3A_250 = tpu.vector_load %arg19[%parallel_loop3A_248, %parallel_loop3A_249] {strides = array<i32>} : memref<128x32xf32, #tpu.memory_space<vmem>>, vector<16xf32>,
        %parallel_loop3A_251 = vector.broadcast %parallel_loop3A_242 : f32 to vector<16xf32>
        %parallel_loop3A_252 = arith.mulf %parallel_loop3A_247, %parallel_loop3A_251 : vector<16xf32>
        %parallel_loop3A_253 = vector.broadcast %parallel_loop3A_244 : f32 to vector<16xf32>
        %parallel_loop3A_254 = arith.mulf %parallel_loop3A_250, %parallel_loop3A_253 : vector<16xf32>
        %parallel_loop3A_255 = arith.addf %parallel_loop3A_252, %parallel_loop3A_254 : vector<16xf32>
        %parallel_loop3A_256 = arith.index_cast %parallel_loop3A_240 : i32 to index
        %parallel_loop3A_257 = arith.constant 0 : index
        %parallel_loop3A_258 = tpu.vector_load %arg22[%parallel_loop3A_256, %parallel_loop3A_257] {strides = array<i32>} : memref<128x32xf32, #tpu.memory_space<vmem>>, vector<16xf32>,
        tpu.vector_store %arg22[%parallel_loop3A_256, %parallel_loop3A_257], %parallel_loop3A_255 {strides = array<i32>} : memref<128x32xf32, #tpu.memory_space<vmem>>, vector<16xf32>,
        %parallel_loop3A_259 = arith.index_cast %parallel_loop3A_240 : i32 to index
        %parallel_loop3A_260 = arith.constant 16 : index
        %parallel_loop3A_261 = tpu.vector_load %arg18[%parallel_loop3A_259, %parallel_loop3A_260] {strides = array<i32>} : memref<128x32xf32, #tpu.memory_space<vmem>>, vector<16xf32>,
        %parallel_loop3A_262 = arith.index_cast %parallel_loop3A_240 : i32 to index
        %parallel_loop3A_263 = arith.constant 16 : index
        %parallel_loop3A_264 = tpu.vector_load %arg19[%parallel_loop3A_262, %parallel_loop3A_263] {strides = array<i32>} : memref<128x32xf32, #tpu.memory_space<vmem>>, vector<16xf32>,
        %parallel_loop3A_265 = vector.broadcast %parallel_loop3A_242 : f32 to vector<16xf32>
        %parallel_loop3A_266 = arith.mulf %parallel_loop3A_261, %parallel_loop3A_265 : vector<16xf32>
        %parallel_loop3A_267 = vector.broadcast %parallel_loop3A_244 : f32 to vector<16xf32>
        %parallel_loop3A_268 = arith.mulf %parallel_loop3A_264, %parallel_loop3A_267 : vector<16xf32>
        %parallel_loop3A_269 = arith.addf %parallel_loop3A_266, %parallel_loop3A_268 : vector<16xf32>
        %parallel_loop3A_270 = arith.index_cast %parallel_loop3A_240 : i32 to index
        %parallel_loop3A_271 = arith.constant 16 : index
        %parallel_loop3A_272 = tpu.vector_load %arg22[%parallel_loop3A_270, %parallel_loop3A_271] {strides = array<i32>} : memref<128x32xf32, #tpu.memory_space<vmem>>, vector<16xf32>,
        tpu.vector_store %arg22[%parallel_loop3A_270, %parallel_loop3A_271], %parallel_loop3A_269 {strides = array<i32>} : memref<128x32xf32, #tpu.memory_space<vmem>>, vector<16xf32>,
        %parallel_loop3A_273 = arith.constant 4 : i32
        %parallel_loop3A_274 = arith.addi %parallel_loop3A_132, %parallel_loop3A_273 : i32
        %parallel_loop3A_275 = vector.extract_strided_slice %parallel_loop3A_134 {offsets = [4], sizes = [1], strides = [1]} : vector<16xf32> to vector<1xf32>
        %parallel_loop3A_276 = vector.extract %parallel_loop3A_275[0] : f32 from vector<1xf32>
        %parallel_loop3A_277 = vector.extract_strided_slice %parallel_loop3A_136 {offsets = [4], sizes = [1], strides = [1]} : vector<16xf32> to vector<1xf32>
        %parallel_loop3A_278 = vector.extract %parallel_loop3A_277[0] : f32 from vector<1xf32>
        %parallel_loop3A_279 = arith.index_cast %parallel_loop3A_274 : i32 to index
        %parallel_loop3A_280 = arith.constant 0 : index
        %parallel_loop3A_281 = tpu.vector_load %arg18[%parallel_loop3A_279, %parallel_loop3A_280] {strides = array<i32>} : memref<128x32xf32, #tpu.memory_space<vmem>>, vector<16xf32>,
        %parallel_loop3A_282 = arith.index_cast %parallel_loop3A_274 : i32 to index
        %parallel_loop3A_283 = arith.constant 0 : index
        %parallel_loop3A_284 = tpu.vector_load %arg19[%parallel_loop3A_282, %parallel_loop3A_283] {strides = array<i32>} : memref<128x32xf32, #tpu.memory_space<vmem>>, vector<16xf32>,
        %parallel_loop3A_285 = vector.broadcast %parallel_loop3A_276 : f32 to vector<16xf32>
        %parallel_loop3A_286 = arith.mulf %parallel_loop3A_281, %parallel_loop3A_285 : vector<16xf32>
        %parallel_loop3A_287 = vector.broadcast %parallel_loop3A_278 : f32 to vector<16xf32>
        %parallel_loop3A_288 = arith.mulf %parallel_loop3A_284, %parallel_loop3A_287 : vector<16xf32>
        %parallel_loop3A_289 = arith.addf %parallel_loop3A_286, %parallel_loop3A_288 : vector<16xf32>
        %parallel_loop3A_290 = arith.index_cast %parallel_loop3A_274 : i32 to index
        %parallel_loop3A_291 = arith.constant 0 : index
        %parallel_loop3A_292 = tpu.vector_load %arg22[%parallel_loop3A_290, %parallel_loop3A_291] {strides = array<i32>} : memref<128x32xf32, #tpu.memory_space<vmem>>, vector<16xf32>,
        tpu.vector_store %arg22[%parallel_loop3A_290, %parallel_loop3A_291], %parallel_loop3A_289 {strides = array<i32>} : memref<128x32xf32, #tpu.memory_space<vmem>>, vector<16xf32>,
        %parallel_loop3A_293 = arith.index_cast %parallel_loop3A_274 : i32 to index
        %parallel_loop3A_294 = arith.constant 16 : index
        %parallel_loop3A_295 = tpu.vector_load %arg18[%parallel_loop3A_293, %parallel_loop3A_294] {strides = array<i32>} : memref<128x32xf32, #tpu.memory_space<vmem>>, vector<16xf32>,
        %parallel_loop3A_296 = arith.index_cast %parallel_loop3A_274 : i32 to index
        %parallel_loop3A_297 = arith.constant 16 : index
        %parallel_loop3A_298 = tpu.vector_load %arg19[%parallel_loop3A_296, %parallel_loop3A_297] {strides = array<i32>} : memref<128x32xf32, #tpu.memory_space<vmem>>, vector<16xf32>,
        %parallel_loop3A_299 = vector.broadcast %parallel_loop3A_276 : f32 to vector<16xf32>
        %parallel_loop3A_300 = arith.mulf %parallel_loop3A_295, %parallel_loop3A_299 : vector<16xf32>
        %parallel_loop3A_301 = vector.broadcast %parallel_loop3A_278 : f32 to vector<16xf32>
        %parallel_loop3A_302 = arith.mulf %parallel_loop3A_298, %parallel_loop3A_301 : vector<16xf32>
        %parallel_loop3A_303 = arith.addf %parallel_loop3A_300, %parallel_loop3A_302 : vector<16xf32>
        %parallel_loop3A_304 = arith.index_cast %parallel_loop3A_274 : i32 to index
        %parallel_loop3A_305 = arith.constant 16 : index
        %parallel_loop3A_306 = tpu.vector_load %arg22[%parallel_loop3A_304, %parallel_loop3A_305] {strides = array<i32>} : memref<128x32xf32, #tpu.memory_space<vmem>>, vector<16xf32>,
        tpu.vector_store %arg22[%parallel_loop3A_304, %parallel_loop3A_305], %parallel_loop3A_303 {strides = array<i32>} : memref<128x32xf32, #tpu.memory_space<vmem>>, vector<16xf32>,
        %parallel_loop3A_307 = arith.constant 5 : i32
        %parallel_loop3A_308 = arith.addi %parallel_loop3A_132, %parallel_loop3A_307 : i32
        %parallel_loop3A_309 = vector.extract_strided_slice %parallel_loop3A_134 {offsets = [5], sizes = [1], strides = [1]} : vector<16xf32> to vector<1xf32>
        %parallel_loop3A_310 = vector.extract %parallel_loop3A_309[0] : f32 from vector<1xf32>
        %parallel_loop3A_311 = vector.extract_strided_slice %parallel_loop3A_136 {offsets = [5], sizes = [1], strides = [1]} : vector<16xf32> to vector<1xf32>
        %parallel_loop3A_312 = vector.extract %parallel_loop3A_311[0] : f32 from vector<1xf32>
        %parallel_loop3A_313 = arith.index_cast %parallel_loop3A_308 : i32 to index
        %parallel_loop3A_314 = arith.constant 0 : index
        %parallel_loop3A_315 = tpu.vector_load %arg18[%parallel_loop3A_313, %parallel_loop3A_314] {strides = array<i32>} : memref<128x32xf32, #tpu.memory_space<vmem>>, vector<16xf32>,
        %parallel_loop3A_316 = arith.index_cast %parallel_loop3A_308 : i32 to index
        %parallel_loop3A_317 = arith.constant 0 : index
        %parallel_loop3A_318 = tpu.vector_load %arg19[%parallel_loop3A_316, %parallel_loop3A_317] {strides = array<i32>} : memref<128x32xf32, #tpu.memory_space<vmem>>, vector<16xf32>,
        %parallel_loop3A_319 = vector.broadcast %parallel_loop3A_310 : f32 to vector<16xf32>
        %parallel_loop3A_320 = arith.mulf %parallel_loop3A_315, %parallel_loop3A_319 : vector<16xf32>
        %parallel_loop3A_321 = vector.broadcast %parallel_loop3A_312 : f32 to vector<16xf32>
        %parallel_loop3A_322 = arith.mulf %parallel_loop3A_318, %parallel_loop3A_321 : vector<16xf32>
        %parallel_loop3A_323 = arith.addf %parallel_loop3A_320, %parallel_loop3A_322 : vector<16xf32>
        %parallel_loop3A_324 = arith.index_cast %parallel_loop3A_308 : i32 to index
        %parallel_loop3A_325 = arith.constant 0 : index
        %parallel_loop3A_326 = tpu.vector_load %arg22[%parallel_loop3A_324, %parallel_loop3A_325] {strides = array<i32>} : memref<128x32xf32, #tpu.memory_space<vmem>>, vector<16xf32>,
        tpu.vector_store %arg22[%parallel_loop3A_324, %parallel_loop3A_325], %parallel_loop3A_323 {strides = array<i32>} : memref<128x32xf32, #tpu.memory_space<vmem>>, vector<16xf32>,
        %parallel_loop3A_327 = arith.index_cast %parallel_loop3A_308 : i32 to index
        %parallel_loop3A_328 = arith.constant 16 : index
        %parallel_loop3A_329 = tpu.vector_load %arg18[%parallel_loop3A_327, %parallel_loop3A_328] {strides = array<i32>} : memref<128x32xf32, #tpu.memory_space<vmem>>, vector<16xf32>,
        %parallel_loop3A_330 = arith.index_cast %parallel_loop3A_308 : i32 to index
        %parallel_loop3A_331 = arith.constant 16 : index
        %parallel_loop3A_332 = tpu.vector_load %arg19[%parallel_loop3A_330, %parallel_loop3A_331] {strides = array<i32>} : memref<128x32xf32, #tpu.memory_space<vmem>>, vector<16xf32>,
        %parallel_loop3A_333 = vector.broadcast %parallel_loop3A_310 : f32 to vector<16xf32>
        %parallel_loop3A_334 = arith.mulf %parallel_loop3A_329, %parallel_loop3A_333 : vector<16xf32>
        %parallel_loop3A_335 = vector.broadcast %parallel_loop3A_312 : f32 to vector<16xf32>
        %parallel_loop3A_336 = arith.mulf %parallel_loop3A_332, %parallel_loop3A_335 : vector<16xf32>
        %parallel_loop3A_337 = arith.addf %parallel_loop3A_334, %parallel_loop3A_336 : vector<16xf32>
        %parallel_loop3A_338 = arith.index_cast %parallel_loop3A_308 : i32 to index
        %parallel_loop3A_339 = arith.constant 16 : index
        %parallel_loop3A_340 = tpu.vector_load %arg22[%parallel_loop3A_338, %parallel_loop3A_339] {strides = array<i32>} : memref<128x32xf32, #tpu.memory_space<vmem>>, vector<16xf32>,
        tpu.vector_store %arg22[%parallel_loop3A_338, %parallel_loop3A_339], %parallel_loop3A_337 {strides = array<i32>} : memref<128x32xf32, #tpu.memory_space<vmem>>, vector<16xf32>,
        %parallel_loop3A_341 = arith.constant 6 : i32
        %parallel_loop3A_342 = arith.addi %parallel_loop3A_132, %parallel_loop3A_341 : i32
        %parallel_loop3A_343 = vector.extract_strided_slice %parallel_loop3A_134 {offsets = [6], sizes = [1], strides = [1]} : vector<16xf32> to vector<1xf32>
        %parallel_loop3A_344 = vector.extract %parallel_loop3A_343[0] : f32 from vector<1xf32>
        %parallel_loop3A_345 = vector.extract_strided_slice %parallel_loop3A_136 {offsets = [6], sizes = [1], strides = [1]} : vector<16xf32> to vector<1xf32>
        %parallel_loop3A_346 = vector.extract %parallel_loop3A_345[0] : f32 from vector<1xf32>
        %parallel_loop3A_347 = arith.index_cast %parallel_loop3A_342 : i32 to index
        %parallel_loop3A_348 = arith.constant 0 : index
        %parallel_loop3A_349 = tpu.vector_load %arg18[%parallel_loop3A_347, %parallel_loop3A_348] {strides = array<i32>} : memref<128x32xf32, #tpu.memory_space<vmem>>, vector<16xf32>,
        %parallel_loop3A_350 = arith.index_cast %parallel_loop3A_342 : i32 to index
        %parallel_loop3A_351 = arith.constant 0 : index
        %parallel_loop3A_352 = tpu.vector_load %arg19[%parallel_loop3A_350, %parallel_loop3A_351] {strides = array<i32>} : memref<128x32xf32, #tpu.memory_space<vmem>>, vector<16xf32>,
        %parallel_loop3A_353 = vector.broadcast %parallel_loop3A_344 : f32 to vector<16xf32>
        %parallel_loop3A_354 = arith.mulf %parallel_loop3A_349, %parallel_loop3A_353 : vector<16xf32>
        %parallel_loop3A_355 = vector.broadcast %parallel_loop3A_346 : f32 to vector<16xf32>
        %parallel_loop3A_356 = arith.mulf %parallel_loop3A_352, %parallel_loop3A_355 : vector<16xf32>
        %parallel_loop3A_357 = arith.addf %parallel_loop3A_354, %parallel_loop3A_356 : vector<16xf32>
        %parallel_loop3A_358 = arith.index_cast %parallel_loop3A_342 : i32 to index
        %parallel_loop3A_359 = arith.constant 0 : index
        %parallel_loop3A_360 = tpu.vector_load %arg22[%parallel_loop3A_358, %parallel_loop3A_359] {strides = array<i32>} : memref<128x32xf32, #tpu.memory_space<vmem>>, vector<16xf32>,
        tpu.vector_store %arg22[%parallel_loop3A_358, %parallel_loop3A_359], %parallel_loop3A_357 {strides = array<i32>} : memref<128x32xf32, #tpu.memory_space<vmem>>, vector<16xf32>,
        %parallel_loop3A_361 = arith.index_cast %parallel_loop3A_342 : i32 to index
        %parallel_loop3A_362 = arith.constant 16 : index
        %parallel_loop3A_363 = tpu.vector_load %arg18[%parallel_loop3A_361, %parallel_loop3A_362] {strides = array<i32>} : memref<128x32xf32, #tpu.memory_space<vmem>>, vector<16xf32>,
        %parallel_loop3A_364 = arith.index_cast %parallel_loop3A_342 : i32 to index
        %parallel_loop3A_365 = arith.constant 16 : index
        %parallel_loop3A_366 = tpu.vector_load %arg19[%parallel_loop3A_364, %parallel_loop3A_365] {strides = array<i32>} : memref<128x32xf32, #tpu.memory_space<vmem>>, vector<16xf32>,
        %parallel_loop3A_367 = vector.broadcast %parallel_loop3A_344 : f32 to vector<16xf32>
        %parallel_loop3A_368 = arith.mulf %parallel_loop3A_363, %parallel_loop3A_367 : vector<16xf32>
        %parallel_loop3A_369 = vector.broadcast %parallel_loop3A_346 : f32 to vector<16xf32>
        %parallel_loop3A_370 = arith.mulf %parallel_loop3A_366, %parallel_loop3A_369 : vector<16xf32>
        %parallel_loop3A_371 = arith.addf %parallel_loop3A_368, %parallel_loop3A_370 : vector<16xf32>
        %parallel_loop3A_372 = arith.index_cast %parallel_loop3A_342 : i32 to index
        %parallel_loop3A_373 = arith.constant 16 : index
        %parallel_loop3A_374 = tpu.vector_load %arg22[%parallel_loop3A_372, %parallel_loop3A_373] {strides = array<i32>} : memref<128x32xf32, #tpu.memory_space<vmem>>, vector<16xf32>,
        tpu.vector_store %arg22[%parallel_loop3A_372, %parallel_loop3A_373], %parallel_loop3A_371 {strides = array<i32>} : memref<128x32xf32, #tpu.memory_space<vmem>>, vector<16xf32>,
        %parallel_loop3A_375 = arith.constant 7 : i32
        %parallel_loop3A_376 = arith.addi %parallel_loop3A_132, %parallel_loop3A_375 : i32
        %parallel_loop3A_377 = vector.extract_strided_slice %parallel_loop3A_134 {offsets = [7], sizes = [1], strides = [1]} : vector<16xf32> to vector<1xf32>
        %parallel_loop3A_378 = vector.extract %parallel_loop3A_377[0] : f32 from vector<1xf32>
        %parallel_loop3A_379 = vector.extract_strided_slice %parallel_loop3A_136 {offsets = [7], sizes = [1], strides = [1]} : vector<16xf32> to vector<1xf32>
        %parallel_loop3A_380 = vector.extract %parallel_loop3A_379[0] : f32 from vector<1xf32>
        %parallel_loop3A_381 = arith.index_cast %parallel_loop3A_376 : i32 to index
        %parallel_loop3A_382 = arith.constant 0 : index
        %parallel_loop3A_383 = tpu.vector_load %arg18[%parallel_loop3A_381, %parallel_loop3A_382] {strides = array<i32>} : memref<128x32xf32, #tpu.memory_space<vmem>>, vector<16xf32>,
        %parallel_loop3A_384 = arith.index_cast %parallel_loop3A_376 : i32 to index
        %parallel_loop3A_385 = arith.constant 0 : index
        %parallel_loop3A_386 = tpu.vector_load %arg19[%parallel_loop3A_384, %parallel_loop3A_385] {strides = array<i32>} : memref<128x32xf32, #tpu.memory_space<vmem>>, vector<16xf32>,
        %parallel_loop3A_387 = vector.broadcast %parallel_loop3A_378 : f32 to vector<16xf32>
        %parallel_loop3A_388 = arith.mulf %parallel_loop3A_383, %parallel_loop3A_387 : vector<16xf32>
        %parallel_loop3A_389 = vector.broadcast %parallel_loop3A_380 : f32 to vector<16xf32>
        %parallel_loop3A_390 = arith.mulf %parallel_loop3A_386, %parallel_loop3A_389 : vector<16xf32>
        %parallel_loop3A_391 = arith.addf %parallel_loop3A_388, %parallel_loop3A_390 : vector<16xf32>
        %parallel_loop3A_392 = arith.index_cast %parallel_loop3A_376 : i32 to index
        %parallel_loop3A_393 = arith.constant 0 : index
        %parallel_loop3A_394 = tpu.vector_load %arg22[%parallel_loop3A_392, %parallel_loop3A_393] {strides = array<i32>} : memref<128x32xf32, #tpu.memory_space<vmem>>, vector<16xf32>,
        tpu.vector_store %arg22[%parallel_loop3A_392, %parallel_loop3A_393], %parallel_loop3A_391 {strides = array<i32>} : memref<128x32xf32, #tpu.memory_space<vmem>>, vector<16xf32>,
        %parallel_loop3A_395 = arith.index_cast %parallel_loop3A_376 : i32 to index
        %parallel_loop3A_396 = arith.constant 16 : index
        %parallel_loop3A_397 = tpu.vector_load %arg18[%parallel_loop3A_395, %parallel_loop3A_396] {strides = array<i32>} : memref<128x32xf32, #tpu.memory_space<vmem>>, vector<16xf32>,
        %parallel_loop3A_398 = arith.index_cast %parallel_loop3A_376 : i32 to index
        %parallel_loop3A_399 = arith.constant 16 : index
        %parallel_loop3A_400 = tpu.vector_load %arg19[%parallel_loop3A_398, %parallel_loop3A_399] {strides = array<i32>} : memref<128x32xf32, #tpu.memory_space<vmem>>, vector<16xf32>,
        %parallel_loop3A_401 = vector.broadcast %parallel_loop3A_378 : f32 to vector<16xf32>
        %parallel_loop3A_402 = arith.mulf %parallel_loop3A_397, %parallel_loop3A_401 : vector<16xf32>
        %parallel_loop3A_403 = vector.broadcast %parallel_loop3A_380 : f32 to vector<16xf32>
        %parallel_loop3A_404 = arith.mulf %parallel_loop3A_400, %parallel_loop3A_403 : vector<16xf32>
        %parallel_loop3A_405 = arith.addf %parallel_loop3A_402, %parallel_loop3A_404 : vector<16xf32>
        %parallel_loop3A_406 = arith.index_cast %parallel_loop3A_376 : i32 to index
        %parallel_loop3A_407 = arith.constant 16 : index
        %parallel_loop3A_408 = tpu.vector_load %arg22[%parallel_loop3A_406, %parallel_loop3A_407] {strides = array<i32>} : memref<128x32xf32, #tpu.memory_space<vmem>>, vector<16xf32>,
        tpu.vector_store %arg22[%parallel_loop3A_406, %parallel_loop3A_407], %parallel_loop3A_405 {strides = array<i32>} : memref<128x32xf32, #tpu.memory_space<vmem>>, vector<16xf32>,
        %parallel_loop3A_409 = arith.constant 8 : i32
        %parallel_loop3A_410 = arith.addi %parallel_loop3A_132, %parallel_loop3A_409 : i32
        %parallel_loop3A_411 = vector.extract_strided_slice %parallel_loop3A_134 {offsets = [8], sizes = [1], strides = [1]} : vector<16xf32> to vector<1xf32>
        %parallel_loop3A_412 = vector.extract %parallel_loop3A_411[0] : f32 from vector<1xf32>
        %parallel_loop3A_413 = vector.extract_strided_slice %parallel_loop3A_136 {offsets = [8], sizes = [1], strides = [1]} : vector<16xf32> to vector<1xf32>
        %parallel_loop3A_414 = vector.extract %parallel_loop3A_413[0] : f32 from vector<1xf32>
        %parallel_loop3A_415 = arith.index_cast %parallel_loop3A_410 : i32 to index
        %parallel_loop3A_416 = arith.constant 0 : index
        %parallel_loop3A_417 = tpu.vector_load %arg18[%parallel_loop3A_415, %parallel_loop3A_416] {strides = array<i32>} : memref<128x32xf32, #tpu.memory_space<vmem>>, vector<16xf32>,
        %parallel_loop3A_418 = arith.index_cast %parallel_loop3A_410 : i32 to index
        %parallel_loop3A_419 = arith.constant 0 : index
        %parallel_loop3A_420 = tpu.vector_load %arg19[%parallel_loop3A_418, %parallel_loop3A_419] {strides = array<i32>} : memref<128x32xf32, #tpu.memory_space<vmem>>, vector<16xf32>,
        %parallel_loop3A_421 = vector.broadcast %parallel_loop3A_412 : f32 to vector<16xf32>
        %parallel_loop3A_422 = arith.mulf %parallel_loop3A_417, %parallel_loop3A_421 : vector<16xf32>
        %parallel_loop3A_423 = vector.broadcast %parallel_loop3A_414 : f32 to vector<16xf32>
        %parallel_loop3A_424 = arith.mulf %parallel_loop3A_420, %parallel_loop3A_423 : vector<16xf32>
        %parallel_loop3A_425 = arith.addf %parallel_loop3A_422, %parallel_loop3A_424 : vector<16xf32>
        %parallel_loop3A_426 = arith.index_cast %parallel_loop3A_410 : i32 to index
        %parallel_loop3A_427 = arith.constant 0 : index
        %parallel_loop3A_428 = tpu.vector_load %arg22[%parallel_loop3A_426, %parallel_loop3A_427] {strides = array<i32>} : memref<128x32xf32, #tpu.memory_space<vmem>>, vector<16xf32>,
        tpu.vector_store %arg22[%parallel_loop3A_426, %parallel_loop3A_427], %parallel_loop3A_425 {strides = array<i32>} : memref<128x32xf32, #tpu.memory_space<vmem>>, vector<16xf32>,
        %parallel_loop3A_429 = arith.index_cast %parallel_loop3A_410 : i32 to index
        %parallel_loop3A_430 = arith.constant 16 : index
        %parallel_loop3A_431 = tpu.vector_load %arg18[%parallel_loop3A_429, %parallel_loop3A_430] {strides = array<i32>} : memref<128x32xf32, #tpu.memory_space<vmem>>, vector<16xf32>,
        %parallel_loop3A_432 = arith.index_cast %parallel_loop3A_410 : i32 to index
        %parallel_loop3A_433 = arith.constant 16 : index
        %parallel_loop3A_434 = tpu.vector_load %arg19[%parallel_loop3A_432, %parallel_loop3A_433] {strides = array<i32>} : memref<128x32xf32, #tpu.memory_space<vmem>>, vector<16xf32>,
        %parallel_loop3A_435 = vector.broadcast %parallel_loop3A_412 : f32 to vector<16xf32>
        %parallel_loop3A_436 = arith.mulf %parallel_loop3A_431, %parallel_loop3A_435 : vector<16xf32>
        %parallel_loop3A_437 = vector.broadcast %parallel_loop3A_414 : f32 to vector<16xf32>
        %parallel_loop3A_438 = arith.mulf %parallel_loop3A_434, %parallel_loop3A_437 : vector<16xf32>
        %parallel_loop3A_439 = arith.addf %parallel_loop3A_436, %parallel_loop3A_438 : vector<16xf32>
        %parallel_loop3A_440 = arith.index_cast %parallel_loop3A_410 : i32 to index
        %parallel_loop3A_441 = arith.constant 16 : index
        %parallel_loop3A_442 = tpu.vector_load %arg22[%parallel_loop3A_440, %parallel_loop3A_441] {strides = array<i32>} : memref<128x32xf32, #tpu.memory_space<vmem>>, vector<16xf32>,
        tpu.vector_store %arg22[%parallel_loop3A_440, %parallel_loop3A_441], %parallel_loop3A_439 {strides = array<i32>} : memref<128x32xf32, #tpu.memory_space<vmem>>, vector<16xf32>,
        %parallel_loop3A_443 = arith.constant 9 : i32
        %parallel_loop3A_444 = arith.addi %parallel_loop3A_132, %parallel_loop3A_443 : i32
        %parallel_loop3A_445 = vector.extract_strided_slice %parallel_loop3A_134 {offsets = [9], sizes = [1], strides = [1]} : vector<16xf32> to vector<1xf32>
        %parallel_loop3A_446 = vector.extract %parallel_loop3A_445[0] : f32 from vector<1xf32>
        %parallel_loop3A_447 = vector.extract_strided_slice %parallel_loop3A_136 {offsets = [9], sizes = [1], strides = [1]} : vector<16xf32> to vector<1xf32>
        %parallel_loop3A_448 = vector.extract %parallel_loop3A_447[0] : f32 from vector<1xf32>
        %parallel_loop3A_449 = arith.index_cast %parallel_loop3A_444 : i32 to index
        %parallel_loop3A_450 = arith.constant 0 : index
        %parallel_loop3A_451 = tpu.vector_load %arg18[%parallel_loop3A_449, %parallel_loop3A_450] {strides = array<i32>} : memref<128x32xf32, #tpu.memory_space<vmem>>, vector<16xf32>,
        %parallel_loop3A_452 = arith.index_cast %parallel_loop3A_444 : i32 to index
        %parallel_loop3A_453 = arith.constant 0 : index
        %parallel_loop3A_454 = tpu.vector_load %arg19[%parallel_loop3A_452, %parallel_loop3A_453] {strides = array<i32>} : memref<128x32xf32, #tpu.memory_space<vmem>>, vector<16xf32>,
        %parallel_loop3A_455 = vector.broadcast %parallel_loop3A_446 : f32 to vector<16xf32>
        %parallel_loop3A_456 = arith.mulf %parallel_loop3A_451, %parallel_loop3A_455 : vector<16xf32>
        %parallel_loop3A_457 = vector.broadcast %parallel_loop3A_448 : f32 to vector<16xf32>
        %parallel_loop3A_458 = arith.mulf %parallel_loop3A_454, %parallel_loop3A_457 : vector<16xf32>
        %parallel_loop3A_459 = arith.addf %parallel_loop3A_456, %parallel_loop3A_458 : vector<16xf32>
        %parallel_loop3A_460 = arith.index_cast %parallel_loop3A_444 : i32 to index
        %parallel_loop3A_461 = arith.constant 0 : index
        %parallel_loop3A_462 = tpu.vector_load %arg22[%parallel_loop3A_460, %parallel_loop3A_461] {strides = array<i32>} : memref<128x32xf32, #tpu.memory_space<vmem>>, vector<16xf32>,
        tpu.vector_store %arg22[%parallel_loop3A_460, %parallel_loop3A_461], %parallel_loop3A_459 {strides = array<i32>} : memref<128x32xf32, #tpu.memory_space<vmem>>, vector<16xf32>,
        %parallel_loop3A_463 = arith.index_cast %parallel_loop3A_444 : i32 to index
        %parallel_loop3A_464 = arith.constant 16 : index
        %parallel_loop3A_465 = tpu.vector_load %arg18[%parallel_loop3A_463, %parallel_loop3A_464] {strides = array<i32>} : memref<128x32xf32, #tpu.memory_space<vmem>>, vector<16xf32>,
        %parallel_loop3A_466 = arith.index_cast %parallel_loop3A_444 : i32 to index
        %parallel_loop3A_467 = arith.constant 16 : index
        %parallel_loop3A_468 = tpu.vector_load %arg19[%parallel_loop3A_466, %parallel_loop3A_467] {strides = array<i32>} : memref<128x32xf32, #tpu.memory_space<vmem>>, vector<16xf32>,
        %parallel_loop3A_469 = vector.broadcast %parallel_loop3A_446 : f32 to vector<16xf32>
        %parallel_loop3A_470 = arith.mulf %parallel_loop3A_465, %parallel_loop3A_469 : vector<16xf32>
        %parallel_loop3A_471 = vector.broadcast %parallel_loop3A_448 : f32 to vector<16xf32>
        %parallel_loop3A_472 = arith.mulf %parallel_loop3A_468, %parallel_loop3A_471 : vector<16xf32>
        %parallel_loop3A_473 = arith.addf %parallel_loop3A_470, %parallel_loop3A_472 : vector<16xf32>
        %parallel_loop3A_474 = arith.index_cast %parallel_loop3A_444 : i32 to index
        %parallel_loop3A_475 = arith.constant 16 : index
        %parallel_loop3A_476 = tpu.vector_load %arg22[%parallel_loop3A_474, %parallel_loop3A_475] {strides = array<i32>} : memref<128x32xf32, #tpu.memory_space<vmem>>, vector<16xf32>,
        tpu.vector_store %arg22[%parallel_loop3A_474, %parallel_loop3A_475], %parallel_loop3A_473 {strides = array<i32>} : memref<128x32xf32, #tpu.memory_space<vmem>>, vector<16xf32>,
        %parallel_loop3A_477 = arith.constant 10 : i32
        %parallel_loop3A_478 = arith.addi %parallel_loop3A_132, %parallel_loop3A_477 : i32
        %parallel_loop3A_479 = vector.extract_strided_slice %parallel_loop3A_134 {offsets = [10], sizes = [1], strides = [1]} : vector<16xf32> to vector<1xf32>
        %parallel_loop3A_480 = vector.extract %parallel_loop3A_479[0] : f32 from vector<1xf32>
        %parallel_loop3A_481 = vector.extract_strided_slice %parallel_loop3A_136 {offsets = [10], sizes = [1], strides = [1]} : vector<16xf32> to vector<1xf32>
        %parallel_loop3A_482 = vector.extract %parallel_loop3A_481[0] : f32 from vector<1xf32>
        %parallel_loop3A_483 = arith.index_cast %parallel_loop3A_478 : i32 to index
        %parallel_loop3A_484 = arith.constant 0 : index
        %parallel_loop3A_485 = tpu.vector_load %arg18[%parallel_loop3A_483, %parallel_loop3A_484] {strides = array<i32>} : memref<128x32xf32, #tpu.memory_space<vmem>>, vector<16xf32>,
        %parallel_loop3A_486 = arith.index_cast %parallel_loop3A_478 : i32 to index
        %parallel_loop3A_487 = arith.constant 0 : index
        %parallel_loop3A_488 = tpu.vector_load %arg19[%parallel_loop3A_486, %parallel_loop3A_487] {strides = array<i32>} : memref<128x32xf32, #tpu.memory_space<vmem>>, vector<16xf32>,
        %parallel_loop3A_489 = vector.broadcast %parallel_loop3A_480 : f32 to vector<16xf32>
        %parallel_loop3A_490 = arith.mulf %parallel_loop3A_485, %parallel_loop3A_489 : vector<16xf32>
        %parallel_loop3A_491 = vector.broadcast %parallel_loop3A_482 : f32 to vector<16xf32>
        %parallel_loop3A_492 = arith.mulf %parallel_loop3A_488, %parallel_loop3A_491 : vector<16xf32>
        %parallel_loop3A_493 = arith.addf %parallel_loop3A_490, %parallel_loop3A_492 : vector<16xf32>
        %parallel_loop3A_494 = arith.index_cast %parallel_loop3A_478 : i32 to index
        %parallel_loop3A_495 = arith.constant 0 : index
        %parallel_loop3A_496 = tpu.vector_load %arg22[%parallel_loop3A_494, %parallel_loop3A_495] {strides = array<i32>} : memref<128x32xf32, #tpu.memory_space<vmem>>, vector<16xf32>,
        tpu.vector_store %arg22[%parallel_loop3A_494, %parallel_loop3A_495], %parallel_loop3A_493 {strides = array<i32>} : memref<128x32xf32, #tpu.memory_space<vmem>>, vector<16xf32>,
        %parallel_loop3A_497 = arith.index_cast %parallel_loop3A_478 : i32 to index
        %parallel_loop3A_498 = arith.constant 16 : index
        %parallel_loop3A_499 = tpu.vector_load %arg18[%parallel_loop3A_497, %parallel_loop3A_498] {strides = array<i32>} : memref<128x32xf32, #tpu.memory_space<vmem>>, vector<16xf32>,
        %parallel_loop3A_500 = arith.index_cast %parallel_loop3A_478 : i32 to index
        %parallel_loop3A_501 = arith.constant 16 : index
        %parallel_loop3A_502 = tpu.vector_load %arg19[%parallel_loop3A_500, %parallel_loop3A_501] {strides = array<i32>} : memref<128x32xf32, #tpu.memory_space<vmem>>, vector<16xf32>,
        %parallel_loop3A_503 = vector.broadcast %parallel_loop3A_480 : f32 to vector<16xf32>
        %parallel_loop3A_504 = arith.mulf %parallel_loop3A_499, %parallel_loop3A_503 : vector<16xf32>
        %parallel_loop3A_505 = vector.broadcast %parallel_loop3A_482 : f32 to vector<16xf32>
        %parallel_loop3A_506 = arith.mulf %parallel_loop3A_502, %parallel_loop3A_505 : vector<16xf32>
        %parallel_loop3A_507 = arith.addf %parallel_loop3A_504, %parallel_loop3A_506 : vector<16xf32>
        %parallel_loop3A_508 = arith.index_cast %parallel_loop3A_478 : i32 to index
        %parallel_loop3A_509 = arith.constant 16 : index
        %parallel_loop3A_510 = tpu.vector_load %arg22[%parallel_loop3A_508, %parallel_loop3A_509] {strides = array<i32>} : memref<128x32xf32, #tpu.memory_space<vmem>>, vector<16xf32>,
        tpu.vector_store %arg22[%parallel_loop3A_508, %parallel_loop3A_509], %parallel_loop3A_507 {strides = array<i32>} : memref<128x32xf32, #tpu.memory_space<vmem>>, vector<16xf32>,
        %parallel_loop3A_511 = arith.constant 11 : i32
        %parallel_loop3A_512 = arith.addi %parallel_loop3A_132, %parallel_loop3A_511 : i32
        %parallel_loop3A_513 = vector.extract_strided_slice %parallel_loop3A_134 {offsets = [11], sizes = [1], strides = [1]} : vector<16xf32> to vector<1xf32>
        %parallel_loop3A_514 = vector.extract %parallel_loop3A_513[0] : f32 from vector<1xf32>
        %parallel_loop3A_515 = vector.extract_strided_slice %parallel_loop3A_136 {offsets = [11], sizes = [1], strides = [1]} : vector<16xf32> to vector<1xf32>
        %parallel_loop3A_516 = vector.extract %parallel_loop3A_515[0] : f32 from vector<1xf32>
        %parallel_loop3A_517 = arith.index_cast %parallel_loop3A_512 : i32 to index
        %parallel_loop3A_518 = arith.constant 0 : index
        %parallel_loop3A_519 = tpu.vector_load %arg18[%parallel_loop3A_517, %parallel_loop3A_518] {strides = array<i32>} : memref<128x32xf32, #tpu.memory_space<vmem>>, vector<16xf32>,
        %parallel_loop3A_520 = arith.index_cast %parallel_loop3A_512 : i32 to index
        %parallel_loop3A_521 = arith.constant 0 : index
        %parallel_loop3A_522 = tpu.vector_load %arg19[%parallel_loop3A_520, %parallel_loop3A_521] {strides = array<i32>} : memref<128x32xf32, #tpu.memory_space<vmem>>, vector<16xf32>,
        %parallel_loop3A_523 = vector.broadcast %parallel_loop3A_514 : f32 to vector<16xf32>
        %parallel_loop3A_524 = arith.mulf %parallel_loop3A_519, %parallel_loop3A_523 : vector<16xf32>
        %parallel_loop3A_525 = vector.broadcast %parallel_loop3A_516 : f32 to vector<16xf32>
        %parallel_loop3A_526 = arith.mulf %parallel_loop3A_522, %parallel_loop3A_525 : vector<16xf32>
        %parallel_loop3A_527 = arith.addf %parallel_loop3A_524, %parallel_loop3A_526 : vector<16xf32>
        %parallel_loop3A_528 = arith.index_cast %parallel_loop3A_512 : i32 to index
        %parallel_loop3A_529 = arith.constant 0 : index
        %parallel_loop3A_530 = tpu.vector_load %arg22[%parallel_loop3A_528, %parallel_loop3A_529] {strides = array<i32>} : memref<128x32xf32, #tpu.memory_space<vmem>>, vector<16xf32>,
        tpu.vector_store %arg22[%parallel_loop3A_528, %parallel_loop3A_529], %parallel_loop3A_527 {strides = array<i32>} : memref<128x32xf32, #tpu.memory_space<vmem>>, vector<16xf32>,
        %parallel_loop3A_531 = arith.index_cast %parallel_loop3A_512 : i32 to index
        %parallel_loop3A_532 = arith.constant 16 : index
        %parallel_loop3A_533 = tpu.vector_load %arg18[%parallel_loop3A_531, %parallel_loop3A_532] {strides = array<i32>} : memref<128x32xf32, #tpu.memory_space<vmem>>, vector<16xf32>,
        %parallel_loop3A_534 = arith.index_cast %parallel_loop3A_512 : i32 to index
        %parallel_loop3A_535 = arith.constant 16 : index
        %parallel_loop3A_536 = tpu.vector_load %arg19[%parallel_loop3A_534, %parallel_loop3A_535] {strides = array<i32>} : memref<128x32xf32, #tpu.memory_space<vmem>>, vector<16xf32>,
        %parallel_loop3A_537 = vector.broadcast %parallel_loop3A_514 : f32 to vector<16xf32>
        %parallel_loop3A_538 = arith.mulf %parallel_loop3A_533, %parallel_loop3A_537 : vector<16xf32>
        %parallel_loop3A_539 = vector.broadcast %parallel_loop3A_516 : f32 to vector<16xf32>
        %parallel_loop3A_540 = arith.mulf %parallel_loop3A_536, %parallel_loop3A_539 : vector<16xf32>
        %parallel_loop3A_541 = arith.addf %parallel_loop3A_538, %parallel_loop3A_540 : vector<16xf32>
        %parallel_loop3A_542 = arith.index_cast %parallel_loop3A_512 : i32 to index
        %parallel_loop3A_543 = arith.constant 16 : index
        %parallel_loop3A_544 = tpu.vector_load %arg22[%parallel_loop3A_542, %parallel_loop3A_543] {strides = array<i32>} : memref<128x32xf32, #tpu.memory_space<vmem>>, vector<16xf32>,
        tpu.vector_store %arg22[%parallel_loop3A_542, %parallel_loop3A_543], %parallel_loop3A_541 {strides = array<i32>} : memref<128x32xf32, #tpu.memory_space<vmem>>, vector<16xf32>,
        %parallel_loop3A_545 = arith.constant 12 : i32
        %parallel_loop3A_546 = arith.addi %parallel_loop3A_132, %parallel_loop3A_545 : i32
        %parallel_loop3A_547 = vector.extract_strided_slice %parallel_loop3A_134 {offsets = [12], sizes = [1], strides = [1]} : vector<16xf32> to vector<1xf32>
        %parallel_loop3A_548 = vector.extract %parallel_loop3A_547[0] : f32 from vector<1xf32>
        %parallel_loop3A_549 = vector.extract_strided_slice %parallel_loop3A_136 {offsets = [12], sizes = [1], strides = [1]} : vector<16xf32> to vector<1xf32>
        %parallel_loop3A_550 = vector.extract %parallel_loop3A_549[0] : f32 from vector<1xf32>
        %parallel_loop3A_551 = arith.index_cast %parallel_loop3A_546 : i32 to index
        %parallel_loop3A_552 = arith.constant 0 : index
        %parallel_loop3A_553 = tpu.vector_load %arg18[%parallel_loop3A_551, %parallel_loop3A_552] {strides = array<i32>} : memref<128x32xf32, #tpu.memory_space<vmem>>, vector<16xf32>,
        %parallel_loop3A_554 = arith.index_cast %parallel_loop3A_546 : i32 to index
        %parallel_loop3A_555 = arith.constant 0 : index
        %parallel_loop3A_556 = tpu.vector_load %arg19[%parallel_loop3A_554, %parallel_loop3A_555] {strides = array<i32>} : memref<128x32xf32, #tpu.memory_space<vmem>>, vector<16xf32>,
        %parallel_loop3A_557 = vector.broadcast %parallel_loop3A_548 : f32 to vector<16xf32>
        %parallel_loop3A_558 = arith.mulf %parallel_loop3A_553, %parallel_loop3A_557 : vector<16xf32>
        %parallel_loop3A_559 = vector.broadcast %parallel_loop3A_550 : f32 to vector<16xf32>
        %parallel_loop3A_560 = arith.mulf %parallel_loop3A_556, %parallel_loop3A_559 : vector<16xf32>
        %parallel_loop3A_561 = arith.addf %parallel_loop3A_558, %parallel_loop3A_560 : vector<16xf32>
        %parallel_loop3A_562 = arith.index_cast %parallel_loop3A_546 : i32 to index
        %parallel_loop3A_563 = arith.constant 0 : index
        %parallel_loop3A_564 = tpu.vector_load %arg22[%parallel_loop3A_562, %parallel_loop3A_563] {strides = array<i32>} : memref<128x32xf32, #tpu.memory_space<vmem>>, vector<16xf32>,
        tpu.vector_store %arg22[%parallel_loop3A_562, %parallel_loop3A_563], %parallel_loop3A_561 {strides = array<i32>} : memref<128x32xf32, #tpu.memory_space<vmem>>, vector<16xf32>,
        %parallel_loop3A_565 = arith.index_cast %parallel_loop3A_546 : i32 to index
        %parallel_loop3A_566 = arith.constant 16 : index
        %parallel_loop3A_567 = tpu.vector_load %arg18[%parallel_loop3A_565, %parallel_loop3A_566] {strides = array<i32>} : memref<128x32xf32, #tpu.memory_space<vmem>>, vector<16xf32>,
        %parallel_loop3A_568 = arith.index_cast %parallel_loop3A_546 : i32 to index
        %parallel_loop3A_569 = arith.constant 16 : index
        %parallel_loop3A_570 = tpu.vector_load %arg19[%parallel_loop3A_568, %parallel_loop3A_569] {strides = array<i32>} : memref<128x32xf32, #tpu.memory_space<vmem>>, vector<16xf32>,
        %parallel_loop3A_571 = vector.broadcast %parallel_loop3A_548 : f32 to vector<16xf32>
        %parallel_loop3A_572 = arith.mulf %parallel_loop3A_567, %parallel_loop3A_571 : vector<16xf32>
        %parallel_loop3A_573 = vector.broadcast %parallel_loop3A_550 : f32 to vector<16xf32>
        %parallel_loop3A_574 = arith.mulf %parallel_loop3A_570, %parallel_loop3A_573 : vector<16xf32>
        %parallel_loop3A_575 = arith.addf %parallel_loop3A_572, %parallel_loop3A_574 : vector<16xf32>
        %parallel_loop3A_576 = arith.index_cast %parallel_loop3A_546 : i32 to index
        %parallel_loop3A_577 = arith.constant 16 : index
        %parallel_loop3A_578 = tpu.vector_load %arg22[%parallel_loop3A_576, %parallel_loop3A_577] {strides = array<i32>} : memref<128x32xf32, #tpu.memory_space<vmem>>, vector<16xf32>,
        tpu.vector_store %arg22[%parallel_loop3A_576, %parallel_loop3A_577], %parallel_loop3A_575 {strides = array<i32>} : memref<128x32xf32, #tpu.memory_space<vmem>>, vector<16xf32>,
        %parallel_loop3A_579 = arith.constant 13 : i32
        %parallel_loop3A_580 = arith.addi %parallel_loop3A_132, %parallel_loop3A_579 : i32
        %parallel_loop3A_581 = vector.extract_strided_slice %parallel_loop3A_134 {offsets = [13], sizes = [1], strides = [1]} : vector<16xf32> to vector<1xf32>
        %parallel_loop3A_582 = vector.extract %parallel_loop3A_581[0] : f32 from vector<1xf32>
        %parallel_loop3A_583 = vector.extract_strided_slice %parallel_loop3A_136 {offsets = [13], sizes = [1], strides = [1]} : vector<16xf32> to vector<1xf32>
        %parallel_loop3A_584 = vector.extract %parallel_loop3A_583[0] : f32 from vector<1xf32>
        %parallel_loop3A_585 = arith.index_cast %parallel_loop3A_580 : i32 to index
        %parallel_loop3A_586 = arith.constant 0 : index
        %parallel_loop3A_587 = tpu.vector_load %arg18[%parallel_loop3A_585, %parallel_loop3A_586] {strides = array<i32>} : memref<128x32xf32, #tpu.memory_space<vmem>>, vector<16xf32>,
        %parallel_loop3A_588 = arith.index_cast %parallel_loop3A_580 : i32 to index
        %parallel_loop3A_589 = arith.constant 0 : index
        %parallel_loop3A_590 = tpu.vector_load %arg19[%parallel_loop3A_588, %parallel_loop3A_589] {strides = array<i32>} : memref<128x32xf32, #tpu.memory_space<vmem>>, vector<16xf32>,
        %parallel_loop3A_591 = vector.broadcast %parallel_loop3A_582 : f32 to vector<16xf32>
        %parallel_loop3A_592 = arith.mulf %parallel_loop3A_587, %parallel_loop3A_591 : vector<16xf32>
        %parallel_loop3A_593 = vector.broadcast %parallel_loop3A_584 : f32 to vector<16xf32>
        %parallel_loop3A_594 = arith.mulf %parallel_loop3A_590, %parallel_loop3A_593 : vector<16xf32>
        %parallel_loop3A_595 = arith.addf %parallel_loop3A_592, %parallel_loop3A_594 : vector<16xf32>
        %parallel_loop3A_596 = arith.index_cast %parallel_loop3A_580 : i32 to index
        %parallel_loop3A_597 = arith.constant 0 : index
        %parallel_loop3A_598 = tpu.vector_load %arg22[%parallel_loop3A_596, %parallel_loop3A_597] {strides = array<i32>} : memref<128x32xf32, #tpu.memory_space<vmem>>, vector<16xf32>,
        tpu.vector_store %arg22[%parallel_loop3A_596, %parallel_loop3A_597], %parallel_loop3A_595 {strides = array<i32>} : memref<128x32xf32, #tpu.memory_space<vmem>>, vector<16xf32>,
        %parallel_loop3A_599 = arith.index_cast %parallel_loop3A_580 : i32 to index
        %parallel_loop3A_600 = arith.constant 16 : index
        %parallel_loop3A_601 = tpu.vector_load %arg18[%parallel_loop3A_599, %parallel_loop3A_600] {strides = array<i32>} : memref<128x32xf32, #tpu.memory_space<vmem>>, vector<16xf32>,
        %parallel_loop3A_602 = arith.index_cast %parallel_loop3A_580 : i32 to index
        %parallel_loop3A_603 = arith.constant 16 : index
        %parallel_loop3A_604 = tpu.vector_load %arg19[%parallel_loop3A_602, %parallel_loop3A_603] {strides = array<i32>} : memref<128x32xf32, #tpu.memory_space<vmem>>, vector<16xf32>,
        %parallel_loop3A_605 = vector.broadcast %parallel_loop3A_582 : f32 to vector<16xf32>
        %parallel_loop3A_606 = arith.mulf %parallel_loop3A_601, %parallel_loop3A_605 : vector<16xf32>
        %parallel_loop3A_607 = vector.broadcast %parallel_loop3A_584 : f32 to vector<16xf32>
        %parallel_loop3A_608 = arith.mulf %parallel_loop3A_604, %parallel_loop3A_607 : vector<16xf32>
        %parallel_loop3A_609 = arith.addf %parallel_loop3A_606, %parallel_loop3A_608 : vector<16xf32>
        %parallel_loop3A_610 = arith.index_cast %parallel_loop3A_580 : i32 to index
        %parallel_loop3A_611 = arith.constant 16 : index
        %parallel_loop3A_612 = tpu.vector_load %arg22[%parallel_loop3A_610, %parallel_loop3A_611] {strides = array<i32>} : memref<128x32xf32, #tpu.memory_space<vmem>>, vector<16xf32>,
        tpu.vector_store %arg22[%parallel_loop3A_610, %parallel_loop3A_611], %parallel_loop3A_609 {strides = array<i32>} : memref<128x32xf32, #tpu.memory_space<vmem>>, vector<16xf32>,
        %parallel_loop3A_613 = arith.constant 14 : i32
        %parallel_loop3A_614 = arith.addi %parallel_loop3A_132, %parallel_loop3A_613 : i32
        %parallel_loop3A_615 = vector.extract_strided_slice %parallel_loop3A_134 {offsets = [14], sizes = [1], strides = [1]} : vector<16xf32> to vector<1xf32>
        %parallel_loop3A_616 = vector.extract %parallel_loop3A_615[0] : f32 from vector<1xf32>
        %parallel_loop3A_617 = vector.extract_strided_slice %parallel_loop3A_136 {offsets = [14], sizes = [1], strides = [1]} : vector<16xf32> to vector<1xf32>
        %parallel_loop3A_618 = vector.extract %parallel_loop3A_617[0] : f32 from vector<1xf32>
        %parallel_loop3A_619 = arith.index_cast %parallel_loop3A_614 : i32 to index
        %parallel_loop3A_620 = arith.constant 0 : index
        %parallel_loop3A_621 = tpu.vector_load %arg18[%parallel_loop3A_619, %parallel_loop3A_620] {strides = array<i32>} : memref<128x32xf32, #tpu.memory_space<vmem>>, vector<16xf32>,
        %parallel_loop3A_622 = arith.index_cast %parallel_loop3A_614 : i32 to index
        %parallel_loop3A_623 = arith.constant 0 : index
        %parallel_loop3A_624 = tpu.vector_load %arg19[%parallel_loop3A_622, %parallel_loop3A_623] {strides = array<i32>} : memref<128x32xf32, #tpu.memory_space<vmem>>, vector<16xf32>,
        %parallel_loop3A_625 = vector.broadcast %parallel_loop3A_616 : f32 to vector<16xf32>
        %parallel_loop3A_626 = arith.mulf %parallel_loop3A_621, %parallel_loop3A_625 : vector<16xf32>
        %parallel_loop3A_627 = vector.broadcast %parallel_loop3A_618 : f32 to vector<16xf32>
        %parallel_loop3A_628 = arith.mulf %parallel_loop3A_624, %parallel_loop3A_627 : vector<16xf32>
        %parallel_loop3A_629 = arith.addf %parallel_loop3A_626, %parallel_loop3A_628 : vector<16xf32>
        %parallel_loop3A_630 = arith.index_cast %parallel_loop3A_614 : i32 to index
        %parallel_loop3A_631 = arith.constant 0 : index
        %parallel_loop3A_632 = tpu.vector_load %arg22[%parallel_loop3A_630, %parallel_loop3A_631] {strides = array<i32>} : memref<128x32xf32, #tpu.memory_space<vmem>>, vector<16xf32>,
        tpu.vector_store %arg22[%parallel_loop3A_630, %parallel_loop3A_631], %parallel_loop3A_629 {strides = array<i32>} : memref<128x32xf32, #tpu.memory_space<vmem>>, vector<16xf32>,
        %parallel_loop3A_633 = arith.index_cast %parallel_loop3A_614 : i32 to index
        %parallel_loop3A_634 = arith.constant 16 : index
        %parallel_loop3A_635 = tpu.vector_load %arg18[%parallel_loop3A_633, %parallel_loop3A_634] {strides = array<i32>} : memref<128x32xf32, #tpu.memory_space<vmem>>, vector<16xf32>,
        %parallel_loop3A_636 = arith.index_cast %parallel_loop3A_614 : i32 to index
        %parallel_loop3A_637 = arith.constant 16 : index
        %parallel_loop3A_638 = tpu.vector_load %arg19[%parallel_loop3A_636, %parallel_loop3A_637] {strides = array<i32>} : memref<128x32xf32, #tpu.memory_space<vmem>>, vector<16xf32>,
        %parallel_loop3A_639 = vector.broadcast %parallel_loop3A_616 : f32 to vector<16xf32>
        %parallel_loop3A_640 = arith.mulf %parallel_loop3A_635, %parallel_loop3A_639 : vector<16xf32>
        %parallel_loop3A_641 = vector.broadcast %parallel_loop3A_618 : f32 to vector<16xf32>
        %parallel_loop3A_642 = arith.mulf %parallel_loop3A_638, %parallel_loop3A_641 : vector<16xf32>
        %parallel_loop3A_643 = arith.addf %parallel_loop3A_640, %parallel_loop3A_642 : vector<16xf32>
        %parallel_loop3A_644 = arith.index_cast %parallel_loop3A_614 : i32 to index
        %parallel_loop3A_645 = arith.constant 16 : index
        %parallel_loop3A_646 = tpu.vector_load %arg22[%parallel_loop3A_644, %parallel_loop3A_645] {strides = array<i32>} : memref<128x32xf32, #tpu.memory_space<vmem>>, vector<16xf32>,
        tpu.vector_store %arg22[%parallel_loop3A_644, %parallel_loop3A_645], %parallel_loop3A_643 {strides = array<i32>} : memref<128x32xf32, #tpu.memory_space<vmem>>, vector<16xf32>,
        %parallel_loop3A_647 = arith.constant 15 : i32
        %parallel_loop3A_648 = arith.addi %parallel_loop3A_132, %parallel_loop3A_647 : i32
        %parallel_loop3A_649 = vector.extract_strided_slice %parallel_loop3A_134 {offsets = [15], sizes = [1], strides = [1]} : vector<16xf32> to vector<1xf32>
        %parallel_loop3A_650 = vector.extract %parallel_loop3A_649[0] : f32 from vector<1xf32>
        %parallel_loop3A_651 = vector.extract_strided_slice %parallel_loop3A_136 {offsets = [15], sizes = [1], strides = [1]} : vector<16xf32> to vector<1xf32>
        %parallel_loop3A_652 = vector.extract %parallel_loop3A_651[0] : f32 from vector<1xf32>
        %parallel_loop3A_653 = arith.index_cast %parallel_loop3A_648 : i32 to index
        %parallel_loop3A_654 = arith.constant 0 : index
        %parallel_loop3A_655 = tpu.vector_load %arg18[%parallel_loop3A_653, %parallel_loop3A_654] {strides = array<i32>} : memref<128x32xf32, #tpu.memory_space<vmem>>, vector<16xf32>,
        %parallel_loop3A_656 = arith.index_cast %parallel_loop3A_648 : i32 to index
        %parallel_loop3A_657 = arith.constant 0 : index
        %parallel_loop3A_658 = tpu.vector_load %arg19[%parallel_loop3A_656, %parallel_loop3A_657] {strides = array<i32>} : memref<128x32xf32, #tpu.memory_space<vmem>>, vector<16xf32>,
        %parallel_loop3A_659 = vector.broadcast %parallel_loop3A_650 : f32 to vector<16xf32>
        %parallel_loop3A_660 = arith.mulf %parallel_loop3A_655, %parallel_loop3A_659 : vector<16xf32>
        %parallel_loop3A_661 = vector.broadcast %parallel_loop3A_652 : f32 to vector<16xf32>
        %parallel_loop3A_662 = arith.mulf %parallel_loop3A_658, %parallel_loop3A_661 : vector<16xf32>
        %parallel_loop3A_663 = arith.addf %parallel_loop3A_660, %parallel_loop3A_662 : vector<16xf32>
        %parallel_loop3A_664 = arith.index_cast %parallel_loop3A_648 : i32 to index
        %parallel_loop3A_665 = arith.constant 0 : index
        %parallel_loop3A_666 = tpu.vector_load %arg22[%parallel_loop3A_664, %parallel_loop3A_665] {strides = array<i32>} : memref<128x32xf32, #tpu.memory_space<vmem>>, vector<16xf32>,
        tpu.vector_store %arg22[%parallel_loop3A_664, %parallel_loop3A_665], %parallel_loop3A_663 {strides = array<i32>} : memref<128x32xf32, #tpu.memory_space<vmem>>, vector<16xf32>,
        %parallel_loop3A_667 = arith.index_cast %parallel_loop3A_648 : i32 to index
        %parallel_loop3A_668 = arith.constant 16 : index
        %parallel_loop3A_669 = tpu.vector_load %arg18[%parallel_loop3A_667, %parallel_loop3A_668] {strides = array<i32>} : memref<128x32xf32, #tpu.memory_space<vmem>>, vector<16xf32>,
        %parallel_loop3A_670 = arith.index_cast %parallel_loop3A_648 : i32 to index
        %parallel_loop3A_671 = arith.constant 16 : index
        %parallel_loop3A_672 = tpu.vector_load %arg19[%parallel_loop3A_670, %parallel_loop3A_671] {strides = array<i32>} : memref<128x32xf32, #tpu.memory_space<vmem>>, vector<16xf32>,
        %parallel_loop3A_673 = vector.broadcast %parallel_loop3A_650 : f32 to vector<16xf32>
        %parallel_loop3A_674 = arith.mulf %parallel_loop3A_669, %parallel_loop3A_673 : vector<16xf32>
        %parallel_loop3A_675 = vector.broadcast %parallel_loop3A_652 : f32 to vector<16xf32>
        %parallel_loop3A_676 = arith.mulf %parallel_loop3A_672, %parallel_loop3A_675 : vector<16xf32>
        %parallel_loop3A_677 = arith.addf %parallel_loop3A_674, %parallel_loop3A_676 : vector<16xf32>
        %parallel_loop3A_678 = arith.index_cast %parallel_loop3A_648 : i32 to index
        %parallel_loop3A_679 = arith.constant 16 : index
        %parallel_loop3A_680 = tpu.vector_load %arg22[%parallel_loop3A_678, %parallel_loop3A_679] {strides = array<i32>} : memref<128x32xf32, #tpu.memory_space<vmem>>, vector<16xf32>,
        tpu.vector_store %arg22[%parallel_loop3A_678, %parallel_loop3A_679], %parallel_loop3A_677 {strides = array<i32>} : memref<128x32xf32, #tpu.memory_space<vmem>>, vector<16xf32>,
      } {sc.loop_unroll_factor = 2 : i64, sc.parallel_access}
      %mul3A_115 = arith.constant 25600 : i32
      %mul3A_116 = arith.muli %add3A, %mul3A_115 : i32
      %mul3A_117 = arith.constant 128 : i32
      %mul3A_118 = arith.muli %mul3A_56, %mul3A_117 : i32
      %add3A_119 = arith.addi %mul3A_116, %mul3A_118 : i32
      %dma_start3A_120 = arith.constant 0 : i32
      %dma_start3A_121 = tpu.memref_slice %arg5[%add3A_119, %dma_start3A_120] : memref<819200x32xf32, #tpu.memory_space<hbm>> -> memref<128x32xf32, #tpu.memory_space<hbm>>
      %dma_start3A_122 = arith.constant 0 : i32
      %dma_start3A_123 = tpu.memref_slice %arg5[%add3A_119, %dma_start3A_122] : memref<819200x32xf32, #tpu.memory_space<hbm>> -> memref<128x32xf32, #tpu.memory_space<hbm>>
      tpu.enqueue_dma source(%arg22 : memref<128x32xf32, #tpu.memory_space<vmem>>) target(%dma_start3A_123 : memref<128x32xf32, #tpu.memory_space<hbm>>) target_semaphore(%arg32 : memref<!tpu.dma_semaphore, #tpu.memory_space<semaphore_mem>>)
      %lt3A_124 = arith.constant 99 : i32
      %lt3A_125 = arith.cmpi slt, %add3A_54, %lt3A_124 : i32
      %convert_element_type3A_126 = arith.extui %lt3A_125 : i1 to i32
      %cond3A_127 = arith.constant 0 : i32
      %cond3A_128 = arith.cmpi ne, %convert_element_type3A_126, %cond3A_127 : i32
      scf.if %cond3A_128 {
        %add3A_129 = arith.constant 3 : i32
        %add3A_130 = arith.addi %mul3A_56, %add3A_129 : i32
        %mul3A_131 = arith.constant 25600 : i32
        %mul3A_132 = arith.muli %add3A, %mul3A_131 : i32
        %mul3A_133 = arith.constant 128 : i32
        %mul3A_134 = arith.muli %add3A_130, %mul3A_133 : i32
        %add3A_135 = arith.addi %mul3A_132, %mul3A_134 : i32
        %dma_start3A_136 = tpu.memref_slice %arg3[%add3A_135] : memref<819200xi32, #tpu.memory_space<hbm>> -> memref<128xi32, #tpu.memory_space<hbm>>
        %dma_start3A_137 = tpu.memref_slice %arg3[%add3A_135] : memref<819200xi32, #tpu.memory_space<hbm>> -> memref<128xi32, #tpu.memory_space<hbm>>
        tpu.enqueue_dma source(%dma_start3A_137 : memref<128xi32, #tpu.memory_space<hbm>>) target(%arg7 : memref<128xi32, #tpu.memory_space<vmem>>) target_semaphore(%arg25 : memref<!tpu.dma_semaphore, #tpu.memory_space<semaphore_mem>>)
      } else {
      }
    }
    %scan3A_16 = arith.constant 100 : i32
    %dma_wait3A = arith.constant 0 : i32
    %dma_wait3A_17 = arith.constant 0 : i32
    %dma_wait3A_18 = tpu.memref_slice %arg4[%dma_wait3A, %dma_wait3A_17] : memref<100001x32xf32, #tpu.memory_space<hbm>> -> memref<100001x32xf32, #tpu.memory_space<hbm>>
    tpu.wait_indirect_dma semaphore(%arg30 : memref<!tpu.dma_semaphore, #tpu.memory_space<semaphore_mem>>) src(%dma_wait3A_18 : memref<100001x32xf32, #tpu.memory_space<hbm>>) dst(%arg20 : memref<128x32xf32, #tpu.memory_space<vmem>>)
    %dma_wait3A_19 = arith.constant 0 : i32
    %dma_wait3A_20 = arith.constant 0 : i32
    %dma_wait3A_21 = tpu.memref_slice %arg4[%dma_wait3A_19, %dma_wait3A_20] : memref<100001x32xf32, #tpu.memory_space<hbm>> -> memref<100001x32xf32, #tpu.memory_space<hbm>>
    tpu.wait_indirect_dma semaphore(%arg31 : memref<!tpu.dma_semaphore, #tpu.memory_space<semaphore_mem>>) src(%dma_wait3A_21 : memref<100001x32xf32, #tpu.memory_space<hbm>>) dst(%arg21 : memref<128x32xf32, #tpu.memory_space<vmem>>)
    %dma_wait3A_22 = arith.constant 0 : i32
    %dma_wait3A_23 = arith.constant 0 : i32
    %dma_wait3A_24 = tpu.memref_slice %arg5[%dma_wait3A_22, %dma_wait3A_23] : memref<819200x32xf32, #tpu.memory_space<hbm>> -> memref<128x32xf32, #tpu.memory_space<hbm>>
    %dma_wait3A_25 = arith.constant 0 : i32
    %dma_wait3A_26 = arith.constant 0 : i32
    %dma_wait3A_27 = tpu.memref_slice %arg5[%dma_wait3A_25, %dma_wait3A_26] : memref<819200x32xf32, #tpu.memory_space<hbm>> -> memref<128x32xf32, #tpu.memory_space<hbm>>
    tpu.wait_dma2 semaphore(%arg33 : memref<!tpu.dma_semaphore, #tpu.memory_space<semaphore_mem>>) src(%arg23 : memref<128x32xf32, #tpu.memory_space<vmem>>) dst(%dma_wait3A_27 : memref<128x32xf32, #tpu.memory_space<hbm>>)
    %parallel_loop3A = arith.constant 0 : i32
    %parallel_loop3A_28 = arith.constant 8 : i32
    %parallel_loop3A_29 = arith.constant 1 : i32
    scf.for %parallel_loop3A_50 = %parallel_loop3A to %parallel_loop3A_28 step %parallel_loop3A_29  : i32 {
      %parallel_loop3A_51 = arith.constant 16 : i32
      %parallel_loop3A_52 = arith.muli %parallel_loop3A_50, %parallel_loop3A_51 : i32
      %parallel_loop3A_53 = tpu.assume_multiple %parallel_loop3A_52, 16 : i32
      %parallel_loop3A_54 = arith.index_cast %parallel_loop3A_53 : i32 to index
      %parallel_loop3A_55 = tpu.vector_load %arg16[%parallel_loop3A_54] {strides = array<i32>} : memref<128xf32, #tpu.memory_space<vmem>>, vector<16xf32>,
      %parallel_loop3A_56 = arith.index_cast %parallel_loop3A_53 : i32 to index
      %parallel_loop3A_57 = tpu.vector_load %arg17[%parallel_loop3A_56] {strides = array<i32>} : memref<128xf32, #tpu.memory_space<vmem>>, vector<16xf32>,
      %parallel_loop3A_58 = arith.constant 0 : i32
      %parallel_loop3A_59 = arith.addi %parallel_loop3A_53, %parallel_loop3A_58 : i32
      %parallel_loop3A_60 = vector.extract_strided_slice %parallel_loop3A_55 {offsets = [0], sizes = [1], strides = [1]} : vector<16xf32> to vector<1xf32>
      %parallel_loop3A_61 = vector.extract %parallel_loop3A_60[0] : f32 from vector<1xf32>
      %parallel_loop3A_62 = vector.extract_strided_slice %parallel_loop3A_57 {offsets = [0], sizes = [1], strides = [1]} : vector<16xf32> to vector<1xf32>
      %parallel_loop3A_63 = vector.extract %parallel_loop3A_62[0] : f32 from vector<1xf32>
      %parallel_loop3A_64 = arith.index_cast %parallel_loop3A_59 : i32 to index
      %parallel_loop3A_65 = arith.constant 0 : index
      %parallel_loop3A_66 = tpu.vector_load %arg20[%parallel_loop3A_64, %parallel_loop3A_65] {strides = array<i32>} : memref<128x32xf32, #tpu.memory_space<vmem>>, vector<16xf32>,
      %parallel_loop3A_67 = arith.index_cast %parallel_loop3A_59 : i32 to index
      %parallel_loop3A_68 = arith.constant 0 : index
      %parallel_loop3A_69 = tpu.vector_load %arg21[%parallel_loop3A_67, %parallel_loop3A_68] {strides = array<i32>} : memref<128x32xf32, #tpu.memory_space<vmem>>, vector<16xf32>,
      %parallel_loop3A_70 = vector.broadcast %parallel_loop3A_61 : f32 to vector<16xf32>
      %parallel_loop3A_71 = arith.mulf %parallel_loop3A_66, %parallel_loop3A_70 : vector<16xf32>
      %parallel_loop3A_72 = vector.broadcast %parallel_loop3A_63 : f32 to vector<16xf32>
      %parallel_loop3A_73 = arith.mulf %parallel_loop3A_69, %parallel_loop3A_72 : vector<16xf32>
      %parallel_loop3A_74 = arith.addf %parallel_loop3A_71, %parallel_loop3A_73 : vector<16xf32>
      %parallel_loop3A_75 = arith.index_cast %parallel_loop3A_59 : i32 to index
      %parallel_loop3A_76 = arith.constant 0 : index
      %parallel_loop3A_77 = tpu.vector_load %arg23[%parallel_loop3A_75, %parallel_loop3A_76] {strides = array<i32>} : memref<128x32xf32, #tpu.memory_space<vmem>>, vector<16xf32>,
      tpu.vector_store %arg23[%parallel_loop3A_75, %parallel_loop3A_76], %parallel_loop3A_74 {strides = array<i32>} : memref<128x32xf32, #tpu.memory_space<vmem>>, vector<16xf32>,
      %parallel_loop3A_78 = arith.index_cast %parallel_loop3A_59 : i32 to index
      %parallel_loop3A_79 = arith.constant 16 : index
      %parallel_loop3A_80 = tpu.vector_load %arg20[%parallel_loop3A_78, %parallel_loop3A_79] {strides = array<i32>} : memref<128x32xf32, #tpu.memory_space<vmem>>, vector<16xf32>,
      %parallel_loop3A_81 = arith.index_cast %parallel_loop3A_59 : i32 to index
      %parallel_loop3A_82 = arith.constant 16 : index
      %parallel_loop3A_83 = tpu.vector_load %arg21[%parallel_loop3A_81, %parallel_loop3A_82] {strides = array<i32>} : memref<128x32xf32, #tpu.memory_space<vmem>>, vector<16xf32>,
      %parallel_loop3A_84 = vector.broadcast %parallel_loop3A_61 : f32 to vector<16xf32>
      %parallel_loop3A_85 = arith.mulf %parallel_loop3A_80, %parallel_loop3A_84 : vector<16xf32>
      %parallel_loop3A_86 = vector.broadcast %parallel_loop3A_63 : f32 to vector<16xf32>
      %parallel_loop3A_87 = arith.mulf %parallel_loop3A_83, %parallel_loop3A_86 : vector<16xf32>
      %parallel_loop3A_88 = arith.addf %parallel_loop3A_85, %parallel_loop3A_87 : vector<16xf32>
      %parallel_loop3A_89 = arith.index_cast %parallel_loop3A_59 : i32 to index
      %parallel_loop3A_90 = arith.constant 16 : index
      %parallel_loop3A_91 = tpu.vector_load %arg23[%parallel_loop3A_89, %parallel_loop3A_90] {strides = array<i32>} : memref<128x32xf32, #tpu.memory_space<vmem>>, vector<16xf32>,
      tpu.vector_store %arg23[%parallel_loop3A_89, %parallel_loop3A_90], %parallel_loop3A_88 {strides = array<i32>} : memref<128x32xf32, #tpu.memory_space<vmem>>, vector<16xf32>,
      %parallel_loop3A_92 = arith.constant 1 : i32
      %parallel_loop3A_93 = arith.addi %parallel_loop3A_53, %parallel_loop3A_92 : i32
      %parallel_loop3A_94 = vector.extract_strided_slice %parallel_loop3A_55 {offsets = [1], sizes = [1], strides = [1]} : vector<16xf32> to vector<1xf32>
      %parallel_loop3A_95 = vector.extract %parallel_loop3A_94[0] : f32 from vector<1xf32>
      %parallel_loop3A_96 = vector.extract_strided_slice %parallel_loop3A_57 {offsets = [1], sizes = [1], strides = [1]} : vector<16xf32> to vector<1xf32>
      %parallel_loop3A_97 = vector.extract %parallel_loop3A_96[0] : f32 from vector<1xf32>
      %parallel_loop3A_98 = arith.index_cast %parallel_loop3A_93 : i32 to index
      %parallel_loop3A_99 = arith.constant 0 : index
      %parallel_loop3A_100 = tpu.vector_load %arg20[%parallel_loop3A_98, %parallel_loop3A_99] {strides = array<i32>} : memref<128x32xf32, #tpu.memory_space<vmem>>, vector<16xf32>,
      %parallel_loop3A_101 = arith.index_cast %parallel_loop3A_93 : i32 to index
      %parallel_loop3A_102 = arith.constant 0 : index
      %parallel_loop3A_103 = tpu.vector_load %arg21[%parallel_loop3A_101, %parallel_loop3A_102] {strides = array<i32>} : memref<128x32xf32, #tpu.memory_space<vmem>>, vector<16xf32>,
      %parallel_loop3A_104 = vector.broadcast %parallel_loop3A_95 : f32 to vector<16xf32>
      %parallel_loop3A_105 = arith.mulf %parallel_loop3A_100, %parallel_loop3A_104 : vector<16xf32>
      %parallel_loop3A_106 = vector.broadcast %parallel_loop3A_97 : f32 to vector<16xf32>
      %parallel_loop3A_107 = arith.mulf %parallel_loop3A_103, %parallel_loop3A_106 : vector<16xf32>
      %parallel_loop3A_108 = arith.addf %parallel_loop3A_105, %parallel_loop3A_107 : vector<16xf32>
      %parallel_loop3A_109 = arith.index_cast %parallel_loop3A_93 : i32 to index
      %parallel_loop3A_110 = arith.constant 0 : index
      %parallel_loop3A_111 = tpu.vector_load %arg23[%parallel_loop3A_109, %parallel_loop3A_110] {strides = array<i32>} : memref<128x32xf32, #tpu.memory_space<vmem>>, vector<16xf32>,
      tpu.vector_store %arg23[%parallel_loop3A_109, %parallel_loop3A_110], %parallel_loop3A_108 {strides = array<i32>} : memref<128x32xf32, #tpu.memory_space<vmem>>, vector<16xf32>,
      %parallel_loop3A_112 = arith.index_cast %parallel_loop3A_93 : i32 to index
      %parallel_loop3A_113 = arith.constant 16 : index
      %parallel_loop3A_114 = tpu.vector_load %arg20[%parallel_loop3A_112, %parallel_loop3A_113] {strides = array<i32>} : memref<128x32xf32, #tpu.memory_space<vmem>>, vector<16xf32>,
      %parallel_loop3A_115 = arith.index_cast %parallel_loop3A_93 : i32 to index
      %parallel_loop3A_116 = arith.constant 16 : index
      %parallel_loop3A_117 = tpu.vector_load %arg21[%parallel_loop3A_115, %parallel_loop3A_116] {strides = array<i32>} : memref<128x32xf32, #tpu.memory_space<vmem>>, vector<16xf32>,
      %parallel_loop3A_118 = vector.broadcast %parallel_loop3A_95 : f32 to vector<16xf32>
      %parallel_loop3A_119 = arith.mulf %parallel_loop3A_114, %parallel_loop3A_118 : vector<16xf32>
      %parallel_loop3A_120 = vector.broadcast %parallel_loop3A_97 : f32 to vector<16xf32>
      %parallel_loop3A_121 = arith.mulf %parallel_loop3A_117, %parallel_loop3A_120 : vector<16xf32>
      %parallel_loop3A_122 = arith.addf %parallel_loop3A_119, %parallel_loop3A_121 : vector<16xf32>
      %parallel_loop3A_123 = arith.index_cast %parallel_loop3A_93 : i32 to index
      %parallel_loop3A_124 = arith.constant 16 : index
      %parallel_loop3A_125 = tpu.vector_load %arg23[%parallel_loop3A_123, %parallel_loop3A_124] {strides = array<i32>} : memref<128x32xf32, #tpu.memory_space<vmem>>, vector<16xf32>,
      tpu.vector_store %arg23[%parallel_loop3A_123, %parallel_loop3A_124], %parallel_loop3A_122 {strides = array<i32>} : memref<128x32xf32, #tpu.memory_space<vmem>>, vector<16xf32>,
      %parallel_loop3A_126 = arith.constant 2 : i32
      %parallel_loop3A_127 = arith.addi %parallel_loop3A_53, %parallel_loop3A_126 : i32
      %parallel_loop3A_128 = vector.extract_strided_slice %parallel_loop3A_55 {offsets = [2], sizes = [1], strides = [1]} : vector<16xf32> to vector<1xf32>
      %parallel_loop3A_129 = vector.extract %parallel_loop3A_128[0] : f32 from vector<1xf32>
      %parallel_loop3A_130 = vector.extract_strided_slice %parallel_loop3A_57 {offsets = [2], sizes = [1], strides = [1]} : vector<16xf32> to vector<1xf32>
      %parallel_loop3A_131 = vector.extract %parallel_loop3A_130[0] : f32 from vector<1xf32>
      %parallel_loop3A_132 = arith.index_cast %parallel_loop3A_127 : i32 to index
      %parallel_loop3A_133 = arith.constant 0 : index
      %parallel_loop3A_134 = tpu.vector_load %arg20[%parallel_loop3A_132, %parallel_loop3A_133] {strides = array<i32>} : memref<128x32xf32, #tpu.memory_space<vmem>>, vector<16xf32>,
      %parallel_loop3A_135 = arith.index_cast %parallel_loop3A_127 : i32 to index
      %parallel_loop3A_136 = arith.constant 0 : index
      %parallel_loop3A_137 = tpu.vector_load %arg21[%parallel_loop3A_135, %parallel_loop3A_136] {strides = array<i32>} : memref<128x32xf32, #tpu.memory_space<vmem>>, vector<16xf32>,
      %parallel_loop3A_138 = vector.broadcast %parallel_loop3A_129 : f32 to vector<16xf32>
      %parallel_loop3A_139 = arith.mulf %parallel_loop3A_134, %parallel_loop3A_138 : vector<16xf32>
      %parallel_loop3A_140 = vector.broadcast %parallel_loop3A_131 : f32 to vector<16xf32>
      %parallel_loop3A_141 = arith.mulf %parallel_loop3A_137, %parallel_loop3A_140 : vector<16xf32>
      %parallel_loop3A_142 = arith.addf %parallel_loop3A_139, %parallel_loop3A_141 : vector<16xf32>
      %parallel_loop3A_143 = arith.index_cast %parallel_loop3A_127 : i32 to index
      %parallel_loop3A_144 = arith.constant 0 : index
      %parallel_loop3A_145 = tpu.vector_load %arg23[%parallel_loop3A_143, %parallel_loop3A_144] {strides = array<i32>} : memref<128x32xf32, #tpu.memory_space<vmem>>, vector<16xf32>,
      tpu.vector_store %arg23[%parallel_loop3A_143, %parallel_loop3A_144], %parallel_loop3A_142 {strides = array<i32>} : memref<128x32xf32, #tpu.memory_space<vmem>>, vector<16xf32>,
      %parallel_loop3A_146 = arith.index_cast %parallel_loop3A_127 : i32 to index
      %parallel_loop3A_147 = arith.constant 16 : index
      %parallel_loop3A_148 = tpu.vector_load %arg20[%parallel_loop3A_146, %parallel_loop3A_147] {strides = array<i32>} : memref<128x32xf32, #tpu.memory_space<vmem>>, vector<16xf32>,
      %parallel_loop3A_149 = arith.index_cast %parallel_loop3A_127 : i32 to index
      %parallel_loop3A_150 = arith.constant 16 : index
      %parallel_loop3A_151 = tpu.vector_load %arg21[%parallel_loop3A_149, %parallel_loop3A_150] {strides = array<i32>} : memref<128x32xf32, #tpu.memory_space<vmem>>, vector<16xf32>,
      %parallel_loop3A_152 = vector.broadcast %parallel_loop3A_129 : f32 to vector<16xf32>
      %parallel_loop3A_153 = arith.mulf %parallel_loop3A_148, %parallel_loop3A_152 : vector<16xf32>
      %parallel_loop3A_154 = vector.broadcast %parallel_loop3A_131 : f32 to vector<16xf32>
      %parallel_loop3A_155 = arith.mulf %parallel_loop3A_151, %parallel_loop3A_154 : vector<16xf32>
      %parallel_loop3A_156 = arith.addf %parallel_loop3A_153, %parallel_loop3A_155 : vector<16xf32>
      %parallel_loop3A_157 = arith.index_cast %parallel_loop3A_127 : i32 to index
      %parallel_loop3A_158 = arith.constant 16 : index
      %parallel_loop3A_159 = tpu.vector_load %arg23[%parallel_loop3A_157, %parallel_loop3A_158] {strides = array<i32>} : memref<128x32xf32, #tpu.memory_space<vmem>>, vector<16xf32>,
      tpu.vector_store %arg23[%parallel_loop3A_157, %parallel_loop3A_158], %parallel_loop3A_156 {strides = array<i32>} : memref<128x32xf32, #tpu.memory_space<vmem>>, vector<16xf32>,
      %parallel_loop3A_160 = arith.constant 3 : i32
      %parallel_loop3A_161 = arith.addi %parallel_loop3A_53, %parallel_loop3A_160 : i32
      %parallel_loop3A_162 = vector.extract_strided_slice %parallel_loop3A_55 {offsets = [3], sizes = [1], strides = [1]} : vector<16xf32> to vector<1xf32>
      %parallel_loop3A_163 = vector.extract %parallel_loop3A_162[0] : f32 from vector<1xf32>
      %parallel_loop3A_164 = vector.extract_strided_slice %parallel_loop3A_57 {offsets = [3], sizes = [1], strides = [1]} : vector<16xf32> to vector<1xf32>
      %parallel_loop3A_165 = vector.extract %parallel_loop3A_164[0] : f32 from vector<1xf32>
      %parallel_loop3A_166 = arith.index_cast %parallel_loop3A_161 : i32 to index
      %parallel_loop3A_167 = arith.constant 0 : index
      %parallel_loop3A_168 = tpu.vector_load %arg20[%parallel_loop3A_166, %parallel_loop3A_167] {strides = array<i32>} : memref<128x32xf32, #tpu.memory_space<vmem>>, vector<16xf32>,
      %parallel_loop3A_169 = arith.index_cast %parallel_loop3A_161 : i32 to index
      %parallel_loop3A_170 = arith.constant 0 : index
      %parallel_loop3A_171 = tpu.vector_load %arg21[%parallel_loop3A_169, %parallel_loop3A_170] {strides = array<i32>} : memref<128x32xf32, #tpu.memory_space<vmem>>, vector<16xf32>,
      %parallel_loop3A_172 = vector.broadcast %parallel_loop3A_163 : f32 to vector<16xf32>
      %parallel_loop3A_173 = arith.mulf %parallel_loop3A_168, %parallel_loop3A_172 : vector<16xf32>
      %parallel_loop3A_174 = vector.broadcast %parallel_loop3A_165 : f32 to vector<16xf32>
      %parallel_loop3A_175 = arith.mulf %parallel_loop3A_171, %parallel_loop3A_174 : vector<16xf32>
      %parallel_loop3A_176 = arith.addf %parallel_loop3A_173, %parallel_loop3A_175 : vector<16xf32>
      %parallel_loop3A_177 = arith.index_cast %parallel_loop3A_161 : i32 to index
      %parallel_loop3A_178 = arith.constant 0 : index
      %parallel_loop3A_179 = tpu.vector_load %arg23[%parallel_loop3A_177, %parallel_loop3A_178] {strides = array<i32>} : memref<128x32xf32, #tpu.memory_space<vmem>>, vector<16xf32>,
      tpu.vector_store %arg23[%parallel_loop3A_177, %parallel_loop3A_178], %parallel_loop3A_176 {strides = array<i32>} : memref<128x32xf32, #tpu.memory_space<vmem>>, vector<16xf32>,
      %parallel_loop3A_180 = arith.index_cast %parallel_loop3A_161 : i32 to index
      %parallel_loop3A_181 = arith.constant 16 : index
      %parallel_loop3A_182 = tpu.vector_load %arg20[%parallel_loop3A_180, %parallel_loop3A_181] {strides = array<i32>} : memref<128x32xf32, #tpu.memory_space<vmem>>, vector<16xf32>,
      %parallel_loop3A_183 = arith.index_cast %parallel_loop3A_161 : i32 to index
      %parallel_loop3A_184 = arith.constant 16 : index
      %parallel_loop3A_185 = tpu.vector_load %arg21[%parallel_loop3A_183, %parallel_loop3A_184] {strides = array<i32>} : memref<128x32xf32, #tpu.memory_space<vmem>>, vector<16xf32>,
      %parallel_loop3A_186 = vector.broadcast %parallel_loop3A_163 : f32 to vector<16xf32>
      %parallel_loop3A_187 = arith.mulf %parallel_loop3A_182, %parallel_loop3A_186 : vector<16xf32>
      %parallel_loop3A_188 = vector.broadcast %parallel_loop3A_165 : f32 to vector<16xf32>
      %parallel_loop3A_189 = arith.mulf %parallel_loop3A_185, %parallel_loop3A_188 : vector<16xf32>
      %parallel_loop3A_190 = arith.addf %parallel_loop3A_187, %parallel_loop3A_189 : vector<16xf32>
      %parallel_loop3A_191 = arith.index_cast %parallel_loop3A_161 : i32 to index
      %parallel_loop3A_192 = arith.constant 16 : index
      %parallel_loop3A_193 = tpu.vector_load %arg23[%parallel_loop3A_191, %parallel_loop3A_192] {strides = array<i32>} : memref<128x32xf32, #tpu.memory_space<vmem>>, vector<16xf32>,
      tpu.vector_store %arg23[%parallel_loop3A_191, %parallel_loop3A_192], %parallel_loop3A_190 {strides = array<i32>} : memref<128x32xf32, #tpu.memory_space<vmem>>, vector<16xf32>,
      %parallel_loop3A_194 = arith.constant 4 : i32
      %parallel_loop3A_195 = arith.addi %parallel_loop3A_53, %parallel_loop3A_194 : i32
      %parallel_loop3A_196 = vector.extract_strided_slice %parallel_loop3A_55 {offsets = [4], sizes = [1], strides = [1]} : vector<16xf32> to vector<1xf32>
      %parallel_loop3A_197 = vector.extract %parallel_loop3A_196[0] : f32 from vector<1xf32>
      %parallel_loop3A_198 = vector.extract_strided_slice %parallel_loop3A_57 {offsets = [4], sizes = [1], strides = [1]} : vector<16xf32> to vector<1xf32>
      %parallel_loop3A_199 = vector.extract %parallel_loop3A_198[0] : f32 from vector<1xf32>
      %parallel_loop3A_200 = arith.index_cast %parallel_loop3A_195 : i32 to index
      %parallel_loop3A_201 = arith.constant 0 : index
      %parallel_loop3A_202 = tpu.vector_load %arg20[%parallel_loop3A_200, %parallel_loop3A_201] {strides = array<i32>} : memref<128x32xf32, #tpu.memory_space<vmem>>, vector<16xf32>,
      %parallel_loop3A_203 = arith.index_cast %parallel_loop3A_195 : i32 to index
      %parallel_loop3A_204 = arith.constant 0 : index
      %parallel_loop3A_205 = tpu.vector_load %arg21[%parallel_loop3A_203, %parallel_loop3A_204] {strides = array<i32>} : memref<128x32xf32, #tpu.memory_space<vmem>>, vector<16xf32>,
      %parallel_loop3A_206 = vector.broadcast %parallel_loop3A_197 : f32 to vector<16xf32>
      %parallel_loop3A_207 = arith.mulf %parallel_loop3A_202, %parallel_loop3A_206 : vector<16xf32>
      %parallel_loop3A_208 = vector.broadcast %parallel_loop3A_199 : f32 to vector<16xf32>
      %parallel_loop3A_209 = arith.mulf %parallel_loop3A_205, %parallel_loop3A_208 : vector<16xf32>
      %parallel_loop3A_210 = arith.addf %parallel_loop3A_207, %parallel_loop3A_209 : vector<16xf32>
      %parallel_loop3A_211 = arith.index_cast %parallel_loop3A_195 : i32 to index
      %parallel_loop3A_212 = arith.constant 0 : index
      %parallel_loop3A_213 = tpu.vector_load %arg23[%parallel_loop3A_211, %parallel_loop3A_212] {strides = array<i32>} : memref<128x32xf32, #tpu.memory_space<vmem>>, vector<16xf32>,
      tpu.vector_store %arg23[%parallel_loop3A_211, %parallel_loop3A_212], %parallel_loop3A_210 {strides = array<i32>} : memref<128x32xf32, #tpu.memory_space<vmem>>, vector<16xf32>,
      %parallel_loop3A_214 = arith.index_cast %parallel_loop3A_195 : i32 to index
      %parallel_loop3A_215 = arith.constant 16 : index
      %parallel_loop3A_216 = tpu.vector_load %arg20[%parallel_loop3A_214, %parallel_loop3A_215] {strides = array<i32>} : memref<128x32xf32, #tpu.memory_space<vmem>>, vector<16xf32>,
      %parallel_loop3A_217 = arith.index_cast %parallel_loop3A_195 : i32 to index
      %parallel_loop3A_218 = arith.constant 16 : index
      %parallel_loop3A_219 = tpu.vector_load %arg21[%parallel_loop3A_217, %parallel_loop3A_218] {strides = array<i32>} : memref<128x32xf32, #tpu.memory_space<vmem>>, vector<16xf32>,
      %parallel_loop3A_220 = vector.broadcast %parallel_loop3A_197 : f32 to vector<16xf32>
      %parallel_loop3A_221 = arith.mulf %parallel_loop3A_216, %parallel_loop3A_220 : vector<16xf32>
      %parallel_loop3A_222 = vector.broadcast %parallel_loop3A_199 : f32 to vector<16xf32>
      %parallel_loop3A_223 = arith.mulf %parallel_loop3A_219, %parallel_loop3A_222 : vector<16xf32>
      %parallel_loop3A_224 = arith.addf %parallel_loop3A_221, %parallel_loop3A_223 : vector<16xf32>
      %parallel_loop3A_225 = arith.index_cast %parallel_loop3A_195 : i32 to index
      %parallel_loop3A_226 = arith.constant 16 : index
      %parallel_loop3A_227 = tpu.vector_load %arg23[%parallel_loop3A_225, %parallel_loop3A_226] {strides = array<i32>} : memref<128x32xf32, #tpu.memory_space<vmem>>, vector<16xf32>,
      tpu.vector_store %arg23[%parallel_loop3A_225, %parallel_loop3A_226], %parallel_loop3A_224 {strides = array<i32>} : memref<128x32xf32, #tpu.memory_space<vmem>>, vector<16xf32>,
      %parallel_loop3A_228 = arith.constant 5 : i32
      %parallel_loop3A_229 = arith.addi %parallel_loop3A_53, %parallel_loop3A_228 : i32
      %parallel_loop3A_230 = vector.extract_strided_slice %parallel_loop3A_55 {offsets = [5], sizes = [1], strides = [1]} : vector<16xf32> to vector<1xf32>
      %parallel_loop3A_231 = vector.extract %parallel_loop3A_230[0] : f32 from vector<1xf32>
      %parallel_loop3A_232 = vector.extract_strided_slice %parallel_loop3A_57 {offsets = [5], sizes = [1], strides = [1]} : vector<16xf32> to vector<1xf32>
      %parallel_loop3A_233 = vector.extract %parallel_loop3A_232[0] : f32 from vector<1xf32>
      %parallel_loop3A_234 = arith.index_cast %parallel_loop3A_229 : i32 to index
      %parallel_loop3A_235 = arith.constant 0 : index
      %parallel_loop3A_236 = tpu.vector_load %arg20[%parallel_loop3A_234, %parallel_loop3A_235] {strides = array<i32>} : memref<128x32xf32, #tpu.memory_space<vmem>>, vector<16xf32>,
      %parallel_loop3A_237 = arith.index_cast %parallel_loop3A_229 : i32 to index
      %parallel_loop3A_238 = arith.constant 0 : index
      %parallel_loop3A_239 = tpu.vector_load %arg21[%parallel_loop3A_237, %parallel_loop3A_238] {strides = array<i32>} : memref<128x32xf32, #tpu.memory_space<vmem>>, vector<16xf32>,
      %parallel_loop3A_240 = vector.broadcast %parallel_loop3A_231 : f32 to vector<16xf32>
      %parallel_loop3A_241 = arith.mulf %parallel_loop3A_236, %parallel_loop3A_240 : vector<16xf32>
      %parallel_loop3A_242 = vector.broadcast %parallel_loop3A_233 : f32 to vector<16xf32>
      %parallel_loop3A_243 = arith.mulf %parallel_loop3A_239, %parallel_loop3A_242 : vector<16xf32>
      %parallel_loop3A_244 = arith.addf %parallel_loop3A_241, %parallel_loop3A_243 : vector<16xf32>
      %parallel_loop3A_245 = arith.index_cast %parallel_loop3A_229 : i32 to index
      %parallel_loop3A_246 = arith.constant 0 : index
      %parallel_loop3A_247 = tpu.vector_load %arg23[%parallel_loop3A_245, %parallel_loop3A_246] {strides = array<i32>} : memref<128x32xf32, #tpu.memory_space<vmem>>, vector<16xf32>,
      tpu.vector_store %arg23[%parallel_loop3A_245, %parallel_loop3A_246], %parallel_loop3A_244 {strides = array<i32>} : memref<128x32xf32, #tpu.memory_space<vmem>>, vector<16xf32>,
      %parallel_loop3A_248 = arith.index_cast %parallel_loop3A_229 : i32 to index
      %parallel_loop3A_249 = arith.constant 16 : index
      %parallel_loop3A_250 = tpu.vector_load %arg20[%parallel_loop3A_248, %parallel_loop3A_249] {strides = array<i32>} : memref<128x32xf32, #tpu.memory_space<vmem>>, vector<16xf32>,
      %parallel_loop3A_251 = arith.index_cast %parallel_loop3A_229 : i32 to index
      %parallel_loop3A_252 = arith.constant 16 : index
      %parallel_loop3A_253 = tpu.vector_load %arg21[%parallel_loop3A_251, %parallel_loop3A_252] {strides = array<i32>} : memref<128x32xf32, #tpu.memory_space<vmem>>, vector<16xf32>,
      %parallel_loop3A_254 = vector.broadcast %parallel_loop3A_231 : f32 to vector<16xf32>
      %parallel_loop3A_255 = arith.mulf %parallel_loop3A_250, %parallel_loop3A_254 : vector<16xf32>
      %parallel_loop3A_256 = vector.broadcast %parallel_loop3A_233 : f32 to vector<16xf32>
      %parallel_loop3A_257 = arith.mulf %parallel_loop3A_253, %parallel_loop3A_256 : vector<16xf32>
      %parallel_loop3A_258 = arith.addf %parallel_loop3A_255, %parallel_loop3A_257 : vector<16xf32>
      %parallel_loop3A_259 = arith.index_cast %parallel_loop3A_229 : i32 to index
      %parallel_loop3A_260 = arith.constant 16 : index
      %parallel_loop3A_261 = tpu.vector_load %arg23[%parallel_loop3A_259, %parallel_loop3A_260] {strides = array<i32>} : memref<128x32xf32, #tpu.memory_space<vmem>>, vector<16xf32>,
      tpu.vector_store %arg23[%parallel_loop3A_259, %parallel_loop3A_260], %parallel_loop3A_258 {strides = array<i32>} : memref<128x32xf32, #tpu.memory_space<vmem>>, vector<16xf32>,
      %parallel_loop3A_262 = arith.constant 6 : i32
      %parallel_loop3A_263 = arith.addi %parallel_loop3A_53, %parallel_loop3A_262 : i32
      %parallel_loop3A_264 = vector.extract_strided_slice %parallel_loop3A_55 {offsets = [6], sizes = [1], strides = [1]} : vector<16xf32> to vector<1xf32>
      %parallel_loop3A_265 = vector.extract %parallel_loop3A_264[0] : f32 from vector<1xf32>
      %parallel_loop3A_266 = vector.extract_strided_slice %parallel_loop3A_57 {offsets = [6], sizes = [1], strides = [1]} : vector<16xf32> to vector<1xf32>
      %parallel_loop3A_267 = vector.extract %parallel_loop3A_266[0] : f32 from vector<1xf32>
      %parallel_loop3A_268 = arith.index_cast %parallel_loop3A_263 : i32 to index
      %parallel_loop3A_269 = arith.constant 0 : index
      %parallel_loop3A_270 = tpu.vector_load %arg20[%parallel_loop3A_268, %parallel_loop3A_269] {strides = array<i32>} : memref<128x32xf32, #tpu.memory_space<vmem>>, vector<16xf32>,
      %parallel_loop3A_271 = arith.index_cast %parallel_loop3A_263 : i32 to index
      %parallel_loop3A_272 = arith.constant 0 : index
      %parallel_loop3A_273 = tpu.vector_load %arg21[%parallel_loop3A_271, %parallel_loop3A_272] {strides = array<i32>} : memref<128x32xf32, #tpu.memory_space<vmem>>, vector<16xf32>,
      %parallel_loop3A_274 = vector.broadcast %parallel_loop3A_265 : f32 to vector<16xf32>
      %parallel_loop3A_275 = arith.mulf %parallel_loop3A_270, %parallel_loop3A_274 : vector<16xf32>
      %parallel_loop3A_276 = vector.broadcast %parallel_loop3A_267 : f32 to vector<16xf32>
      %parallel_loop3A_277 = arith.mulf %parallel_loop3A_273, %parallel_loop3A_276 : vector<16xf32>
      %parallel_loop3A_278 = arith.addf %parallel_loop3A_275, %parallel_loop3A_277 : vector<16xf32>
      %parallel_loop3A_279 = arith.index_cast %parallel_loop3A_263 : i32 to index
      %parallel_loop3A_280 = arith.constant 0 : index
      %parallel_loop3A_281 = tpu.vector_load %arg23[%parallel_loop3A_279, %parallel_loop3A_280] {strides = array<i32>} : memref<128x32xf32, #tpu.memory_space<vmem>>, vector<16xf32>,
      tpu.vector_store %arg23[%parallel_loop3A_279, %parallel_loop3A_280], %parallel_loop3A_278 {strides = array<i32>} : memref<128x32xf32, #tpu.memory_space<vmem>>, vector<16xf32>,
      %parallel_loop3A_282 = arith.index_cast %parallel_loop3A_263 : i32 to index
      %parallel_loop3A_283 = arith.constant 16 : index
      %parallel_loop3A_284 = tpu.vector_load %arg20[%parallel_loop3A_282, %parallel_loop3A_283] {strides = array<i32>} : memref<128x32xf32, #tpu.memory_space<vmem>>, vector<16xf32>,
      %parallel_loop3A_285 = arith.index_cast %parallel_loop3A_263 : i32 to index
      %parallel_loop3A_286 = arith.constant 16 : index
      %parallel_loop3A_287 = tpu.vector_load %arg21[%parallel_loop3A_285, %parallel_loop3A_286] {strides = array<i32>} : memref<128x32xf32, #tpu.memory_space<vmem>>, vector<16xf32>,
      %parallel_loop3A_288 = vector.broadcast %parallel_loop3A_265 : f32 to vector<16xf32>
      %parallel_loop3A_289 = arith.mulf %parallel_loop3A_284, %parallel_loop3A_288 : vector<16xf32>
      %parallel_loop3A_290 = vector.broadcast %parallel_loop3A_267 : f32 to vector<16xf32>
      %parallel_loop3A_291 = arith.mulf %parallel_loop3A_287, %parallel_loop3A_290 : vector<16xf32>
      %parallel_loop3A_292 = arith.addf %parallel_loop3A_289, %parallel_loop3A_291 : vector<16xf32>
      %parallel_loop3A_293 = arith.index_cast %parallel_loop3A_263 : i32 to index
      %parallel_loop3A_294 = arith.constant 16 : index
      %parallel_loop3A_295 = tpu.vector_load %arg23[%parallel_loop3A_293, %parallel_loop3A_294] {strides = array<i32>} : memref<128x32xf32, #tpu.memory_space<vmem>>, vector<16xf32>,
      tpu.vector_store %arg23[%parallel_loop3A_293, %parallel_loop3A_294], %parallel_loop3A_292 {strides = array<i32>} : memref<128x32xf32, #tpu.memory_space<vmem>>, vector<16xf32>,
      %parallel_loop3A_296 = arith.constant 7 : i32
      %parallel_loop3A_297 = arith.addi %parallel_loop3A_53, %parallel_loop3A_296 : i32
      %parallel_loop3A_298 = vector.extract_strided_slice %parallel_loop3A_55 {offsets = [7], sizes = [1], strides = [1]} : vector<16xf32> to vector<1xf32>
      %parallel_loop3A_299 = vector.extract %parallel_loop3A_298[0] : f32 from vector<1xf32>
      %parallel_loop3A_300 = vector.extract_strided_slice %parallel_loop3A_57 {offsets = [7], sizes = [1], strides = [1]} : vector<16xf32> to vector<1xf32>
      %parallel_loop3A_301 = vector.extract %parallel_loop3A_300[0] : f32 from vector<1xf32>
      %parallel_loop3A_302 = arith.index_cast %parallel_loop3A_297 : i32 to index
      %parallel_loop3A_303 = arith.constant 0 : index
      %parallel_loop3A_304 = tpu.vector_load %arg20[%parallel_loop3A_302, %parallel_loop3A_303] {strides = array<i32>} : memref<128x32xf32, #tpu.memory_space<vmem>>, vector<16xf32>,
      %parallel_loop3A_305 = arith.index_cast %parallel_loop3A_297 : i32 to index
      %parallel_loop3A_306 = arith.constant 0 : index
      %parallel_loop3A_307 = tpu.vector_load %arg21[%parallel_loop3A_305, %parallel_loop3A_306] {strides = array<i32>} : memref<128x32xf32, #tpu.memory_space<vmem>>, vector<16xf32>,
      %parallel_loop3A_308 = vector.broadcast %parallel_loop3A_299 : f32 to vector<16xf32>
      %parallel_loop3A_309 = arith.mulf %parallel_loop3A_304, %parallel_loop3A_308 : vector<16xf32>
      %parallel_loop3A_310 = vector.broadcast %parallel_loop3A_301 : f32 to vector<16xf32>
      %parallel_loop3A_311 = arith.mulf %parallel_loop3A_307, %parallel_loop3A_310 : vector<16xf32>
      %parallel_loop3A_312 = arith.addf %parallel_loop3A_309, %parallel_loop3A_311 : vector<16xf32>
      %parallel_loop3A_313 = arith.index_cast %parallel_loop3A_297 : i32 to index
      %parallel_loop3A_314 = arith.constant 0 : index
      %parallel_loop3A_315 = tpu.vector_load %arg23[%parallel_loop3A_313, %parallel_loop3A_314] {strides = array<i32>} : memref<128x32xf32, #tpu.memory_space<vmem>>, vector<16xf32>,
      tpu.vector_store %arg23[%parallel_loop3A_313, %parallel_loop3A_314], %parallel_loop3A_312 {strides = array<i32>} : memref<128x32xf32, #tpu.memory_space<vmem>>, vector<16xf32>,
      %parallel_loop3A_316 = arith.index_cast %parallel_loop3A_297 : i32 to index
      %parallel_loop3A_317 = arith.constant 16 : index
      %parallel_loop3A_318 = tpu.vector_load %arg20[%parallel_loop3A_316, %parallel_loop3A_317] {strides = array<i32>} : memref<128x32xf32, #tpu.memory_space<vmem>>, vector<16xf32>,
      %parallel_loop3A_319 = arith.index_cast %parallel_loop3A_297 : i32 to index
      %parallel_loop3A_320 = arith.constant 16 : index
      %parallel_loop3A_321 = tpu.vector_load %arg21[%parallel_loop3A_319, %parallel_loop3A_320] {strides = array<i32>} : memref<128x32xf32, #tpu.memory_space<vmem>>, vector<16xf32>,
      %parallel_loop3A_322 = vector.broadcast %parallel_loop3A_299 : f32 to vector<16xf32>
      %parallel_loop3A_323 = arith.mulf %parallel_loop3A_318, %parallel_loop3A_322 : vector<16xf32>
      %parallel_loop3A_324 = vector.broadcast %parallel_loop3A_301 : f32 to vector<16xf32>
      %parallel_loop3A_325 = arith.mulf %parallel_loop3A_321, %parallel_loop3A_324 : vector<16xf32>
      %parallel_loop3A_326 = arith.addf %parallel_loop3A_323, %parallel_loop3A_325 : vector<16xf32>
      %parallel_loop3A_327 = arith.index_cast %parallel_loop3A_297 : i32 to index
      %parallel_loop3A_328 = arith.constant 16 : index
      %parallel_loop3A_329 = tpu.vector_load %arg23[%parallel_loop3A_327, %parallel_loop3A_328] {strides = array<i32>} : memref<128x32xf32, #tpu.memory_space<vmem>>, vector<16xf32>,
      tpu.vector_store %arg23[%parallel_loop3A_327, %parallel_loop3A_328], %parallel_loop3A_326 {strides = array<i32>} : memref<128x32xf32, #tpu.memory_space<vmem>>, vector<16xf32>,
      %parallel_loop3A_330 = arith.constant 8 : i32
      %parallel_loop3A_331 = arith.addi %parallel_loop3A_53, %parallel_loop3A_330 : i32
      %parallel_loop3A_332 = vector.extract_strided_slice %parallel_loop3A_55 {offsets = [8], sizes = [1], strides = [1]} : vector<16xf32> to vector<1xf32>
      %parallel_loop3A_333 = vector.extract %parallel_loop3A_332[0] : f32 from vector<1xf32>
      %parallel_loop3A_334 = vector.extract_strided_slice %parallel_loop3A_57 {offsets = [8], sizes = [1], strides = [1]} : vector<16xf32> to vector<1xf32>
      %parallel_loop3A_335 = vector.extract %parallel_loop3A_334[0] : f32 from vector<1xf32>
      %parallel_loop3A_336 = arith.index_cast %parallel_loop3A_331 : i32 to index
      %parallel_loop3A_337 = arith.constant 0 : index
      %parallel_loop3A_338 = tpu.vector_load %arg20[%parallel_loop3A_336, %parallel_loop3A_337] {strides = array<i32>} : memref<128x32xf32, #tpu.memory_space<vmem>>, vector<16xf32>,
      %parallel_loop3A_339 = arith.index_cast %parallel_loop3A_331 : i32 to index
      %parallel_loop3A_340 = arith.constant 0 : index
      %parallel_loop3A_341 = tpu.vector_load %arg21[%parallel_loop3A_339, %parallel_loop3A_340] {strides = array<i32>} : memref<128x32xf32, #tpu.memory_space<vmem>>, vector<16xf32>,
      %parallel_loop3A_342 = vector.broadcast %parallel_loop3A_333 : f32 to vector<16xf32>
      %parallel_loop3A_343 = arith.mulf %parallel_loop3A_338, %parallel_loop3A_342 : vector<16xf32>
      %parallel_loop3A_344 = vector.broadcast %parallel_loop3A_335 : f32 to vector<16xf32>
      %parallel_loop3A_345 = arith.mulf %parallel_loop3A_341, %parallel_loop3A_344 : vector<16xf32>
      %parallel_loop3A_346 = arith.addf %parallel_loop3A_343, %parallel_loop3A_345 : vector<16xf32>
      %parallel_loop3A_347 = arith.index_cast %parallel_loop3A_331 : i32 to index
      %parallel_loop3A_348 = arith.constant 0 : index
      %parallel_loop3A_349 = tpu.vector_load %arg23[%parallel_loop3A_347, %parallel_loop3A_348] {strides = array<i32>} : memref<128x32xf32, #tpu.memory_space<vmem>>, vector<16xf32>,
      tpu.vector_store %arg23[%parallel_loop3A_347, %parallel_loop3A_348], %parallel_loop3A_346 {strides = array<i32>} : memref<128x32xf32, #tpu.memory_space<vmem>>, vector<16xf32>,
      %parallel_loop3A_350 = arith.index_cast %parallel_loop3A_331 : i32 to index
      %parallel_loop3A_351 = arith.constant 16 : index
      %parallel_loop3A_352 = tpu.vector_load %arg20[%parallel_loop3A_350, %parallel_loop3A_351] {strides = array<i32>} : memref<128x32xf32, #tpu.memory_space<vmem>>, vector<16xf32>,
      %parallel_loop3A_353 = arith.index_cast %parallel_loop3A_331 : i32 to index
      %parallel_loop3A_354 = arith.constant 16 : index
      %parallel_loop3A_355 = tpu.vector_load %arg21[%parallel_loop3A_353, %parallel_loop3A_354] {strides = array<i32>} : memref<128x32xf32, #tpu.memory_space<vmem>>, vector<16xf32>,
      %parallel_loop3A_356 = vector.broadcast %parallel_loop3A_333 : f32 to vector<16xf32>
      %parallel_loop3A_357 = arith.mulf %parallel_loop3A_352, %parallel_loop3A_356 : vector<16xf32>
      %parallel_loop3A_358 = vector.broadcast %parallel_loop3A_335 : f32 to vector<16xf32>
      %parallel_loop3A_359 = arith.mulf %parallel_loop3A_355, %parallel_loop3A_358 : vector<16xf32>
      %parallel_loop3A_360 = arith.addf %parallel_loop3A_357, %parallel_loop3A_359 : vector<16xf32>
      %parallel_loop3A_361 = arith.index_cast %parallel_loop3A_331 : i32 to index
      %parallel_loop3A_362 = arith.constant 16 : index
      %parallel_loop3A_363 = tpu.vector_load %arg23[%parallel_loop3A_361, %parallel_loop3A_362] {strides = array<i32>} : memref<128x32xf32, #tpu.memory_space<vmem>>, vector<16xf32>,
      tpu.vector_store %arg23[%parallel_loop3A_361, %parallel_loop3A_362], %parallel_loop3A_360 {strides = array<i32>} : memref<128x32xf32, #tpu.memory_space<vmem>>, vector<16xf32>,
      %parallel_loop3A_364 = arith.constant 9 : i32
      %parallel_loop3A_365 = arith.addi %parallel_loop3A_53, %parallel_loop3A_364 : i32
      %parallel_loop3A_366 = vector.extract_strided_slice %parallel_loop3A_55 {offsets = [9], sizes = [1], strides = [1]} : vector<16xf32> to vector<1xf32>
      %parallel_loop3A_367 = vector.extract %parallel_loop3A_366[0] : f32 from vector<1xf32>
      %parallel_loop3A_368 = vector.extract_strided_slice %parallel_loop3A_57 {offsets = [9], sizes = [1], strides = [1]} : vector<16xf32> to vector<1xf32>
      %parallel_loop3A_369 = vector.extract %parallel_loop3A_368[0] : f32 from vector<1xf32>
      %parallel_loop3A_370 = arith.index_cast %parallel_loop3A_365 : i32 to index
      %parallel_loop3A_371 = arith.constant 0 : index
      %parallel_loop3A_372 = tpu.vector_load %arg20[%parallel_loop3A_370, %parallel_loop3A_371] {strides = array<i32>} : memref<128x32xf32, #tpu.memory_space<vmem>>, vector<16xf32>,
      %parallel_loop3A_373 = arith.index_cast %parallel_loop3A_365 : i32 to index
      %parallel_loop3A_374 = arith.constant 0 : index
      %parallel_loop3A_375 = tpu.vector_load %arg21[%parallel_loop3A_373, %parallel_loop3A_374] {strides = array<i32>} : memref<128x32xf32, #tpu.memory_space<vmem>>, vector<16xf32>,
      %parallel_loop3A_376 = vector.broadcast %parallel_loop3A_367 : f32 to vector<16xf32>
      %parallel_loop3A_377 = arith.mulf %parallel_loop3A_372, %parallel_loop3A_376 : vector<16xf32>
      %parallel_loop3A_378 = vector.broadcast %parallel_loop3A_369 : f32 to vector<16xf32>
      %parallel_loop3A_379 = arith.mulf %parallel_loop3A_375, %parallel_loop3A_378 : vector<16xf32>
      %parallel_loop3A_380 = arith.addf %parallel_loop3A_377, %parallel_loop3A_379 : vector<16xf32>
      %parallel_loop3A_381 = arith.index_cast %parallel_loop3A_365 : i32 to index
      %parallel_loop3A_382 = arith.constant 0 : index
      %parallel_loop3A_383 = tpu.vector_load %arg23[%parallel_loop3A_381, %parallel_loop3A_382] {strides = array<i32>} : memref<128x32xf32, #tpu.memory_space<vmem>>, vector<16xf32>,
      tpu.vector_store %arg23[%parallel_loop3A_381, %parallel_loop3A_382], %parallel_loop3A_380 {strides = array<i32>} : memref<128x32xf32, #tpu.memory_space<vmem>>, vector<16xf32>,
      %parallel_loop3A_384 = arith.index_cast %parallel_loop3A_365 : i32 to index
      %parallel_loop3A_385 = arith.constant 16 : index
      %parallel_loop3A_386 = tpu.vector_load %arg20[%parallel_loop3A_384, %parallel_loop3A_385] {strides = array<i32>} : memref<128x32xf32, #tpu.memory_space<vmem>>, vector<16xf32>,
      %parallel_loop3A_387 = arith.index_cast %parallel_loop3A_365 : i32 to index
      %parallel_loop3A_388 = arith.constant 16 : index
      %parallel_loop3A_389 = tpu.vector_load %arg21[%parallel_loop3A_387, %parallel_loop3A_388] {strides = array<i32>} : memref<128x32xf32, #tpu.memory_space<vmem>>, vector<16xf32>,
      %parallel_loop3A_390 = vector.broadcast %parallel_loop3A_367 : f32 to vector<16xf32>
      %parallel_loop3A_391 = arith.mulf %parallel_loop3A_386, %parallel_loop3A_390 : vector<16xf32>
      %parallel_loop3A_392 = vector.broadcast %parallel_loop3A_369 : f32 to vector<16xf32>
      %parallel_loop3A_393 = arith.mulf %parallel_loop3A_389, %parallel_loop3A_392 : vector<16xf32>
      %parallel_loop3A_394 = arith.addf %parallel_loop3A_391, %parallel_loop3A_393 : vector<16xf32>
      %parallel_loop3A_395 = arith.index_cast %parallel_loop3A_365 : i32 to index
      %parallel_loop3A_396 = arith.constant 16 : index
      %parallel_loop3A_397 = tpu.vector_load %arg23[%parallel_loop3A_395, %parallel_loop3A_396] {strides = array<i32>} : memref<128x32xf32, #tpu.memory_space<vmem>>, vector<16xf32>,
      tpu.vector_store %arg23[%parallel_loop3A_395, %parallel_loop3A_396], %parallel_loop3A_394 {strides = array<i32>} : memref<128x32xf32, #tpu.memory_space<vmem>>, vector<16xf32>,
      %parallel_loop3A_398 = arith.constant 10 : i32
      %parallel_loop3A_399 = arith.addi %parallel_loop3A_53, %parallel_loop3A_398 : i32
      %parallel_loop3A_400 = vector.extract_strided_slice %parallel_loop3A_55 {offsets = [10], sizes = [1], strides = [1]} : vector<16xf32> to vector<1xf32>
      %parallel_loop3A_401 = vector.extract %parallel_loop3A_400[0] : f32 from vector<1xf32>
      %parallel_loop3A_402 = vector.extract_strided_slice %parallel_loop3A_57 {offsets = [10], sizes = [1], strides = [1]} : vector<16xf32> to vector<1xf32>
      %parallel_loop3A_403 = vector.extract %parallel_loop3A_402[0] : f32 from vector<1xf32>
      %parallel_loop3A_404 = arith.index_cast %parallel_loop3A_399 : i32 to index
      %parallel_loop3A_405 = arith.constant 0 : index
      %parallel_loop3A_406 = tpu.vector_load %arg20[%parallel_loop3A_404, %parallel_loop3A_405] {strides = array<i32>} : memref<128x32xf32, #tpu.memory_space<vmem>>, vector<16xf32>,
      %parallel_loop3A_407 = arith.index_cast %parallel_loop3A_399 : i32 to index
      %parallel_loop3A_408 = arith.constant 0 : index
      %parallel_loop3A_409 = tpu.vector_load %arg21[%parallel_loop3A_407, %parallel_loop3A_408] {strides = array<i32>} : memref<128x32xf32, #tpu.memory_space<vmem>>, vector<16xf32>,
      %parallel_loop3A_410 = vector.broadcast %parallel_loop3A_401 : f32 to vector<16xf32>
      %parallel_loop3A_411 = arith.mulf %parallel_loop3A_406, %parallel_loop3A_410 : vector<16xf32>
      %parallel_loop3A_412 = vector.broadcast %parallel_loop3A_403 : f32 to vector<16xf32>
      %parallel_loop3A_413 = arith.mulf %parallel_loop3A_409, %parallel_loop3A_412 : vector<16xf32>
      %parallel_loop3A_414 = arith.addf %parallel_loop3A_411, %parallel_loop3A_413 : vector<16xf32>
      %parallel_loop3A_415 = arith.index_cast %parallel_loop3A_399 : i32 to index
      %parallel_loop3A_416 = arith.constant 0 : index
      %parallel_loop3A_417 = tpu.vector_load %arg23[%parallel_loop3A_415, %parallel_loop3A_416] {strides = array<i32>} : memref<128x32xf32, #tpu.memory_space<vmem>>, vector<16xf32>,
      tpu.vector_store %arg23[%parallel_loop3A_415, %parallel_loop3A_416], %parallel_loop3A_414 {strides = array<i32>} : memref<128x32xf32, #tpu.memory_space<vmem>>, vector<16xf32>,
      %parallel_loop3A_418 = arith.index_cast %parallel_loop3A_399 : i32 to index
      %parallel_loop3A_419 = arith.constant 16 : index
      %parallel_loop3A_420 = tpu.vector_load %arg20[%parallel_loop3A_418, %parallel_loop3A_419] {strides = array<i32>} : memref<128x32xf32, #tpu.memory_space<vmem>>, vector<16xf32>,
      %parallel_loop3A_421 = arith.index_cast %parallel_loop3A_399 : i32 to index
      %parallel_loop3A_422 = arith.constant 16 : index
      %parallel_loop3A_423 = tpu.vector_load %arg21[%parallel_loop3A_421, %parallel_loop3A_422] {strides = array<i32>} : memref<128x32xf32, #tpu.memory_space<vmem>>, vector<16xf32>,
      %parallel_loop3A_424 = vector.broadcast %parallel_loop3A_401 : f32 to vector<16xf32>
      %parallel_loop3A_425 = arith.mulf %parallel_loop3A_420, %parallel_loop3A_424 : vector<16xf32>
      %parallel_loop3A_426 = vector.broadcast %parallel_loop3A_403 : f32 to vector<16xf32>
      %parallel_loop3A_427 = arith.mulf %parallel_loop3A_423, %parallel_loop3A_426 : vector<16xf32>
      %parallel_loop3A_428 = arith.addf %parallel_loop3A_425, %parallel_loop3A_427 : vector<16xf32>
      %parallel_loop3A_429 = arith.index_cast %parallel_loop3A_399 : i32 to index
      %parallel_loop3A_430 = arith.constant 16 : index
      %parallel_loop3A_431 = tpu.vector_load %arg23[%parallel_loop3A_429, %parallel_loop3A_430] {strides = array<i32>} : memref<128x32xf32, #tpu.memory_space<vmem>>, vector<16xf32>,
      tpu.vector_store %arg23[%parallel_loop3A_429, %parallel_loop3A_430], %parallel_loop3A_428 {strides = array<i32>} : memref<128x32xf32, #tpu.memory_space<vmem>>, vector<16xf32>,
      %parallel_loop3A_432 = arith.constant 11 : i32
      %parallel_loop3A_433 = arith.addi %parallel_loop3A_53, %parallel_loop3A_432 : i32
      %parallel_loop3A_434 = vector.extract_strided_slice %parallel_loop3A_55 {offsets = [11], sizes = [1], strides = [1]} : vector<16xf32> to vector<1xf32>
      %parallel_loop3A_435 = vector.extract %parallel_loop3A_434[0] : f32 from vector<1xf32>
      %parallel_loop3A_436 = vector.extract_strided_slice %parallel_loop3A_57 {offsets = [11], sizes = [1], strides = [1]} : vector<16xf32> to vector<1xf32>
      %parallel_loop3A_437 = vector.extract %parallel_loop3A_436[0] : f32 from vector<1xf32>
      %parallel_loop3A_438 = arith.index_cast %parallel_loop3A_433 : i32 to index
      %parallel_loop3A_439 = arith.constant 0 : index
      %parallel_loop3A_440 = tpu.vector_load %arg20[%parallel_loop3A_438, %parallel_loop3A_439] {strides = array<i32>} : memref<128x32xf32, #tpu.memory_space<vmem>>, vector<16xf32>,
      %parallel_loop3A_441 = arith.index_cast %parallel_loop3A_433 : i32 to index
      %parallel_loop3A_442 = arith.constant 0 : index
      %parallel_loop3A_443 = tpu.vector_load %arg21[%parallel_loop3A_441, %parallel_loop3A_442] {strides = array<i32>} : memref<128x32xf32, #tpu.memory_space<vmem>>, vector<16xf32>,
      %parallel_loop3A_444 = vector.broadcast %parallel_loop3A_435 : f32 to vector<16xf32>
      %parallel_loop3A_445 = arith.mulf %parallel_loop3A_440, %parallel_loop3A_444 : vector<16xf32>
      %parallel_loop3A_446 = vector.broadcast %parallel_loop3A_437 : f32 to vector<16xf32>
      %parallel_loop3A_447 = arith.mulf %parallel_loop3A_443, %parallel_loop3A_446 : vector<16xf32>
      %parallel_loop3A_448 = arith.addf %parallel_loop3A_445, %parallel_loop3A_447 : vector<16xf32>
      %parallel_loop3A_449 = arith.index_cast %parallel_loop3A_433 : i32 to index
      %parallel_loop3A_450 = arith.constant 0 : index
      %parallel_loop3A_451 = tpu.vector_load %arg23[%parallel_loop3A_449, %parallel_loop3A_450] {strides = array<i32>} : memref<128x32xf32, #tpu.memory_space<vmem>>, vector<16xf32>,
      tpu.vector_store %arg23[%parallel_loop3A_449, %parallel_loop3A_450], %parallel_loop3A_448 {strides = array<i32>} : memref<128x32xf32, #tpu.memory_space<vmem>>, vector<16xf32>,
      %parallel_loop3A_452 = arith.index_cast %parallel_loop3A_433 : i32 to index
      %parallel_loop3A_453 = arith.constant 16 : index
      %parallel_loop3A_454 = tpu.vector_load %arg20[%parallel_loop3A_452, %parallel_loop3A_453] {strides = array<i32>} : memref<128x32xf32, #tpu.memory_space<vmem>>, vector<16xf32>,
      %parallel_loop3A_455 = arith.index_cast %parallel_loop3A_433 : i32 to index
      %parallel_loop3A_456 = arith.constant 16 : index
      %parallel_loop3A_457 = tpu.vector_load %arg21[%parallel_loop3A_455, %parallel_loop3A_456] {strides = array<i32>} : memref<128x32xf32, #tpu.memory_space<vmem>>, vector<16xf32>,
      %parallel_loop3A_458 = vector.broadcast %parallel_loop3A_435 : f32 to vector<16xf32>
      %parallel_loop3A_459 = arith.mulf %parallel_loop3A_454, %parallel_loop3A_458 : vector<16xf32>
      %parallel_loop3A_460 = vector.broadcast %parallel_loop3A_437 : f32 to vector<16xf32>
      %parallel_loop3A_461 = arith.mulf %parallel_loop3A_457, %parallel_loop3A_460 : vector<16xf32>
      %parallel_loop3A_462 = arith.addf %parallel_loop3A_459, %parallel_loop3A_461 : vector<16xf32>
      %parallel_loop3A_463 = arith.index_cast %parallel_loop3A_433 : i32 to index
      %parallel_loop3A_464 = arith.constant 16 : index
      %parallel_loop3A_465 = tpu.vector_load %arg23[%parallel_loop3A_463, %parallel_loop3A_464] {strides = array<i32>} : memref<128x32xf32, #tpu.memory_space<vmem>>, vector<16xf32>,
      tpu.vector_store %arg23[%parallel_loop3A_463, %parallel_loop3A_464], %parallel_loop3A_462 {strides = array<i32>} : memref<128x32xf32, #tpu.memory_space<vmem>>, vector<16xf32>,
      %parallel_loop3A_466 = arith.constant 12 : i32
      %parallel_loop3A_467 = arith.addi %parallel_loop3A_53, %parallel_loop3A_466 : i32
      %parallel_loop3A_468 = vector.extract_strided_slice %parallel_loop3A_55 {offsets = [12], sizes = [1], strides = [1]} : vector<16xf32> to vector<1xf32>
      %parallel_loop3A_469 = vector.extract %parallel_loop3A_468[0] : f32 from vector<1xf32>
      %parallel_loop3A_470 = vector.extract_strided_slice %parallel_loop3A_57 {offsets = [12], sizes = [1], strides = [1]} : vector<16xf32> to vector<1xf32>
      %parallel_loop3A_471 = vector.extract %parallel_loop3A_470[0] : f32 from vector<1xf32>
      %parallel_loop3A_472 = arith.index_cast %parallel_loop3A_467 : i32 to index
      %parallel_loop3A_473 = arith.constant 0 : index
      %parallel_loop3A_474 = tpu.vector_load %arg20[%parallel_loop3A_472, %parallel_loop3A_473] {strides = array<i32>} : memref<128x32xf32, #tpu.memory_space<vmem>>, vector<16xf32>,
      %parallel_loop3A_475 = arith.index_cast %parallel_loop3A_467 : i32 to index
      %parallel_loop3A_476 = arith.constant 0 : index
      %parallel_loop3A_477 = tpu.vector_load %arg21[%parallel_loop3A_475, %parallel_loop3A_476] {strides = array<i32>} : memref<128x32xf32, #tpu.memory_space<vmem>>, vector<16xf32>,
      %parallel_loop3A_478 = vector.broadcast %parallel_loop3A_469 : f32 to vector<16xf32>
      %parallel_loop3A_479 = arith.mulf %parallel_loop3A_474, %parallel_loop3A_478 : vector<16xf32>
      %parallel_loop3A_480 = vector.broadcast %parallel_loop3A_471 : f32 to vector<16xf32>
      %parallel_loop3A_481 = arith.mulf %parallel_loop3A_477, %parallel_loop3A_480 : vector<16xf32>
      %parallel_loop3A_482 = arith.addf %parallel_loop3A_479, %parallel_loop3A_481 : vector<16xf32>
      %parallel_loop3A_483 = arith.index_cast %parallel_loop3A_467 : i32 to index
      %parallel_loop3A_484 = arith.constant 0 : index
      %parallel_loop3A_485 = tpu.vector_load %arg23[%parallel_loop3A_483, %parallel_loop3A_484] {strides = array<i32>} : memref<128x32xf32, #tpu.memory_space<vmem>>, vector<16xf32>,
      tpu.vector_store %arg23[%parallel_loop3A_483, %parallel_loop3A_484], %parallel_loop3A_482 {strides = array<i32>} : memref<128x32xf32, #tpu.memory_space<vmem>>, vector<16xf32>,
      %parallel_loop3A_486 = arith.index_cast %parallel_loop3A_467 : i32 to index
      %parallel_loop3A_487 = arith.constant 16 : index
      %parallel_loop3A_488 = tpu.vector_load %arg20[%parallel_loop3A_486, %parallel_loop3A_487] {strides = array<i32>} : memref<128x32xf32, #tpu.memory_space<vmem>>, vector<16xf32>,
      %parallel_loop3A_489 = arith.index_cast %parallel_loop3A_467 : i32 to index
      %parallel_loop3A_490 = arith.constant 16 : index
      %parallel_loop3A_491 = tpu.vector_load %arg21[%parallel_loop3A_489, %parallel_loop3A_490] {strides = array<i32>} : memref<128x32xf32, #tpu.memory_space<vmem>>, vector<16xf32>,
      %parallel_loop3A_492 = vector.broadcast %parallel_loop3A_469 : f32 to vector<16xf32>
      %parallel_loop3A_493 = arith.mulf %parallel_loop3A_488, %parallel_loop3A_492 : vector<16xf32>
      %parallel_loop3A_494 = vector.broadcast %parallel_loop3A_471 : f32 to vector<16xf32>
      %parallel_loop3A_495 = arith.mulf %parallel_loop3A_491, %parallel_loop3A_494 : vector<16xf32>
      %parallel_loop3A_496 = arith.addf %parallel_loop3A_493, %parallel_loop3A_495 : vector<16xf32>
      %parallel_loop3A_497 = arith.index_cast %parallel_loop3A_467 : i32 to index
      %parallel_loop3A_498 = arith.constant 16 : index
      %parallel_loop3A_499 = tpu.vector_load %arg23[%parallel_loop3A_497, %parallel_loop3A_498] {strides = array<i32>} : memref<128x32xf32, #tpu.memory_space<vmem>>, vector<16xf32>,
      tpu.vector_store %arg23[%parallel_loop3A_497, %parallel_loop3A_498], %parallel_loop3A_496 {strides = array<i32>} : memref<128x32xf32, #tpu.memory_space<vmem>>, vector<16xf32>,
      %parallel_loop3A_500 = arith.constant 13 : i32
      %parallel_loop3A_501 = arith.addi %parallel_loop3A_53, %parallel_loop3A_500 : i32
      %parallel_loop3A_502 = vector.extract_strided_slice %parallel_loop3A_55 {offsets = [13], sizes = [1], strides = [1]} : vector<16xf32> to vector<1xf32>
      %parallel_loop3A_503 = vector.extract %parallel_loop3A_502[0] : f32 from vector<1xf32>
      %parallel_loop3A_504 = vector.extract_strided_slice %parallel_loop3A_57 {offsets = [13], sizes = [1], strides = [1]} : vector<16xf32> to vector<1xf32>
      %parallel_loop3A_505 = vector.extract %parallel_loop3A_504[0] : f32 from vector<1xf32>
      %parallel_loop3A_506 = arith.index_cast %parallel_loop3A_501 : i32 to index
      %parallel_loop3A_507 = arith.constant 0 : index
      %parallel_loop3A_508 = tpu.vector_load %arg20[%parallel_loop3A_506, %parallel_loop3A_507] {strides = array<i32>} : memref<128x32xf32, #tpu.memory_space<vmem>>, vector<16xf32>,
      %parallel_loop3A_509 = arith.index_cast %parallel_loop3A_501 : i32 to index
      %parallel_loop3A_510 = arith.constant 0 : index
      %parallel_loop3A_511 = tpu.vector_load %arg21[%parallel_loop3A_509, %parallel_loop3A_510] {strides = array<i32>} : memref<128x32xf32, #tpu.memory_space<vmem>>, vector<16xf32>,
      %parallel_loop3A_512 = vector.broadcast %parallel_loop3A_503 : f32 to vector<16xf32>
      %parallel_loop3A_513 = arith.mulf %parallel_loop3A_508, %parallel_loop3A_512 : vector<16xf32>
      %parallel_loop3A_514 = vector.broadcast %parallel_loop3A_505 : f32 to vector<16xf32>
      %parallel_loop3A_515 = arith.mulf %parallel_loop3A_511, %parallel_loop3A_514 : vector<16xf32>
      %parallel_loop3A_516 = arith.addf %parallel_loop3A_513, %parallel_loop3A_515 : vector<16xf32>
      %parallel_loop3A_517 = arith.index_cast %parallel_loop3A_501 : i32 to index
      %parallel_loop3A_518 = arith.constant 0 : index
      %parallel_loop3A_519 = tpu.vector_load %arg23[%parallel_loop3A_517, %parallel_loop3A_518] {strides = array<i32>} : memref<128x32xf32, #tpu.memory_space<vmem>>, vector<16xf32>,
      tpu.vector_store %arg23[%parallel_loop3A_517, %parallel_loop3A_518], %parallel_loop3A_516 {strides = array<i32>} : memref<128x32xf32, #tpu.memory_space<vmem>>, vector<16xf32>,
      %parallel_loop3A_520 = arith.index_cast %parallel_loop3A_501 : i32 to index
      %parallel_loop3A_521 = arith.constant 16 : index
      %parallel_loop3A_522 = tpu.vector_load %arg20[%parallel_loop3A_520, %parallel_loop3A_521] {strides = array<i32>} : memref<128x32xf32, #tpu.memory_space<vmem>>, vector<16xf32>,
      %parallel_loop3A_523 = arith.index_cast %parallel_loop3A_501 : i32 to index
      %parallel_loop3A_524 = arith.constant 16 : index
      %parallel_loop3A_525 = tpu.vector_load %arg21[%parallel_loop3A_523, %parallel_loop3A_524] {strides = array<i32>} : memref<128x32xf32, #tpu.memory_space<vmem>>, vector<16xf32>,
      %parallel_loop3A_526 = vector.broadcast %parallel_loop3A_503 : f32 to vector<16xf32>
      %parallel_loop3A_527 = arith.mulf %parallel_loop3A_522, %parallel_loop3A_526 : vector<16xf32>
      %parallel_loop3A_528 = vector.broadcast %parallel_loop3A_505 : f32 to vector<16xf32>
      %parallel_loop3A_529 = arith.mulf %parallel_loop3A_525, %parallel_loop3A_528 : vector<16xf32>
      %parallel_loop3A_530 = arith.addf %parallel_loop3A_527, %parallel_loop3A_529 : vector<16xf32>
      %parallel_loop3A_531 = arith.index_cast %parallel_loop3A_501 : i32 to index
      %parallel_loop3A_532 = arith.constant 16 : index
      %parallel_loop3A_533 = tpu.vector_load %arg23[%parallel_loop3A_531, %parallel_loop3A_532] {strides = array<i32>} : memref<128x32xf32, #tpu.memory_space<vmem>>, vector<16xf32>,
      tpu.vector_store %arg23[%parallel_loop3A_531, %parallel_loop3A_532], %parallel_loop3A_530 {strides = array<i32>} : memref<128x32xf32, #tpu.memory_space<vmem>>, vector<16xf32>,
      %parallel_loop3A_534 = arith.constant 14 : i32
      %parallel_loop3A_535 = arith.addi %parallel_loop3A_53, %parallel_loop3A_534 : i32
      %parallel_loop3A_536 = vector.extract_strided_slice %parallel_loop3A_55 {offsets = [14], sizes = [1], strides = [1]} : vector<16xf32> to vector<1xf32>
      %parallel_loop3A_537 = vector.extract %parallel_loop3A_536[0] : f32 from vector<1xf32>
      %parallel_loop3A_538 = vector.extract_strided_slice %parallel_loop3A_57 {offsets = [14], sizes = [1], strides = [1]} : vector<16xf32> to vector<1xf32>
      %parallel_loop3A_539 = vector.extract %parallel_loop3A_538[0] : f32 from vector<1xf32>
      %parallel_loop3A_540 = arith.index_cast %parallel_loop3A_535 : i32 to index
      %parallel_loop3A_541 = arith.constant 0 : index
      %parallel_loop3A_542 = tpu.vector_load %arg20[%parallel_loop3A_540, %parallel_loop3A_541] {strides = array<i32>} : memref<128x32xf32, #tpu.memory_space<vmem>>, vector<16xf32>,
      %parallel_loop3A_543 = arith.index_cast %parallel_loop3A_535 : i32 to index
      %parallel_loop3A_544 = arith.constant 0 : index
      %parallel_loop3A_545 = tpu.vector_load %arg21[%parallel_loop3A_543, %parallel_loop3A_544] {strides = array<i32>} : memref<128x32xf32, #tpu.memory_space<vmem>>, vector<16xf32>,
      %parallel_loop3A_546 = vector.broadcast %parallel_loop3A_537 : f32 to vector<16xf32>
      %parallel_loop3A_547 = arith.mulf %parallel_loop3A_542, %parallel_loop3A_546 : vector<16xf32>
      %parallel_loop3A_548 = vector.broadcast %parallel_loop3A_539 : f32 to vector<16xf32>
      %parallel_loop3A_549 = arith.mulf %parallel_loop3A_545, %parallel_loop3A_548 : vector<16xf32>
      %parallel_loop3A_550 = arith.addf %parallel_loop3A_547, %parallel_loop3A_549 : vector<16xf32>
      %parallel_loop3A_551 = arith.index_cast %parallel_loop3A_535 : i32 to index
      %parallel_loop3A_552 = arith.constant 0 : index
      %parallel_loop3A_553 = tpu.vector_load %arg23[%parallel_loop3A_551, %parallel_loop3A_552] {strides = array<i32>} : memref<128x32xf32, #tpu.memory_space<vmem>>, vector<16xf32>,
      tpu.vector_store %arg23[%parallel_loop3A_551, %parallel_loop3A_552], %parallel_loop3A_550 {strides = array<i32>} : memref<128x32xf32, #tpu.memory_space<vmem>>, vector<16xf32>,
      %parallel_loop3A_554 = arith.index_cast %parallel_loop3A_535 : i32 to index
      %parallel_loop3A_555 = arith.constant 16 : index
      %parallel_loop3A_556 = tpu.vector_load %arg20[%parallel_loop3A_554, %parallel_loop3A_555] {strides = array<i32>} : memref<128x32xf32, #tpu.memory_space<vmem>>, vector<16xf32>,
      %parallel_loop3A_557 = arith.index_cast %parallel_loop3A_535 : i32 to index
      %parallel_loop3A_558 = arith.constant 16 : index
      %parallel_loop3A_559 = tpu.vector_load %arg21[%parallel_loop3A_557, %parallel_loop3A_558] {strides = array<i32>} : memref<128x32xf32, #tpu.memory_space<vmem>>, vector<16xf32>,
      %parallel_loop3A_560 = vector.broadcast %parallel_loop3A_537 : f32 to vector<16xf32>
      %parallel_loop3A_561 = arith.mulf %parallel_loop3A_556, %parallel_loop3A_560 : vector<16xf32>
      %parallel_loop3A_562 = vector.broadcast %parallel_loop3A_539 : f32 to vector<16xf32>
      %parallel_loop3A_563 = arith.mulf %parallel_loop3A_559, %parallel_loop3A_562 : vector<16xf32>
      %parallel_loop3A_564 = arith.addf %parallel_loop3A_561, %parallel_loop3A_563 : vector<16xf32>
      %parallel_loop3A_565 = arith.index_cast %parallel_loop3A_535 : i32 to index
      %parallel_loop3A_566 = arith.constant 16 : index
      %parallel_loop3A_567 = tpu.vector_load %arg23[%parallel_loop3A_565, %parallel_loop3A_566] {strides = array<i32>} : memref<128x32xf32, #tpu.memory_space<vmem>>, vector<16xf32>,
      tpu.vector_store %arg23[%parallel_loop3A_565, %parallel_loop3A_566], %parallel_loop3A_564 {strides = array<i32>} : memref<128x32xf32, #tpu.memory_space<vmem>>, vector<16xf32>,
      %parallel_loop3A_568 = arith.constant 15 : i32
      %parallel_loop3A_569 = arith.addi %parallel_loop3A_53, %parallel_loop3A_568 : i32
      %parallel_loop3A_570 = vector.extract_strided_slice %parallel_loop3A_55 {offsets = [15], sizes = [1], strides = [1]} : vector<16xf32> to vector<1xf32>
      %parallel_loop3A_571 = vector.extract %parallel_loop3A_570[0] : f32 from vector<1xf32>
      %parallel_loop3A_572 = vector.extract_strided_slice %parallel_loop3A_57 {offsets = [15], sizes = [1], strides = [1]} : vector<16xf32> to vector<1xf32>
      %parallel_loop3A_573 = vector.extract %parallel_loop3A_572[0] : f32 from vector<1xf32>
      %parallel_loop3A_574 = arith.index_cast %parallel_loop3A_569 : i32 to index
      %parallel_loop3A_575 = arith.constant 0 : index
      %parallel_loop3A_576 = tpu.vector_load %arg20[%parallel_loop3A_574, %parallel_loop3A_575] {strides = array<i32>} : memref<128x32xf32, #tpu.memory_space<vmem>>, vector<16xf32>,
      %parallel_loop3A_577 = arith.index_cast %parallel_loop3A_569 : i32 to index
      %parallel_loop3A_578 = arith.constant 0 : index
      %parallel_loop3A_579 = tpu.vector_load %arg21[%parallel_loop3A_577, %parallel_loop3A_578] {strides = array<i32>} : memref<128x32xf32, #tpu.memory_space<vmem>>, vector<16xf32>,
      %parallel_loop3A_580 = vector.broadcast %parallel_loop3A_571 : f32 to vector<16xf32>
      %parallel_loop3A_581 = arith.mulf %parallel_loop3A_576, %parallel_loop3A_580 : vector<16xf32>
      %parallel_loop3A_582 = vector.broadcast %parallel_loop3A_573 : f32 to vector<16xf32>
      %parallel_loop3A_583 = arith.mulf %parallel_loop3A_579, %parallel_loop3A_582 : vector<16xf32>
      %parallel_loop3A_584 = arith.addf %parallel_loop3A_581, %parallel_loop3A_583 : vector<16xf32>
      %parallel_loop3A_585 = arith.index_cast %parallel_loop3A_569 : i32 to index
      %parallel_loop3A_586 = arith.constant 0 : index
      %parallel_loop3A_587 = tpu.vector_load %arg23[%parallel_loop3A_585, %parallel_loop3A_586] {strides = array<i32>} : memref<128x32xf32, #tpu.memory_space<vmem>>, vector<16xf32>,
      tpu.vector_store %arg23[%parallel_loop3A_585, %parallel_loop3A_586], %parallel_loop3A_584 {strides = array<i32>} : memref<128x32xf32, #tpu.memory_space<vmem>>, vector<16xf32>,
      %parallel_loop3A_588 = arith.index_cast %parallel_loop3A_569 : i32 to index
      %parallel_loop3A_589 = arith.constant 16 : index
      %parallel_loop3A_590 = tpu.vector_load %arg20[%parallel_loop3A_588, %parallel_loop3A_589] {strides = array<i32>} : memref<128x32xf32, #tpu.memory_space<vmem>>, vector<16xf32>,
      %parallel_loop3A_591 = arith.index_cast %parallel_loop3A_569 : i32 to index
      %parallel_loop3A_592 = arith.constant 16 : index
      %parallel_loop3A_593 = tpu.vector_load %arg21[%parallel_loop3A_591, %parallel_loop3A_592] {strides = array<i32>} : memref<128x32xf32, #tpu.memory_space<vmem>>, vector<16xf32>,
      %parallel_loop3A_594 = vector.broadcast %parallel_loop3A_571 : f32 to vector<16xf32>
      %parallel_loop3A_595 = arith.mulf %parallel_loop3A_590, %parallel_loop3A_594 : vector<16xf32>
      %parallel_loop3A_596 = vector.broadcast %parallel_loop3A_573 : f32 to vector<16xf32>
      %parallel_loop3A_597 = arith.mulf %parallel_loop3A_593, %parallel_loop3A_596 : vector<16xf32>
      %parallel_loop3A_598 = arith.addf %parallel_loop3A_595, %parallel_loop3A_597 : vector<16xf32>
      %parallel_loop3A_599 = arith.index_cast %parallel_loop3A_569 : i32 to index
      %parallel_loop3A_600 = arith.constant 16 : index
      %parallel_loop3A_601 = tpu.vector_load %arg23[%parallel_loop3A_599, %parallel_loop3A_600] {strides = array<i32>} : memref<128x32xf32, #tpu.memory_space<vmem>>, vector<16xf32>,
      tpu.vector_store %arg23[%parallel_loop3A_599, %parallel_loop3A_600], %parallel_loop3A_598 {strides = array<i32>} : memref<128x32xf32, #tpu.memory_space<vmem>>, vector<16xf32>,
    } {sc.loop_unroll_factor = 2 : i64, sc.parallel_access}
    %mul3A_30 = arith.constant 25600 : i32
    %mul3A_31 = arith.muli %add3A, %mul3A_30 : i32
    %add3A_32 = arith.constant 25472 : i32
    %add3A_33 = arith.addi %mul3A_31, %add3A_32 : i32
    %dma_start3A_34 = arith.constant 0 : i32
    %dma_start3A_35 = tpu.memref_slice %arg5[%add3A_33, %dma_start3A_34] : memref<819200x32xf32, #tpu.memory_space<hbm>> -> memref<128x32xf32, #tpu.memory_space<hbm>>
    %dma_start3A_36 = arith.constant 0 : i32
    %dma_start3A_37 = tpu.memref_slice %arg5[%add3A_33, %dma_start3A_36] : memref<819200x32xf32, #tpu.memory_space<hbm>> -> memref<128x32xf32, #tpu.memory_space<hbm>>
    tpu.enqueue_dma source(%arg23 : memref<128x32xf32, #tpu.memory_space<vmem>>) target(%dma_start3A_37 : memref<128x32xf32, #tpu.memory_space<hbm>>) target_semaphore(%arg33 : memref<!tpu.dma_semaphore, #tpu.memory_space<semaphore_mem>>)
    %dma_wait3A_38 = arith.constant 0 : i32
    %dma_wait3A_39 = arith.constant 0 : i32
    %dma_wait3A_40 = tpu.memref_slice %arg5[%dma_wait3A_38, %dma_wait3A_39] : memref<819200x32xf32, #tpu.memory_space<hbm>> -> memref<128x32xf32, #tpu.memory_space<hbm>>
    %dma_wait3A_41 = arith.constant 0 : i32
    %dma_wait3A_42 = arith.constant 0 : i32
    %dma_wait3A_43 = tpu.memref_slice %arg5[%dma_wait3A_41, %dma_wait3A_42] : memref<819200x32xf32, #tpu.memory_space<hbm>> -> memref<128x32xf32, #tpu.memory_space<hbm>>
    tpu.wait_dma2 semaphore(%arg32 : memref<!tpu.dma_semaphore, #tpu.memory_space<semaphore_mem>>) src(%arg22 : memref<128x32xf32, #tpu.memory_space<vmem>>) dst(%dma_wait3A_43 : memref<128x32xf32, #tpu.memory_space<hbm>>)
    %dma_wait3A_44 = arith.constant 0 : i32
    %dma_wait3A_45 = arith.constant 0 : i32
    %dma_wait3A_46 = tpu.memref_slice %arg5[%dma_wait3A_44, %dma_wait3A_45] : memref<819200x32xf32, #tpu.memory_space<hbm>> -> memref<128x32xf32, #tpu.memory_space<hbm>>
    %dma_wait3A_47 = arith.constant 0 : i32
    %dma_wait3A_48 = arith.constant 0 : i32
    %dma_wait3A_49 = tpu.memref_slice %arg5[%dma_wait3A_47, %dma_wait3A_48] : memref<819200x32xf32, #tpu.memory_space<hbm>> -> memref<128x32xf32, #tpu.memory_space<hbm>>
    tpu.wait_dma2 semaphore(%arg33 : memref<!tpu.dma_semaphore, #tpu.memory_space<semaphore_mem>>) src(%arg23 : memref<128x32xf32, #tpu.memory_space<vmem>>) dst(%dma_wait3A_49 : memref<128x32xf32, #tpu.memory_space<hbm>>)
    return
  }
}

</mosaic_0001>

<sc_bundles>
// kernel: kernel.3.cloned.1.call-start
scs
__scs_entry_jumppad:
0x0: {  	(pc) =	sbr.rel $0x88, $3  }
0x1: {  	(tag) =	ssettag $0x0;
	lr =	simm.s32 $0x1  }
0x2: {  	[smem:$0x3F9D] =	sst lr;
	_ =	strace $0xD0000000  }
0x3: {  	_ = 	snop  }
0x4: {  	_ = 	snop  }
0x5: {  	_ = 	snop  }
0x6: {  	_ = 	snop  }
0x7: {  	_ = 	snop  }
__scs_overlays_trampoline_lowered:
0x8: {  	[smem:$0x3FAC] =	sst s0  }
0x9: {  	[smem:$0x3FAD] =	sst s1  }
0xa: {  	[smem:$0x3FAE] =	sst s2  }
0xb: {  	[smem:$0x3FAF] =	sst s3  }
0xc: {  	[smem:$0x3FB0] =	sst s4  }
0xd: {  	[smem:$0x3FB1] =	sst s5  }
0xe: {  	[smem:$0x3FB2] =	sst s6  }
0xf: {  	[smem:$0x3FB3] =	sst s7  }
0x10: {  	[smem:$0x3FB4] =	sst s8  }
0x11: {  	[smem:$0x3FB5] =	sst s9;
	s0 =	simm.s32 @!p0 $0x0  }
0x12: {  	s1 =	sld [smem:$0x3F9B];
	s0 =	simm.s32 @p0 $0x1  }
0x13: {  	[smem:$0x3FB6] =	sst s0;
	s0 =	simm.s32 @!p1 $0x0  }
0x14: {  	s2 =	sld [smem:$0x3F9A];
	s0 =	simm.s32 @p1 $0x1  }
0x15: {  	[smem:$0x3FB7] =	sst s0;
	s0 =	simm.s32 @!p2 $0x0  }
0x16: {  	s3 =	sld [smem:$0x3FDB];
	s0 =	simm.s32 @p2 $0x1  }
0x17: {  	s4 =	simm.s32 $0x1BF5;
	[smem:$0x3FB9] =	sst s0  }
0x18: {  	s0 =	sld [smem:$0x3F9C];
	_ =	swait.ge [sflag:s4], $0x0  }
0x19: {  	s7 =	sld [smem:$0x3F9D]  }
0x1a: {  	s8 =	sadd.s32 $0xFFFFE003, lr  }
0x1b: {  	s9 =	sadd.s32 $0xFFFFFEF7, lr;
	s5 =	simm.s32 $0xFFFFFFFF;
	p2 =	slt.u32 s8, $0xFFFFF086  }
0x1c: {  	p1 =	slt.u32 s9, $0xF7A;
	s5 =	simm.s32 @!p2 $0x0  }
0x1d: {  	s5 =	simm.s32 @p1 $0x1;
	p0 =	seq.s32 s7, s2  }
0x1e: {  	s7 =	smul.u32 @!p0 $0xF7A, s2;
	p2 =	seq.s32 @!p0 s5, $0x0  }
0x1f: {  	s9 =	smul.u32 $0xF7A, s1;
	s8 =	simm.s32 @!p0 $0x1BF5;
	p2 =	por !p2, p0  }
0x20: {  	[sflag:s8] =	ssyncset.s32 @!p0 $0xFFFFF086;
	s6 =	sadd.s32 @!p0 s3, s7;
	s7 =	simm.s32 @!p0 $0x108  }
0x21: {  	s3 =	sadd.s32 s3, s9;
	s6 =	sadd.s32 @!p0 $0x88, s6;
	s7 =	simm.s32 @p2 $0x1082  }
0x22: {  	[simem:s7], [sflag:s8] =	dma.local @!p0 [hbm:s6], $0xF7A  }
0x23: {  	s9 =	sor.u32 $0xD0000000, s2;
	s6 =	simm.s32 $0x108;
	_ =	swait.ge @!p0 [sflag:s8], $0x0  }
0x24: {  	s3 =	sadd.s32 $0x88, s3;
	s6 =	simm.s32 @!p1 $0x1082;
	[sflag:s4] =	ssyncset.s32 $0xFFFFF086  }
0x25: {  	[simem:s6], [sflag:s4] =	dma.local [hbm:s3], $0xF7A  }
0x26: {  	[smem:$0x3F9D] =	sst s1;
	(tag) =	ssettag s2;
	_ =	strace s9  }
0x27: {  	s1 =	sld [smem:$0x3FAD]  }
0x28: {  	s2 =	sld [smem:$0x3FAE]  }
0x29: {  	s4 =	sld [smem:$0x3FB0]  }
0x2a: {  	p0 =	seq.s32 s5, $0x0;
	s5 =	sld [smem:$0x3FB1]  }
0x2b: {  	s6 =	sld [smem:$0x3FB2]  }
0x2c: {  	s7 =	sld [smem:$0x3FB3]  }
0x2d: {  	s3 =	simm.s32 $0x108;
	s8 =	sld [smem:$0x3FB4]  }
0x2e: {  	s3 =	simm.s32 @!p0 $0x1082;
	s9 =	sld [smem:$0x3FB5]  }
0x2f: {  	lr =	sadd.s32 s0, s3;
	s0 =	sld [smem:$0x3FAC]  }
0x30: {  	s3 =	sld [smem:$0x3FAF]  }
0x31: {  	[smem:$0x3FB8] =	sst s10  }
0x32: {  	s10 =	sld [smem:$0x3FB6];
	_ =	sdelay $0x3  }
0x33: {  	p0 =	seq.s32 s10, $0x1;
	s10 =	sld [smem:$0x3FB8];
	_ =	sdelay $0x3  }
0x34: {  	[smem:$0x3FB8] =	sst s10  }
0x35: {  	s10 =	sld [smem:$0x3FB7];
	_ =	sdelay $0x3  }
0x36: {  	p1 =	seq.s32 s10, $0x1;
	s10 =	sld [smem:$0x3FB8];
	_ =	sdelay $0x3  }
0x37: {  	[smem:$0x3FB8] =	sst s10  }
0x38: {  	s10 =	sld [smem:$0x3FB9]  }
0x39: {  	_ = 	snop;
	(pc) =	sbr.ind lr, $3  }
0x3a: {  	_ = 	snop  }
0x3b: {  	_ = 	snop  }
0x3c: {  	p2 =	seq.s32 s10, $0x1;
	s10 =	sld [smem:$0x3FB8]  }
0x3d: {  	_ =	shalt  }
0x3e: {  	_ =	shalt  }
0x3f: {  	_ =	shalt  }
0x40: {  	_ =	shalt  }
0x41: {  	_ =	shalt  }
0x42: {  	_ =	shalt  }
0x43: {  	_ =	shalt  }
0x44: {  	_ =	shalt  }
0x45: {  	_ =	shalt  }
0x46: {  	_ =	shalt  }
0x47: {  	_ =	shalt  }
0x48: {  	_ =	shalt  }
0x49: {  	_ =	shalt  }
0x4a: {  	_ =	shalt  }
0x4b: {  	_ =	shalt  }
0x4c: {  	_ =	shalt  }
0x4d: {  	_ =	shalt  }
0x4e: {  	_ =	shalt  }
0x4f: {  	_ =	shalt  }
0x50: {  	_ =	shalt  }
0x51: {  	_ =	shalt  }
0x52: {  	_ =	shalt  }
0x53: {  	_ =	shalt  }
0x54: {  	_ =	shalt  }
0x55: {  	_ =	shalt  }
0x56: {  	_ =	shalt  }
0x57: {  	_ =	shalt  }
0x58: {  	_ =	shalt  }
0x59: {  	_ =	shalt  }
0x5a: {  	_ =	shalt  }
0x5b: {  	_ =	shalt  }
0x5c: {  	_ =	shalt  }
0x5d: {  	_ =	shalt  }
0x5e: {  	_ =	shalt  }
0x5f: {  	_ =	shalt  }
0x60: {  	_ =	shalt  }
0x61: {  	_ =	shalt  }
0x62: {  	_ =	shalt  }
0x63: {  	_ =	shalt  }
0x64: {  	_ =	shalt  }
0x65: {  	_ =	shalt  }
0x66: {  	_ =	shalt  }
0x67: {  	_ =	shalt  }
0x68: {  	_ =	shalt  }
0x69: {  	_ =	shalt  }
0x6a: {  	_ =	shalt  }
0x6b: {  	_ =	shalt  }
0x6c: {  	_ =	shalt  }
0x6d: {  	_ =	shalt  }
0x6e: {  	_ =	shalt  }
0x6f: {  	_ =	shalt  }
0x70: {  	_ =	shalt  }
0x71: {  	_ =	shalt  }
0x72: {  	_ =	shalt  }
0x73: {  	_ =	shalt  }
0x74: {  	_ =	shalt  }
0x75: {  	_ =	shalt  }
0x76: {  	_ =	shalt  }
0x77: {  	_ =	shalt  }
0x78: {  	_ =	shalt  }
0x79: {  	_ =	shalt  }
0x7a: {  	_ =	shalt  }
0x7b: {  	_ =	shalt  }
0x7c: {  	_ =	shalt  }
0x7d: {  	_ =	shalt  }
0x7e: {  	_ =	shalt  }
0x7f: {  	_ =	shalt  }
0x80: {  	_ =	shalt  }
0x81: {  	_ =	shalt  }
0x82: {  	_ =	shalt  }
0x83: {  	_ =	shalt  }
0x84: {  	_ =	shalt  }
0x85: {  	_ =	shalt  }
0x86: {  	_ =	shalt  }
0x87: {  	_ =	shalt  }
.Lfunc_end0:
.L_simem_size_0:
called_computation.1_lowered:
.L_overlay_start_0:
0x88: {  	s2 =	sld [smem:$0x3FD9]  }
0x89: {  	s3 =	sld [smem:$0x3FFE];
	_ =	sdelay $0x1  }
0x8a: {  	s1 =	srdreg.scid  }
0x8b: {  	s0 =	sand.u32 $0x1, s1  }
0x8c: {  	s17 =	sshll.u32 s0, $0xA;
	s2 =	sadd.s32 s3, s2  }
0x8d: {  	s2 =	sadd.s32 s2, s17  }
0x8e: {  	[smem:$0x3FC4] =	sst s2  }
0x8f: {  	_ = 	snop  }
0x90: {  	s2 =	sld [smem:$0x3FD0];
	(tm) =	ssettm $0x1  }
0x91: {  	s18 =	sld [smem:$0x3FFB];
	_ =	sdelay $0x3  }
0x92: {  	_ =	strace s18  }
0x93: {  	s3 =	sld [smem:$0x3FFC];
	_ =	sdelay $0x3  }
0x94: {  	_ =	strace s3  }
0x95: {  	s3 =	sld [smem:$0x3FFD];
	_ =	sdelay $0x3  }
0x96: {  	_ =	strace s3  }
0x97: {  	_ =	strace $0x8FFFFFFF  }
0x98: {  	s19 =	sld [smem:$0x3FDB];
	_ =	sdelay $0x1  }
0x99: {  	s4 =	simm.s32 $_scs_section_size  }
0x9a: {  	s5 =	simm.s32 $_size__tile_overlayer_lowered;
	s6 =	simm.s32 $_tile_overlayer_lowered  }
0x9b: {  	s22 =	simm.s32 $0x1BFF;
	s21 =	sshll.u32 s6, $0x1;
	s3 =	sadd.s32 s4, s19  }
0x9c: {  	s7 =	simm.s32 $0x0;
	s20 =	sshll.u32 s5, $0x1;
	s5 =	sadd.s32 s21, s3  }
0x9d: {  	[timem:s7], [sflag:s22] =	dma.local [hbm:s5], s20  }
0x9e: {  	_ =	swait.ge [sflag:s22], s20  }
0x9f: {  	s4 =	ssub.s32 $0x0, s20;
	[sflag:s22] =	ssyncset.done $0x0  }
0xa0: {  	[sflag:s22] =	ssyncadd.s32 s4;
	_ =	sdelay $0x1  }
0xa1: {  	s23 =	simm.s32 $0x1B8B  }
0xa2: {  	_ =	swait.ge [sflag:s23], $0x1  }
0xa3: {  	[sflag:s23] =	ssyncset.done $0x0  }
0xa4: {  	s25 =	simm.s32 $0x1B8E;
	s24 =	sld [smem:$0x3FFE];
	[sflag:s23] =	ssyncadd.s32 $0xFFFFFFFF  }
0xa5: {  	s26 =	simm.s32 $execute0_lowered;
	[smem:$0x3FD2] =	sst s25  }
0xa6: {  	s5 =	sshll.u32 s26, $0x1;
	_ =	strace $0x80000046;
	[dreg:$0x1] =	wrdreg $0xFFFFFFFF  }
0xa7: {  	s28 =	simm.s32 $_size_execute0_lowered;
	s3 =	sadd.s32 s3, s5;
	[dreg:$0x0] =	wrdreg $0x0  }
0xa8: {  	s5 =	sshll.u32 s28, $0x1;
	[dreg:$0x2] =	wrdreg s3  }
0xa9: {  	[dreg:$0x3] =	wrdreg s5  }
0xaa: {  	[dreg:$0x4] =	wrdreg $0xC0  }
0xab: {  	_ =	task [dreg:s7], $0x5FFFF  }
0xac: {  	[dreg:$0x1] =	wrdreg $0xFFFFFFFF  }
0xad: {  	[dreg:$0x0] =	wrdreg $0x60  }
0xae: {  	[dreg:$0x2] =	wrdreg s24  }
0xaf: {  	[dreg:$0x3] =	wrdreg s2  }
0xb0: {  	[dreg:$0x4] =	wrdreg $0x9  }
0xb1: {  	_ =	task.clear_ibuf [dreg:s7], $0x5FFFF;
	_ =	strace $0x90000046  }
0xb2: {  	s29 =	simm.s32 $0x9;
	_ =	strace $0x80000048  }
0xb3: {  	_ =	swait.ge [sflag:s29], $0x1  }
0xb4: {  	[sflag:s29] =	ssyncadd.s32 $0xFFFFFFFF  }
0xb5: {  	_ =	strace $0x90000048  }
0xb6: {  	_ =	sfence  }
0xb7: {  	s30 =	sld [smem:$0x0];
	_ =	sdelay $0x2  }
0xb8: {  	s31 =	sshll.u32 s1, $0xD;
	s1 =	sshrl.u32 s1, $0x2  }
0xb9: {  	s3 =	sand.u32 $0x4000, s31;
	s1 =	sadd.s32 s1, s30  }
0xba: {  	s0 =	sor.u32 s3, s0;
	s1 =	sshll.u32 s1, $0x11  }
0xbb: {  	s0 =	sor.u32 s1, s0  }
0xbc: {  	s0 =	sadd.s32 $0x8F2B, s0  }
0xbd: {  	[sflag:s0] =	ssyncadd.remote.s32 $0x1  }
0xbe: {  	_ =	sfence.sel $0xFFFF  }
0xbf: {  	[dreg:$0x0] =	wrdreg $0xFFFFFFFF;
	(pc) =	sbr.abs _section_cstart, $3  }
0xc0: {  	[dreg:$0x1] =	wrdreg $0xFFFFFFFF  }
0xc1: {  	_ =	task.clear_ibuf [dreg:s7], $0x2FFFF;
	_ =	strace $0x9FFFFFFF  }
0xc2: {  	(tm) =	ssettm $0x7FFFFFFF  }
0xc3: {  	_ =	shalt  }
tec
execute0_lowered:
.L_overlay_start_1:
0x0: {  	(tag) =	ssettag $0x1  }
0x1: {  	s0 =	rddreg [dreg:$0x0]  }
0x2: {  	s10 =	rddreg [dreg:$0x1]  }
0x3: {  	s1 =	srdreg.scid;
	s2 =	stileid.u32  }
0x4: {  	s3 =	simm.s32 $0x0;
	s18 =	simm.s32 $0x80;
	s20 =	simm.s32 $0x3  }
0x5: {  	s28 =	simm.s32 $0x4;
	s1 =	sand.u32 $0x1, s1;
	s2 =	sshll.u32 s2, $0x1  }
0x6: {  	s19 =	simm.s32 $0x6;
	[smem:$0x7FF] =	sst s3;
	s2 =	sor.u32 s1, s2  }
0x7: {  	s4 =	sadd.s32 $0xF43000, s0;
	s5 =	sadd.s32 $0x62800, s0;
	s8 =	smul.u32 $0x6400, s2  }
0x8: {  	s6 =	sadd.s32 $0xC00, s0;
	s25 =	ssub.s32 $0x2, s1;
	s7 =	smul.u32 $0xC8000, s2  }
0x9: {  	_ =	strace $0x80000047;
	s1 =	sshrl.u32 s25, $0x1;
	s11 =	smul.u32 $0x3F5, s2  }
0xa: {  	s0 =	ssub.s32 s25, s1;
	s25 =	simm.s32 $0x2;
	s30 =	sadd.s32 $0x7FFFF80, s8  }
0xb: {  	s9 =	sshrl.u32 s8, $0x3;
	s31 =	sor.u32 $0x100, s8;
	[dreg:$0x5] =	wrdreg s30  }
0xc: {  	v0 =	vlaneseq.u32;
	s0 =	smax.u32 s0, $0x1;
	s26 =	sadd.s32 s5, s9;
	[dreg:$0x6] =	wrdreg s31  }
0xd: {  	v1 =	vmul.u32 $0x1807, v0;
	s29 =	sshrl.u32 s7, $0x3;
	[dreg:$0x8] =	wrdreg s0;
	s1 =	sadd.s32 $0x10, s26  }
0xe: {  	v0 =	vmul.u32 $0xFFD, v0;
	s14 =	sor.u32 $0x180, s8;
	[dreg:$0x4] =	wrdreg s1;
	s1 =	sadd.s32 s10, s29  }
0xf: {  	[tilespmem:$0x1FFE0] =	vst v1;
	s9 =	smul.u32 $0x3E5, s2;
	[dreg:$0x3] =	wrdreg s26;
	s1 =	sadd.s32 $0x18E00, s1  }
0x10: {  	[tilespmem:$0x1FFF0] =	vst v0;
	s2 =	simm.s32 $0x0;
	[dreg:$0x7] =	wrdreg s1;
	s1 =	simm.s32 $0x5  }
.LBB2_1:
0x11: {  	[dreg:$0x9] =	wrdreg s2  }
0x12: {  	s0 =	rddreg [dreg:$0x3];
	s29 =	simm.s32 $0xB  }
0x13: {  	[tilespmem:s3], [sflag:$0xB] =	stream.linear.gather [hbm4b:s0+s3], $0x80, $0x38;
	[tilespmem:$0x6D00] =	vst v63  }
0x14: {  	_ =	swait.ge [sflag:s29], $0x80  }
0x15: {  	[sflag:s29] =	ssyncset.done $0x0  }
0x16: {  	s30 =	simm.s32 $0x100;
	[sflag:s29] =	ssyncadd.s32 $0xFFFFFF80  }
0x17: {  	[tilespmem:s30], [sflag:$0x3] =	stream.indirect.gather [hbm4b:s4+s18], $0x8, s3, s18, $0xb8;
	[tilespmem:$0x6D00] =	vst v63  }
0x18: {  	s8 =	simm.s32 $0x0;
	s31 =	rddreg [dreg:$0x4]  }
0x19: {  	[tilespmem:s18], [sflag:$0x2] =	stream.linear.gather [hbm4b:s31+s3], $0x80, $0x38;
	[tilespmem:$0x6D00] =	vst v63  }
.LBB2_2:
0x1a: {  	_ =	swait.ge [sflag:s20], $0x400  }
0x1b: {  	v6 =	vld [tilespmem:$0x1FFE0]  }
0x1c: {  	v7 =	vld [tilespmem:$0x1FFF0];
	_ =	sdelay $0x1  }
0x1d: {  	s15 =	sadd.s32 $0x0, s9  }
0x1e: {  	s16 =	sadd.s32 $0x0, s11;
	s0 =	sadd.s32 $0x830, s15  }
0x1f: {  	[sflag:s20] =	ssyncset.done $0x0;
	s2 =	sadd.s32 $0xB10, s16;
	v0 =	vadd.s32 s0, v6  }
0x20: {  	[sflag:s20] =	ssyncadd.s32 $0xFFFFFC00;
	s0 =	simm.s32 $0x910;
	v1 =	vadd.s32 s2, v7;
	v0 =	vand.u32 $0xFFFF, v0  }
0x21: {  	s12 =	simm.s32 $0x10;
	v5 =	vlaneseq.u32;
	s2 =	simm.s32 $0x990;
	[tilespmem:s0+$0x0] =	vst v0;
	v0 =	vand.u32 $0xFFFF, v1  }
0x22: {  	s10 =	simm.s32 $0xB10;
	v3 =	vor.u32 s12, v5;
	[tilespmem:s2+$0x0] =	vst v0  }
0x23: {  	s13 =	simm.s32 $0x0;
	s12 =	simm.s32 $0xB90;
	v2 =	vadd.s32 s16, v7;
	v0 =	vadd.s32 s15, v6;
	[tilespmem:s10+$0x0] =	vst v3  }
0x24: {  	s17 =	simm.s32 $0x0;
	s16 =	simm.s32 $0x1060;
	v2 =	vand.u32 $0xFFFF, v2;
	s15 =	simm.s32 $0x0;
	v1 =	vand.u32 $0xFFFF, v0;
	v0 =	vor.u32 s13, v5;
	[tilespmem:s12+$0x0] =	vst v3  }
.LBB2_3:
0x25: {  	s21 =	sadd.s32 s9, s16;
	[tilespmem:s0+$0xFFFFFFF0] =	vst v1;
	s13 =	sadd.s32 $0x1620, s13  }
0x26: {  	s15 =	sadd.s32 $0x2, s15;
	v1 =	vadd.s32 s21, v6;
	s22 =	sadd.s32 s11, s13;
	s21 =	sadd.s32 $0x830, s21;
	[tilespmem:s2+$0xFFFFFFF0] =	vst v2  }
0x27: {  	p0 =	slt.u32 s15, $0x6;
	v1 =	vand.u32 $0xFFFF, v1;
	v2 =	vadd.s32 s22, v7;
	v3 =	vadd.s32 s21, v6;
	s21 =	sadd.s32 $0xB10, s22;
	[tilespmem:s10+$0xFFFFFFF0] =	vst v0  }
.Ltmp0:
0x28: {  	s17 =	sadd.s32 $0x20, s17;
	s0 =	sadd.s32 $0x20, s0;
	v2 =	vand.u32 $0xFFFF, v2;
	v3 =	vand.u32 $0xFFFF, v3;
	v4 =	vadd.s32 s21, v7;
	[tilespmem:s12+$0xFFFFFFF0] =	vst v0;
	(pc) =	sbr.rel @p0 .LBB2_3-.Ltmp0, $4  }
0x29: {  	s2 =	sadd.s32 $0x20, s2;
	v0 =	vor.u32 s17, v5;
	s21 =	sadd.s32 $0x10, s17;
	[tilespmem:s0+$0x0] =	vst v3;
	v3 =	vand.u32 $0xFFFF, v4  }
0x2a: {  	s10 =	sadd.s32 $0x20, s10;
	[tilespmem:s2+$0x0] =	vst v3;
	v3 =	vor.u32 s21, v5  }
0x2b: {  	s12 =	sadd.s32 $0x20, s12;
	[tilespmem:s10+$0x0] =	vst v3  }
0x2c: {  	s16 =	sadd.s32 $0x1060, s16;
	[tilespmem:s12+$0x0] =	vst v3  }
0x2d: {  	[tilespmem:s0+$0xFFFFFFF0] =	vst v1  }
0x2e: {  	[tilespmem:s2+$0xFFFFFFF0] =	vst v2  }
0x2f: {  	[tilespmem:s10+$0xFFFFFFF0] =	vst v0  }
0x30: {  	s24 =	simm.s32 $0x900;
	s26 =	simm.s32 $0xD00;
	[tilespmem:s12+$0xFFFFFFF0] =	vst v0  }
0x31: {  	[tilespmem:s26], [sflag:$0x5] =	stream.indirect.gather [hbm4b:s6+s18], $0x20, s24, s18, $0xb8;
	[tilespmem:$0x6D00] =	vst v63  }
0x32: {  	s29 =	simm.s32 $0x980;
	s30 =	simm.s32 $0x1D00;
	p0 =	seq.s32 s8, $0x0  }
0x33: {  	[tilespmem:s30], [sflag:$0x6] =	stream.indirect.gather [hbm4b:s6+s18], $0x20, s29, s18, $0xb8;
	[tilespmem:$0x6D00] =	vst v63  }
.Ltmp1:
0x34: {  	_ = 	snop;
	(pc) =	sbr.rel @p0 .LBB2_8-.Ltmp1, $4  }
0x35: {  	_ =	swait.ge [sflag:s25], $0x80  }
0x36: {  	[sflag:s25] =	ssyncset.done $0x0  }
0x37: {  	s31 =	simm.s32 $0x500;
	s17 =	sshll.u32 s8, $0x8;
	[sflag:s25] =	ssyncadd.s32 $0xFFFFFF80  }
0x38: {  	[tilespmem:s31], [sflag:$0x4] =	stream.indirect.gather [hbm4b:s4+s18], $0x8, s18, s18, $0xb8;
	[tilespmem:$0x6D00] =	vst v63  }
0x39: {  	s0 =	simm.s32 $0x7  }
0x3a: {  	_ =	swait.ge [sflag:s0], $0x1000  }
0x3b: {  	[sflag:s0] =	ssyncset.done $0x0  }
0x3c: {  	s10 =	simm.s32 $0x8;
	[sflag:s0] =	ssyncadd.s32 $0xFFFFF000  }
0x3d: {  	_ =	swait.ge [sflag:s10], $0x1000  }
0x3e: {  	p1 =	seq.s32 s8, $0x1;
	[sflag:s10] =	ssyncset.done $0x0  }
0x3f: {  	s0 =	simm.s32 @!p1 $0xA;
	[sflag:s10] =	ssyncadd.s32 $0xFFFFF000  }
0x40: {  	_ =	swait.ge @!p1 [sflag:s0], $0x1000  }
0x41: {  	[sflag:s0] =	ssyncset.done @!p1 $0x0  }
0x42: {  	s12 =	simm.s32 $0xC10;
	[sflag:s0] =	ssyncadd.s32 @!p1 $0xFFFFF000  }
0x43: {  	s2 =	simm.s32 $0xC90;
	v9 =	vld [tilespmem:s12+$0x0]  }
0x44: {  	s22 =	simm.s32 $0x2F00;
	v10 =	vld [tilespmem:s2+$0x0]  }
0x45: {  	s23 =	simm.s32 $0x3F00;
	v0 =	vld [tilespmem:s22+$0x0]  }
0x46: {  	v1 =	vld [tilespmem:s23+$0x0];
	_ =	sdelay $0x2  }
0x47: {  	v2 =	vbroadcast v9, $0x0;
	v3 =	vbroadcast v10, $0x0;
	_ =	sdelay $0x1  }
0x48: {  	v0 =	vmul.f32 v0, v2;
	v1 =	vmul.f32 v1, v3;
	_ =	sdelay $0x1  }
0x49: {  	v0 =	vadd.f32 v1, v0  }
0x4a: {  	s21 =	simm.s32 $0x5F00  }
0x4b: {  	[tilespmem:s21+$0x0] =	vst v0  }
0x4c: {  	v0 =	vld [tilespmem:s22+$0x10]  }
0x4d: {  	v1 =	vld [tilespmem:s23+$0x10];
	_ =	sdelay $0x1  }
0x4e: {  	v8 =	vld [tilespmem:s2+$0xFFFFFFF0]  }
0x4f: {  	v7 =	vld [tilespmem:s12+$0xFFFFFFF0]  }
0x50: {  	v4 =	vld [tilespmem:s22+$0xFFFFFE00]  }
0x51: {  	v5 =	vld [tilespmem:s23+$0xFFFFFE00];
	v0 =	vmul.f32 v0, v2;
	v1 =	vmul.f32 v1, v3;
	_ =	sdelay $0x1  }
0x52: {  	v0 =	vadd.f32 v1, v0  }
0x53: {  	v2 =	vbroadcast v7, $0x0;
	v1 =	vbroadcast v8, $0x0  }
0x54: {  	[tilespmem:s21+$0x10] =	vst v0  }
0x55: {  	v0 =	vmul.f32 v4, v2;
	v3 =	vmul.f32 v5, v1;
	v4 =	vld [tilespmem:s22+$0x20]  }
0x56: {  	v5 =	vld [tilespmem:s23+$0x20]  }
0x57: {  	v0 =	vadd.f32 v3, v0;
	_ =	sdelay $0x1  }
0x58: {  	v3 =	vbroadcast v10, $0x1;
	[tilespmem:s21+$0xFFFFFE00] =	vst v0;
	v0 =	vbroadcast v9, $0x1  }
0x59: {  	v6 =	vld [tilespmem:s22+$0xFFFFFE10]  }
0x5a: {  	v11 =	vld [tilespmem:s23+$0xFFFFFE10];
	v4 =	vmul.f32 v4, v0;
	v5 =	vmul.f32 v5, v3;
	_ =	sdelay $0x1  }
0x5b: {  	v4 =	vadd.f32 v5, v4;
	_ =	sdelay $0x1  }
0x5c: {  	[tilespmem:s21+$0x20] =	vst v4  }
0x5d: {  	v2 =	vmul.f32 v6, v2;
	v1 =	vmul.f32 v11, v1;
	v4 =	vld [tilespmem:s22+$0x30]  }
0x5e: {  	v5 =	vld [tilespmem:s23+$0x30]  }
0x5f: {  	v1 =	vadd.f32 v1, v2;
	_ =	sdelay $0x1  }
0x60: {  	[tilespmem:s21+$0xFFFFFE10] =	vst v1  }
0x61: {  	v1 =	vld [tilespmem:s22+$0xFFFFFE20]  }
0x62: {  	v2 =	vld [tilespmem:s23+$0xFFFFFE20];
	v0 =	vmul.f32 v4, v0;
	v3 =	vmul.f32 v5, v3;
	_ =	sdelay $0x1  }
0x63: {  	v0 =	vadd.f32 v3, v0  }
0x64: {  	v4 =	vbroadcast v7, $0x1;
	v3 =	vbroadcast v8, $0x1  }
0x65: {  	[tilespmem:s21+$0x30] =	vst v0  }
0x66: {  	v0 =	vmul.f32 v1, v4;
	v1 =	vmul.f32 v2, v3;
	v2 =	vld [tilespmem:s22+$0x40]  }
0x67: {  	v5 =	vld [tilespmem:s23+$0x40]  }
0x68: {  	v0 =	vadd.f32 v1, v0;
	_ =	sdelay $0x1  }
0x69: {  	v1 =	vbroadcast v10, $0x2;
	[tilespmem:s21+$0xFFFFFE20] =	vst v0;
	v0 =	vbroadcast v9, $0x2  }
0x6a: {  	v6 =	vld [tilespmem:s22+$0xFFFFFE30]  }
0x6b: {  	v11 =	vld [tilespmem:s23+$0xFFFFFE30];
	v2 =	vmul.f32 v2, v0;
	v5 =	vmul.f32 v5, v1;
	_ =	sdelay $0x1  }
0x6c: {  	v2 =	vadd.f32 v5, v2;
	_ =	sdelay $0x1  }
0x6d: {  	[tilespmem:s21+$0x40] =	vst v2  }
0x6e: {  	v2 =	vmul.f32 v6, v4;
	v3 =	vmul.f32 v11, v3;
	v4 =	vld [tilespmem:s22+$0x50]  }
0x6f: {  	v5 =	vld [tilespmem:s23+$0x50]  }
0x70: {  	v2 =	vadd.f32 v3, v2;
	_ =	sdelay $0x1  }
0x71: {  	[tilespmem:s21+$0xFFFFFE30] =	vst v2  }
0x72: {  	v2 =	vld [tilespmem:s22+$0xFFFFFE40]  }
0x73: {  	v3 =	vld [tilespmem:s23+$0xFFFFFE40];
	v0 =	vmul.f32 v4, v0;
	v1 =	vmul.f32 v5, v1;
	_ =	sdelay $0x1  }
0x74: {  	v0 =	vadd.f32 v1, v0  }
0x75: {  	v4 =	vbroadcast v8, $0x2;
	v1 =	vbroadcast v7, $0x2  }
0x76: {  	[tilespmem:s21+$0x50] =	vst v0  }
0x77: {  	v0 =	vmul.f32 v2, v1;
	v2 =	vmul.f32 v3, v4;
	v3 =	vld [tilespmem:s22+$0x60]  }
0x78: {  	v5 =	vld [tilespmem:s23+$0x60]  }
0x79: {  	v0 =	vadd.f32 v2, v0;
	_ =	sdelay $0x1  }
0x7a: {  	v2 =	vbroadcast v10, $0x3;
	[tilespmem:s21+$0xFFFFFE40] =	vst v0;
	v0 =	vbroadcast v9, $0x3  }
0x7b: {  	v6 =	vld [tilespmem:s22+$0xFFFFFE50]  }
0x7c: {  	v11 =	vld [tilespmem:s23+$0xFFFFFE50];
	v3 =	vmul.f32 v3, v0;
	v5 =	vmul.f32 v5, v2;
	_ =	sdelay $0x1  }
0x7d: {  	v3 =	vadd.f32 v5, v3;
	_ =	sdelay $0x1  }
0x7e: {  	[tilespmem:s21+$0x60] =	vst v3  }
0x7f: {  	v1 =	vmul.f32 v6, v1;
	v3 =	vmul.f32 v11, v4;
	v4 =	vld [tilespmem:s22+$0x70]  }
0x80: {  	v5 =	vld [tilespmem:s23+$0x70]  }
0x81: {  	v1 =	vadd.f32 v3, v1;
	_ =	sdelay $0x1  }
0x82: {  	[tilespmem:s21+$0xFFFFFE50] =	vst v1  }
0x83: {  	v1 =	vld [tilespmem:s22+$0xFFFFFE60]  }
0x84: {  	v3 =	vld [tilespmem:s23+$0xFFFFFE60];
	v0 =	vmul.f32 v4, v0;
	v2 =	vmul.f32 v5, v2;
	_ =	sdelay $0x1  }
0x85: {  	v0 =	vadd.f32 v2, v0  }
0x86: {  	v4 =	vbroadcast v8, $0x3;
	v2 =	vbroadcast v7, $0x3  }
0x87: {  	[tilespmem:s21+$0x70] =	vst v0  }
0x88: {  	v0 =	vmul.f32 v1, v2;
	v1 =	vmul.f32 v3, v4;
	v3 =	vld [tilespmem:s22+$0x80]  }
0x89: {  	v5 =	vld [tilespmem:s23+$0x80]  }
0x8a: {  	v0 =	vadd.f32 v1, v0;
	_ =	sdelay $0x1  }
0x8b: {  	v1 =	vbroadcast v10, $0x4;
	[tilespmem:s21+$0xFFFFFE60] =	vst v0;
	v0 =	vbroadcast v9, $0x4  }
0x8c: {  	v6 =	vld [tilespmem:s22+$0xFFFFFE70]  }
0x8d: {  	v11 =	vld [tilespmem:s23+$0xFFFFFE70];
	v3 =	vmul.f32 v3, v0;
	v5 =	vmul.f32 v5, v1;
	_ =	sdelay $0x1  }
0x8e: {  	v3 =	vadd.f32 v5, v3;
	_ =	sdelay $0x1  }
0x8f: {  	[tilespmem:s21+$0x80] =	vst v3  }
0x90: {  	v2 =	vmul.f32 v6, v2;
	v3 =	vmul.f32 v11, v4;
	v4 =	vld [tilespmem:s22+$0x90]  }
0x91: {  	v5 =	vld [tilespmem:s23+$0x90]  }
0x92: {  	v2 =	vadd.f32 v3, v2;
	_ =	sdelay $0x1  }
0x93: {  	[tilespmem:s21+$0xFFFFFE70] =	vst v2  }
0x94: {  	v2 =	vld [tilespmem:s22+$0xFFFFFE80]  }
0x95: {  	v3 =	vld [tilespmem:s23+$0xFFFFFE80];
	v0 =	vmul.f32 v4, v0;
	v1 =	vmul.f32 v5, v1;
	_ =	sdelay $0x1  }
0x96: {  	v0 =	vadd.f32 v1, v0  }
0x97: {  	v4 =	vbroadcast v8, $0x4;
	v1 =	vbroadcast v7, $0x4  }
0x98: {  	[tilespmem:s21+$0x90] =	vst v0  }
0x99: {  	v0 =	vmul.f32 v2, v1;
	v2 =	vmul.f32 v3, v4;
	v3 =	vld [tilespmem:s22+$0xA0]  }
0x9a: {  	v5 =	vld [tilespmem:s23+$0xA0]  }
0x9b: {  	v0 =	vadd.f32 v2, v0;
	_ =	sdelay $0x1  }
0x9c: {  	v2 =	vbroadcast v10, $0x5;
	[tilespmem:s21+$0xFFFFFE80] =	vst v0;
	v0 =	vbroadcast v9, $0x5;
	_ =	sdelay $0x1  }
0x9d: {  	v11 =	vld [tilespmem:s23+$0xFFFFFE90];
	v3 =	vmul.f32 v3, v0;
	v5 =	vmul.f32 v5, v2;
	_ =	sdelay $0x1  }
0x9e: {  	v3 =	vadd.f32 v5, v3;
	_ =	sdelay $0x1  }
0x9f: {  	v6 =	vld [tilespmem:s22+$0xFFFFFE90];
	[tilespmem:s21+$0xA0] =	vst v3  }
0xa0: {  	v3 =	vmul.f32 v11, v4;
	v4 =	vld [tilespmem:s22+$0xB0]  }
0xa1: {  	v5 =	vld [tilespmem:s23+$0xB0];
	_ =	sdelay $0x1  }
0xa2: {  	s13 =	simm.s32 $0xC30  }
0xa3: {  	s15 =	simm.s32 $0xCB0;
	v63 =	vld [tilespmem:s13+$0x0];
	v1 =	vmul.f32 v6, v1  }
0xa4: {  	v15 =	vld [tilespmem:s15+$0xFFFFFFF0]  }
0xa5: {  	s29 =	simm.s32 $0x4300;
	v1 =	vadd.f32 v3, v1;
	v0 =	vmul.f32 v4, v0;
	v2 =	vmul.f32 v5, v2;
	v4 =	vld [tilespmem:s15+$0x0]  }
0xa6: {  	s26 =	simm.s32 $0x3300;
	v5 =	vld [tilespmem:s29+$0x0]  }
0xa7: {  	[tilespmem:s21+$0xFFFFFE90] =	vst v1;
	v0 =	vadd.f32 v2, v0;
	v2 =	vld [tilespmem:s26+$0x0]  }
0xa8: {  	v1 =	vld [tilespmem:s22+$0xFFFFFEA0]  }
0xa9: {  	v6 =	vld [tilespmem:s23+$0xFFFFFEA0]  }
0xaa: {  	v16 =	vld [tilespmem:s13+$0xFFFFFFF0];
	v12 =	vbroadcast v63, $0x0;
	[tilespmem:s21+$0xB0] =	vst v0;
	v13 =	vbroadcast v4, $0x0  }
0xab: {  	v14 =	vbroadcast v7, $0x5;
	v17 =	vbroadcast v8, $0x5;
	v0 =	vld [tilespmem:s22+$0xC0]  }
0xac: {  	v11 =	vld [tilespmem:s23+$0xC0];
	v2 =	vmul.f32 v2, v12;
	v5 =	vmul.f32 v5, v13  }
0xad: {  	v18 =	vld [tilespmem:s26+$0xFFFFFE00];
	v19 =	vbroadcast v9, $0x6  }
0xae: {  	v21 =	vld [tilespmem:s29+$0xFFFFFE00];
	v1 =	vmul.f32 v1, v14;
	v6 =	vmul.f32 v6, v17;
	v2 =	vadd.f32 v5, v2  }
0xaf: {  	s24 =	simm.s32 $0x6300;
	v20 =	vbroadcast v10, $0x6  }
0xb0: {  	v1 =	vadd.f32 v6, v1;
	v6 =	vbroadcast v16, $0x0;
	v0 =	vmul.f32 v0, v19;
	[tilespmem:s24+$0x0] =	vst v2  }
0xb1: {  	v5 =	vmul.f32 v11, v20;
	v2 =	vbroadcast v15, $0x0;
	v11 =	vld [tilespmem:s26+$0x10]  }
0xb2: {  	[tilespmem:s21+$0xFFFFFEA0] =	vst v1;
	v1 =	vld [tilespmem:s29+$0x10]  }
0xb3: {  	v22 =	vld [tilespmem:s22+$0xFFFFFEB0];
	v0 =	vadd.f32 v5, v0;
	v5 =	vmul.f32 v18, v6;
	v18 =	vmul.f32 v21, v2  }
0xb4: {  	v21 =	vld [tilespmem:s23+$0xFFFFFEB0]  }
0xb5: {  	[tilespmem:s21+$0xC0] =	vst v0;
	v0 =	vadd.f32 v18, v5  }
0xb6: {  	v5 =	vld [tilespmem:s22+$0xD0]  }
0xb7: {  	v18 =	vld [tilespmem:s23+$0xD0];
	[tilespmem:s24+$0xFFFFFE00] =	vst v0;
	v0 =	vmul.f32 v11, v12;
	v1 =	vmul.f32 v1, v13  }
0xb8: {  	v11 =	vld [tilespmem:s26+$0xFFFFFE10]  }
0xb9: {  	v12 =	vmul.f32 v22, v14;
	v13 =	vmul.f32 v21, v17;
	v14 =	vld [tilespmem:s29+$0xFFFFFE10];
	v0 =	vadd.f32 v1, v0;
	_ =	sdelay $0x1  }
0xba: {  	v1 =	vadd.f32 v13, v12;
	[tilespmem:s24+$0x10] =	vst v0  }
0xbb: {  	v0 =	vmul.f32 v5, v19;
	v5 =	vmul.f32 v18, v20;
	v12 =	vld [tilespmem:s26+$0x20]  }
0xbc: {  	[tilespmem:s21+$0xFFFFFEB0] =	vst v1;
	v1 =	vld [tilespmem:s29+$0x20]  }
0xbd: {  	v13 =	vld [tilespmem:s22+$0xFFFFFEC0];
	v0 =	vadd.f32 v5, v0;
	v5 =	vmul.f32 v11, v6;
	v2 =	vmul.f32 v14, v2  }
0xbe: {  	v6 =	vld [tilespmem:s23+$0xFFFFFEC0]  }
0xbf: {  	[tilespmem:s21+$0xD0] =	vst v0;
	v0 =	vadd.f32 v2, v5;
	v2 =	vbroadcast v63, $0x1;
	v5 =	vbroadcast v4, $0x1  }
0xc0: {  	v11 =	vbroadcast v7, $0x6;
	v14 =	vbroadcast v8, $0x6;
	v17 =	vld [tilespmem:s22+$0xE0]  }
0xc1: {  	v18 =	vld [tilespmem:s23+$0xE0];
	[tilespmem:s24+$0xFFFFFE10] =	vst v0;
	v0 =	vmul.f32 v12, v2;
	v1 =	vmul.f32 v1, v5  }
0xc2: {  	v12 =	vld [tilespmem:s26+$0xFFFFFE20]  }
0xc3: {  	v13 =	vmul.f32 v13, v11;
	v6 =	vmul.f32 v6, v14;
	v19 =	vld [tilespmem:s29+$0xFFFFFE20];
	v0 =	vadd.f32 v1, v0  }
0xc4: {  	v20 =	vbroadcast v10, $0x7;
	v1 =	vbroadcast v9, $0x7  }
0xc5: {  	v22 =	vbroadcast v16, $0x1;
	v21 =	vbroadcast v15, $0x1;
	v6 =	vadd.f32 v6, v13;
	[tilespmem:s24+$0x20] =	vst v0  }
0xc6: {  	v0 =	vmul.f32 v17, v1;
	v13 =	vmul.f32 v18, v20;
	v17 =	vld [tilespmem:s26+$0x30]  }
0xc7: {  	[tilespmem:s21+$0xFFFFFEC0] =	vst v6;
	v6 =	vld [tilespmem:s29+$0x30]  }
0xc8: {  	v18 =	vld [tilespmem:s22+$0xFFFFFED0];
	v0 =	vadd.f32 v13, v0;
	v12 =	vmul.f32 v12, v22;
	v13 =	vmul.f32 v19, v21  }
0xc9: {  	v19 =	vld [tilespmem:s23+$0xFFFFFED0]  }
0xca: {  	[tilespmem:s21+$0xE0] =	vst v0;
	v0 =	vadd.f32 v13, v12  }
0xcb: {  	v12 =	vld [tilespmem:s22+$0xF0]  }
0xcc: {  	v13 =	vld [tilespmem:s23+$0xF0];
	[tilespmem:s24+$0xFFFFFE20] =	vst v0;
	v0 =	vmul.f32 v17, v2;
	v2 =	vmul.f32 v6, v5  }
0xcd: {  	v5 =	vld [tilespmem:s26+$0xFFFFFE30]  }
0xce: {  	v6 =	vmul.f32 v18, v11;
	v11 =	vmul.f32 v19, v14;
	v14 =	vld [tilespmem:s29+$0xFFFFFE30];
	v0 =	vadd.f32 v2, v0;
	_ =	sdelay $0x1  }
0xcf: {  	v2 =	vadd.f32 v11, v6;
	[tilespmem:s24+$0x30] =	vst v0  }
0xd0: {  	v0 =	vmul.f32 v12, v1;
	v1 =	vmul.f32 v13, v20;
	v6 =	vld [tilespmem:s26+$0x40]  }
0xd1: {  	[tilespmem:s21+$0xFFFFFED0] =	vst v2;
	v2 =	vld [tilespmem:s29+$0x40]  }
0xd2: {  	v11 =	vld [tilespmem:s22+$0xFFFFFEE0];
	v0 =	vadd.f32 v1, v0;
	v1 =	vmul.f32 v5, v22;
	v5 =	vmul.f32 v14, v21  }
0xd3: {  	v12 =	vld [tilespmem:s23+$0xFFFFFEE0]  }
0xd4: {  	[tilespmem:s21+$0xF0] =	vst v0;
	v0 =	vadd.f32 v5, v1;
	v1 =	vbroadcast v63, $0x2;
	v5 =	vbroadcast v4, $0x2  }
0xd5: {  	v13 =	vbroadcast v7, $0x7;
	v14 =	vbroadcast v8, $0x7;
	v17 =	vld [tilespmem:s22+$0x100]  }
0xd6: {  	v18 =	vld [tilespmem:s23+$0x100];
	[tilespmem:s24+$0xFFFFFE30] =	vst v0;
	v0 =	vmul.f32 v6, v1;
	v2 =	vmul.f32 v2, v5  }
0xd7: {  	v6 =	vld [tilespmem:s26+$0xFFFFFE40]  }
0xd8: {  	v11 =	vmul.f32 v11, v13;
	v12 =	vmul.f32 v12, v14;
	v19 =	vld [tilespmem:s29+$0xFFFFFE40];
	v0 =	vadd.f32 v2, v0  }
0xd9: {  	v20 =	vbroadcast v10, $0x8;
	v2 =	vbroadcast v9, $0x8  }
0xda: {  	v21 =	vbroadcast v16, $0x2;
	v22 =	vbroadcast v15, $0x2;
	v11 =	vadd.f32 v12, v11;
	[tilespmem:s24+$0x40] =	vst v0  }
0xdb: {  	v0 =	vmul.f32 v17, v2;
	v12 =	vmul.f32 v18, v20;
	v17 =	vld [tilespmem:s26+$0x50]  }
0xdc: {  	[tilespmem:s21+$0xFFFFFEE0] =	vst v11;
	v11 =	vld [tilespmem:s29+$0x50]  }
0xdd: {  	v18 =	vld [tilespmem:s22+$0xFFFFFEF0];
	v0 =	vadd.f32 v12, v0;
	v6 =	vmul.f32 v6, v21;
	v12 =	vmul.f32 v19, v22  }
0xde: {  	v19 =	vld [tilespmem:s23+$0xFFFFFEF0]  }
0xdf: {  	[tilespmem:s21+$0x100] =	vst v0;
	v0 =	vadd.f32 v12, v6  }
0xe0: {  	v6 =	vld [tilespmem:s22+$0x110]  }
0xe1: {  	v12 =	vld [tilespmem:s23+$0x110];
	[tilespmem:s24+$0xFFFFFE40] =	vst v0;
	v0 =	vmul.f32 v17, v1;
	v1 =	vmul.f32 v11, v5  }
0xe2: {  	v5 =	vld [tilespmem:s26+$0xFFFFFE50]  }
0xe3: {  	v11 =	vmul.f32 v18, v13;
	v13 =	vmul.f32 v19, v14;
	v14 =	vld [tilespmem:s29+$0xFFFFFE50];
	v0 =	vadd.f32 v1, v0;
	_ =	sdelay $0x1  }
0xe4: {  	v1 =	vadd.f32 v13, v11;
	[tilespmem:s24+$0x50] =	vst v0  }
0xe5: {  	v0 =	vmul.f32 v6, v2;
	v2 =	vmul.f32 v12, v20;
	v6 =	vld [tilespmem:s26+$0x60]  }
0xe6: {  	[tilespmem:s21+$0xFFFFFEF0] =	vst v1;
	v1 =	vld [tilespmem:s29+$0x60]  }
0xe7: {  	v11 =	vld [tilespmem:s22+$0xFFFFFF00];
	v0 =	vadd.f32 v2, v0;
	v2 =	vmul.f32 v5, v21;
	v5 =	vmul.f32 v14, v22  }
0xe8: {  	v12 =	vld [tilespmem:s23+$0xFFFFFF00]  }
0xe9: {  	[tilespmem:s21+$0x110] =	vst v0;
	v0 =	vadd.f32 v5, v2;
	v2 =	vbroadcast v63, $0x3;
	v5 =	vbroadcast v4, $0x3  }
0xea: {  	v13 =	vbroadcast v7, $0x8;
	v14 =	vbroadcast v8, $0x8;
	v17 =	vld [tilespmem:s22+$0x120]  }
0xeb: {  	v18 =	vld [tilespmem:s23+$0x120];
	[tilespmem:s24+$0xFFFFFE50] =	vst v0;
	v0 =	vmul.f32 v6, v2;
	v1 =	vmul.f32 v1, v5  }
0xec: {  	v6 =	vld [tilespmem:s26+$0xFFFFFE60]  }
0xed: {  	v11 =	vmul.f32 v11, v13;
	v12 =	vmul.f32 v12, v14;
	v19 =	vld [tilespmem:s29+$0xFFFFFE60];
	v0 =	vadd.f32 v1, v0  }
0xee: {  	v20 =	vbroadcast v10, $0x9;
	v1 =	vbroadcast v9, $0x9  }
0xef: {  	v21 =	vbroadcast v16, $0x3;
	v22 =	vbroadcast v15, $0x3;
	v11 =	vadd.f32 v12, v11;
	[tilespmem:s24+$0x60] =	vst v0  }
0xf0: {  	v0 =	vmul.f32 v17, v1;
	v12 =	vmul.f32 v18, v20;
	v17 =	vld [tilespmem:s26+$0x70]  }
0xf1: {  	[tilespmem:s21+$0xFFFFFF00] =	vst v11;
	v11 =	vld [tilespmem:s29+$0x70]  }
0xf2: {  	v18 =	vld [tilespmem:s22+$0xFFFFFF10];
	v0 =	vadd.f32 v12, v0;
	v6 =	vmul.f32 v6, v21;
	v12 =	vmul.f32 v19, v22  }
0xf3: {  	v19 =	vld [tilespmem:s23+$0xFFFFFF10]  }
0xf4: {  	[tilespmem:s21+$0x120] =	vst v0;
	v0 =	vadd.f32 v12, v6  }
0xf5: {  	v6 =	vld [tilespmem:s22+$0x130]  }
0xf6: {  	v12 =	vld [tilespmem:s23+$0x130];
	[tilespmem:s24+$0xFFFFFE60] =	vst v0;
	v0 =	vmul.f32 v17, v2;
	v2 =	vmul.f32 v11, v5  }
0xf7: {  	v5 =	vld [tilespmem:s26+$0xFFFFFE70]  }
0xf8: {  	v11 =	vmul.f32 v18, v13;
	v13 =	vmul.f32 v19, v14;
	v14 =	vld [tilespmem:s29+$0xFFFFFE70];
	v0 =	vadd.f32 v2, v0;
	_ =	sdelay $0x1  }
0xf9: {  	v2 =	vadd.f32 v13, v11;
	[tilespmem:s24+$0x70] =	vst v0  }
0xfa: {  	v0 =	vmul.f32 v6, v1;
	v1 =	vmul.f32 v12, v20;
	v6 =	vld [tilespmem:s26+$0x80]  }
0xfb: {  	[tilespmem:s21+$0xFFFFFF10] =	vst v2;
	v2 =	vld [tilespmem:s29+$0x80]  }
0xfc: {  	v0 =	vadd.f32 v1, v0;
	v1 =	vmul.f32 v5, v21;
	v5 =	vmul.f32 v14, v22  }
0xfd: {  	v11 =	vld [tilespmem:s22+$0xFFFFFF20]  }
0xfe: {  	v12 =	vld [tilespmem:s23+$0xFFFFFF20];
	[tilespmem:s21+$0x130] =	vst v0;
	v0 =	vadd.f32 v5, v1;
	v1 =	vbroadcast v63, $0x4;
	v5 =	vbroadcast v4, $0x4  }
0xff: {  	v13 =	vbroadcast v7, $0x9;
	v17 =	vld [tilespmem:s22+$0x140]  }
0x100: {  	v18 =	vld [tilespmem:s23+$0x140];
	[tilespmem:s24+$0xFFFFFE70] =	vst v0;
	v0 =	vmul.f32 v6, v1;
	v2 =	vmul.f32 v2, v5  }
0x101: {  	v14 =	vbroadcast v8, $0x9;
	v6 =	vld [tilespmem:s26+$0xFFFFFE80]  }
0x102: {  	v20 =	vbroadcast v10, $0xA;
	v11 =	vmul.f32 v11, v13;
	v19 =	vld [tilespmem:s29+$0xFFFFFE80];
	v0 =	vadd.f32 v2, v0  }
0x103: {  	v12 =	vmul.f32 v12, v14;
	v2 =	vbroadcast v9, $0xA  }
0x104: {  	v21 =	vbroadcast v16, $0x4;
	v22 =	vbroadcast v15, $0x4;
	[tilespmem:s24+$0x80] =	vst v0  }
0x105: {  	v0 =	vadd.f32 v12, v11;
	v11 =	vmul.f32 v17, v2;
	v12 =	vmul.f32 v18, v20;
	v17 =	vld [tilespmem:s26+$0x90]  }
0x106: {  	v18 =	vld [tilespmem:s29+$0x90]  }
0x107: {  	[tilespmem:s21+$0xFFFFFF20] =	vst v0;
	v0 =	vadd.f32 v12, v11;
	v6 =	vmul.f32 v6, v21;
	v11 =	vmul.f32 v19, v22  }
0x108: {  	v12 =	vld [tilespmem:s22+$0xFFFFFF30]  }
0x109: {  	v19 =	vld [tilespmem:s23+$0xFFFFFF30];
	[tilespmem:s21+$0x140] =	vst v0;
	v0 =	vadd.f32 v11, v6  }
0x10a: {  	v6 =	vld [tilespmem:s22+$0x150]  }
0x10b: {  	v11 =	vld [tilespmem:s23+$0x150];
	[tilespmem:s24+$0xFFFFFE80] =	vst v0;
	v0 =	vmul.f32 v17, v1;
	v1 =	vmul.f32 v18, v5  }
0x10c: {  	v5 =	vld [tilespmem:s26+$0xFFFFFE90]  }
0x10d: {  	v17 =	vld [tilespmem:s29+$0xFFFFFE90];
	v0 =	vadd.f32 v1, v0  }
0x10e: {  	v1 =	vmul.f32 v12, v13;
	v12 =	vmul.f32 v19, v14  }
0x10f: {  	[tilespmem:s24+$0x90] =	vst v0  }
0x110: {  	v0 =	vadd.f32 v12, v1;
	v1 =	vmul.f32 v6, v2;
	v2 =	vmul.f32 v11, v20;
	v6 =	vld [tilespmem:s26+$0xA0]  }
0x111: {  	v11 =	vld [tilespmem:s29+$0xA0]  }
0x112: {  	[tilespmem:s21+$0xFFFFFF30] =	vst v0;
	v0 =	vadd.f32 v2, v1;
	v1 =	vmul.f32 v5, v21;
	v2 =	vmul.f32 v17, v22  }
0x113: {  	v5 =	vld [tilespmem:s22+$0xFFFFFF40]  }
0x114: {  	v12 =	vld [tilespmem:s23+$0xFFFFFF40];
	[tilespmem:s21+$0x150] =	vst v0;
	v0 =	vadd.f32 v2, v1;
	v1 =	vbroadcast v63, $0x5;
	v2 =	vbroadcast v4, $0x5  }
0x115: {  	v13 =	vld [tilespmem:s22+$0x160]  }
0x116: {  	v14 =	vld [tilespmem:s23+$0x160];
	[tilespmem:s24+$0xFFFFFE90] =	vst v0;
	v0 =	vmul.f32 v6, v1;
	v6 =	vmul.f32 v11, v2  }
0x117: {  	v23 =	vbroadcast v10, $0xB;
	v19 =	vbroadcast v16, $0x5;
	v18 =	vld [tilespmem:s26+$0xFFFFFEA0]  }
0x118: {  	v17 =	vbroadcast v8, $0xA;
	v11 =	vbroadcast v7, $0xA;
	v21 =	vld [tilespmem:s29+$0xFFFFFEA0];
	v0 =	vadd.f32 v6, v0  }
0x119: {  	v20 =	vbroadcast v15, $0x5;
	v22 =	vbroadcast v9, $0xB  }
0x11a: {  	v5 =	vmul.f32 v5, v11;
	v6 =	vmul.f32 v12, v17;
	[tilespmem:s24+$0xA0] =	vst v0  }
0x11b: {  	v0 =	vmul.f32 v13, v22;
	v12 =	vmul.f32 v14, v23;
	v13 =	vld [tilespmem:s26+$0xB0]  }
0x11c: {  	v5 =	vadd.f32 v6, v5;
	v6 =	vld [tilespmem:s29+$0xB0]  }
0x11d: {  	v0 =	vadd.f32 v12, v0;
	v12 =	vmul.f32 v18, v19;
	v14 =	vmul.f32 v21, v20  }
0x11e: {  	s0 =	simm.s32 $0xCD0  }
0x11f: {  	s16 =	simm.s32 $0xC50;
	v41 =	vld [tilespmem:s0+$0xFFFFFFF0];
	[tilespmem:s21+$0x160] =	vst v0;
	v0 =	vadd.f32 v14, v12  }
0x120: {  	v42 =	vld [tilespmem:s16+$0xFFFFFFF0];
	[tilespmem:s21+$0xFFFFFF40] =	vst v5  }
0x121: {  	s30 =	simm.s32 $0x3700;
	v5 =	vld [tilespmem:s16+$0x0];
	[tilespmem:s24+$0xFFFFFEA0] =	vst v0;
	v0 =	vmul.f32 v13, v1;
	v1 =	vmul.f32 v6, v2  }
0x122: {  	v21 =	vld [tilespmem:s30+$0x0]  }
0x123: {  	v12 =	vld [tilespmem:s22+$0x170];
	v0 =	vadd.f32 v1, v0  }
0x124: {  	v14 =	vld [tilespmem:s23+$0x170]  }
0x125: {  	v6 =	vld [tilespmem:s0+$0x0];
	[tilespmem:s24+$0xB0] =	vst v0  }
0x126: {  	v0 =	vld [tilespmem:s26+$0xC0]  }
0x127: {  	v1 =	vld [tilespmem:s29+$0xC0]  }
0x128: {  	s31 =	simm.s32 $0x4700;
	v2 =	vld [tilespmem:s26+$0xFFFFFEB0]  }
0x129: {  	v12 =	vmul.f32 v12, v22;
	v14 =	vmul.f32 v14, v23;
	v22 =	vld [tilespmem:s31+$0x0]  }
0x12a: {  	v24 =	vbroadcast v4, $0x6;
	v13 =	vld [tilespmem:s29+$0xFFFFFEB0];
	v23 =	vbroadcast v63, $0x6  }
0x12b: {  	v26 =	vld [tilespmem:s30+$0xFFFFFE00];
	v25 =	vbroadcast v6, $0x0;
	v12 =	vadd.f32 v14, v12;
	v14 =	vbroadcast v5, $0x0  }
0x12c: {  	v18 =	vld [tilespmem:s22+$0xFFFFFF50];
	v0 =	vmul.f32 v0, v23;
	v1 =	vmul.f32 v1, v24  }
0x12d: {  	[tilespmem:s21+$0x170] =	vst v12;
	v12 =	vld [tilespmem:s31+$0xFFFFFE00]  }
0x12e: {  	v21 =	vmul.f32 v21, v14;
	v27 =	vld [tilespmem:s22+$0x180];
	v22 =	vmul.f32 v22, v25;
	v0 =	vadd.f32 v1, v0  }
0x12f: {  	v1 =	vmul.f32 v2, v19;
	v2 =	vmul.f32 v13, v20;
	v13 =	vld [tilespmem:s23+$0x180]  }
0x130: {  	v28 =	vbroadcast v42, $0x0;
	v21 =	vadd.f32 v22, v21;
	v19 =	vld [tilespmem:s23+$0xFFFFFF50];
	v20 =	vbroadcast v41, $0x0;
	[tilespmem:s24+$0xC0] =	vst v0  }
0x131: {  	s10 =	simm.s32 $0x6700;
	v22 =	vbroadcast v10, $0xC;
	v0 =	vbroadcast v9, $0xC;
	v29 =	vld [tilespmem:s26+$0xD0]  }
0x132: {  	[tilespmem:s10+$0x0] =	vst v21;
	v1 =	vadd.f32 v2, v1;
	v2 =	vmul.f32 v26, v28;
	v12 =	vmul.f32 v12, v20;
	v21 =	vld [tilespmem:s29+$0xD0]  }
0x133: {  	v26 =	vld [tilespmem:s30+$0x10]  }
0x134: {  	[tilespmem:s24+$0xFFFFFEB0] =	vst v1;
	v1 =	vmul.f32 v27, v0;
	v2 =	vadd.f32 v12, v2;
	v12 =	vld [tilespmem:s31+$0x10];
	v13 =	vmul.f32 v13, v22  }
0x135: {  	v27 =	vld [tilespmem:s26+$0xFFFFFEC0]  }
0x136: {  	v11 =	vmul.f32 v18, v11;
	v17 =	vmul.f32 v19, v17;
	[tilespmem:s10+$0xFFFFFE00] =	vst v2;
	v1 =	vadd.f32 v13, v1;
	v13 =	vld [tilespmem:s29+$0xFFFFFEC0]  }
0x137: {  	v2 =	vld [tilespmem:s30+$0xFFFFFE10];
	v18 =	vmul.f32 v29, v23;
	v19 =	vmul.f32 v21, v24  }
0x138: {  	v11 =	vadd.f32 v17, v11;
	v14 =	vmul.f32 v26, v14;
	v21 =	vbroadcast v16, $0x6;
	[tilespmem:s21+$0x180] =	vst v1;
	v1 =	vld [tilespmem:s31+$0xFFFFFE10]  }
0x139: {  	v23 =	vbroadcast v15, $0x6;
	v12 =	vmul.f32 v12, v25;
	v17 =	vld [tilespmem:s22+$0x190];
	v18 =	vadd.f32 v19, v18  }
0x13a: {  	[tilespmem:s21+$0xFFFFFF50] =	vst v11;
	v11 =	vld [tilespmem:s23+$0x190]  }
0x13b: {  	v19 =	vld [tilespmem:s22+$0xFFFFFF60];
	v24 =	vmul.f32 v27, v21;
	v12 =	vadd.f32 v12, v14;
	v13 =	vmul.f32 v13, v23;
	[tilespmem:s24+$0xD0] =	vst v18  }
0x13c: {  	v14 =	vld [tilespmem:s26+$0xE0]  }
0x13d: {  	v2 =	vmul.f32 v2, v28;
	[tilespmem:s10+$0x10] =	vst v12;
	v12 =	vld [tilespmem:s29+$0xE0];
	v13 =	vadd.f32 v13, v24;
	v1 =	vmul.f32 v1, v20  }
0x13e: {  	v18 =	vld [tilespmem:s30+$0x20]  }
0x13f: {  	v0 =	vmul.f32 v17, v0;
	v11 =	vmul.f32 v11, v22;
	[tilespmem:s24+$0xFFFFFEC0] =	vst v13;
	v1 =	vadd.f32 v1, v2;
	v2 =	vld [tilespmem:s31+$0x20]  }
0x140: {  	v17 =	vbroadcast v4, $0x7;
	v13 =	vbroadcast v63, $0x7;
	v20 =	vld [tilespmem:s26+$0xFFFFFED0]  }
0x141: {  	v0 =	vadd.f32 v11, v0;
	v11 =	vbroadcast v6, $0x1;
	v22 =	vld [tilespmem:s29+$0xFFFFFED0];
	[tilespmem:s10+$0xFFFFFE10] =	vst v1;
	v1 =	vbroadcast v5, $0x1  }
0x142: {  	v14 =	vmul.f32 v14, v13;
	v12 =	vmul.f32 v12, v17;
	v24 =	vld [tilespmem:s30+$0xFFFFFE20]  }
0x143: {  	[tilespmem:s21+$0x190] =	vst v0;
	v0 =	vld [tilespmem:s31+$0xFFFFFE20]  }
0x144: {  	v25 =	vld [tilespmem:s22+$0x1A0];
	v18 =	vmul.f32 v18, v1;
	v12 =	vadd.f32 v12, v14;
	v2 =	vmul.f32 v2, v11  }
0x145: {  	v26 =	vbroadcast v42, $0x1;
	v14 =	vbroadcast v41, $0x1;
	v27 =	vld [tilespmem:s23+$0x1A0]  }
0x146: {  	v28 =	vld [tilespmem:s23+$0xFFFFFF60];
	v20 =	vmul.f32 v20, v21;
	[tilespmem:s24+$0xE0] =	vst v12;
	v2 =	vadd.f32 v2, v18;
	v18 =	vmul.f32 v22, v23  }
0x147: {  	v12 =	vbroadcast v9, $0xD;
	v21 =	vbroadcast v10, $0xD;
	v22 =	vld [tilespmem:s26+$0xF0]  }
0x148: {  	v23 =	vmul.f32 v24, v26;
	v0 =	vmul.f32 v0, v14;
	[tilespmem:s10+$0x20] =	vst v2;
	v2 =	vadd.f32 v18, v20;
	v18 =	vld [tilespmem:s29+$0xF0]  }
0x149: {  	v24 =	vbroadcast v8, $0xB;
	v20 =	vbroadcast v7, $0xB;
	v29 =	vld [tilespmem:s30+$0x30]  }
0x14a: {  	v25 =	vmul.f32 v25, v12;
	v27 =	vmul.f32 v27, v21;
	v0 =	vadd.f32 v0, v23;
	v23 =	vld [tilespmem:s31+$0x30];
	[tilespmem:s24+$0xFFFFFED0] =	vst v2  }
0x14b: {  	v2 =	vld [tilespmem:s26+$0xFFFFFEE0]  }
0x14c: {  	v28 =	vmul.f32 v28, v24;
	v19 =	vmul.f32 v19, v20;
	v25 =	vadd.f32 v27, v25;
	[tilespmem:s10+$0xFFFFFE20] =	vst v0;
	v0 =	vld [tilespmem:s29+$0xFFFFFEE0]  }
0x14d: {  	v13 =	vmul.f32 v22, v13;
	v27 =	vld [tilespmem:s30+$0xFFFFFE30];
	v17 =	vmul.f32 v18, v17  }
0x14e: {  	v22 =	vbroadcast v15, $0x7;
	v19 =	vadd.f32 v28, v19;
	[tilespmem:s21+$0x1A0] =	vst v25;
	v25 =	vld [tilespmem:s31+$0xFFFFFE30];
	v18 =	vbroadcast v16, $0x7  }
0x14f: {  	v28 =	vld [tilespmem:s22+$0x1B0];
	v1 =	vmul.f32 v29, v1;
	v11 =	vmul.f32 v23, v11;
	v13 =	vadd.f32 v17, v13  }
0x150: {  	[tilespmem:s21+$0xFFFFFF60] =	vst v19;
	v17 =	vld [tilespmem:s23+$0x1B0]  }
0x151: {  	v19 =	vld [tilespmem:s22+$0xFFFFFF70];
	v2 =	vmul.f32 v2, v18;
	v1 =	vadd.f32 v11, v1;
	v0 =	vmul.f32 v0, v22;
	[tilespmem:s24+$0xF0] =	vst v13  }
0x152: {  	v11 =	vld [tilespmem:s26+$0x100]  }
0x153: {  	v13 =	vmul.f32 v27, v26;
	v14 =	vmul.f32 v25, v14;
	[tilespmem:s10+$0x30] =	vst v1;
	v0 =	vadd.f32 v0, v2;
	v1 =	vld [tilespmem:s29+$0x100]  }
0x154: {  	v2 =	vld [tilespmem:s30+$0x40]  }
0x155: {  	v12 =	vmul.f32 v28, v12;
	v13 =	vadd.f32 v14, v13;
	v14 =	vld [tilespmem:s31+$0x40];
	v17 =	vmul.f32 v17, v21;
	[tilespmem:s24+$0xFFFFFEE0] =	vst v0  }
0x156: {  	v0 =	vbroadcast v63, $0x8;
	v21 =	vbroadcast v4, $0x8;
	v23 =	vld [tilespmem:s26+$0xFFFFFEF0]  }
0x157: {  	v25 =	vbroadcast v6, $0x2;
	[tilespmem:s10+$0xFFFFFE30] =	vst v13;
	v13 =	vbroadcast v5, $0x2;
	v26 =	vld [tilespmem:s29+$0xFFFFFEF0]  }
0x158: {  	v12 =	vadd.f32 v17, v12;
	v17 =	vld [tilespmem:s30+$0xFFFFFE40];
	v11 =	vmul.f32 v11, v0;
	v1 =	vmul.f32 v1, v21  }
0x159: {  	v27 =	vld [tilespmem:s31+$0xFFFFFE40]  }
0x15a: {  	v28 =	vld [tilespmem:s23+$0xFFFFFF70];
	[tilespmem:s21+$0x1B0] =	vst v12;
	v2 =	vmul.f32 v2, v13;
	v12 =	vmul.f32 v14, v25;
	v1 =	vadd.f32 v1, v11  }
0x15b: {  	v14 =	vbroadcast v41, $0x2;
	v11 =	vbroadcast v42, $0x2;
	v29 =	vld [tilespmem:s22+$0x1C0]  }
0x15c: {  	v30 =	vld [tilespmem:s23+$0x1C0];
	v18 =	vmul.f32 v23, v18;
	v2 =	vadd.f32 v12, v2;
	v12 =	vmul.f32 v26, v22;
	[tilespmem:s24+$0x100] =	vst v1  }
0x15d: {  	v1 =	vld [tilespmem:s26+$0x110]  }
0x15e: {  	v17 =	vmul.f32 v17, v11;
	v22 =	vmul.f32 v27, v14;
	[tilespmem:s10+$0x40] =	vst v2;
	v2 =	vadd.f32 v12, v18;
	v12 =	vld [tilespmem:s29+$0x110]  }
0x15f: {  	v23 =	vbroadcast v9, $0xE;
	v18 =	vmul.f32 v19, v20;
	v20 =	vld [tilespmem:s30+$0x50]  }
0x160: {  	v19 =	vmul.f32 v28, v24;
	v24 =	vbroadcast v10, $0xE;
	v17 =	vadd.f32 v22, v17;
	v22 =	vld [tilespmem:s31+$0x50];
	[tilespmem:s24+$0xFFFFFEF0] =	vst v2  }
0x161: {  	v2 =	vld [tilespmem:s26+$0xFFFFFF00]  }
0x162: {  	v18 =	vadd.f32 v19, v18;
	v19 =	vmul.f32 v29, v23;
	v26 =	vmul.f32 v30, v24;
	[tilespmem:s10+$0xFFFFFE40] =	vst v17;
	v17 =	vld [tilespmem:s29+$0xFFFFFF00]  }
0x163: {  	v27 =	vld [tilespmem:s30+$0xFFFFFE50];
	v0 =	vmul.f32 v1, v0;
	v1 =	vmul.f32 v12, v21  }
0x164: {  	[tilespmem:s21+$0xFFFFFF70] =	vst v18;
	v18 =	vadd.f32 v26, v19;
	v19 =	vld [tilespmem:s31+$0xFFFFFE50];
	v12 =	vbroadcast v16, $0x8  }
0x165: {  	v26 =	vld [tilespmem:s22+$0xFFFFFF80];
	v13 =	vmul.f32 v20, v13;
	v20 =	vmul.f32 v22, v25;
	v0 =	vadd.f32 v1, v0  }
0x166: {  	v21 =	vbroadcast v15, $0x8;
	[tilespmem:s21+$0x1C0] =	vst v18;
	v1 =	vld [tilespmem:s23+$0xFFFFFF80]  }
0x167: {  	v18 =	vld [tilespmem:s22+$0x1D0];
	v2 =	vmul.f32 v2, v12;
	v13 =	vadd.f32 v20, v13;
	[tilespmem:s24+$0x110] =	vst v0  }
0x168: {  	v17 =	vmul.f32 v17, v21;
	v20 =	vbroadcast v7, $0xC;
	v0 =	vld [tilespmem:s26+$0x120]  }
0x169: {  	v11 =	vmul.f32 v27, v11;
	v14 =	vmul.f32 v19, v14;
	[tilespmem:s10+$0x50] =	vst v13;
	v13 =	vld [tilespmem:s29+$0x120]  }
0x16a: {  	v22 =	vbroadcast v8, $0xC;
	v2 =	vadd.f32 v17, v2;
	v17 =	vld [tilespmem:s30+$0x60]  }
0x16b: {  	v25 =	vbroadcast v4, $0x9;
	v19 =	vmul.f32 v26, v20;
	v11 =	vadd.f32 v14, v11;
	v14 =	vld [tilespmem:s31+$0x60]  }
0x16c: {  	v32 =	vld [tilespmem:s23+$0x1D0];
	v1 =	vmul.f32 v1, v22;
	[tilespmem:s24+$0xFFFFFF00] =	vst v2;
	v2 =	vbroadcast v63, $0x9  }
0x16d: {  	v27 =	vbroadcast v6, $0x3;
	v26 =	vld [tilespmem:s26+$0xFFFFFF10];
	[tilespmem:s10+$0xFFFFFE50] =	vst v11;
	v11 =	vbroadcast v5, $0x3  }
0x16e: {  	v1 =	vadd.f32 v1, v19;
	v19 =	vld [tilespmem:s29+$0xFFFFFF10];
	v0 =	vmul.f32 v0, v2;
	v13 =	vmul.f32 v13, v25  }
0x16f: {  	v28 =	vld [tilespmem:s30+$0xFFFFFE60]  }
0x170: {  	[tilespmem:s21+$0xFFFFFF80] =	vst v1;
	v1 =	vld [tilespmem:s31+$0xFFFFFE60];
	v17 =	vmul.f32 v17, v11;
	v14 =	vmul.f32 v14, v27;
	v0 =	vadd.f32 v13, v0  }
0x171: {  	v29 =	vld [tilespmem:s22+$0xFFFFFF90]  }
0x172: {  	v30 =	vbroadcast v41, $0x3;
	v13 =	vbroadcast v42, $0x3;
	v31 =	vld [tilespmem:s23+$0xFFFFFF90];
	v14 =	vadd.f32 v14, v17;
	[tilespmem:s24+$0x120] =	vst v0  }
0x173: {  	v12 =	vmul.f32 v26, v12;
	v17 =	vmul.f32 v19, v21;
	v21 =	vld [tilespmem:s26+$0x130]  }
0x174: {  	[tilespmem:s10+$0x60] =	vst v14;
	v14 =	vld [tilespmem:s29+$0x130]  }
0x175: {  	v28 =	vmul.f32 v28, v13;
	v1 =	vmul.f32 v1, v30;
	v12 =	vadd.f32 v17, v12  }
0x176: {  	v17 =	vld [tilespmem:s30+$0x70]  }
0x177: {  	v20 =	vmul.f32 v29, v20;
	v22 =	vmul.f32 v31, v22;
	v1 =	vadd.f32 v1, v28;
	v28 =	vld [tilespmem:s31+$0x70];
	[tilespmem:s24+$0xFFFFFF10] =	vst v12  }
0x178: {  	v18 =	vmul.f32 v18, v23;
	v23 =	vmul.f32 v32, v24;
	v12 =	vld [tilespmem:s26+$0xFFFFFF20]  }
0x179: {  	v20 =	vadd.f32 v22, v20;
	v22 =	vld [tilespmem:s29+$0xFFFFFF20];
	[tilespmem:s10+$0xFFFFFE60] =	vst v1;
	v1 =	vmul.f32 v21, v2;
	v2 =	vmul.f32 v14, v25  }
0x17a: {  	v33 =	vbroadcast v8, $0xD;
	v14 =	vadd.f32 v23, v18;
	v24 =	vld [tilespmem:s30+$0xFFFFFE70]  }
0x17b: {  	v56 =	vbroadcast v7, $0xF;
	v52 =	vbroadcast v8, $0xF;
	[tilespmem:s21+$0xFFFFFF90] =	vst v20;
	v18 =	vld [tilespmem:s31+$0xFFFFFE70];
	v20 =	vadd.f32 v2, v1  }
0x17c: {  	v3 =	vbroadcast v16, $0xB;
	v29 =	vbroadcast v15, $0x9;
	v23 =	vld [tilespmem:s22+$0xFFFFFFA0];
	[tilespmem:s21+$0x1D0] =	vst v14  }
0x17d: {  	v25 =	vbroadcast v16, $0x9;
	v11 =	vmul.f32 v17, v11;
	v14 =	vld [tilespmem:s23+$0xFFFFFFA0];
	[tilespmem:s24+$0x130] =	vst v20  }
0x17e: {  	v17 =	vmul.f32 v28, v27;
	v27 =	vld [tilespmem:s22+$0x1E0];
	[tilespmem:$0x1FFA0] =	vst v3;
	v3 =	vbroadcast v15, $0xB  }
0x17f: {  	v61 =	vbroadcast v16, $0xC;
	v58 =	vbroadcast v16, $0xD  }
0x180: {  	v12 =	vmul.f32 v12, v25;
	v11 =	vadd.f32 v17, v11;
	v17 =	vmul.f32 v22, v29;
	[tilespmem:$0x1FFB0] =	vst v3  }
0x181: {  	v43 =	vbroadcast v41, $0x4;
	v54 =	vbroadcast v16, $0xE;
	v20 =	vld [tilespmem:s26+$0x140]  }
0x182: {  	v55 =	vbroadcast v15, $0xE;
	v44 =	vbroadcast v10, $0xF;
	[tilespmem:s10+$0x70] =	vst v11;
	v11 =	vadd.f32 v17, v12;
	v12 =	vld [tilespmem:s29+$0x140]  }
0x183: {  	v13 =	vmul.f32 v24, v13;
	v24 =	vmul.f32 v18, v30;
	v39 =	vld [tilespmem:s23+$0x1E0]  }
0x184: {  	v57 =	vbroadcast v16, $0xF;
	v26 =	vbroadcast v7, $0xD;
	v28 =	vld [tilespmem:s30+$0x80]  }
0x185: {  	v50 =	vbroadcast v4, $0xA;
	v31 =	vbroadcast v63, $0xA;
	v13 =	vadd.f32 v24, v13;
	v24 =	vld [tilespmem:s31+$0x80];
	[tilespmem:s24+$0xFFFFFF20] =	vst v11  }
0x186: {  	v23 =	vmul.f32 v23, v26;
	v11 =	vmul.f32 v14, v33;
	v30 =	vld [tilespmem:s26+$0xFFFFFF30]  }
0x187: {  	v34 =	vbroadcast v5, $0x4;
	v35 =	vbroadcast v6, $0x4;
	v36 =	vld [tilespmem:s29+$0xFFFFFF30]  }
0x188: {  	[tilespmem:s10+$0xFFFFFE70] =	vst v13;
	v11 =	vadd.f32 v11, v23;
	v20 =	vmul.f32 v20, v31;
	v12 =	vmul.f32 v12, v50  }
0x189: {  	v9 =	vbroadcast v9, $0xF;
	v1 =	vbroadcast v16, $0xA;
	v37 =	vld [tilespmem:s31+$0xFFFFFE80]  }
0x18a: {  	v23 =	vld [tilespmem:s30+$0xFFFFFE80];
	[tilespmem:s21+$0xFFFFFFA0] =	vst v11;
	v11 =	vmul.f32 v28, v34;
	v24 =	vmul.f32 v24, v35;
	v12 =	vadd.f32 v12, v20  }
0x18b: {  	v16 =	vmul.f32 v27, v9;
	v27 =	vmul.f32 v39, v44;
	v20 =	vld [tilespmem:s22+$0xFFFFFFB0]  }
0x18c: {  	v38 =	vld [tilespmem:s23+$0xFFFFFFB0];
	v25 =	vmul.f32 v30, v25;
	v24 =	vadd.f32 v24, v11;
	v29 =	vmul.f32 v36, v29;
	[tilespmem:s24+$0x140] =	vst v12  }
0x18d: {  	v53 =	vbroadcast v15, $0xF;
	v28 =	vbroadcast v42, $0x4;
	v30 =	vld [tilespmem:s26+$0x150]  }
0x18e: {  	v40 =	vbroadcast v42, $0x5;
	v16 =	vadd.f32 v27, v16;
	[tilespmem:s10+$0x80] =	vst v24;
	v24 =	vadd.f32 v29, v25;
	v25 =	vld [tilespmem:s29+$0x150]  }
0x18f: {  	v60 =	vmul.f32 v37, v43;
	v23 =	vmul.f32 v23, v28;
	v29 =	vld [tilespmem:s30+$0x90]  }
0x190: {  	v45 =	vbroadcast v4, $0xB;
	[tilespmem:s21+$0x1E0] =	vst v16;
	v20 =	vmul.f32 v20, v26;
	v26 =	vld [tilespmem:s31+$0x90]  }
0x191: {  	v2 =	vbroadcast v15, $0xA;
	v62 =	vld [tilespmem:s23+$0x1F0];
	v23 =	vadd.f32 v60, v23;
	[tilespmem:s24+$0xFFFFFF30] =	vst v24;
	v24 =	vmul.f32 v38, v33  }
0x192: {  	v18 =	vbroadcast v15, $0xD;
	v3 =	vbroadcast v15, $0xC;
	v15 =	vld [tilespmem:s26+$0xFFFFFF40]  }
0x193: {  	[tilespmem:s10+$0xFFFFFE80] =	vst v23;
	v23 =	vld [tilespmem:s29+$0xFFFFFF40];
	v20 =	vadd.f32 v24, v20;
	v30 =	vmul.f32 v30, v31;
	v25 =	vmul.f32 v25, v50  }
0x194: {  	v46 =	vbroadcast v5, $0x5;
	v47 =	vbroadcast v6, $0x5;
	v24 =	vld [tilespmem:s30+$0xFFFFFE90]  }
0x195: {  	v27 =	vld [tilespmem:s31+$0xFFFFFE90];
	[tilespmem:s21+$0xFFFFFFB0] =	vst v20;
	v20 =	vmul.f32 v29, v34;
	v26 =	vmul.f32 v26, v35;
	v25 =	vadd.f32 v25, v30  }
0x196: {  	v32 =	vbroadcast v41, $0x9;
	v0 =	vbroadcast v7, $0xE;
	v29 =	vld [tilespmem:s22+$0xFFFFFFC0]  }
0x197: {  	v19 =	vbroadcast v8, $0xE;
	v7 =	vbroadcast v42, $0xB;
	v16 =	vld [tilespmem:s23+$0xFFFFFFC0];
	v20 =	vadd.f32 v26, v20;
	[tilespmem:s24+$0x150] =	vst v25  }
0x198: {  	v15 =	vmul.f32 v15, v1;
	v23 =	vmul.f32 v23, v2;
	v25 =	vld [tilespmem:s26+$0x160]  }
0x199: {  	v21 =	vbroadcast v41, $0xF;
	v22 =	vbroadcast v42, $0xE;
	[tilespmem:s10+$0x90] =	vst v20;
	v20 =	vld [tilespmem:s29+$0x160]  }
0x19a: {  	v30 =	vld [tilespmem:s22+$0x1F0];
	v24 =	vmul.f32 v24, v28;
	v26 =	vmul.f32 v27, v43;
	v15 =	vadd.f32 v23, v15  }
0x19b: {  	v17 =	vbroadcast v41, $0xC;
	v23 =	vld [tilespmem:s30+$0xA0];
	v27 =	vmul.f32 v29, v0  }
0x19c: {  	v24 =	vadd.f32 v26, v24;
	v28 =	vld [tilespmem:s31+$0xA0];
	v16 =	vmul.f32 v16, v19;
	[tilespmem:s24+$0xFFFFFF40] =	vst v15;
	v15 =	vbroadcast v63, $0xB  }
0x19d: {  	v13 =	vbroadcast v42, $0xA;
	v39 =	vbroadcast v41, $0x5;
	v26 =	vld [tilespmem:s26+$0xFFFFFF50]  }
0x19e: {  	[tilespmem:s10+$0xFFFFFE90] =	vst v24;
	v24 =	vld [tilespmem:s29+$0xFFFFFF50];
	v16 =	vadd.f32 v16, v27;
	v25 =	vmul.f32 v25, v15;
	v20 =	vmul.f32 v20, v45  }
0x19f: {  	v37 =	vbroadcast v42, $0x6;
	v36 =	vbroadcast v41, $0x7;
	v48 =	vld [tilespmem:s30+$0xFFFFFEA0]  }
0x1a0: {  	v38 =	vbroadcast v41, $0x6;
	v33 =	vbroadcast v42, $0x8;
	v49 =	vld [tilespmem:s31+$0xFFFFFEA0];
	[tilespmem:s21+$0xFFFFFFC0] =	vst v16;
	v20 =	vadd.f32 v20, v25  }
0x1a1: {  	v16 =	vmul.f32 v23, v46;
	v23 =	vmul.f32 v28, v47;
	v50 =	vld [tilespmem:s22+$0xFFFFFFD0];
	[tilespmem:$0x1FFC0] =	vst v7  }
0x1a2: {  	v31 =	vbroadcast v42, $0x9;
	v7 =	vbroadcast v41, $0xB;
	[tilespmem:s24+$0x160] =	vst v20;
	v20 =	vld [tilespmem:s23+$0xFFFFFFD0]  }
0x1a3: {  	v1 =	vmul.f32 v26, v1;
	v2 =	vmul.f32 v24, v2;
	v16 =	vadd.f32 v23, v16  }
0x1a4: {  	v51 =	vmul.f32 v62, v44;
	v34 =	vbroadcast v41, $0x8;
	v24 =	vld [tilespmem:s26+$0x170];
	[tilespmem:$0x1FFD0] =	vst v7  }
0x1a5: {  	v23 =	vmul.f32 v48, v40;
	v26 =	vmul.f32 v49, v39;
	v1 =	vadd.f32 v2, v1;
	[tilespmem:s10+$0xA0] =	vst v16;
	v16 =	vld [tilespmem:s29+$0x170]  }
0x1a6: {  	v35 =	vbroadcast v42, $0x7;
	v9 =	vmul.f32 v30, v9;
	v2 =	vld [tilespmem:s30+$0xB0]  }
0x1a7: {  	v59 =	vadd.f32 v26, v23;
	v0 =	vmul.f32 v50, v0;
	[tilespmem:s24+$0xFFFFFF50] =	vst v1;
	v48 =	vld [tilespmem:s31+$0xB0];
	v1 =	vmul.f32 v20, v19  }
0x1a8: {  	v30 =	vbroadcast v41, $0xA;
	v27 =	vbroadcast v41, $0xD;
	v43 =	vld [tilespmem:s26+$0xFFFFFF60]  }
0x1a9: {  	v28 =	vbroadcast v42, $0xC;
	v25 =	vbroadcast v42, $0xF;
	[tilespmem:s10+$0xFFFFFEA0] =	vst v59;
	v44 =	vld [tilespmem:s29+$0xFFFFFF60];
	v0 =	vadd.f32 v1, v0  }
0x1aa: {  	v60 =	vmul.f32 v24, v15;
	v15 =	vadd.f32 v51, v9;
	v62 =	vmul.f32 v16, v45;
	v1 =	vld [tilespmem:s30+$0xFFFFFEB0]  }
0x1ab: {  	s13 =	simm.s32 $0x3700;
	s2 =	simm.s32 $0x4700;
	v26 =	vbroadcast v42, $0xD;
	v9 =	vmul.f32 v2, v46;
	v2 =	vld [tilespmem:s31+$0xFFFFFEB0];
	[tilespmem:s21+$0xFFFFFFD0] =	vst v0  }
0x1ac: {  	s12 =	simm.s32 $0x6700;
	s15 =	simm.s32 $0x4;
	s16 =	simm.s32 $0xC70;
	v23 =	vbroadcast v41, $0xE;
	v45 =	vmul.f32 v48, v47;
	[tilespmem:s21+$0x1F0] =	vst v15;
	v0 =	vadd.f32 v62, v60;
	v41 =	vld [tilespmem:s22+$0xFFFFFFE0]  }
.LBB2_6:
0x1ad: {  	[tilespmem:$0x1FED0] =	vst v28;
	v28 =	vld [tilespmem:$0x1FFA0]  }
0x1ae: {  	[tilespmem:$0x1FF40] =	vst v13;
	v13 =	vld [tilespmem:$0x1FFB0];
	_ =	sdelay $0x1  }
0x1af: {  	v50 =	vld [tilespmem:s16+$0x0];
	s0 =	sadd.s32 $0x20, s0;
	v9 =	vadd.f32 v45, v9  }
0x1b0: {  	v49 =	vld [tilespmem:s0+$0x0];
	[tilespmem:s24+$0x170] =	vst v0  }
0x1b1: {  	v0 =	vmul.f32 v1, v40;
	v1 =	vld [tilespmem:s26+$0x180];
	v2 =	vmul.f32 v2, v39;
	[tilespmem:s10+$0xB0] =	vst v9  }
0x1b2: {  	v51 =	vld [tilespmem:s29+$0x180];
	v42 =	vmul.f32 v43, v28;
	v48 =	vmul.f32 v44, v13  }
0x1b3: {  	[tilespmem:$0x1FF00] =	vst v57;
	v57 =	vld [tilespmem:s30+$0xC0]  }
0x1b4: {  	v0 =	vadd.f32 v2, v0;
	v2 =	vld [tilespmem:s31+$0xC0];
	s31 =	sadd.s32 $0x400, s31;
	v9 =	vadd.f32 v48, v42  }
0x1b5: {  	v45 =	vbroadcast v6, $0x6;
	s30 =	sadd.s32 $0x400, s30;
	v43 =	vbroadcast v63, $0xC;
	v59 =	vld [tilespmem:s31+$0x0]  }
0x1b6: {  	v44 =	vbroadcast v4, $0xC;
	v46 =	vbroadcast v50, $0x0;
	[tilespmem:s24+$0xFFFFFF60] =	vst v9;
	v9 =	vld [tilespmem:s30+$0x0]  }
0x1b7: {  	[tilespmem:s10+$0xFFFFFEB0] =	vst v0;
	v0 =	vbroadcast v5, $0x6;
	v1 =	vmul.f32 v1, v43  }
0x1b8: {  	[tilespmem:$0x1FF60] =	vst v55;
	v39 =	vmul.f32 v51, v44;
	v51 =	vbroadcast v49, $0x0;
	v55 =	vld [tilespmem:s0+$0xFFFFFFF0]  }
0x1b9: {  	[tilespmem:$0x1FEE0] =	vst v17;
	v40 =	vmul.f32 v57, v0;
	v60 =	vld [tilespmem:s16+$0xFFFFFFF0];
	v2 =	vmul.f32 v2, v45  }
0x1ba: {  	[tilespmem:$0x1FF30] =	vst v21;
	v17 =	vmov v3;
	v3 =	vmul.f32 v41, v56;
	v47 =	vld [tilespmem:s30+$0xFFFFFE00];
	v1 =	vadd.f32 v39, v1  }
0x1bb: {  	[tilespmem:$0x1FF20] =	vst v53;
	v48 =	vld [tilespmem:s31+$0xFFFFFE00];
	v41 =	vmul.f32 v59, v51;
	v2 =	vadd.f32 v2, v40;
	v9 =	vmul.f32 v9, v46  }
0x1bc: {  	[tilespmem:s24+$0x180] =	vst v1  }
0x1bd: {  	v40 =	vld [tilespmem:s26+$0x190];
	[tilespmem:s10+$0xC0] =	vst v2;
	v9 =	vadd.f32 v41, v9  }
0x1be: {  	[tilespmem:$0x1FF50] =	vst v54;
	s10 =	sadd.s32 $0x400, s10;
	v53 =	vbroadcast v55, $0x0;
	v54 =	vbroadcast v60, $0x0;
	v2 =	vld [tilespmem:s29+$0x190]  }
0x1bf: {  	v21 =	vmov v18;
	v18 =	vmov v58;
	v58 =	vld [tilespmem:s13+$0xD0];
	[tilespmem:s10+$0x0] =	vst v9  }
0x1c0: {  	v62 =	vmul.f32 v47, v54;
	v39 =	vmul.f32 v48, v53;
	v9 =	vld [tilespmem:s2+$0xD0]  }
0x1c1: {  	v59 =	vld [tilespmem:s30+$0x10]  }
0x1c2: {  	v39 =	vadd.f32 v39, v62;
	v62 =	vld [tilespmem:s31+$0x10]  }
0x1c3: {  	v14 =	vmov v52;
	v52 =	vld [tilespmem:s13+$0xFFFFFEC0]  }
0x1c4: {  	v10 =	vld [tilespmem:s2+$0xFFFFFEC0];
	v43 =	vmul.f32 v40, v43;
	v2 =	vmul.f32 v2, v44;
	[tilespmem:s10+$0xFFFFFE00] =	vst v39  }
0x1c5: {  	v0 =	vmul.f32 v58, v0;
	v15 =	vld [tilespmem:s26+$0xFFFFFF70];
	v9 =	vmul.f32 v9, v45  }
0x1c6: {  	v44 =	vld [tilespmem:s30+$0xFFFFFE10];
	v2 =	vadd.f32 v2, v43  }
0x1c7: {  	v43 =	vld [tilespmem:s31+$0xFFFFFE10];
	v46 =	vmul.f32 v59, v46;
	v51 =	vmul.f32 v62, v51;
	v0 =	vadd.f32 v9, v0  }
0x1c8: {  	v62 =	vld [tilespmem:s29+$0xFFFFFF70];
	[tilespmem:s24+$0x190] =	vst v2  }
0x1c9: {  	v19 =	vld [tilespmem:s26+$0x1A0];
	v46 =	vadd.f32 v51, v46;
	[tilespmem:s12+$0xD0] =	vst v0  }
0x1ca: {  	v52 =	vmul.f32 v52, v37;
	v10 =	vmul.f32 v10, v38;
	v0 =	vld [tilespmem:s29+$0x1A0]  }
0x1cb: {  	v20 =	vbroadcast v5, $0x7;
	v51 =	vld [tilespmem:s13+$0xE0];
	[tilespmem:s10+$0x10] =	vst v46  }
0x1cc: {  	v10 =	vadd.f32 v10, v52;
	v44 =	vmul.f32 v44, v54;
	v43 =	vmul.f32 v43, v53;
	v46 =	vld [tilespmem:s2+$0xE0]  }
0x1cd: {  	[tilespmem:$0x1FF90] =	vst v23;
	v29 =	vmovc v4;
	v7 =	vbroadcast v6, $0x7;
	v4 =	vmov v63;
	v23 =	vbroadcast v50, $0x1;
	v53 =	vld [tilespmem:s30+$0x20]  }
0x1ce: {  	[tilespmem:s12+$0xFFFFFEC0] =	vst v10;
	v10 =	vbroadcast v4, $0xD;
	v54 =	vbroadcast v29, $0xD;
	v43 =	vadd.f32 v43, v44;
	v44 =	vld [tilespmem:s31+$0x20]  }
0x1cf: {  	v24 =	vbroadcast v49, $0x1;
	v1 =	vbroadcast v60, $0x1  }
0x1d0: {  	v8 =	vld [tilespmem:s13+$0xFFFFFED0];
	v19 =	vmul.f32 v19, v10;
	[tilespmem:s10+$0xFFFFFE10] =	vst v43;
	v0 =	vmul.f32 v0, v54  }
0x1d1: {  	[tilespmem:$0x1FF80] =	vst v22;
	v22 =	vmov v25;
	v25 =	vld [tilespmem:s2+$0xFFFFFED0];
	v43 =	vmul.f32 v51, v20;
	v46 =	vmul.f32 v46, v7  }
0x1d2: {  	[tilespmem:$0x1FF10] =	vst v26;
	v16 =	vbroadcast v55, $0x6;
	v45 =	vbroadcast v60, $0x6;
	v26 =	vld [tilespmem:s30+$0xFFFFFE20];
	v0 =	vadd.f32 v0, v19  }
0x1d3: {  	v53 =	vmul.f32 v53, v23;
	v44 =	vmul.f32 v44, v24;
	v19 =	vld [tilespmem:s31+$0xFFFFFE20];
	v46 =	vadd.f32 v46, v43  }
0x1d4: {  	v15 =	vmul.f32 v15, v28;
	v28 =	vmul.f32 v62, v13;
	v13 =	vld [tilespmem:$0x1FFC0];
	[tilespmem:s24+$0x1A0] =	vst v0  }
0x1d5: {  	v44 =	vadd.f32 v44, v53;
	v0 =	vmul.f32 v8, v37;
	v8 =	vbroadcast v55, $0xA;
	v12 =	vld [tilespmem:s26+$0x1B0];
	[tilespmem:s12+$0xE0] =	vst v46  }
0x1d6: {  	v63 =	vbroadcast v55, $0x1;
	v37 =	vmov v45;
	v45 =	vld [tilespmem:s29+$0x1B0]  }
0x1d7: {  	v25 =	vmul.f32 v25, v38;
	v38 =	vmov v16;
	v16 =	vmul.f32 v26, v1;
	v46 =	vld [tilespmem:s13+$0xF0];
	[tilespmem:s10+$0x20] =	vst v44  }
0x1d8: {  	v26 =	vbroadcast v60, $0xB;
	v19 =	vmul.f32 v19, v63;
	v44 =	vld [tilespmem:s2+$0xF0]  }
0x1d9: {  	[tilespmem:$0x1FF70] =	vst v8;
	v25 =	vadd.f32 v25, v0;
	v8 =	vmov v27;
	v27 =	vld [tilespmem:s30+$0x30]  }
0x1da: {  	v16 =	vadd.f32 v19, v16;
	v19 =	vld [tilespmem:s31+$0x30]  }
0x1db: {  	v15 =	vadd.f32 v28, v15;
	v11 =	vld [tilespmem:s23+$0xFFFFFFE0];
	[tilespmem:s12+$0xFFFFFED0] =	vst v25  }
0x1dc: {  	v26 =	vmov v26;
	v25 =	vld [tilespmem:s13+$0xFFFFFEE0];
	v10 =	vmul.f32 v12, v10;
	v12 =	vmul.f32 v45, v54;
	[tilespmem:s10+$0xFFFFFE20] =	vst v16  }
0x1dd: {  	[tilespmem:$0x1FFC0] =	vst v26;
	v20 =	vmul.f32 v46, v20;
	v16 =	vld [tilespmem:s2+$0xFFFFFEE0];
	v7 =	vmul.f32 v44, v7  }
0x1de: {  	v26 =	vld [tilespmem:s30+$0xFFFFFE30];
	[tilespmem:s24+$0xFFFFFF70] =	vst v15;
	v10 =	vadd.f32 v12, v10  }
0x1df: {  	v12 =	vld [tilespmem:s31+$0xFFFFFE30];
	v15 =	vmul.f32 v27, v23;
	v19 =	vmul.f32 v19, v24;
	v7 =	vadd.f32 v7, v20  }
0x1e0: {  	v20 =	vld [tilespmem:s26+$0xFFFFFF80];
	[tilespmem:s24+$0x1B0] =	vst v10  }
0x1e1: {  	v23 =	vld [tilespmem:s26+$0x1C0];
	v15 =	vadd.f32 v19, v15;
	[tilespmem:s12+$0xF0] =	vst v7  }
0x1e2: {  	v10 =	vmul.f32 v25, v35;
	v16 =	vmul.f32 v16, v36;
	v7 =	vld [tilespmem:s29+$0x1C0]  }
0x1e3: {  	v11 =	vmul.f32 v11, v14;
	v19 =	vld [tilespmem:s13+$0x100];
	[tilespmem:s10+$0x30] =	vst v15  }
0x1e4: {  	v1 =	vmul.f32 v26, v1;
	v12 =	vmul.f32 v12, v63;
	v10 =	vadd.f32 v16, v10;
	v15 =	vld [tilespmem:s2+$0x100]  }
0x1e5: {  	v11 =	vadd.f32 v11, v3;
	v16 =	vld [tilespmem:s30+$0x40]  }
0x1e6: {  	v24 =	vbroadcast v4, $0xE;
	v25 =	vbroadcast v29, $0xE;
	v1 =	vadd.f32 v12, v1;
	v12 =	vld [tilespmem:s31+$0x40];
	[tilespmem:s12+$0xFFFFFEE0] =	vst v10  }
0x1e7: {  	v26 =	vbroadcast v6, $0x8;
	v10 =	vbroadcast v5, $0x8;
	v27 =	vld [tilespmem:s13+$0xFFFFFEF0];
	[tilespmem:s21+$0xFFFFFFE0] =	vst v11  }
0x1e8: {  	v23 =	vmul.f32 v23, v24;
	v7 =	vmul.f32 v7, v25;
	[tilespmem:s10+$0xFFFFFE30] =	vst v1  }
0x1e9: {  	v1 =	vbroadcast v50, $0x2;
	v11 =	vbroadcast v49, $0x2;
	v28 =	vld [tilespmem:s2+$0xFFFFFEF0]  }
0x1ea: {  	v63 =	vld [tilespmem:s30+$0xFFFFFE40];
	v19 =	vmul.f32 v19, v10;
	v15 =	vmul.f32 v15, v26  }
0x1eb: {  	[tilespmem:$0x1FEF0] =	vst v56;
	v9 =	vbroadcast v60, $0x7;
	v7 =	vadd.f32 v7, v23;
	v23 =	vld [tilespmem:s31+$0xFFFFFE40]  }
0x1ec: {  	v62 =	vmovc v13;
	v13 =	vld [tilespmem:$0x1FFD0];
	v16 =	vmul.f32 v16, v1;
	v12 =	vmul.f32 v12, v11;
	v15 =	vadd.f32 v15, v19  }
0x1ed: {  	v57 =	vbroadcast v60, $0x2;
	v56 =	vbroadcast v55, $0x2;
	v19 =	vld [tilespmem:s29+$0xFFFFFF80];
	[tilespmem:s24+$0x1C0] =	vst v7  }
0x1ee: {  	v2 =	vbroadcast v55, $0x7;
	v7 =	vmul.f32 v27, v35;
	v27 =	vld [tilespmem:s26+$0x1D0];
	v35 =	vmovc v9;
	v9 =	vadd.f32 v12, v16;
	[tilespmem:s12+$0x100] =	vst v15  }
0x1ef: {  	v12 =	vmul.f32 v28, v36;
	v15 =	vld [tilespmem:s29+$0x1D0]  }
0x1f0: {  	v36 =	vmov v2;
	v2 =	vmul.f32 v63, v57;
	v16 =	vld [tilespmem:s13+$0x110];
	v23 =	vmul.f32 v23, v56;
	[tilespmem:s10+$0x40] =	vst v9  }
0x1f1: {  	v7 =	vadd.f32 v12, v7;
	v9 =	vld [tilespmem:s2+$0x110]  }
0x1f2: {  	v20 =	vmul.f32 v20, v61;
	v12 =	vld [tilespmem:s30+$0x50];
	v19 =	vmul.f32 v19, v17;
	v2 =	vadd.f32 v23, v2  }
0x1f3: {  	v23 =	vld [tilespmem:s31+$0x50];
	[tilespmem:s12+$0xFFFFFEF0] =	vst v7  }
0x1f4: {  	v7 =	vld [tilespmem:s13+$0xFFFFFF00];
	v19 =	vadd.f32 v19, v20;
	[tilespmem:s10+$0xFFFFFE40] =	vst v2  }
0x1f5: {  	v20 =	vmul.f32 v27, v24;
	v15 =	vmul.f32 v15, v25;
	v2 =	vld [tilespmem:s2+$0xFFFFFF00]  }
0x1f6: {  	v24 =	vld [tilespmem:s30+$0xFFFFFE50];
	v10 =	vmul.f32 v16, v10;
	v9 =	vmul.f32 v9, v26;
	[tilespmem:s24+$0xFFFFFF80] =	vst v19  }
0x1f7: {  	v15 =	vadd.f32 v15, v20;
	v16 =	vld [tilespmem:s31+$0xFFFFFE50]  }
0x1f8: {  	v1 =	vmul.f32 v12, v1;
	v11 =	vmul.f32 v23, v11;
	v9 =	vadd.f32 v9, v10  }
0x1f9: {  	v10 =	vld [tilespmem:s26+$0xFFFFFF90];
	[tilespmem:s24+$0x1D0] =	vst v15  }
0x1fa: {  	v1 =	vadd.f32 v11, v1;
	v12 =	vld [tilespmem:s26+$0x1E0];
	[tilespmem:s12+$0x110] =	vst v9  }
0x1fb: {  	v7 =	vmul.f32 v7, v33;
	v2 =	vmul.f32 v2, v34;
	v9 =	vld [tilespmem:s29+$0x1E0]  }
0x1fc: {  	v0 =	vmov v13;
	v11 =	vmul.f32 v24, v57;
	v15 =	vld [tilespmem:s13+$0x120];
	[tilespmem:s10+$0x50] =	vst v1;
	v16 =	vmul.f32 v16, v56  }
0x1fd: {  	[tilespmem:$0x1FFB0] =	vst v0;
	v0 =	vbroadcast v60, $0xC;
	v1 =	vadd.f32 v2, v7;
	v2 =	vld [tilespmem:s2+$0x120]  }
0x1fe: {  	v19 =	vbroadcast v4, $0xF;
	v4 =	vmovc v6;
	v6 =	vmovc v49;
	v20 =	vbroadcast v29, $0xF;
	v7 =	vld [tilespmem:s30+$0x60];
	v11 =	vadd.f32 v16, v11  }
0x1ff: {  	v63 =	vmov v5;
	v23 =	vbroadcast v4, $0x9;
	v25 =	vbroadcast v6, $0x3;
	v16 =	vld [tilespmem:s31+$0x60];
	[tilespmem:s12+$0xFFFFFF00] =	vst v1  }
0x200: {  	v5 =	vmov v50;
	v1 =	vbroadcast v63, $0x9;
	v24 =	vld [tilespmem:s13+$0xFFFFFF10];
	v12 =	vmul.f32 v12, v19;
	[tilespmem:s10+$0xFFFFFE50] =	vst v11  }
0x201: {  	v9 =	vmul.f32 v9, v20;
	v11 =	vbroadcast v5, $0x3;
	v26 =	vld [tilespmem:s2+$0xFFFFFF10]  }
0x202: {  	v15 =	vmul.f32 v15, v1;
	v27 =	vld [tilespmem:s30+$0xFFFFFE60];
	v2 =	vmul.f32 v2, v23  }
0x203: {  	v9 =	vadd.f32 v9, v12;
	v12 =	vld [tilespmem:s31+$0xFFFFFE60]  }
0x204: {  	v28 =	vmovc v0;
	v0 =	vmul.f32 v7, v11;
	v7 =	vmul.f32 v16, v25;
	v2 =	vadd.f32 v2, v15  }
0x205: {  	v15 =	vld [tilespmem:s29+$0xFFFFFF90];
	[tilespmem:s24+$0x1E0] =	vst v9  }
0x206: {  	v48 =	vbroadcast v60, $0x3;
	v47 =	vbroadcast v55, $0x3;
	v16 =	vld [tilespmem:s26+$0x1F0];
	v0 =	vadd.f32 v7, v0;
	[tilespmem:s12+$0x120] =	vst v2  }
0x207: {  	v9 =	vmul.f32 v24, v33;
	v7 =	vmul.f32 v26, v34;
	v2 =	vld [tilespmem:s29+$0x1F0]  }
0x208: {  	v24 =	vmul.f32 v27, v48;
	v26 =	vld [tilespmem:s13+$0x130];
	v12 =	vmul.f32 v12, v47;
	[tilespmem:s10+$0x60] =	vst v0  }
0x209: {  	v0 =	vadd.f32 v7, v9;
	v7 =	vld [tilespmem:s2+$0x130]  }
0x20a: {  	v10 =	vmul.f32 v10, v61;
	v9 =	vld [tilespmem:s30+$0x70];
	v15 =	vmul.f32 v15, v17;
	v12 =	vadd.f32 v12, v24  }
0x20b: {  	v24 =	vld [tilespmem:s31+$0x70];
	[tilespmem:s12+$0xFFFFFF10] =	vst v0  }
0x20c: {  	v10 =	vadd.f32 v15, v10;
	v0 =	vld [tilespmem:s13+$0xFFFFFF20];
	[tilespmem:s10+$0xFFFFFE60] =	vst v12  }
0x20d: {  	v12 =	vld [tilespmem:s2+$0xFFFFFF20]  }
0x20e: {  	v15 =	vmul.f32 v16, v19;
	v16 =	vld [tilespmem:s30+$0xFFFFFE70];
	[tilespmem:s24+$0xFFFFFF90] =	vst v10  }
0x20f: {  	v2 =	vmul.f32 v2, v20;
	v10 =	vld [tilespmem:s31+$0xFFFFFE70]  }
0x210: {  	v1 =	vmul.f32 v26, v1;
	v7 =	vmul.f32 v7, v23  }
0x211: {  	v2 =	vadd.f32 v2, v15;
	v9 =	vmul.f32 v9, v11;
	v11 =	vmul.f32 v24, v25  }
0x212: {  	v1 =	vadd.f32 v7, v1;
	v7 =	vld [tilespmem:s26+$0xFFFFFFA0]  }
0x213: {  	[tilespmem:s24+$0x1F0] =	vst v2;
	v2 =	vld [tilespmem:s29+$0xFFFFFFA0];
	v0 =	vmul.f32 v0, v31;
	v9 =	vadd.f32 v11, v9;
	v11 =	vmul.f32 v12, v32  }
0x214: {  	v12 =	vmul.f32 v16, v48;
	v10 =	vmul.f32 v10, v47  }
0x215: {  	v0 =	vadd.f32 v11, v0  }
0x216: {  	[tilespmem:s12+$0x130] =	vst v1;
	v10 =	vadd.f32 v10, v12  }
0x217: {  	v1 =	vld [tilespmem:s22+$0xFFFFFFF0];
	s22 =	smov.u32 s26;
	s26 =	smov.u32 s13;
	[tilespmem:s12+$0xFFFFFF20] =	vst v0  }
0x218: {  	v7 =	vmul.f32 v7, v18;
	v0 =	vmul.f32 v2, v21;
	v2 =	vld [tilespmem:s26+$0xFFFFFF30];
	[tilespmem:s10+$0xFFFFFE70] =	vst v10  }
0x219: {  	v23 =	vld [tilespmem:s2+$0xFFFFFF30]  }
0x21a: {  	v0 =	vadd.f32 v0, v7;
	v7 =	vld [tilespmem:s30+$0xFFFFFE80]  }
0x21b: {  	v24 =	vld [tilespmem:s31+$0xFFFFFE80]  }
0x21c: {  	[tilespmem:s24+$0xFFFFFFA0] =	vst v0;
	v0 =	vld [tilespmem:$0x1FEF0];
	_ =	sdelay $0x1  }
0x21d: {  	v15 =	vld [tilespmem:s26+$0x140];
	[tilespmem:s10+$0x70] =	vst v9  }
0x21e: {  	v11 =	vld [tilespmem:s30+$0x80]  }
0x21f: {  	v12 =	vld [tilespmem:s31+$0x80]  }
0x220: {  	v0 =	vmul.f32 v1, v0;
	v1 =	vld [tilespmem:$0x1FF00];
	_ =	sdelay $0x2  }
0x221: {  	v20 =	vbroadcast v6, $0x4;
	v9 =	vld [tilespmem:s2+$0x140];
	v10 =	vbroadcast v5, $0x4;
	_ =	sdelay $0x1  }
0x222: {  	v56 =	vmov v1;
	v1 =	vmul.f32 v11, v10;
	v11 =	vmul.f32 v12, v20;
	v12 =	vld [tilespmem:s22+$0xFFFFFFB0]  }
0x223: {  	v19 =	vbroadcast v4, $0xA;
	v16 =	vbroadcast v63, $0xA;
	_ =	sdelay $0x1  }
0x224: {  	v15 =	vmul.f32 v15, v16;
	v9 =	vmul.f32 v9, v19;
	_ =	sdelay $0x1  }
0x225: {  	v42 =	vbroadcast v60, $0x4;
	v9 =	vadd.f32 v9, v15;
	v12 =	vmul.f32 v12, v18;
	v18 =	vmovc v8;
	v8 =	vld [tilespmem:$0x1FF20]  }
0x226: {  	v41 =	vbroadcast v55, $0x4;
	v52 =	vbroadcast v60, $0x9;
	v15 =	vld [tilespmem:s29+$0xFFFFFFB0];
	v1 =	vadd.f32 v11, v1  }
0x227: {  	v2 =	vmul.f32 v2, v31;
	[tilespmem:s12+$0x140] =	vst v9;
	v9 =	vld [tilespmem:s23+$0xFFFFFFF0];
	v11 =	vmul.f32 v23, v32  }
0x228: {  	v53 =	vbroadcast v55, $0xB;
	s23 =	smov.u32 s29;
	s29 =	smov.u32 s2;
	v23 =	vld [tilespmem:s26+$0x150];
	[tilespmem:s10+$0x80] =	vst v1  }
0x229: {  	v7 =	vmul.f32 v7, v42;
	v24 =	vmul.f32 v24, v41;
	v1 =	vadd.f32 v11, v2;
	v2 =	vld [tilespmem:s29+$0x150]  }
0x22a: {  	v31 =	vmov v52;
	v52 =	vmov v8;
	v8 =	vld [tilespmem:$0x1FF30]  }
0x22b: {  	v13 =	vmov v53;
	v53 =	vbroadcast v55, $0xD;
	v7 =	vadd.f32 v24, v7;
	v11 =	vld [tilespmem:s30+$0x90]  }
0x22c: {  	v24 =	vld [tilespmem:s31+$0x90];
	[tilespmem:s12+$0xFFFFFF30] =	vst v1  }
0x22d: {  	v1 =	vmul.f32 v15, v21;
	v15 =	vld [tilespmem:s26+$0xFFFFFF40];
	[tilespmem:s10+$0xFFFFFE80] =	vst v7  }
0x22e: {  	v7 =	vld [tilespmem:s29+$0xFFFFFF40]  }
0x22f: {  	v27 =	vmovc v53;
	v9 =	vmul.f32 v9, v14;
	v1 =	vadd.f32 v1, v12;
	v53 =	vmov v8;
	v8 =	vld [tilespmem:$0x1FF40]  }
0x230: {  	v16 =	vmul.f32 v23, v16;
	v12 =	vld [tilespmem:s30+$0xFFFFFE90];
	v2 =	vmul.f32 v2, v19  }
0x231: {  	v0 =	vadd.f32 v9, v0;
	v9 =	vld [tilespmem:s31+$0xFFFFFE90];
	[tilespmem:s24+$0xFFFFFFB0] =	vst v1;
	v1 =	vmul.f32 v11, v10;
	v10 =	vmul.f32 v24, v20  }
0x232: {  	v14 =	vld [tilespmem:$0x1FF60];
	v2 =	vadd.f32 v2, v16  }
0x233: {  	v11 =	vld [tilespmem:s22+$0xFFFFFFC0];
	[tilespmem:s21+$0xFFFFFFF0] =	vst v0;
	s21 =	smov.u32 s24;
	s24 =	smov.u32 s12;
	v1 =	vadd.f32 v10, v1  }
0x234: {  	[tilespmem:s24+$0x150] =	vst v2;
	v0 =	vmul.f32 v15, v8;
	v15 =	vld [tilespmem:s23+$0xFFFFFFC0]  }
0x235: {  	v7 =	vmul.f32 v7, v30;
	v10 =	vld [tilespmem:s26+$0x160];
	[tilespmem:s10+$0x90] =	vst v1  }
0x236: {  	v1 =	vld [tilespmem:s29+$0x160]  }
0x237: {  	v57 =	vmov v22;
	v22 =	vld [tilespmem:$0x1FF50];
	v16 =	vbroadcast v4, $0xB;
	v0 =	vadd.f32 v7, v0  }
0x238: {  	v3 =	vld [tilespmem:$0x1FED0];
	[tilespmem:$0x1FFD0] =	vst v13;
	v9 =	vmul.f32 v9, v41;
	v2 =	vmul.f32 v12, v42  }
0x239: {  	v13 =	vld [tilespmem:$0x1FEE0];
	[tilespmem:s24+$0xFFFFFF40] =	vst v0;
	v0 =	vmul.f32 v15, v14;
	v15 =	vbroadcast v63, $0xB  }
0x23a: {  	v2 =	vadd.f32 v9, v2;
	v9 =	vld [tilespmem:s31+$0xA0]  }
0x23b: {  	v1 =	vmul.f32 v1, v16;
	v7 =	vld [tilespmem:s30+$0xA0];
	v10 =	vmul.f32 v10, v15  }
0x23c: {  	v11 =	vmul.f32 v11, v22;
	v12 =	vld [tilespmem:s26+$0xFFFFFF50];
	[tilespmem:s10+$0xFFFFFE90] =	vst v2  }
0x23d: {  	v2 =	vld [tilespmem:s29+$0xFFFFFF50];
	v1 =	vadd.f32 v1, v10  }
0x23e: {  	v0 =	vadd.f32 v0, v11;
	v11 =	vld [tilespmem:s30+$0xFFFFFEA0]  }
0x23f: {  	[tilespmem:s24+$0x160] =	vst v1;
	v1 =	vld [tilespmem:$0x1FF70];
	_ =	sdelay $0x1  }
0x240: {  	v19 =	vbroadcast v5, $0x5;
	v20 =	vbroadcast v6, $0x5  }
0x241: {  	v40 =	vbroadcast v60, $0x5;
	v61 =	vmov v3;
	v3 =	vmov v13;
	v13 =	vld [tilespmem:$0x1FF10]  }
0x242: {  	v23 =	vld [tilespmem:s31+$0xFFFFFEA0];
	[tilespmem:s21+$0xFFFFFFC0] =	vst v0;
	v0 =	vmul.f32 v7, v19;
	v7 =	vmul.f32 v9, v20  }
0x243: {  	v2 =	vmul.f32 v2, v30;
	v30 =	vmov v1;
	v1 =	vmul.f32 v11, v40;
	v11 =	vld [tilespmem:$0x1FF80]  }
0x244: {  	v54 =	vbroadcast v60, $0xD;
	v9 =	vld [tilespmem:s22+$0xFFFFFFD0];
	v0 =	vadd.f32 v7, v0  }
0x245: {  	v39 =	vbroadcast v55, $0x5;
	v10 =	vmul.f32 v12, v8;
	v12 =	vld [tilespmem:s23+$0xFFFFFFD0]  }
0x246: {  	v58 =	vbroadcast v55, $0x8;
	v7 =	vld [tilespmem:s26+$0x170];
	[tilespmem:s10+$0xA0] =	vst v0  }
0x247: {  	v51 =	vbroadcast v55, $0x9;
	v8 =	vmul.f32 v23, v39;
	v0 =	vadd.f32 v2, v10;
	v2 =	vld [tilespmem:s29+$0x170]  }
0x248: {  	[tilespmem:$0x1FFA0] =	vst v62;
	v62 =	vbroadcast v55, $0xC;
	v43 =	vbroadcast v60, $0xA;
	v26 =	vmovc v54;
	v54 =	vmov v11;
	v11 =	vld [tilespmem:$0x1FF90]  }
0x249: {  	s15 =	sadd.s32 $0x2, s15;
	v45 =	vbroadcast v55, $0xE;
	v55 =	vbroadcast v55, $0xF;
	v10 =	vld [tilespmem:s30+$0xB0];
	v1 =	vadd.f32 v8, v1  }
0x24a: {  	p1 =	slt.u32 s15, $0x6;
	v9 =	vmul.f32 v9, v22;
	[tilespmem:s24+$0xFFFFFF50] =	vst v0;
	v0 =	vmul.f32 v12, v14;
	v8 =	vld [tilespmem:s31+$0xB0]  }
.Ltmp2:
0x24b: {  	v59 =	vbroadcast v60, $0x8;
	v34 =	vmovc v58;
	v58 =	vmov v13;
	v13 =	vmov v43;
	v43 =	vld [tilespmem:s26+$0xFFFFFF60];
	[tilespmem:s10+$0xFFFFFEA0] =	vst v1;
	(pc) =	sbr.rel @p1 .LBB2_6-.Ltmp2, $4  }
0x24c: {  	v46 =	vbroadcast v60, $0xE;
	v60 =	vbroadcast v60, $0xF;
	v0 =	vadd.f32 v0, v9;
	v44 =	vld [tilespmem:s29+$0xFFFFFF60]  }
0x24d: {  	v21 =	vmovc v55;
	v7 =	vmul.f32 v7, v15;
	v1 =	vld [tilespmem:s30+$0xFFFFFEB0];
	v55 =	vmov v11;
	v11 =	vmul.f32 v2, v16  }
0x24e: {  	s16 =	sadd.s32 $0x20, s16;
	v33 =	vmovc v59;
	v17 =	vmovc v62;
	v25 =	vmov v60;
	v32 =	vmov v51;
	v23 =	vmov v45;
	v2 =	vld [tilespmem:s31+$0xFFFFFEB0];
	[tilespmem:s21+$0xFFFFFFD0] =	vst v0  }
0x24f: {  	s13 =	smov.u32 s30;
	s2 =	smov.u32 s31;
	s12 =	smov.u32 s10;
	v22 =	vmovc v46;
	v9 =	vmul.f32 v10, v19;
	v45 =	vmul.f32 v8, v20;
	v41 =	vld [tilespmem:s22+$0xFFFFFFE0];
	v0 =	vadd.f32 v11, v7  }
0x250: {  	_ = 	snop  }
0x251: {  	v7 =	vadd.f32 v45, v9;
	_ =	sdelay $0x1  }
0x252: {  	[tilespmem:s10+$0xB0] =	vst v7  }
0x253: {  	v7 =	vld [tilespmem:s30+$0xC0]  }
0x254: {  	v1 =	vmul.f32 v1, v40;
	v2 =	vmul.f32 v2, v39;
	v62 =	vld [tilespmem:s31+$0xC0];
	_ =	sdelay $0x1  }
0x255: {  	v1 =	vadd.f32 v2, v1  }
0x256: {  	v12 =	vbroadcast v5, $0x6;
	v8 =	vbroadcast v6, $0x6  }
0x257: {  	[tilespmem:s10+$0xFFFFFEB0] =	vst v1  }
0x258: {  	v14 =	vld [tilespmem:s13+$0xFFFFFEC0];
	v7 =	vmul.f32 v7, v12;
	v2 =	vmul.f32 v62, v8  }
0x259: {  	v10 =	vld [tilespmem:s2+$0xFFFFFEC0]  }
0x25a: {  	v2 =	vadd.f32 v2, v7;
	_ =	sdelay $0x1  }
0x25b: {  	[tilespmem:s10+$0xC0] =	vst v2  }
0x25c: {  	v16 =	vld [tilespmem:s13+$0xD0]  }
0x25d: {  	v15 =	vmul.f32 v14, v37;
	v7 =	vmul.f32 v10, v38;
	v19 =	vld [tilespmem:s2+$0xD0];
	_ =	sdelay $0x1  }
0x25e: {  	v2 =	vadd.f32 v7, v15;
	_ =	sdelay $0x1  }
0x25f: {  	[tilespmem:s12+$0xFFFFFEC0] =	vst v2  }
0x260: {  	v7 =	vld [tilespmem:s2+$0xFFFFFED0];
	v1 =	vmul.f32 v16, v12;
	v8 =	vmul.f32 v19, v8  }
0x261: {  	v2 =	vld [tilespmem:s13+$0xFFFFFED0]  }
0x262: {  	v1 =	vadd.f32 v8, v1;
	_ =	sdelay $0x1  }
0x263: {  	[tilespmem:s12+$0xD0] =	vst v1  }
0x264: {  	v24 =	vmul.f32 v7, v38;
	v7 =	vld [tilespmem:s13+$0xE0]  }
0x265: {  	v20 =	vmul.f32 v2, v37;
	v8 =	vld [tilespmem:s2+$0xE0];
	_ =	sdelay $0x1  }
0x266: {  	v1 =	vadd.f32 v24, v20  }
0x267: {  	v29 =	vbroadcast v5, $0x7;
	v37 =	vbroadcast v6, $0x7  }
0x268: {  	[tilespmem:s12+$0xFFFFFED0] =	vst v1  }
0x269: {  	v38 =	vld [tilespmem:s13+$0xFFFFFEE0];
	v7 =	vmul.f32 v7, v29;
	v8 =	vmul.f32 v8, v37  }
0x26a: {  	v39 =	vld [tilespmem:s2+$0xFFFFFEE0]  }
0x26b: {  	v7 =	vadd.f32 v8, v7;
	_ =	sdelay $0x1  }
0x26c: {  	[tilespmem:s12+$0xE0] =	vst v7  }
0x26d: {  	v40 =	vld [tilespmem:s13+$0xF0]  }
0x26e: {  	v7 =	vmul.f32 v38, v35;
	v8 =	vmul.f32 v39, v36;
	v42 =	vld [tilespmem:s2+$0xF0];
	_ =	sdelay $0x1  }
0x26f: {  	v7 =	vadd.f32 v8, v7;
	_ =	sdelay $0x1  }
0x270: {  	[tilespmem:s12+$0xFFFFFEE0] =	vst v7  }
0x271: {  	v7 =	vld [tilespmem:s13+$0xFFFFFEF0];
	v1 =	vmul.f32 v40, v29;
	v2 =	vmul.f32 v42, v37  }
0x272: {  	v8 =	vld [tilespmem:s2+$0xFFFFFEF0]  }
0x273: {  	v1 =	vadd.f32 v2, v1;
	_ =	sdelay $0x1  }
0x274: {  	[tilespmem:s12+$0xF0] =	vst v1  }
0x275: {  	v45 =	vmul.f32 v7, v35;
	v7 =	vld [tilespmem:s13+$0x100]  }
0x276: {  	v46 =	vmul.f32 v8, v36;
	v8 =	vld [tilespmem:s2+$0x100];
	_ =	sdelay $0x1  }
0x277: {  	v1 =	vadd.f32 v46, v45  }
0x278: {  	v47 =	vbroadcast v5, $0x8;
	v48 =	vbroadcast v6, $0x8  }
0x279: {  	[tilespmem:s12+$0xFFFFFEF0] =	vst v1  }
0x27a: {  	v49 =	vld [tilespmem:s13+$0xFFFFFF00];
	v7 =	vmul.f32 v7, v47;
	v8 =	vmul.f32 v8, v48  }
0x27b: {  	v50 =	vld [tilespmem:s2+$0xFFFFFF00]  }
0x27c: {  	v7 =	vadd.f32 v8, v7;
	_ =	sdelay $0x1  }
0x27d: {  	[tilespmem:s12+$0x100] =	vst v7  }
0x27e: {  	v51 =	vld [tilespmem:s13+$0x110]  }
0x27f: {  	v7 =	vmul.f32 v49, v33;
	v8 =	vmul.f32 v50, v34;
	v59 =	vld [tilespmem:s2+$0x110];
	_ =	sdelay $0x1  }
0x280: {  	v7 =	vadd.f32 v8, v7;
	_ =	sdelay $0x1  }
0x281: {  	[tilespmem:s12+$0xFFFFFF00] =	vst v7  }
0x282: {  	v7 =	vld [tilespmem:s13+$0xFFFFFF10];
	v1 =	vmul.f32 v51, v47;
	v2 =	vmul.f32 v59, v48  }
0x283: {  	v8 =	vld [tilespmem:s2+$0xFFFFFF10]  }
0x284: {  	v1 =	vadd.f32 v2, v1;
	_ =	sdelay $0x1  }
0x285: {  	[tilespmem:s12+$0x110] =	vst v1  }
0x286: {  	v60 =	vmul.f32 v7, v33;
	v7 =	vld [tilespmem:s13+$0x120]  }
0x287: {  	v62 =	vmul.f32 v8, v34;
	v8 =	vld [tilespmem:s2+$0x120];
	_ =	sdelay $0x1  }
0x288: {  	v1 =	vadd.f32 v62, v60  }
0x289: {  	v14 =	vbroadcast v6, $0x9;
	v12 =	vbroadcast v5, $0x9  }
0x28a: {  	[tilespmem:s12+$0xFFFFFF10] =	vst v1  }
0x28b: {  	v15 =	vld [tilespmem:s13+$0xFFFFFF20];
	v7 =	vmul.f32 v7, v12;
	v8 =	vmul.f32 v8, v14  }
0x28c: {  	v16 =	vld [tilespmem:s2+$0xFFFFFF20]  }
0x28d: {  	v7 =	vadd.f32 v8, v7;
	_ =	sdelay $0x1  }
0x28e: {  	[tilespmem:s12+$0x120] =	vst v7  }
0x28f: {  	v19 =	vld [tilespmem:s13+$0x130]  }
0x290: {  	v7 =	vmul.f32 v15, v31;
	v8 =	vmul.f32 v16, v32;
	v20 =	vld [tilespmem:s2+$0x130];
	_ =	sdelay $0x1  }
0x291: {  	v7 =	vadd.f32 v8, v7;
	_ =	sdelay $0x1  }
0x292: {  	[tilespmem:s12+$0xFFFFFF20] =	vst v7  }
0x293: {  	v7 =	vld [tilespmem:s13+$0xFFFFFF30];
	v1 =	vmul.f32 v19, v12;
	v2 =	vmul.f32 v20, v14  }
0x294: {  	v8 =	vld [tilespmem:s2+$0xFFFFFF30]  }
0x295: {  	v1 =	vadd.f32 v2, v1;
	_ =	sdelay $0x1  }
0x296: {  	[tilespmem:s12+$0x130] =	vst v1  }
0x297: {  	v24 =	vmul.f32 v7, v31;
	v7 =	vld [tilespmem:s13+$0x140]  }
0x298: {  	v29 =	vmul.f32 v8, v32;
	v8 =	vld [tilespmem:s2+$0x140];
	_ =	sdelay $0x1  }
0x299: {  	v1 =	vadd.f32 v29, v24  }
0x29a: {  	v31 =	vbroadcast v5, $0xA;
	v32 =	vbroadcast v6, $0xA  }
0x29b: {  	[tilespmem:s12+$0xFFFFFF30] =	vst v1  }
0x29c: {  	v33 =	vld [tilespmem:s13+$0xFFFFFF40];
	v7 =	vmul.f32 v7, v31;
	v8 =	vmul.f32 v8, v32  }
0x29d: {  	v34 =	vld [tilespmem:s2+$0xFFFFFF40]  }
0x29e: {  	v7 =	vadd.f32 v8, v7;
	_ =	sdelay $0x1  }
0x29f: {  	[tilespmem:s12+$0x140] =	vst v7  }
0x2a0: {  	v35 =	vld [tilespmem:s13+$0x150]  }
0x2a1: {  	v7 =	vmul.f32 v33, v13;
	v8 =	vmul.f32 v34, v30;
	v36 =	vld [tilespmem:s2+$0x150];
	_ =	sdelay $0x1  }
0x2a2: {  	v7 =	vadd.f32 v8, v7;
	_ =	sdelay $0x1  }
0x2a3: {  	[tilespmem:s12+$0xFFFFFF40] =	vst v7  }
0x2a4: {  	v7 =	vld [tilespmem:s13+$0xFFFFFF50];
	v1 =	vmul.f32 v35, v31;
	v2 =	vmul.f32 v36, v32  }
0x2a5: {  	v8 =	vld [tilespmem:s2+$0xFFFFFF50]  }
0x2a6: {  	v1 =	vadd.f32 v2, v1;
	_ =	sdelay $0x1  }
0x2a7: {  	[tilespmem:s12+$0x150] =	vst v1  }
0x2a8: {  	v37 =	vmul.f32 v7, v13;
	v7 =	vld [tilespmem:s13+$0x160]  }
0x2a9: {  	v38 =	vmul.f32 v8, v30;
	v8 =	vld [tilespmem:s2+$0x160];
	_ =	sdelay $0x2  }
0x2aa: {  	v39 =	vbroadcast v5, $0xB;
	v40 =	vbroadcast v6, $0xB;
	v1 =	vadd.f32 v38, v37;
	_ =	sdelay $0x1  }
0x2ab: {  	[tilespmem:s12+$0xFFFFFF50] =	vst v1;
	v7 =	vmul.f32 v7, v39;
	v8 =	vmul.f32 v8, v40  }
0x2ac: {  	v42 =	vld [tilespmem:s13+$0xFFFFFF60]  }
0x2ad: {  	v45 =	vld [tilespmem:s2+$0xFFFFFF60];
	v7 =	vadd.f32 v8, v7  }
0x2ae: {  	v46 =	vld [tilespmem:$0x1FFA0]  }
0x2af: {  	v14 =	vld [tilespmem:$0x1FFB0];
	[tilespmem:s12+$0x160] =	vst v7  }
0x2b0: {  	v15 =	vld [tilespmem:$0x1FFC0]  }
0x2b1: {  	v16 =	vld [tilespmem:$0x1FFD0];
	_ =	sdelay $0x2  }
0x2b2: {  	v11 =	vmul.f32 v43, v46;
	v12 =	vmul.f32 v44, v14;
	_ =	sdelay $0x1  }
0x2b3: {  	v8 =	vadd.f32 v12, v11;
	v7 =	vmul.f32 v42, v15;
	v47 =	vmul.f32 v45, v16  }
0x2b4: {  	v48 =	vld [tilespmem:s13+$0x170]  }
0x2b5: {  	[tilespmem:s24+$0xFFFFFF60] =	vst v8;
	v8 =	vld [tilespmem:s2+$0x170];
	v7 =	vadd.f32 v47, v7  }
0x2b6: {  	v49 =	vld [tilespmem:s26+$0xFFFFFF70]  }
0x2b7: {  	v50 =	vld [tilespmem:s29+$0xFFFFFF70];
	[tilespmem:s12+$0xFFFFFF60] =	vst v7  }
0x2b8: {  	v7 =	vld [tilespmem:s13+$0xFFFFFF70]  }
0x2b9: {  	v51 =	vld [tilespmem:s2+$0xFFFFFF70]  }
0x2ba: {  	[tilespmem:s24+$0x170] =	vst v0;
	v59 =	vmul.f32 v48, v39;
	v60 =	vmul.f32 v8, v40  }
0x2bb: {  	v62 =	vld [tilespmem:s26+$0x180]  }
0x2bc: {  	v8 =	vld [tilespmem:s29+$0x180];
	v9 =	vmul.f32 v49, v46;
	v19 =	vmul.f32 v50, v14;
	v0 =	vadd.f32 v60, v59;
	_ =	sdelay $0x1  }
0x2bd: {  	v20 =	vadd.f32 v19, v9;
	[tilespmem:s12+$0x170] =	vst v0;
	v24 =	vmul.f32 v7, v15;
	v7 =	vmul.f32 v51, v16  }
0x2be: {  	v29 =	vbroadcast v63, $0xC;
	v30 =	vbroadcast v4, $0xC;
	v31 =	vld [tilespmem:s13+$0x180]  }
0x2bf: {  	[tilespmem:s24+$0xFFFFFF70] =	vst v20;
	v32 =	vld [tilespmem:s2+$0x180];
	v0 =	vadd.f32 v7, v24  }
0x2c0: {  	v2 =	vmul.f32 v62, v29;
	v33 =	vld [tilespmem:s29+$0xFFFFFF80];
	v7 =	vmul.f32 v8, v30  }
0x2c1: {  	v8 =	vld [tilespmem:s26+$0xFFFFFF80];
	[tilespmem:s12+$0xFFFFFF70] =	vst v0  }
0x2c2: {  	v35 =	vbroadcast v5, $0xC;
	v34 =	vadd.f32 v7, v2;
	v7 =	vbroadcast v6, $0xC;
	v36 =	vld [tilespmem:s13+$0xFFFFFF80]  }
0x2c3: {  	v37 =	vld [tilespmem:s2+$0xFFFFFF80]  }
0x2c4: {  	v38 =	vmul.f32 v31, v35;
	[tilespmem:s24+$0x180] =	vst v34;
	v1 =	vmul.f32 v32, v7  }
0x2c5: {  	v39 =	vld [tilespmem:s26+$0x190]  }
0x2c6: {  	v12 =	vmul.f32 v33, v3;
	v19 =	vld [tilespmem:s29+$0x190];
	v8 =	vmul.f32 v8, v61;
	v0 =	vadd.f32 v1, v38;
	_ =	sdelay $0x1  }
0x2c7: {  	v40 =	vadd.f32 v12, v8;
	[tilespmem:s12+$0x180] =	vst v0;
	v42 =	vmul.f32 v36, v28;
	v8 =	vmul.f32 v37, v17  }
0x2c8: {  	v43 =	vld [tilespmem:s13+$0x190]  }
0x2c9: {  	[tilespmem:s24+$0xFFFFFF80] =	vst v40;
	v44 =	vld [tilespmem:s2+$0x190];
	v0 =	vadd.f32 v8, v42  }
0x2ca: {  	v8 =	vmul.f32 v39, v29;
	v45 =	vmul.f32 v19, v30;
	v46 =	vld [tilespmem:s26+$0xFFFFFF90]  }
0x2cb: {  	v47 =	vld [tilespmem:s29+$0xFFFFFF90];
	[tilespmem:s12+$0xFFFFFF80] =	vst v0  }
0x2cc: {  	v48 =	vadd.f32 v45, v8;
	v8 =	vld [tilespmem:s13+$0xFFFFFF90]  }
0x2cd: {  	v49 =	vld [tilespmem:s2+$0xFFFFFF90]  }
0x2ce: {  	[tilespmem:s24+$0x190] =	vst v48;
	v50 =	vmul.f32 v43, v35;
	v1 =	vmul.f32 v44, v7  }
0x2cf: {  	v51 =	vld [tilespmem:s26+$0x1A0]  }
0x2d0: {  	v7 =	vld [tilespmem:s29+$0x1A0];
	v10 =	vmul.f32 v46, v61;
	v11 =	vmul.f32 v47, v3;
	v0 =	vadd.f32 v1, v50;
	_ =	sdelay $0x1  }
0x2d1: {  	v59 =	vadd.f32 v11, v10;
	[tilespmem:s12+$0x190] =	vst v0;
	v60 =	vmul.f32 v8, v28;
	v8 =	vmul.f32 v49, v17  }
0x2d2: {  	v62 =	vbroadcast v4, $0xD;
	v61 =	vbroadcast v63, $0xD;
	v20 =	vld [tilespmem:s13+$0x1A0]  }
0x2d3: {  	[tilespmem:s24+$0xFFFFFF90] =	vst v59;
	v24 =	vld [tilespmem:s2+$0x1A0];
	v0 =	vadd.f32 v8, v60  }
0x2d4: {  	v2 =	vmul.f32 v51, v61;
	v7 =	vmul.f32 v7, v62;
	v8 =	vld [tilespmem:s26+$0xFFFFFFA0]  }
0x2d5: {  	v28 =	vld [tilespmem:s29+$0xFFFFFFA0];
	[tilespmem:s12+$0xFFFFFF90] =	vst v0  }
0x2d6: {  	v30 =	vbroadcast v5, $0xD;
	v29 =	vadd.f32 v7, v2;
	v7 =	vbroadcast v6, $0xD;
	v31 =	vld [tilespmem:s13+$0xFFFFFFA0]  }
0x2d7: {  	v32 =	vld [tilespmem:s2+$0xFFFFFFA0]  }
0x2d8: {  	[tilespmem:s24+$0x1A0] =	vst v29;
	v33 =	vmul.f32 v20, v30;
	v1 =	vmul.f32 v24, v7  }
0x2d9: {  	v34 =	vld [tilespmem:s26+$0x1B0]  }
0x2da: {  	v35 =	vld [tilespmem:s29+$0x1B0];
	v8 =	vmul.f32 v8, v58;
	v12 =	vmul.f32 v28, v18;
	v0 =	vadd.f32 v1, v33;
	_ =	sdelay $0x1  }
0x2db: {  	v36 =	vadd.f32 v12, v8;
	[tilespmem:s12+$0x1A0] =	vst v0;
	v37 =	vmul.f32 v31, v26;
	v8 =	vmul.f32 v32, v27  }
0x2dc: {  	v38 =	vld [tilespmem:s13+$0x1B0]  }
0x2dd: {  	[tilespmem:s24+$0xFFFFFFA0] =	vst v36;
	v39 =	vld [tilespmem:s2+$0x1B0];
	v0 =	vadd.f32 v8, v37  }
0x2de: {  	v8 =	vmul.f32 v34, v61;
	v40 =	vmul.f32 v35, v62;
	v42 =	vld [tilespmem:s26+$0xFFFFFFB0]  }
0x2df: {  	v43 =	vld [tilespmem:s29+$0xFFFFFFB0];
	[tilespmem:s12+$0xFFFFFFA0] =	vst v0  }
0x2e0: {  	v44 =	vadd.f32 v40, v8;
	v8 =	vld [tilespmem:s13+$0xFFFFFFB0]  }
0x2e1: {  	v45 =	vld [tilespmem:s2+$0xFFFFFFB0]  }
0x2e2: {  	[tilespmem:s24+$0x1B0] =	vst v44;
	v46 =	vmul.f32 v38, v30;
	v1 =	vmul.f32 v39, v7  }
0x2e3: {  	v47 =	vld [tilespmem:s26+$0x1C0]  }
0x2e4: {  	v7 =	vld [tilespmem:s29+$0x1C0];
	v10 =	vmul.f32 v42, v58;
	v11 =	vmul.f32 v43, v18;
	v0 =	vadd.f32 v1, v46;
	_ =	sdelay $0x1  }
0x2e5: {  	v48 =	vadd.f32 v11, v10;
	[tilespmem:s12+$0x1B0] =	vst v0;
	v49 =	vmul.f32 v8, v26;
	v8 =	vmul.f32 v45, v27  }
0x2e6: {  	v50 =	vbroadcast v63, $0xE;
	v51 =	vbroadcast v4, $0xE;
	v58 =	vld [tilespmem:s13+$0x1C0]  }
0x2e7: {  	[tilespmem:s24+$0xFFFFFFB0] =	vst v48;
	v59 =	vld [tilespmem:s2+$0x1C0];
	v0 =	vadd.f32 v8, v49  }
0x2e8: {  	v2 =	vmul.f32 v47, v50;
	v7 =	vmul.f32 v7, v51;
	v8 =	vld [tilespmem:s26+$0xFFFFFFC0]  }
0x2e9: {  	v60 =	vld [tilespmem:s29+$0xFFFFFFC0];
	[tilespmem:s12+$0xFFFFFFB0] =	vst v0  }
0x2ea: {  	v62 =	vbroadcast v5, $0xE;
	v61 =	vadd.f32 v7, v2;
	v7 =	vbroadcast v6, $0xE;
	v18 =	vld [tilespmem:s13+$0xFFFFFFC0]  }
0x2eb: {  	v19 =	vld [tilespmem:s2+$0xFFFFFFC0]  }
0x2ec: {  	[tilespmem:s24+$0x1C0] =	vst v61;
	v20 =	vmul.f32 v58, v62;
	v1 =	vmul.f32 v59, v7  }
0x2ed: {  	v24 =	vld [tilespmem:s26+$0x1D0]  }
0x2ee: {  	v26 =	vld [tilespmem:s29+$0x1D0];
	v8 =	vmul.f32 v8, v54;
	v12 =	vmul.f32 v60, v55;
	v0 =	vadd.f32 v1, v20;
	_ =	sdelay $0x1  }
0x2ef: {  	v27 =	vadd.f32 v12, v8;
	[tilespmem:s12+$0x1C0] =	vst v0;
	v28 =	vmul.f32 v18, v22;
	v8 =	vmul.f32 v19, v23  }
0x2f0: {  	v29 =	vld [tilespmem:s13+$0x1D0]  }
0x2f1: {  	[tilespmem:s24+$0xFFFFFFC0] =	vst v27;
	v30 =	vld [tilespmem:s2+$0x1D0];
	v0 =	vadd.f32 v8, v28  }
0x2f2: {  	v8 =	vmul.f32 v24, v50;
	v31 =	vmul.f32 v26, v51;
	v32 =	vld [tilespmem:s26+$0xFFFFFFD0]  }
0x2f3: {  	v33 =	vld [tilespmem:s29+$0xFFFFFFD0];
	[tilespmem:s12+$0xFFFFFFC0] =	vst v0  }
0x2f4: {  	v34 =	vadd.f32 v31, v8;
	v8 =	vld [tilespmem:s13+$0xFFFFFFD0]  }
0x2f5: {  	v35 =	vld [tilespmem:s2+$0xFFFFFFD0]  }
0x2f6: {  	v36 =	vmul.f32 v29, v62;
	v1 =	vmul.f32 v30, v7  }
0x2f7: {  	v38 =	vld [tilespmem:s23+$0xFFFFFFE0];
	[tilespmem:s24+$0x1D0] =	vst v34  }
0x2f8: {  	v37 =	vld [tilespmem:s26+$0x1E0];
	v10 =	vmul.f32 v32, v54;
	v11 =	vmul.f32 v33, v55;
	v0 =	vadd.f32 v1, v36  }
0x2f9: {  	v7 =	vld [tilespmem:s29+$0x1E0]  }
0x2fa: {  	v10 =	vadd.f32 v11, v10;
	[tilespmem:s12+$0x1D0] =	vst v0;
	v39 =	vmul.f32 v8, v22;
	v8 =	vmul.f32 v35, v23  }
0x2fb: {  	v40 =	vld [tilespmem:s13+$0x1E0]  }
0x2fc: {  	v3 =	vbroadcast v63, $0xF;
	v4 =	vbroadcast v4, $0xF;
	[tilespmem:s24+$0xFFFFFFD0] =	vst v10;
	v42 =	vld [tilespmem:s2+$0x1E0];
	v0 =	vadd.f32 v8, v39  }
0x2fd: {  	v43 =	vmul.f32 v41, v56;
	v1 =	vmul.f32 v38, v52;
	v8 =	vld [tilespmem:s26+$0xFFFFFFE0]  }
0x2fe: {  	v2 =	vmul.f32 v37, v3;
	v7 =	vmul.f32 v7, v4;
	v44 =	vld [tilespmem:s29+$0xFFFFFFE0];
	[tilespmem:s12+$0xFFFFFFD0] =	vst v0  }
0x2ff: {  	v46 =	vbroadcast v5, $0xF;
	v5 =	vbroadcast v6, $0xF;
	v1 =	vadd.f32 v1, v43;
	v6 =	vld [tilespmem:s13+$0xFFFFFFE0]  }
0x300: {  	v45 =	vadd.f32 v7, v2;
	v7 =	vld [tilespmem:s2+$0xFFFFFFE0]  }
0x301: {  	[tilespmem:s21+$0xFFFFFFE0] =	vst v1;
	v47 =	vmul.f32 v40, v46;
	v48 =	vmul.f32 v42, v5  }
0x302: {  	v54 =	vld [tilespmem:s22+$0xFFFFFFF0]  }
0x303: {  	v55 =	vld [tilespmem:s23+$0xFFFFFFF0];
	[tilespmem:s24+$0x1E0] =	vst v45;
	v8 =	vmul.f32 v8, v57;
	v51 =	vmul.f32 v44, v53;
	v0 =	vadd.f32 v48, v47  }
0x304: {  	v49 =	vld [tilespmem:s26+$0x1F0]  }
0x305: {  	v50 =	vld [tilespmem:s29+$0x1F0];
	v8 =	vadd.f32 v51, v8;
	[tilespmem:s12+$0x1E0] =	vst v0;
	v58 =	vmul.f32 v6, v25;
	v6 =	vmul.f32 v7, v21  }
0x306: {  	v7 =	vld [tilespmem:s13+$0x1F0]  }
0x307: {  	[tilespmem:s24+$0xFFFFFFE0] =	vst v8;
	v8 =	vld [tilespmem:s2+$0x1F0];
	v0 =	vadd.f32 v6, v58  }
0x308: {  	v6 =	vld [tilespmem:s26+$0xFFFFFFF0]  }
0x309: {  	v59 =	vld [tilespmem:s29+$0xFFFFFFF0];
	[tilespmem:s12+$0xFFFFFFE0] =	vst v0  }
0x30a: {  	v0 =	vld [tilespmem:s13+$0xFFFFFFF0]  }
0x30b: {  	v60 =	vld [tilespmem:s2+$0xFFFFFFF0]  }
0x30c: {  	v3 =	vmul.f32 v49, v3;
	v1 =	vmul.f32 v50, v4  }
0x30d: {  	v61 =	vmul.f32 v55, v52;
	v4 =	vmul.f32 v54, v56  }
0x30e: {  	v1 =	vadd.f32 v1, v3;
	v2 =	vmul.f32 v7, v46;
	v3 =	vmul.f32 v8, v5  }
0x30f: {  	v4 =	vadd.f32 v61, v4;
	v5 =	vmul.f32 v6, v57;
	v6 =	vmul.f32 v59, v53  }
0x310: {  	[tilespmem:s24+$0x1F0] =	vst v1;
	v62 =	vadd.f32 v3, v2;
	v0 =	vmul.f32 v0, v25;
	v63 =	vmul.f32 v60, v21  }
0x311: {  	[tilespmem:s21+$0xFFFFFFF0] =	vst v4;
	v3 =	vadd.f32 v6, v5  }
0x312: {  	s0 =	rddreg [dreg:$0x5];
	[tilespmem:s12+$0x1F0] =	vst v62;
	v0 =	vadd.f32 v63, v0  }
0x313: {  	p2 =	seq.s32 s8, $0x63;
	[tilespmem:s24+$0xFFFFFFF0] =	vst v3  }
.Ltmp3:
0x314: {  	s0 =	sadd.s32 s17, s0;
	[tilespmem:s12+$0xFFFFFFF0] =	vst v0;
	(pc) =	sbr.rel @p2 .LBB2_9-.Ltmp3, $4  }
0x315: {  	s0 =	sshll.u32 s0, $0x2;
	v6 =	vld [tilespmem:$0x1FFE0]  }
0x316: {  	s30 =	rddreg [dreg:$0x1];
	s0 =	sand.u32 $0x1FFFFE00, s0;
	v7 =	vld [tilespmem:$0x1FFF0]  }
0x317: {  	p1 =	por $0x1, $0x1;
	s31 =	simm.s32 $0x5D00;
	s0 =	sadd.s32 s30, s0  }
0x318: {  	v5 =	vlaneseq.u32;
	[hbm4b:s0+s3] =	stream.linear.scatter [tilespmem:s31], [sflag:$0xA], $0x1000, $0x38;
	[tilespmem:$0x6D00] =	vst v63  }
.LBB2_8:
0x319: {  	s0 =	rddreg [dreg:$0x6]  }
0x31a: {  	s0 =	sadd.s32 s17, s0  }
0x31b: {  	s0 =	sshrl.u32 s0, $0x3  }
0x31c: {  	p1 =	por $0x0, $0x0;
	s0 =	sadd.s32 s5, s0  }
0x31d: {  	[tilespmem:s3], [sflag:$0x1] =	stream.linear.gather [hbm4b:s0+s3], $0x80, $0x38;
	[tilespmem:$0x6D00] =	vst v63  }
.LBB2_9:
0x31e: {  	s15 =	sadd.s32 $0x0, s9  }
0x31f: {  	_ =	swait.ge [sflag:s28], $0x400;
	s16 =	sadd.s32 $0x0, s11;
	s0 =	sadd.s32 $0x830, s15  }
0x320: {  	[sflag:s28] =	ssyncset.done $0x0;
	s2 =	sadd.s32 $0xB10, s16;
	v0 =	vadd.s32 s0, v6  }
0x321: {  	[sflag:s28] =	ssyncadd.s32 $0xFFFFFC00;
	s0 =	simm.s32 $0xA10;
	v1 =	vadd.s32 s2, v7;
	v0 =	vand.u32 $0xFFFF, v0  }
0x322: {  	s12 =	simm.s32 $0x10;
	s2 =	simm.s32 $0xA90;
	[tilespmem:s0+$0x0] =	vst v0;
	v0 =	vand.u32 $0xFFFF, v1  }
0x323: {  	s10 =	simm.s32 $0xC10;
	v3 =	vor.u32 s12, v5;
	[tilespmem:s2+$0x0] =	vst v0  }
0x324: {  	s13 =	simm.s32 $0x0;
	s12 =	simm.s32 $0xC90;
	v2 =	vadd.s32 s16, v7;
	v0 =	vadd.s32 s15, v6;
	[tilespmem:s10+$0x0] =	vst v3  }
0x325: {  	s21 =	simm.s32 $0x0;
	s16 =	simm.s32 $0x1060;
	v2 =	vand.u32 $0xFFFF, v2;
	s15 =	simm.s32 $0x0;
	v1 =	vand.u32 $0xFFFF, v0;
	v0 =	vor.u32 s13, v5;
	[tilespmem:s12+$0x0] =	vst v3  }
.LBB2_10:
0x326: {  	s22 =	sadd.s32 s9, s16;
	[tilespmem:s0+$0xFFFFFFF0] =	vst v1;
	s13 =	sadd.s32 $0x1620, s13  }
0x327: {  	s15 =	sadd.s32 $0x2, s15;
	v1 =	vadd.s32 s22, v6;
	s23 =	sadd.s32 s11, s13;
	s22 =	sadd.s32 $0x830, s22;
	[tilespmem:s2+$0xFFFFFFF0] =	vst v2  }
0x328: {  	p2 =	slt.u32 s15, $0x6;
	v1 =	vand.u32 $0xFFFF, v1;
	v2 =	vadd.s32 s23, v7;
	v3 =	vadd.s32 s22, v6;
	s22 =	sadd.s32 $0xB10, s23;
	[tilespmem:s10+$0xFFFFFFF0] =	vst v0  }
.Ltmp4:
0x329: {  	s21 =	sadd.s32 $0x20, s21;
	s0 =	sadd.s32 $0x20, s0;
	v2 =	vand.u32 $0xFFFF, v2;
	v3 =	vand.u32 $0xFFFF, v3;
	v4 =	vadd.s32 s22, v7;
	[tilespmem:s12+$0xFFFFFFF0] =	vst v0;
	(pc) =	sbr.rel @p2 .LBB2_10-.Ltmp4, $4  }
0x32a: {  	s2 =	sadd.s32 $0x20, s2;
	v0 =	vor.u32 s21, v5;
	s22 =	sadd.s32 $0x10, s21;
	[tilespmem:s0+$0x0] =	vst v3;
	v3 =	vand.u32 $0xFFFF, v4  }
0x32b: {  	s10 =	sadd.s32 $0x20, s10;
	[tilespmem:s2+$0x0] =	vst v3;
	v3 =	vor.u32 s22, v5  }
0x32c: {  	s12 =	sadd.s32 $0x20, s12;
	[tilespmem:s10+$0x0] =	vst v3  }
0x32d: {  	s16 =	sadd.s32 $0x1060, s16;
	[tilespmem:s12+$0x0] =	vst v3  }
0x32e: {  	[tilespmem:s0+$0xFFFFFFF0] =	vst v1  }
0x32f: {  	[tilespmem:s2+$0xFFFFFFF0] =	vst v2  }
0x330: {  	[tilespmem:s10+$0xFFFFFFF0] =	vst v0  }
0x331: {  	s22 =	simm.s32 $0xA00;
	s23 =	simm.s32 $0x2D00;
	[tilespmem:s12+$0xFFFFFFF0] =	vst v0  }
0x332: {  	[tilespmem:s23], [sflag:$0x7] =	stream.indirect.gather [hbm4b:s6+s18], $0x20, s22, s18, $0xb8;
	[tilespmem:$0x6D00] =	vst v63  }
0x333: {  	s24 =	simm.s32 $0xA80;
	s26 =	simm.s32 $0x3D00;
	s0 =	simm.s32 @!p1 $0x1  }
0x334: {  	[tilespmem:s26], [sflag:$0x8] =	stream.indirect.gather [hbm4b:s6+s18], $0x20, s24, s18, $0xb8;
	[tilespmem:$0x6D00] =	vst v63  }
0x335: {  	_ =	swait.ge @!p1 [sflag:s0], $0x80  }
0x336: {  	s2 =	simm.s32 @!p1 $0x0;
	[sflag:s0] =	ssyncset.done @!p1 $0x0  }
0x337: {  	s10 =	simm.s32 @!p1 $0x100;
	[sflag:s0] =	ssyncadd.s32 @!p1 $0xFFFFFF80;
	s0 =	simm.s32 @!p1 $0x80  }
0x338: {  	[tilespmem:s10], [sflag:$0x3] =	stream.indirect.gather @!p1 [hbm4b:s4+s0], $0x8, s2, s0, $0xb8;
	[tilespmem:$0x6D00] =	vst v63  }
0x339: {  	_ =	swait.ge [sflag:s1], $0x1000  }
0x33a: {  	[sflag:s1] =	ssyncset.done $0x0  }
0x33b: {  	[sflag:s1] =	ssyncadd.s32 $0xFFFFF000  }
0x33c: {  	_ =	swait.ge [sflag:s19], $0x1000  }
0x33d: {  	[sflag:s19] =	ssyncset.done $0x0  }
0x33e: {  	s0 =	simm.s32 @!p0 $0x9;
	[sflag:s19] =	ssyncadd.s32 $0xFFFFF000  }
0x33f: {  	_ =	swait.ge @!p0 [sflag:s0], $0x1000  }
0x340: {  	[sflag:s0] =	ssyncset.done @!p0 $0x0  }
0x341: {  	s10 =	simm.s32 $0xB10;
	[sflag:s0] =	ssyncadd.s32 @!p0 $0xFFFFF000  }
0x342: {  	s12 =	simm.s32 $0xB90;
	v9 =	vld [tilespmem:s10+$0x0]  }
0x343: {  	s22 =	simm.s32 $0xF00;
	v10 =	vld [tilespmem:s12+$0x0]  }
0x344: {  	s23 =	simm.s32 $0x1F00;
	v0 =	vld [tilespmem:s22+$0x0]  }
0x345: {  	v1 =	vld [tilespmem:s23+$0x0];
	_ =	sdelay $0x2  }
0x346: {  	v2 =	vbroadcast v9, $0x0;
	v3 =	vbroadcast v10, $0x0;
	_ =	sdelay $0x1  }
0x347: {  	v0 =	vmul.f32 v0, v2;
	v1 =	vmul.f32 v1, v3;
	_ =	sdelay $0x1  }
0x348: {  	v0 =	vadd.f32 v1, v0  }
0x349: {  	s21 =	simm.s32 $0x4F00  }
0x34a: {  	[tilespmem:s21+$0x0] =	vst v0  }
0x34b: {  	v0 =	vld [tilespmem:s22+$0x10]  }
0x34c: {  	v1 =	vld [tilespmem:s23+$0x10];
	_ =	sdelay $0x1  }
0x34d: {  	v8 =	vld [tilespmem:s12+$0xFFFFFFF0]  }
0x34e: {  	v7 =	vld [tilespmem:s10+$0xFFFFFFF0]  }
0x34f: {  	v4 =	vld [tilespmem:s22+$0xFFFFFE00]  }
0x350: {  	v5 =	vld [tilespmem:s23+$0xFFFFFE00];
	v0 =	vmul.f32 v0, v2;
	v1 =	vmul.f32 v1, v3;
	_ =	sdelay $0x1  }
0x351: {  	v0 =	vadd.f32 v1, v0  }
0x352: {  	v2 =	vbroadcast v7, $0x0;
	v1 =	vbroadcast v8, $0x0  }
0x353: {  	[tilespmem:s21+$0x10] =	vst v0  }
0x354: {  	v0 =	vmul.f32 v4, v2;
	v3 =	vmul.f32 v5, v1;
	v4 =	vld [tilespmem:s22+$0x20]  }
0x355: {  	v5 =	vld [tilespmem:s23+$0x20]  }
0x356: {  	v0 =	vadd.f32 v3, v0;
	_ =	sdelay $0x1  }
0x357: {  	v3 =	vbroadcast v10, $0x1;
	[tilespmem:s21+$0xFFFFFE00] =	vst v0;
	v0 =	vbroadcast v9, $0x1  }
0x358: {  	v6 =	vld [tilespmem:s22+$0xFFFFFE10]  }
0x359: {  	v11 =	vld [tilespmem:s23+$0xFFFFFE10];
	v4 =	vmul.f32 v4, v0;
	v5 =	vmul.f32 v5, v3;
	_ =	sdelay $0x1  }
0x35a: {  	v4 =	vadd.f32 v5, v4;
	_ =	sdelay $0x1  }
0x35b: {  	[tilespmem:s21+$0x20] =	vst v4  }
0x35c: {  	v2 =	vmul.f32 v6, v2;
	v1 =	vmul.f32 v11, v1;
	v4 =	vld [tilespmem:s22+$0x30]  }
0x35d: {  	v5 =	vld [tilespmem:s23+$0x30]  }
0x35e: {  	v1 =	vadd.f32 v1, v2;
	_ =	sdelay $0x1  }
0x35f: {  	[tilespmem:s21+$0xFFFFFE10] =	vst v1  }
0x360: {  	v1 =	vld [tilespmem:s22+$0xFFFFFE20]  }
0x361: {  	v2 =	vld [tilespmem:s23+$0xFFFFFE20];
	v0 =	vmul.f32 v4, v0;
	v3 =	vmul.f32 v5, v3;
	_ =	sdelay $0x1  }
0x362: {  	v0 =	vadd.f32 v3, v0  }
0x363: {  	v4 =	vbroadcast v7, $0x1;
	v3 =	vbroadcast v8, $0x1  }
0x364: {  	[tilespmem:s21+$0x30] =	vst v0  }
0x365: {  	v0 =	vmul.f32 v1, v4;
	v1 =	vmul.f32 v2, v3;
	v2 =	vld [tilespmem:s22+$0x40]  }
0x366: {  	v5 =	vld [tilespmem:s23+$0x40]  }
0x367: {  	v0 =	vadd.f32 v1, v0;
	_ =	sdelay $0x1  }
0x368: {  	v1 =	vbroadcast v10, $0x2;
	[tilespmem:s21+$0xFFFFFE20] =	vst v0;
	v0 =	vbroadcast v9, $0x2  }
0x369: {  	v6 =	vld [tilespmem:s22+$0xFFFFFE30]  }
0x36a: {  	v11 =	vld [tilespmem:s23+$0xFFFFFE30];
	v2 =	vmul.f32 v2, v0;
	v5 =	vmul.f32 v5, v1;
	_ =	sdelay $0x1  }
0x36b: {  	v2 =	vadd.f32 v5, v2;
	_ =	sdelay $0x1  }
0x36c: {  	[tilespmem:s21+$0x40] =	vst v2  }
0x36d: {  	v2 =	vmul.f32 v6, v4;
	v3 =	vmul.f32 v11, v3;
	v4 =	vld [tilespmem:s22+$0x50]  }
0x36e: {  	v5 =	vld [tilespmem:s23+$0x50]  }
0x36f: {  	v2 =	vadd.f32 v3, v2;
	_ =	sdelay $0x1  }
0x370: {  	[tilespmem:s21+$0xFFFFFE30] =	vst v2  }
0x371: {  	v2 =	vld [tilespmem:s22+$0xFFFFFE40]  }
0x372: {  	v3 =	vld [tilespmem:s23+$0xFFFFFE40];
	v0 =	vmul.f32 v4, v0;
	v1 =	vmul.f32 v5, v1;
	_ =	sdelay $0x1  }
0x373: {  	v0 =	vadd.f32 v1, v0  }
0x374: {  	v4 =	vbroadcast v8, $0x2;
	v1 =	vbroadcast v7, $0x2  }
0x375: {  	[tilespmem:s21+$0x50] =	vst v0  }
0x376: {  	v0 =	vmul.f32 v2, v1;
	v2 =	vmul.f32 v3, v4;
	v3 =	vld [tilespmem:s22+$0x60]  }
0x377: {  	v5 =	vld [tilespmem:s23+$0x60]  }
0x378: {  	v0 =	vadd.f32 v2, v0;
	_ =	sdelay $0x1  }
0x379: {  	v2 =	vbroadcast v10, $0x3;
	[tilespmem:s21+$0xFFFFFE40] =	vst v0;
	v0 =	vbroadcast v9, $0x3  }
0x37a: {  	v6 =	vld [tilespmem:s22+$0xFFFFFE50]  }
0x37b: {  	v11 =	vld [tilespmem:s23+$0xFFFFFE50];
	v3 =	vmul.f32 v3, v0;
	v5 =	vmul.f32 v5, v2;
	_ =	sdelay $0x1  }
0x37c: {  	v3 =	vadd.f32 v5, v3;
	_ =	sdelay $0x1  }
0x37d: {  	[tilespmem:s21+$0x60] =	vst v3  }
0x37e: {  	v1 =	vmul.f32 v6, v1;
	v3 =	vmul.f32 v11, v4;
	v4 =	vld [tilespmem:s22+$0x70]  }
0x37f: {  	v5 =	vld [tilespmem:s23+$0x70]  }
0x380: {  	v1 =	vadd.f32 v3, v1;
	_ =	sdelay $0x1  }
0x381: {  	[tilespmem:s21+$0xFFFFFE50] =	vst v1  }
0x382: {  	v1 =	vld [tilespmem:s22+$0xFFFFFE60]  }
0x383: {  	v3 =	vld [tilespmem:s23+$0xFFFFFE60];
	v0 =	vmul.f32 v4, v0;
	v2 =	vmul.f32 v5, v2;
	_ =	sdelay $0x1  }
0x384: {  	v0 =	vadd.f32 v2, v0  }
0x385: {  	v4 =	vbroadcast v8, $0x3;
	v2 =	vbroadcast v7, $0x3  }
0x386: {  	[tilespmem:s21+$0x70] =	vst v0  }
0x387: {  	v0 =	vmul.f32 v1, v2;
	v1 =	vmul.f32 v3, v4;
	v3 =	vld [tilespmem:s22+$0x80]  }
0x388: {  	v5 =	vld [tilespmem:s23+$0x80]  }
0x389: {  	v0 =	vadd.f32 v1, v0;
	_ =	sdelay $0x1  }
0x38a: {  	v1 =	vbroadcast v10, $0x4;
	[tilespmem:s21+$0xFFFFFE60] =	vst v0;
	v0 =	vbroadcast v9, $0x4  }
0x38b: {  	v6 =	vld [tilespmem:s22+$0xFFFFFE70]  }
0x38c: {  	v11 =	vld [tilespmem:s23+$0xFFFFFE70];
	v3 =	vmul.f32 v3, v0;
	v5 =	vmul.f32 v5, v1;
	_ =	sdelay $0x1  }
0x38d: {  	v3 =	vadd.f32 v5, v3;
	_ =	sdelay $0x1  }
0x38e: {  	[tilespmem:s21+$0x80] =	vst v3  }
0x38f: {  	v2 =	vmul.f32 v6, v2;
	v3 =	vmul.f32 v11, v4;
	v4 =	vld [tilespmem:s22+$0x90]  }
0x390: {  	v5 =	vld [tilespmem:s23+$0x90]  }
0x391: {  	v2 =	vadd.f32 v3, v2;
	_ =	sdelay $0x1  }
0x392: {  	[tilespmem:s21+$0xFFFFFE70] =	vst v2  }
0x393: {  	v2 =	vld [tilespmem:s22+$0xFFFFFE80]  }
0x394: {  	v3 =	vld [tilespmem:s23+$0xFFFFFE80];
	v0 =	vmul.f32 v4, v0;
	v1 =	vmul.f32 v5, v1;
	_ =	sdelay $0x1  }
0x395: {  	v0 =	vadd.f32 v1, v0  }
0x396: {  	v4 =	vbroadcast v8, $0x4;
	v1 =	vbroadcast v7, $0x4  }
0x397: {  	[tilespmem:s21+$0x90] =	vst v0  }
0x398: {  	v0 =	vmul.f32 v2, v1;
	v2 =	vmul.f32 v3, v4;
	v3 =	vld [tilespmem:s22+$0xA0]  }
0x399: {  	v5 =	vld [tilespmem:s23+$0xA0]  }
0x39a: {  	v0 =	vadd.f32 v2, v0;
	_ =	sdelay $0x1  }
0x39b: {  	v2 =	vbroadcast v10, $0x5;
	[tilespmem:s21+$0xFFFFFE80] =	vst v0;
	v0 =	vbroadcast v9, $0x5;
	_ =	sdelay $0x1  }
0x39c: {  	v11 =	vld [tilespmem:s23+$0xFFFFFE90];
	v3 =	vmul.f32 v3, v0;
	v5 =	vmul.f32 v5, v2;
	_ =	sdelay $0x1  }
0x39d: {  	v3 =	vadd.f32 v5, v3;
	_ =	sdelay $0x1  }
0x39e: {  	v6 =	vld [tilespmem:s22+$0xFFFFFE90];
	[tilespmem:s21+$0xA0] =	vst v3  }
0x39f: {  	v3 =	vmul.f32 v11, v4;
	v4 =	vld [tilespmem:s22+$0xB0]  }
0x3a0: {  	v5 =	vld [tilespmem:s23+$0xB0];
	_ =	sdelay $0x1  }
0x3a1: {  	s13 =	simm.s32 $0xB30  }
0x3a2: {  	s15 =	simm.s32 $0xBB0;
	v63 =	vld [tilespmem:s13+$0x0];
	v1 =	vmul.f32 v6, v1  }
0x3a3: {  	v15 =	vld [tilespmem:s15+$0xFFFFFFF0]  }
0x3a4: {  	s29 =	simm.s32 $0x2300;
	v1 =	vadd.f32 v3, v1;
	v0 =	vmul.f32 v4, v0;
	v2 =	vmul.f32 v5, v2;
	v4 =	vld [tilespmem:s15+$0x0]  }
0x3a5: {  	s26 =	simm.s32 $0x1300;
	v5 =	vld [tilespmem:s29+$0x0]  }
0x3a6: {  	[tilespmem:s21+$0xFFFFFE90] =	vst v1;
	v0 =	vadd.f32 v2, v0;
	v2 =	vld [tilespmem:s26+$0x0]  }
0x3a7: {  	v1 =	vld [tilespmem:s22+$0xFFFFFEA0]  }
0x3a8: {  	v6 =	vld [tilespmem:s23+$0xFFFFFEA0]  }
0x3a9: {  	v16 =	vld [tilespmem:s13+$0xFFFFFFF0];
	v12 =	vbroadcast v63, $0x0;
	[tilespmem:s21+$0xB0] =	vst v0;
	v13 =	vbroadcast v4, $0x0  }
0x3aa: {  	v14 =	vbroadcast v7, $0x5;
	v17 =	vbroadcast v8, $0x5;
	v0 =	vld [tilespmem:s22+$0xC0]  }
0x3ab: {  	v11 =	vld [tilespmem:s23+$0xC0];
	v2 =	vmul.f32 v2, v12;
	v5 =	vmul.f32 v5, v13  }
0x3ac: {  	v18 =	vld [tilespmem:s26+$0xFFFFFE00];
	v19 =	vbroadcast v9, $0x6  }
0x3ad: {  	v21 =	vld [tilespmem:s29+$0xFFFFFE00];
	v1 =	vmul.f32 v1, v14;
	v6 =	vmul.f32 v6, v17;
	v2 =	vadd.f32 v5, v2  }
0x3ae: {  	s24 =	simm.s32 $0x5300;
	v20 =	vbroadcast v10, $0x6  }
0x3af: {  	v1 =	vadd.f32 v6, v1;
	v6 =	vbroadcast v16, $0x0;
	v0 =	vmul.f32 v0, v19;
	[tilespmem:s24+$0x0] =	vst v2  }
0x3b0: {  	v5 =	vmul.f32 v11, v20;
	v2 =	vbroadcast v15, $0x0;
	v11 =	vld [tilespmem:s26+$0x10]  }
0x3b1: {  	[tilespmem:s21+$0xFFFFFEA0] =	vst v1;
	v1 =	vld [tilespmem:s29+$0x10]  }
0x3b2: {  	v22 =	vld [tilespmem:s22+$0xFFFFFEB0];
	v0 =	vadd.f32 v5, v0;
	v5 =	vmul.f32 v18, v6;
	v18 =	vmul.f32 v21, v2  }
0x3b3: {  	v21 =	vld [tilespmem:s23+$0xFFFFFEB0]  }
0x3b4: {  	[tilespmem:s21+$0xC0] =	vst v0;
	v0 =	vadd.f32 v18, v5  }
0x3b5: {  	v5 =	vld [tilespmem:s22+$0xD0]  }
0x3b6: {  	v18 =	vld [tilespmem:s23+$0xD0];
	[tilespmem:s24+$0xFFFFFE00] =	vst v0;
	v0 =	vmul.f32 v11, v12;
	v1 =	vmul.f32 v1, v13  }
0x3b7: {  	v11 =	vld [tilespmem:s26+$0xFFFFFE10]  }
0x3b8: {  	v12 =	vmul.f32 v22, v14;
	v13 =	vmul.f32 v21, v17;
	v14 =	vld [tilespmem:s29+$0xFFFFFE10];
	v0 =	vadd.f32 v1, v0;
	_ =	sdelay $0x1  }
0x3b9: {  	v1 =	vadd.f32 v13, v12;
	[tilespmem:s24+$0x10] =	vst v0  }
0x3ba: {  	v0 =	vmul.f32 v5, v19;
	v5 =	vmul.f32 v18, v20;
	v12 =	vld [tilespmem:s26+$0x20]  }
0x3bb: {  	[tilespmem:s21+$0xFFFFFEB0] =	vst v1;
	v1 =	vld [tilespmem:s29+$0x20]  }
0x3bc: {  	v13 =	vld [tilespmem:s22+$0xFFFFFEC0];
	v0 =	vadd.f32 v5, v0;
	v5 =	vmul.f32 v11, v6;
	v2 =	vmul.f32 v14, v2  }
0x3bd: {  	v6 =	vld [tilespmem:s23+$0xFFFFFEC0]  }
0x3be: {  	[tilespmem:s21+$0xD0] =	vst v0;
	v0 =	vadd.f32 v2, v5;
	v2 =	vbroadcast v63, $0x1;
	v5 =	vbroadcast v4, $0x1  }
0x3bf: {  	v11 =	vbroadcast v7, $0x6;
	v14 =	vbroadcast v8, $0x6;
	v17 =	vld [tilespmem:s22+$0xE0]  }
0x3c0: {  	v18 =	vld [tilespmem:s23+$0xE0];
	[tilespmem:s24+$0xFFFFFE10] =	vst v0;
	v0 =	vmul.f32 v12, v2;
	v1 =	vmul.f32 v1, v5  }
0x3c1: {  	v12 =	vld [tilespmem:s26+$0xFFFFFE20]  }
0x3c2: {  	v13 =	vmul.f32 v13, v11;
	v6 =	vmul.f32 v6, v14;
	v19 =	vld [tilespmem:s29+$0xFFFFFE20];
	v0 =	vadd.f32 v1, v0  }
0x3c3: {  	v20 =	vbroadcast v10, $0x7;
	v1 =	vbroadcast v9, $0x7  }
0x3c4: {  	v22 =	vbroadcast v16, $0x1;
	v21 =	vbroadcast v15, $0x1;
	v6 =	vadd.f32 v6, v13;
	[tilespmem:s24+$0x20] =	vst v0  }
0x3c5: {  	v0 =	vmul.f32 v17, v1;
	v13 =	vmul.f32 v18, v20;
	v17 =	vld [tilespmem:s26+$0x30]  }
0x3c6: {  	[tilespmem:s21+$0xFFFFFEC0] =	vst v6;
	v6 =	vld [tilespmem:s29+$0x30]  }
0x3c7: {  	v18 =	vld [tilespmem:s22+$0xFFFFFED0];
	v0 =	vadd.f32 v13, v0;
	v12 =	vmul.f32 v12, v22;
	v13 =	vmul.f32 v19, v21  }
0x3c8: {  	v19 =	vld [tilespmem:s23+$0xFFFFFED0]  }
0x3c9: {  	[tilespmem:s21+$0xE0] =	vst v0;
	v0 =	vadd.f32 v13, v12  }
0x3ca: {  	v12 =	vld [tilespmem:s22+$0xF0]  }
0x3cb: {  	v13 =	vld [tilespmem:s23+$0xF0];
	[tilespmem:s24+$0xFFFFFE20] =	vst v0;
	v0 =	vmul.f32 v17, v2;
	v2 =	vmul.f32 v6, v5  }
0x3cc: {  	v5 =	vld [tilespmem:s26+$0xFFFFFE30]  }
0x3cd: {  	v6 =	vmul.f32 v18, v11;
	v11 =	vmul.f32 v19, v14;
	v14 =	vld [tilespmem:s29+$0xFFFFFE30];
	v0 =	vadd.f32 v2, v0;
	_ =	sdelay $0x1  }
0x3ce: {  	v2 =	vadd.f32 v11, v6;
	[tilespmem:s24+$0x30] =	vst v0  }
0x3cf: {  	v0 =	vmul.f32 v12, v1;
	v1 =	vmul.f32 v13, v20;
	v6 =	vld [tilespmem:s26+$0x40]  }
0x3d0: {  	[tilespmem:s21+$0xFFFFFED0] =	vst v2;
	v2 =	vld [tilespmem:s29+$0x40]  }
0x3d1: {  	v11 =	vld [tilespmem:s22+$0xFFFFFEE0];
	v0 =	vadd.f32 v1, v0;
	v1 =	vmul.f32 v5, v22;
	v5 =	vmul.f32 v14, v21  }
0x3d2: {  	v12 =	vld [tilespmem:s23+$0xFFFFFEE0]  }
0x3d3: {  	[tilespmem:s21+$0xF0] =	vst v0;
	v0 =	vadd.f32 v5, v1;
	v1 =	vbroadcast v63, $0x2;
	v5 =	vbroadcast v4, $0x2  }
0x3d4: {  	v13 =	vbroadcast v7, $0x7;
	v14 =	vbroadcast v8, $0x7;
	v17 =	vld [tilespmem:s22+$0x100]  }
0x3d5: {  	v18 =	vld [tilespmem:s23+$0x100];
	[tilespmem:s24+$0xFFFFFE30] =	vst v0;
	v0 =	vmul.f32 v6, v1;
	v2 =	vmul.f32 v2, v5  }
0x3d6: {  	v6 =	vld [tilespmem:s26+$0xFFFFFE40]  }
0x3d7: {  	v11 =	vmul.f32 v11, v13;
	v12 =	vmul.f32 v12, v14;
	v19 =	vld [tilespmem:s29+$0xFFFFFE40];
	v0 =	vadd.f32 v2, v0  }
0x3d8: {  	v20 =	vbroadcast v10, $0x8;
	v2 =	vbroadcast v9, $0x8  }
0x3d9: {  	v21 =	vbroadcast v16, $0x2;
	v22 =	vbroadcast v15, $0x2;
	v11 =	vadd.f32 v12, v11;
	[tilespmem:s24+$0x40] =	vst v0  }
0x3da: {  	v0 =	vmul.f32 v17, v2;
	v12 =	vmul.f32 v18, v20;
	v17 =	vld [tilespmem:s26+$0x50]  }
0x3db: {  	[tilespmem:s21+$0xFFFFFEE0] =	vst v11;
	v11 =	vld [tilespmem:s29+$0x50]  }
0x3dc: {  	v18 =	vld [tilespmem:s22+$0xFFFFFEF0];
	v0 =	vadd.f32 v12, v0;
	v6 =	vmul.f32 v6, v21;
	v12 =	vmul.f32 v19, v22  }
0x3dd: {  	v19 =	vld [tilespmem:s23+$0xFFFFFEF0]  }
0x3de: {  	[tilespmem:s21+$0x100] =	vst v0;
	v0 =	vadd.f32 v12, v6  }
0x3df: {  	v6 =	vld [tilespmem:s22+$0x110]  }
0x3e0: {  	v12 =	vld [tilespmem:s23+$0x110];
	[tilespmem:s24+$0xFFFFFE40] =	vst v0;
	v0 =	vmul.f32 v17, v1;
	v1 =	vmul.f32 v11, v5  }
0x3e1: {  	v5 =	vld [tilespmem:s26+$0xFFFFFE50]  }
0x3e2: {  	v11 =	vmul.f32 v18, v13;
	v13 =	vmul.f32 v19, v14;
	v14 =	vld [tilespmem:s29+$0xFFFFFE50];
	v0 =	vadd.f32 v1, v0;
	_ =	sdelay $0x1  }
0x3e3: {  	v1 =	vadd.f32 v13, v11;
	[tilespmem:s24+$0x50] =	vst v0  }
0x3e4: {  	v0 =	vmul.f32 v6, v2;
	v2 =	vmul.f32 v12, v20;
	v6 =	vld [tilespmem:s26+$0x60]  }
0x3e5: {  	[tilespmem:s21+$0xFFFFFEF0] =	vst v1;
	v1 =	vld [tilespmem:s29+$0x60]  }
0x3e6: {  	v11 =	vld [tilespmem:s22+$0xFFFFFF00];
	v0 =	vadd.f32 v2, v0;
	v2 =	vmul.f32 v5, v21;
	v5 =	vmul.f32 v14, v22  }
0x3e7: {  	v12 =	vld [tilespmem:s23+$0xFFFFFF00]  }
0x3e8: {  	[tilespmem:s21+$0x110] =	vst v0;
	v0 =	vadd.f32 v5, v2;
	v2 =	vbroadcast v63, $0x3;
	v5 =	vbroadcast v4, $0x3  }
0x3e9: {  	v13 =	vbroadcast v7, $0x8;
	v14 =	vbroadcast v8, $0x8;
	v17 =	vld [tilespmem:s22+$0x120]  }
0x3ea: {  	v18 =	vld [tilespmem:s23+$0x120];
	[tilespmem:s24+$0xFFFFFE50] =	vst v0;
	v0 =	vmul.f32 v6, v2;
	v1 =	vmul.f32 v1, v5  }
0x3eb: {  	v6 =	vld [tilespmem:s26+$0xFFFFFE60]  }
0x3ec: {  	v11 =	vmul.f32 v11, v13;
	v12 =	vmul.f32 v12, v14;
	v19 =	vld [tilespmem:s29+$0xFFFFFE60];
	v0 =	vadd.f32 v1, v0  }
0x3ed: {  	v20 =	vbroadcast v10, $0x9;
	v1 =	vbroadcast v9, $0x9  }
0x3ee: {  	v21 =	vbroadcast v16, $0x3;
	v22 =	vbroadcast v15, $0x3;
	v11 =	vadd.f32 v12, v11;
	[tilespmem:s24+$0x60] =	vst v0  }
0x3ef: {  	v0 =	vmul.f32 v17, v1;
	v12 =	vmul.f32 v18, v20;
	v17 =	vld [tilespmem:s26+$0x70]  }
0x3f0: {  	[tilespmem:s21+$0xFFFFFF00] =	vst v11;
	v11 =	vld [tilespmem:s29+$0x70]  }
0x3f1: {  	v18 =	vld [tilespmem:s22+$0xFFFFFF10];
	v0 =	vadd.f32 v12, v0;
	v6 =	vmul.f32 v6, v21;
	v12 =	vmul.f32 v19, v22  }
0x3f2: {  	v19 =	vld [tilespmem:s23+$0xFFFFFF10]  }
0x3f3: {  	[tilespmem:s21+$0x120] =	vst v0;
	v0 =	vadd.f32 v12, v6  }
0x3f4: {  	v6 =	vld [tilespmem:s22+$0x130]  }
0x3f5: {  	v12 =	vld [tilespmem:s23+$0x130];
	[tilespmem:s24+$0xFFFFFE60] =	vst v0;
	v0 =	vmul.f32 v17, v2;
	v2 =	vmul.f32 v11, v5  }
0x3f6: {  	v5 =	vld [tilespmem:s26+$0xFFFFFE70]  }
0x3f7: {  	v11 =	vmul.f32 v18, v13;
	v13 =	vmul.f32 v19, v14;
	v14 =	vld [tilespmem:s29+$0xFFFFFE70];
	v0 =	vadd.f32 v2, v0;
	_ =	sdelay $0x1  }
0x3f8: {  	v2 =	vadd.f32 v13, v11;
	[tilespmem:s24+$0x70] =	vst v0  }
0x3f9: {  	v0 =	vmul.f32 v6, v1;
	v1 =	vmul.f32 v12, v20;
	v6 =	vld [tilespmem:s26+$0x80]  }
0x3fa: {  	[tilespmem:s21+$0xFFFFFF10] =	vst v2;
	v2 =	vld [tilespmem:s29+$0x80]  }
0x3fb: {  	v0 =	vadd.f32 v1, v0;
	v1 =	vmul.f32 v5, v21;
	v5 =	vmul.f32 v14, v22  }
0x3fc: {  	v11 =	vld [tilespmem:s22+$0xFFFFFF20]  }
0x3fd: {  	v12 =	vld [tilespmem:s23+$0xFFFFFF20];
	[tilespmem:s21+$0x130] =	vst v0;
	v0 =	vadd.f32 v5, v1;
	v1 =	vbroadcast v63, $0x4;
	v5 =	vbroadcast v4, $0x4  }
0x3fe: {  	v13 =	vbroadcast v7, $0x9;
	v17 =	vld [tilespmem:s22+$0x140]  }
0x3ff: {  	v18 =	vld [tilespmem:s23+$0x140];
	[tilespmem:s24+$0xFFFFFE70] =	vst v0;
	v0 =	vmul.f32 v6, v1;
	v2 =	vmul.f32 v2, v5  }
0x400: {  	v14 =	vbroadcast v8, $0x9;
	v6 =	vld [tilespmem:s26+$0xFFFFFE80]  }
0x401: {  	v20 =	vbroadcast v10, $0xA;
	v11 =	vmul.f32 v11, v13;
	v19 =	vld [tilespmem:s29+$0xFFFFFE80];
	v0 =	vadd.f32 v2, v0  }
0x402: {  	v12 =	vmul.f32 v12, v14;
	v2 =	vbroadcast v9, $0xA  }
0x403: {  	v21 =	vbroadcast v16, $0x4;
	v22 =	vbroadcast v15, $0x4;
	[tilespmem:s24+$0x80] =	vst v0  }
0x404: {  	v0 =	vadd.f32 v12, v11;
	v11 =	vmul.f32 v17, v2;
	v12 =	vmul.f32 v18, v20;
	v17 =	vld [tilespmem:s26+$0x90]  }
0x405: {  	v18 =	vld [tilespmem:s29+$0x90]  }
0x406: {  	[tilespmem:s21+$0xFFFFFF20] =	vst v0;
	v0 =	vadd.f32 v12, v11;
	v6 =	vmul.f32 v6, v21;
	v11 =	vmul.f32 v19, v22  }
0x407: {  	v12 =	vld [tilespmem:s22+$0xFFFFFF30]  }
0x408: {  	v19 =	vld [tilespmem:s23+$0xFFFFFF30];
	[tilespmem:s21+$0x140] =	vst v0;
	v0 =	vadd.f32 v11, v6  }
0x409: {  	v6 =	vld [tilespmem:s22+$0x150]  }
0x40a: {  	v11 =	vld [tilespmem:s23+$0x150];
	[tilespmem:s24+$0xFFFFFE80] =	vst v0;
	v0 =	vmul.f32 v17, v1;
	v1 =	vmul.f32 v18, v5  }
0x40b: {  	v5 =	vld [tilespmem:s26+$0xFFFFFE90]  }
0x40c: {  	v17 =	vld [tilespmem:s29+$0xFFFFFE90];
	v0 =	vadd.f32 v1, v0  }
0x40d: {  	v1 =	vmul.f32 v12, v13;
	v12 =	vmul.f32 v19, v14  }
0x40e: {  	[tilespmem:s24+$0x90] =	vst v0  }
0x40f: {  	v0 =	vadd.f32 v12, v1;
	v1 =	vmul.f32 v6, v2;
	v2 =	vmul.f32 v11, v20;
	v6 =	vld [tilespmem:s26+$0xA0]  }
0x410: {  	v11 =	vld [tilespmem:s29+$0xA0]  }
0x411: {  	[tilespmem:s21+$0xFFFFFF30] =	vst v0;
	v0 =	vadd.f32 v2, v1;
	v1 =	vmul.f32 v5, v21;
	v2 =	vmul.f32 v17, v22  }
0x412: {  	v5 =	vld [tilespmem:s22+$0xFFFFFF40]  }
0x413: {  	v12 =	vld [tilespmem:s23+$0xFFFFFF40];
	[tilespmem:s21+$0x150] =	vst v0;
	v0 =	vadd.f32 v2, v1;
	v1 =	vbroadcast v63, $0x5;
	v2 =	vbroadcast v4, $0x5  }
0x414: {  	v13 =	vld [tilespmem:s22+$0x160]  }
0x415: {  	v14 =	vld [tilespmem:s23+$0x160];
	[tilespmem:s24+$0xFFFFFE90] =	vst v0;
	v0 =	vmul.f32 v6, v1;
	v6 =	vmul.f32 v11, v2  }
0x416: {  	v23 =	vbroadcast v10, $0xB;
	v19 =	vbroadcast v16, $0x5;
	v18 =	vld [tilespmem:s26+$0xFFFFFEA0]  }
0x417: {  	v17 =	vbroadcast v8, $0xA;
	v11 =	vbroadcast v7, $0xA;
	v21 =	vld [tilespmem:s29+$0xFFFFFEA0];
	v0 =	vadd.f32 v6, v0  }
0x418: {  	v20 =	vbroadcast v15, $0x5;
	v22 =	vbroadcast v9, $0xB  }
0x419: {  	v5 =	vmul.f32 v5, v11;
	v6 =	vmul.f32 v12, v17;
	[tilespmem:s24+$0xA0] =	vst v0  }
0x41a: {  	v0 =	vmul.f32 v13, v22;
	v12 =	vmul.f32 v14, v23;
	v13 =	vld [tilespmem:s26+$0xB0]  }
0x41b: {  	v5 =	vadd.f32 v6, v5;
	v6 =	vld [tilespmem:s29+$0xB0]  }
0x41c: {  	v0 =	vadd.f32 v12, v0;
	v12 =	vmul.f32 v18, v19;
	v14 =	vmul.f32 v21, v20  }
0x41d: {  	s0 =	simm.s32 $0xBD0  }
0x41e: {  	s16 =	simm.s32 $0xB50;
	v41 =	vld [tilespmem:s0+$0xFFFFFFF0];
	[tilespmem:s21+$0x160] =	vst v0;
	v0 =	vadd.f32 v14, v12  }
0x41f: {  	v42 =	vld [tilespmem:s16+$0xFFFFFFF0];
	[tilespmem:s21+$0xFFFFFF40] =	vst v5  }
0x420: {  	s30 =	simm.s32 $0x1700;
	v5 =	vld [tilespmem:s16+$0x0];
	[tilespmem:s24+$0xFFFFFEA0] =	vst v0;
	v0 =	vmul.f32 v13, v1;
	v1 =	vmul.f32 v6, v2  }
0x421: {  	v21 =	vld [tilespmem:s30+$0x0]  }
0x422: {  	v12 =	vld [tilespmem:s22+$0x170];
	v0 =	vadd.f32 v1, v0  }
0x423: {  	v14 =	vld [tilespmem:s23+$0x170]  }
0x424: {  	v6 =	vld [tilespmem:s0+$0x0];
	[tilespmem:s24+$0xB0] =	vst v0  }
0x425: {  	v0 =	vld [tilespmem:s26+$0xC0]  }
0x426: {  	v1 =	vld [tilespmem:s29+$0xC0]  }
0x427: {  	s31 =	simm.s32 $0x2700;
	v2 =	vld [tilespmem:s26+$0xFFFFFEB0]  }
0x428: {  	v12 =	vmul.f32 v12, v22;
	v14 =	vmul.f32 v14, v23;
	v22 =	vld [tilespmem:s31+$0x0]  }
0x429: {  	v24 =	vbroadcast v4, $0x6;
	v13 =	vld [tilespmem:s29+$0xFFFFFEB0];
	v23 =	vbroadcast v63, $0x6  }
0x42a: {  	v26 =	vld [tilespmem:s30+$0xFFFFFE00];
	v25 =	vbroadcast v6, $0x0;
	v12 =	vadd.f32 v14, v12;
	v14 =	vbroadcast v5, $0x0  }
0x42b: {  	v18 =	vld [tilespmem:s22+$0xFFFFFF50];
	v0 =	vmul.f32 v0, v23;
	v1 =	vmul.f32 v1, v24  }
0x42c: {  	[tilespmem:s21+$0x170] =	vst v12;
	v12 =	vld [tilespmem:s31+$0xFFFFFE00]  }
0x42d: {  	v21 =	vmul.f32 v21, v14;
	v27 =	vld [tilespmem:s22+$0x180];
	v22 =	vmul.f32 v22, v25;
	v0 =	vadd.f32 v1, v0  }
0x42e: {  	v1 =	vmul.f32 v2, v19;
	v2 =	vmul.f32 v13, v20;
	v13 =	vld [tilespmem:s23+$0x180]  }
0x42f: {  	v28 =	vbroadcast v42, $0x0;
	v21 =	vadd.f32 v22, v21;
	v19 =	vld [tilespmem:s23+$0xFFFFFF50];
	v20 =	vbroadcast v41, $0x0;
	[tilespmem:s24+$0xC0] =	vst v0  }
0x430: {  	s10 =	simm.s32 $0x5700;
	v22 =	vbroadcast v10, $0xC;
	v0 =	vbroadcast v9, $0xC;
	v29 =	vld [tilespmem:s26+$0xD0]  }
0x431: {  	[tilespmem:s10+$0x0] =	vst v21;
	v1 =	vadd.f32 v2, v1;
	v2 =	vmul.f32 v26, v28;
	v12 =	vmul.f32 v12, v20;
	v21 =	vld [tilespmem:s29+$0xD0]  }
0x432: {  	v26 =	vld [tilespmem:s30+$0x10]  }
0x433: {  	[tilespmem:s24+$0xFFFFFEB0] =	vst v1;
	v1 =	vmul.f32 v27, v0;
	v2 =	vadd.f32 v12, v2;
	v12 =	vld [tilespmem:s31+$0x10];
	v13 =	vmul.f32 v13, v22  }
0x434: {  	v27 =	vld [tilespmem:s26+$0xFFFFFEC0]  }
0x435: {  	v11 =	vmul.f32 v18, v11;
	v17 =	vmul.f32 v19, v17;
	[tilespmem:s10+$0xFFFFFE00] =	vst v2;
	v1 =	vadd.f32 v13, v1;
	v13 =	vld [tilespmem:s29+$0xFFFFFEC0]  }
0x436: {  	v2 =	vld [tilespmem:s30+$0xFFFFFE10];
	v18 =	vmul.f32 v29, v23;
	v19 =	vmul.f32 v21, v24  }
0x437: {  	v11 =	vadd.f32 v17, v11;
	v14 =	vmul.f32 v26, v14;
	v21 =	vbroadcast v16, $0x6;
	[tilespmem:s21+$0x180] =	vst v1;
	v1 =	vld [tilespmem:s31+$0xFFFFFE10]  }
0x438: {  	v23 =	vbroadcast v15, $0x6;
	v12 =	vmul.f32 v12, v25;
	v17 =	vld [tilespmem:s22+$0x190];
	v18 =	vadd.f32 v19, v18  }
0x439: {  	[tilespmem:s21+$0xFFFFFF50] =	vst v11;
	v11 =	vld [tilespmem:s23+$0x190]  }
0x43a: {  	v19 =	vld [tilespmem:s22+$0xFFFFFF60];
	v24 =	vmul.f32 v27, v21;
	v12 =	vadd.f32 v12, v14;
	v13 =	vmul.f32 v13, v23;
	[tilespmem:s24+$0xD0] =	vst v18  }
0x43b: {  	v14 =	vld [tilespmem:s26+$0xE0]  }
0x43c: {  	v2 =	vmul.f32 v2, v28;
	[tilespmem:s10+$0x10] =	vst v12;
	v12 =	vld [tilespmem:s29+$0xE0];
	v13 =	vadd.f32 v13, v24;
	v1 =	vmul.f32 v1, v20  }
0x43d: {  	v18 =	vld [tilespmem:s30+$0x20]  }
0x43e: {  	v0 =	vmul.f32 v17, v0;
	v11 =	vmul.f32 v11, v22;
	[tilespmem:s24+$0xFFFFFEC0] =	vst v13;
	v1 =	vadd.f32 v1, v2;
	v2 =	vld [tilespmem:s31+$0x20]  }
0x43f: {  	v17 =	vbroadcast v4, $0x7;
	v13 =	vbroadcast v63, $0x7;
	v20 =	vld [tilespmem:s26+$0xFFFFFED0]  }
0x440: {  	v0 =	vadd.f32 v11, v0;
	v11 =	vbroadcast v6, $0x1;
	v22 =	vld [tilespmem:s29+$0xFFFFFED0];
	[tilespmem:s10+$0xFFFFFE10] =	vst v1;
	v1 =	vbroadcast v5, $0x1  }
0x441: {  	v14 =	vmul.f32 v14, v13;
	v12 =	vmul.f32 v12, v17;
	v24 =	vld [tilespmem:s30+$0xFFFFFE20]  }
0x442: {  	[tilespmem:s21+$0x190] =	vst v0;
	v0 =	vld [tilespmem:s31+$0xFFFFFE20]  }
0x443: {  	v25 =	vld [tilespmem:s22+$0x1A0];
	v18 =	vmul.f32 v18, v1;
	v12 =	vadd.f32 v12, v14;
	v2 =	vmul.f32 v2, v11  }
0x444: {  	v26 =	vbroadcast v42, $0x1;
	v14 =	vbroadcast v41, $0x1;
	v27 =	vld [tilespmem:s23+$0x1A0]  }
0x445: {  	v28 =	vld [tilespmem:s23+$0xFFFFFF60];
	v20 =	vmul.f32 v20, v21;
	[tilespmem:s24+$0xE0] =	vst v12;
	v2 =	vadd.f32 v2, v18;
	v18 =	vmul.f32 v22, v23  }
0x446: {  	v12 =	vbroadcast v9, $0xD;
	v21 =	vbroadcast v10, $0xD;
	v22 =	vld [tilespmem:s26+$0xF0]  }
0x447: {  	v23 =	vmul.f32 v24, v26;
	v0 =	vmul.f32 v0, v14;
	[tilespmem:s10+$0x20] =	vst v2;
	v2 =	vadd.f32 v18, v20;
	v18 =	vld [tilespmem:s29+$0xF0]  }
0x448: {  	v24 =	vbroadcast v8, $0xB;
	v20 =	vbroadcast v7, $0xB;
	v29 =	vld [tilespmem:s30+$0x30]  }
0x449: {  	v25 =	vmul.f32 v25, v12;
	v27 =	vmul.f32 v27, v21;
	v0 =	vadd.f32 v0, v23;
	v23 =	vld [tilespmem:s31+$0x30];
	[tilespmem:s24+$0xFFFFFED0] =	vst v2  }
0x44a: {  	v2 =	vld [tilespmem:s26+$0xFFFFFEE0]  }
0x44b: {  	v28 =	vmul.f32 v28, v24;
	v19 =	vmul.f32 v19, v20;
	v25 =	vadd.f32 v27, v25;
	[tilespmem:s10+$0xFFFFFE20] =	vst v0;
	v0 =	vld [tilespmem:s29+$0xFFFFFEE0]  }
0x44c: {  	v13 =	vmul.f32 v22, v13;
	v27 =	vld [tilespmem:s30+$0xFFFFFE30];
	v17 =	vmul.f32 v18, v17  }
0x44d: {  	v22 =	vbroadcast v15, $0x7;
	v19 =	vadd.f32 v28, v19;
	[tilespmem:s21+$0x1A0] =	vst v25;
	v25 =	vld [tilespmem:s31+$0xFFFFFE30];
	v18 =	vbroadcast v16, $0x7  }
0x44e: {  	v28 =	vld [tilespmem:s22+$0x1B0];
	v1 =	vmul.f32 v29, v1;
	v11 =	vmul.f32 v23, v11;
	v13 =	vadd.f32 v17, v13  }
0x44f: {  	[tilespmem:s21+$0xFFFFFF60] =	vst v19;
	v17 =	vld [tilespmem:s23+$0x1B0]  }
0x450: {  	v19 =	vld [tilespmem:s22+$0xFFFFFF70];
	v2 =	vmul.f32 v2, v18;
	v1 =	vadd.f32 v11, v1;
	v0 =	vmul.f32 v0, v22;
	[tilespmem:s24+$0xF0] =	vst v13  }
0x451: {  	v11 =	vld [tilespmem:s26+$0x100]  }
0x452: {  	v13 =	vmul.f32 v27, v26;
	v14 =	vmul.f32 v25, v14;
	[tilespmem:s10+$0x30] =	vst v1;
	v0 =	vadd.f32 v0, v2;
	v1 =	vld [tilespmem:s29+$0x100]  }
0x453: {  	v2 =	vld [tilespmem:s30+$0x40]  }
0x454: {  	v12 =	vmul.f32 v28, v12;
	v13 =	vadd.f32 v14, v13;
	v14 =	vld [tilespmem:s31+$0x40];
	v17 =	vmul.f32 v17, v21;
	[tilespmem:s24+$0xFFFFFEE0] =	vst v0  }
0x455: {  	v0 =	vbroadcast v63, $0x8;
	v21 =	vbroadcast v4, $0x8;
	v23 =	vld [tilespmem:s26+$0xFFFFFEF0]  }
0x456: {  	v25 =	vbroadcast v6, $0x2;
	[tilespmem:s10+$0xFFFFFE30] =	vst v13;
	v13 =	vbroadcast v5, $0x2;
	v26 =	vld [tilespmem:s29+$0xFFFFFEF0]  }
0x457: {  	v12 =	vadd.f32 v17, v12;
	v17 =	vld [tilespmem:s30+$0xFFFFFE40];
	v11 =	vmul.f32 v11, v0;
	v1 =	vmul.f32 v1, v21  }
0x458: {  	v27 =	vld [tilespmem:s31+$0xFFFFFE40]  }
0x459: {  	v28 =	vld [tilespmem:s23+$0xFFFFFF70];
	[tilespmem:s21+$0x1B0] =	vst v12;
	v2 =	vmul.f32 v2, v13;
	v12 =	vmul.f32 v14, v25;
	v1 =	vadd.f32 v1, v11  }
0x45a: {  	v14 =	vbroadcast v41, $0x2;
	v11 =	vbroadcast v42, $0x2;
	v29 =	vld [tilespmem:s22+$0x1C0]  }
0x45b: {  	v30 =	vld [tilespmem:s23+$0x1C0];
	v18 =	vmul.f32 v23, v18;
	v2 =	vadd.f32 v12, v2;
	v12 =	vmul.f32 v26, v22;
	[tilespmem:s24+$0x100] =	vst v1  }
0x45c: {  	v1 =	vld [tilespmem:s26+$0x110]  }
0x45d: {  	v17 =	vmul.f32 v17, v11;
	v22 =	vmul.f32 v27, v14;
	[tilespmem:s10+$0x40] =	vst v2;
	v2 =	vadd.f32 v12, v18;
	v12 =	vld [tilespmem:s29+$0x110]  }
0x45e: {  	v23 =	vbroadcast v9, $0xE;
	v18 =	vmul.f32 v19, v20;
	v20 =	vld [tilespmem:s30+$0x50]  }
0x45f: {  	v19 =	vmul.f32 v28, v24;
	v24 =	vbroadcast v10, $0xE;
	v17 =	vadd.f32 v22, v17;
	v22 =	vld [tilespmem:s31+$0x50];
	[tilespmem:s24+$0xFFFFFEF0] =	vst v2  }
0x460: {  	v2 =	vld [tilespmem:s26+$0xFFFFFF00]  }
0x461: {  	v18 =	vadd.f32 v19, v18;
	v19 =	vmul.f32 v29, v23;
	v26 =	vmul.f32 v30, v24;
	[tilespmem:s10+$0xFFFFFE40] =	vst v17;
	v17 =	vld [tilespmem:s29+$0xFFFFFF00]  }
0x462: {  	v27 =	vld [tilespmem:s30+$0xFFFFFE50];
	v0 =	vmul.f32 v1, v0;
	v1 =	vmul.f32 v12, v21  }
0x463: {  	[tilespmem:s21+$0xFFFFFF70] =	vst v18;
	v18 =	vadd.f32 v26, v19;
	v19 =	vld [tilespmem:s31+$0xFFFFFE50];
	v12 =	vbroadcast v16, $0x8  }
0x464: {  	v26 =	vld [tilespmem:s22+$0xFFFFFF80];
	v13 =	vmul.f32 v20, v13;
	v20 =	vmul.f32 v22, v25;
	v0 =	vadd.f32 v1, v0  }
0x465: {  	v21 =	vbroadcast v15, $0x8;
	[tilespmem:s21+$0x1C0] =	vst v18;
	v1 =	vld [tilespmem:s23+$0xFFFFFF80]  }
0x466: {  	v18 =	vld [tilespmem:s22+$0x1D0];
	v2 =	vmul.f32 v2, v12;
	v13 =	vadd.f32 v20, v13;
	[tilespmem:s24+$0x110] =	vst v0  }
0x467: {  	v17 =	vmul.f32 v17, v21;
	v20 =	vbroadcast v7, $0xC;
	v0 =	vld [tilespmem:s26+$0x120]  }
0x468: {  	v11 =	vmul.f32 v27, v11;
	v14 =	vmul.f32 v19, v14;
	[tilespmem:s10+$0x50] =	vst v13;
	v13 =	vld [tilespmem:s29+$0x120]  }
0x469: {  	v22 =	vbroadcast v8, $0xC;
	v2 =	vadd.f32 v17, v2;
	v17 =	vld [tilespmem:s30+$0x60]  }
0x46a: {  	v25 =	vbroadcast v4, $0x9;
	v19 =	vmul.f32 v26, v20;
	v11 =	vadd.f32 v14, v11;
	v14 =	vld [tilespmem:s31+$0x60]  }
0x46b: {  	v32 =	vld [tilespmem:s23+$0x1D0];
	v1 =	vmul.f32 v1, v22;
	[tilespmem:s24+$0xFFFFFF00] =	vst v2;
	v2 =	vbroadcast v63, $0x9  }
0x46c: {  	v27 =	vbroadcast v6, $0x3;
	v26 =	vld [tilespmem:s26+$0xFFFFFF10];
	[tilespmem:s10+$0xFFFFFE50] =	vst v11;
	v11 =	vbroadcast v5, $0x3  }
0x46d: {  	v1 =	vadd.f32 v1, v19;
	v19 =	vld [tilespmem:s29+$0xFFFFFF10];
	v0 =	vmul.f32 v0, v2;
	v13 =	vmul.f32 v13, v25  }
0x46e: {  	v28 =	vld [tilespmem:s30+$0xFFFFFE60]  }
0x46f: {  	[tilespmem:s21+$0xFFFFFF80] =	vst v1;
	v1 =	vld [tilespmem:s31+$0xFFFFFE60];
	v17 =	vmul.f32 v17, v11;
	v14 =	vmul.f32 v14, v27;
	v0 =	vadd.f32 v13, v0  }
0x470: {  	v29 =	vld [tilespmem:s22+$0xFFFFFF90]  }
0x471: {  	v30 =	vbroadcast v41, $0x3;
	v13 =	vbroadcast v42, $0x3;
	v31 =	vld [tilespmem:s23+$0xFFFFFF90];
	v14 =	vadd.f32 v14, v17;
	[tilespmem:s24+$0x120] =	vst v0  }
0x472: {  	v12 =	vmul.f32 v26, v12;
	v17 =	vmul.f32 v19, v21;
	v21 =	vld [tilespmem:s26+$0x130]  }
0x473: {  	[tilespmem:s10+$0x60] =	vst v14;
	v14 =	vld [tilespmem:s29+$0x130]  }
0x474: {  	v28 =	vmul.f32 v28, v13;
	v1 =	vmul.f32 v1, v30;
	v12 =	vadd.f32 v17, v12  }
0x475: {  	v17 =	vld [tilespmem:s30+$0x70]  }
0x476: {  	v20 =	vmul.f32 v29, v20;
	v22 =	vmul.f32 v31, v22;
	v1 =	vadd.f32 v1, v28;
	v28 =	vld [tilespmem:s31+$0x70];
	[tilespmem:s24+$0xFFFFFF10] =	vst v12  }
0x477: {  	v18 =	vmul.f32 v18, v23;
	v23 =	vmul.f32 v32, v24;
	v12 =	vld [tilespmem:s26+$0xFFFFFF20]  }
0x478: {  	v20 =	vadd.f32 v22, v20;
	v22 =	vld [tilespmem:s29+$0xFFFFFF20];
	[tilespmem:s10+$0xFFFFFE60] =	vst v1;
	v1 =	vmul.f32 v21, v2;
	v2 =	vmul.f32 v14, v25  }
0x479: {  	v33 =	vbroadcast v8, $0xD;
	v14 =	vadd.f32 v23, v18;
	v24 =	vld [tilespmem:s30+$0xFFFFFE70]  }
0x47a: {  	v56 =	vbroadcast v7, $0xF;
	v52 =	vbroadcast v8, $0xF;
	[tilespmem:s21+$0xFFFFFF90] =	vst v20;
	v18 =	vld [tilespmem:s31+$0xFFFFFE70];
	v20 =	vadd.f32 v2, v1  }
0x47b: {  	v3 =	vbroadcast v16, $0xB;
	v29 =	vbroadcast v15, $0x9;
	v23 =	vld [tilespmem:s22+$0xFFFFFFA0];
	[tilespmem:s21+$0x1D0] =	vst v14  }
0x47c: {  	v25 =	vbroadcast v16, $0x9;
	v11 =	vmul.f32 v17, v11;
	v14 =	vld [tilespmem:s23+$0xFFFFFFA0];
	[tilespmem:s24+$0x130] =	vst v20  }
0x47d: {  	v17 =	vmul.f32 v28, v27;
	v27 =	vld [tilespmem:s22+$0x1E0];
	[tilespmem:$0x1FE90] =	vst v3;
	v3 =	vbroadcast v15, $0xB  }
0x47e: {  	v61 =	vbroadcast v16, $0xC;
	v58 =	vbroadcast v16, $0xD  }
0x47f: {  	v12 =	vmul.f32 v12, v25;
	v11 =	vadd.f32 v17, v11;
	v17 =	vmul.f32 v22, v29;
	[tilespmem:$0x1FEA0] =	vst v3  }
0x480: {  	v43 =	vbroadcast v41, $0x4;
	v54 =	vbroadcast v16, $0xE;
	v20 =	vld [tilespmem:s26+$0x140]  }
0x481: {  	v55 =	vbroadcast v15, $0xE;
	v44 =	vbroadcast v10, $0xF;
	[tilespmem:s10+$0x70] =	vst v11;
	v11 =	vadd.f32 v17, v12;
	v12 =	vld [tilespmem:s29+$0x140]  }
0x482: {  	v13 =	vmul.f32 v24, v13;
	v24 =	vmul.f32 v18, v30;
	v39 =	vld [tilespmem:s23+$0x1E0]  }
0x483: {  	v57 =	vbroadcast v16, $0xF;
	v26 =	vbroadcast v7, $0xD;
	v28 =	vld [tilespmem:s30+$0x80]  }
0x484: {  	v50 =	vbroadcast v4, $0xA;
	v31 =	vbroadcast v63, $0xA;
	v13 =	vadd.f32 v24, v13;
	v24 =	vld [tilespmem:s31+$0x80];
	[tilespmem:s24+$0xFFFFFF20] =	vst v11  }
0x485: {  	v23 =	vmul.f32 v23, v26;
	v11 =	vmul.f32 v14, v33;
	v30 =	vld [tilespmem:s26+$0xFFFFFF30]  }
0x486: {  	v34 =	vbroadcast v5, $0x4;
	v35 =	vbroadcast v6, $0x4;
	v36 =	vld [tilespmem:s29+$0xFFFFFF30]  }
0x487: {  	[tilespmem:s10+$0xFFFFFE70] =	vst v13;
	v11 =	vadd.f32 v11, v23;
	v20 =	vmul.f32 v20, v31;
	v12 =	vmul.f32 v12, v50  }
0x488: {  	v9 =	vbroadcast v9, $0xF;
	v1 =	vbroadcast v16, $0xA;
	v37 =	vld [tilespmem:s31+$0xFFFFFE80]  }
0x489: {  	v23 =	vld [tilespmem:s30+$0xFFFFFE80];
	[tilespmem:s21+$0xFFFFFFA0] =	vst v11;
	v11 =	vmul.f32 v28, v34;
	v24 =	vmul.f32 v24, v35;
	v12 =	vadd.f32 v12, v20  }
0x48a: {  	v16 =	vmul.f32 v27, v9;
	v27 =	vmul.f32 v39, v44;
	v20 =	vld [tilespmem:s22+$0xFFFFFFB0]  }
0x48b: {  	v38 =	vld [tilespmem:s23+$0xFFFFFFB0];
	v25 =	vmul.f32 v30, v25;
	v24 =	vadd.f32 v24, v11;
	v29 =	vmul.f32 v36, v29;
	[tilespmem:s24+$0x140] =	vst v12  }
0x48c: {  	v53 =	vbroadcast v15, $0xF;
	v28 =	vbroadcast v42, $0x4;
	v30 =	vld [tilespmem:s26+$0x150]  }
0x48d: {  	v40 =	vbroadcast v42, $0x5;
	v16 =	vadd.f32 v27, v16;
	[tilespmem:s10+$0x80] =	vst v24;
	v24 =	vadd.f32 v29, v25;
	v25 =	vld [tilespmem:s29+$0x150]  }
0x48e: {  	v60 =	vmul.f32 v37, v43;
	v23 =	vmul.f32 v23, v28;
	v29 =	vld [tilespmem:s30+$0x90]  }
0x48f: {  	v45 =	vbroadcast v4, $0xB;
	[tilespmem:s21+$0x1E0] =	vst v16;
	v20 =	vmul.f32 v20, v26;
	v26 =	vld [tilespmem:s31+$0x90]  }
0x490: {  	v2 =	vbroadcast v15, $0xA;
	v62 =	vld [tilespmem:s23+$0x1F0];
	v23 =	vadd.f32 v60, v23;
	[tilespmem:s24+$0xFFFFFF30] =	vst v24;
	v24 =	vmul.f32 v38, v33  }
0x491: {  	v18 =	vbroadcast v15, $0xD;
	v3 =	vbroadcast v15, $0xC;
	v15 =	vld [tilespmem:s26+$0xFFFFFF40]  }
0x492: {  	[tilespmem:s10+$0xFFFFFE80] =	vst v23;
	v23 =	vld [tilespmem:s29+$0xFFFFFF40];
	v20 =	vadd.f32 v24, v20;
	v30 =	vmul.f32 v30, v31;
	v25 =	vmul.f32 v25, v50  }
0x493: {  	v46 =	vbroadcast v5, $0x5;
	v47 =	vbroadcast v6, $0x5;
	v24 =	vld [tilespmem:s30+$0xFFFFFE90]  }
0x494: {  	v27 =	vld [tilespmem:s31+$0xFFFFFE90];
	[tilespmem:s21+$0xFFFFFFB0] =	vst v20;
	v20 =	vmul.f32 v29, v34;
	v26 =	vmul.f32 v26, v35;
	v25 =	vadd.f32 v25, v30  }
0x495: {  	v32 =	vbroadcast v41, $0x9;
	v0 =	vbroadcast v7, $0xE;
	v29 =	vld [tilespmem:s22+$0xFFFFFFC0]  }
0x496: {  	v19 =	vbroadcast v8, $0xE;
	v7 =	vbroadcast v42, $0xB;
	v16 =	vld [tilespmem:s23+$0xFFFFFFC0];
	v20 =	vadd.f32 v26, v20;
	[tilespmem:s24+$0x150] =	vst v25  }
0x497: {  	v15 =	vmul.f32 v15, v1;
	v23 =	vmul.f32 v23, v2;
	v25 =	vld [tilespmem:s26+$0x160]  }
0x498: {  	v21 =	vbroadcast v41, $0xF;
	v22 =	vbroadcast v42, $0xE;
	[tilespmem:s10+$0x90] =	vst v20;
	v20 =	vld [tilespmem:s29+$0x160]  }
0x499: {  	v30 =	vld [tilespmem:s22+$0x1F0];
	v24 =	vmul.f32 v24, v28;
	v26 =	vmul.f32 v27, v43;
	v15 =	vadd.f32 v23, v15  }
0x49a: {  	v17 =	vbroadcast v41, $0xC;
	v23 =	vld [tilespmem:s30+$0xA0];
	v27 =	vmul.f32 v29, v0  }
0x49b: {  	v24 =	vadd.f32 v26, v24;
	v28 =	vld [tilespmem:s31+$0xA0];
	v16 =	vmul.f32 v16, v19;
	[tilespmem:s24+$0xFFFFFF40] =	vst v15;
	v15 =	vbroadcast v63, $0xB  }
0x49c: {  	v13 =	vbroadcast v42, $0xA;
	v39 =	vbroadcast v41, $0x5;
	v26 =	vld [tilespmem:s26+$0xFFFFFF50]  }
0x49d: {  	[tilespmem:s10+$0xFFFFFE90] =	vst v24;
	v24 =	vld [tilespmem:s29+$0xFFFFFF50];
	v16 =	vadd.f32 v16, v27;
	v25 =	vmul.f32 v25, v15;
	v20 =	vmul.f32 v20, v45  }
0x49e: {  	v37 =	vbroadcast v42, $0x6;
	v36 =	vbroadcast v41, $0x7;
	v48 =	vld [tilespmem:s30+$0xFFFFFEA0]  }
0x49f: {  	v38 =	vbroadcast v41, $0x6;
	v33 =	vbroadcast v42, $0x8;
	v49 =	vld [tilespmem:s31+$0xFFFFFEA0];
	[tilespmem:s21+$0xFFFFFFC0] =	vst v16;
	v20 =	vadd.f32 v20, v25  }
0x4a0: {  	v16 =	vmul.f32 v23, v46;
	v23 =	vmul.f32 v28, v47;
	v50 =	vld [tilespmem:s22+$0xFFFFFFD0];
	[tilespmem:$0x1FEB0] =	vst v7  }
0x4a1: {  	v31 =	vbroadcast v42, $0x9;
	v7 =	vbroadcast v41, $0xB;
	[tilespmem:s24+$0x160] =	vst v20;
	v20 =	vld [tilespmem:s23+$0xFFFFFFD0]  }
0x4a2: {  	v1 =	vmul.f32 v26, v1;
	v2 =	vmul.f32 v24, v2;
	v16 =	vadd.f32 v23, v16  }
0x4a3: {  	v51 =	vmul.f32 v62, v44;
	v34 =	vbroadcast v41, $0x8;
	v24 =	vld [tilespmem:s26+$0x170];
	[tilespmem:$0x1FEC0] =	vst v7  }
0x4a4: {  	v23 =	vmul.f32 v48, v40;
	v26 =	vmul.f32 v49, v39;
	v1 =	vadd.f32 v2, v1;
	[tilespmem:s10+$0xA0] =	vst v16;
	v16 =	vld [tilespmem:s29+$0x170]  }
0x4a5: {  	v35 =	vbroadcast v42, $0x7;
	v9 =	vmul.f32 v30, v9;
	v2 =	vld [tilespmem:s30+$0xB0]  }
0x4a6: {  	v59 =	vadd.f32 v26, v23;
	v0 =	vmul.f32 v50, v0;
	[tilespmem:s24+$0xFFFFFF50] =	vst v1;
	v48 =	vld [tilespmem:s31+$0xB0];
	v1 =	vmul.f32 v20, v19  }
0x4a7: {  	v30 =	vbroadcast v41, $0xA;
	v27 =	vbroadcast v41, $0xD;
	v43 =	vld [tilespmem:s26+$0xFFFFFF60]  }
0x4a8: {  	v28 =	vbroadcast v42, $0xC;
	v25 =	vbroadcast v42, $0xF;
	[tilespmem:s10+$0xFFFFFEA0] =	vst v59;
	v44 =	vld [tilespmem:s29+$0xFFFFFF60];
	v0 =	vadd.f32 v1, v0  }
0x4a9: {  	v60 =	vmul.f32 v24, v15;
	v15 =	vadd.f32 v51, v9;
	v62 =	vmul.f32 v16, v45;
	v1 =	vld [tilespmem:s30+$0xFFFFFEB0]  }
0x4aa: {  	s2 =	simm.s32 $0x1700;
	s13 =	simm.s32 $0x2700;
	v26 =	vbroadcast v42, $0xD;
	v9 =	vmul.f32 v2, v46;
	v2 =	vld [tilespmem:s31+$0xFFFFFEB0];
	[tilespmem:s21+$0xFFFFFFD0] =	vst v0  }
0x4ab: {  	s12 =	simm.s32 $0x5700;
	s15 =	simm.s32 $0x4;
	s16 =	simm.s32 $0xB70;
	v23 =	vbroadcast v41, $0xE;
	v45 =	vmul.f32 v48, v47;
	[tilespmem:s21+$0x1F0] =	vst v15;
	v0 =	vadd.f32 v62, v60;
	v41 =	vld [tilespmem:s22+$0xFFFFFFE0]  }
.LBB2_12:
0x4ac: {  	[tilespmem:$0x1FDC0] =	vst v28;
	v28 =	vld [tilespmem:$0x1FE90]  }
0x4ad: {  	[tilespmem:$0x1FE30] =	vst v13;
	v13 =	vld [tilespmem:$0x1FEA0];
	_ =	sdelay $0x1  }
0x4ae: {  	v50 =	vld [tilespmem:s16+$0x0];
	s0 =	sadd.s32 $0x20, s0;
	v9 =	vadd.f32 v45, v9  }
0x4af: {  	v49 =	vld [tilespmem:s0+$0x0];
	[tilespmem:s24+$0x170] =	vst v0  }
0x4b0: {  	v0 =	vmul.f32 v1, v40;
	v1 =	vld [tilespmem:s26+$0x180];
	v2 =	vmul.f32 v2, v39;
	[tilespmem:s10+$0xB0] =	vst v9  }
0x4b1: {  	v51 =	vld [tilespmem:s29+$0x180];
	v42 =	vmul.f32 v43, v28;
	v48 =	vmul.f32 v44, v13  }
0x4b2: {  	[tilespmem:$0x1FDF0] =	vst v57;
	v57 =	vld [tilespmem:s30+$0xC0]  }
0x4b3: {  	v0 =	vadd.f32 v2, v0;
	v2 =	vld [tilespmem:s31+$0xC0];
	s31 =	sadd.s32 $0x400, s31;
	v9 =	vadd.f32 v48, v42  }
0x4b4: {  	v45 =	vbroadcast v6, $0x6;
	s30 =	sadd.s32 $0x400, s30;
	v43 =	vbroadcast v63, $0xC;
	v59 =	vld [tilespmem:s31+$0x0]  }
0x4b5: {  	v44 =	vbroadcast v4, $0xC;
	v46 =	vbroadcast v50, $0x0;
	[tilespmem:s24+$0xFFFFFF60] =	vst v9;
	v9 =	vld [tilespmem:s30+$0x0]  }
0x4b6: {  	[tilespmem:s10+$0xFFFFFEB0] =	vst v0;
	v0 =	vbroadcast v5, $0x6;
	v1 =	vmul.f32 v1, v43  }
0x4b7: {  	[tilespmem:$0x1FE50] =	vst v55;
	v39 =	vmul.f32 v51, v44;
	v51 =	vbroadcast v49, $0x0;
	v55 =	vld [tilespmem:s0+$0xFFFFFFF0]  }
0x4b8: {  	[tilespmem:$0x1FDD0] =	vst v17;
	v40 =	vmul.f32 v57, v0;
	v60 =	vld [tilespmem:s16+$0xFFFFFFF0];
	v2 =	vmul.f32 v2, v45  }
0x4b9: {  	[tilespmem:$0x1FE20] =	vst v21;
	v17 =	vmov v3;
	v3 =	vmul.f32 v41, v56;
	v47 =	vld [tilespmem:s30+$0xFFFFFE00];
	v1 =	vadd.f32 v39, v1  }
0x4ba: {  	[tilespmem:$0x1FE10] =	vst v53;
	v48 =	vld [tilespmem:s31+$0xFFFFFE00];
	v41 =	vmul.f32 v59, v51;
	v2 =	vadd.f32 v2, v40;
	v9 =	vmul.f32 v9, v46  }
0x4bb: {  	[tilespmem:s24+$0x180] =	vst v1  }
0x4bc: {  	v40 =	vld [tilespmem:s26+$0x190];
	[tilespmem:s10+$0xC0] =	vst v2;
	v9 =	vadd.f32 v41, v9  }
0x4bd: {  	[tilespmem:$0x1FE40] =	vst v54;
	s10 =	sadd.s32 $0x400, s10;
	v53 =	vbroadcast v55, $0x0;
	v54 =	vbroadcast v60, $0x0;
	v2 =	vld [tilespmem:s29+$0x190]  }
0x4be: {  	v21 =	vmov v18;
	v18 =	vmov v58;
	v58 =	vld [tilespmem:s2+$0xD0];
	[tilespmem:s10+$0x0] =	vst v9  }
0x4bf: {  	v62 =	vmul.f32 v47, v54;
	v39 =	vmul.f32 v48, v53;
	v9 =	vld [tilespmem:s13+$0xD0]  }
0x4c0: {  	v59 =	vld [tilespmem:s30+$0x10]  }
0x4c1: {  	v39 =	vadd.f32 v39, v62;
	v62 =	vld [tilespmem:s31+$0x10]  }
0x4c2: {  	v14 =	vmov v52;
	v52 =	vld [tilespmem:s2+$0xFFFFFEC0]  }
0x4c3: {  	v10 =	vld [tilespmem:s13+$0xFFFFFEC0];
	v43 =	vmul.f32 v40, v43;
	v2 =	vmul.f32 v2, v44;
	[tilespmem:s10+$0xFFFFFE00] =	vst v39  }
0x4c4: {  	v0 =	vmul.f32 v58, v0;
	v15 =	vld [tilespmem:s26+$0xFFFFFF70];
	v9 =	vmul.f32 v9, v45  }
0x4c5: {  	v44 =	vld [tilespmem:s30+$0xFFFFFE10];
	v2 =	vadd.f32 v2, v43  }
0x4c6: {  	v43 =	vld [tilespmem:s31+$0xFFFFFE10];
	v46 =	vmul.f32 v59, v46;
	v51 =	vmul.f32 v62, v51;
	v0 =	vadd.f32 v9, v0  }
0x4c7: {  	v62 =	vld [tilespmem:s29+$0xFFFFFF70];
	[tilespmem:s24+$0x190] =	vst v2  }
0x4c8: {  	v19 =	vld [tilespmem:s26+$0x1A0];
	v46 =	vadd.f32 v51, v46;
	[tilespmem:s12+$0xD0] =	vst v0  }
0x4c9: {  	v52 =	vmul.f32 v52, v37;
	v10 =	vmul.f32 v10, v38;
	v0 =	vld [tilespmem:s29+$0x1A0]  }
0x4ca: {  	v20 =	vbroadcast v5, $0x7;
	v51 =	vld [tilespmem:s2+$0xE0];
	[tilespmem:s10+$0x10] =	vst v46  }
0x4cb: {  	v10 =	vadd.f32 v10, v52;
	v44 =	vmul.f32 v44, v54;
	v43 =	vmul.f32 v43, v53;
	v46 =	vld [tilespmem:s13+$0xE0]  }
0x4cc: {  	[tilespmem:$0x1FE80] =	vst v23;
	v29 =	vmovc v4;
	v7 =	vbroadcast v6, $0x7;
	v4 =	vmov v63;
	v23 =	vbroadcast v50, $0x1;
	v53 =	vld [tilespmem:s30+$0x20]  }
0x4cd: {  	[tilespmem:s12+$0xFFFFFEC0] =	vst v10;
	v10 =	vbroadcast v4, $0xD;
	v54 =	vbroadcast v29, $0xD;
	v43 =	vadd.f32 v43, v44;
	v44 =	vld [tilespmem:s31+$0x20]  }
0x4ce: {  	v24 =	vbroadcast v49, $0x1;
	v1 =	vbroadcast v60, $0x1  }
0x4cf: {  	v8 =	vld [tilespmem:s2+$0xFFFFFED0];
	v19 =	vmul.f32 v19, v10;
	[tilespmem:s10+$0xFFFFFE10] =	vst v43;
	v0 =	vmul.f32 v0, v54  }
0x4d0: {  	[tilespmem:$0x1FE70] =	vst v22;
	v22 =	vmov v25;
	v25 =	vld [tilespmem:s13+$0xFFFFFED0];
	v43 =	vmul.f32 v51, v20;
	v46 =	vmul.f32 v46, v7  }
0x4d1: {  	[tilespmem:$0x1FE00] =	vst v26;
	v16 =	vbroadcast v55, $0x6;
	v45 =	vbroadcast v60, $0x6;
	v26 =	vld [tilespmem:s30+$0xFFFFFE20];
	v0 =	vadd.f32 v0, v19  }
0x4d2: {  	v53 =	vmul.f32 v53, v23;
	v44 =	vmul.f32 v44, v24;
	v19 =	vld [tilespmem:s31+$0xFFFFFE20];
	v46 =	vadd.f32 v46, v43  }
0x4d3: {  	v15 =	vmul.f32 v15, v28;
	v28 =	vmul.f32 v62, v13;
	v13 =	vld [tilespmem:$0x1FEB0];
	[tilespmem:s24+$0x1A0] =	vst v0  }
0x4d4: {  	v44 =	vadd.f32 v44, v53;
	v0 =	vmul.f32 v8, v37;
	v8 =	vbroadcast v55, $0xA;
	v12 =	vld [tilespmem:s26+$0x1B0];
	[tilespmem:s12+$0xE0] =	vst v46  }
0x4d5: {  	v63 =	vbroadcast v55, $0x1;
	v37 =	vmov v45;
	v45 =	vld [tilespmem:s29+$0x1B0]  }
0x4d6: {  	v25 =	vmul.f32 v25, v38;
	v38 =	vmov v16;
	v16 =	vmul.f32 v26, v1;
	v46 =	vld [tilespmem:s2+$0xF0];
	[tilespmem:s10+$0x20] =	vst v44  }
0x4d7: {  	v26 =	vbroadcast v60, $0xB;
	v19 =	vmul.f32 v19, v63;
	v44 =	vld [tilespmem:s13+$0xF0]  }
0x4d8: {  	[tilespmem:$0x1FE60] =	vst v8;
	v25 =	vadd.f32 v25, v0;
	v8 =	vmov v27;
	v27 =	vld [tilespmem:s30+$0x30]  }
0x4d9: {  	v16 =	vadd.f32 v19, v16;
	v19 =	vld [tilespmem:s31+$0x30]  }
0x4da: {  	v15 =	vadd.f32 v28, v15;
	v11 =	vld [tilespmem:s23+$0xFFFFFFE0];
	[tilespmem:s12+$0xFFFFFED0] =	vst v25  }
0x4db: {  	v26 =	vmov v26;
	v25 =	vld [tilespmem:s2+$0xFFFFFEE0];
	v10 =	vmul.f32 v12, v10;
	v12 =	vmul.f32 v45, v54;
	[tilespmem:s10+$0xFFFFFE20] =	vst v16  }
0x4dc: {  	[tilespmem:$0x1FEB0] =	vst v26;
	v20 =	vmul.f32 v46, v20;
	v16 =	vld [tilespmem:s13+$0xFFFFFEE0];
	v7 =	vmul.f32 v44, v7  }
0x4dd: {  	v26 =	vld [tilespmem:s30+$0xFFFFFE30];
	[tilespmem:s24+$0xFFFFFF70] =	vst v15;
	v10 =	vadd.f32 v12, v10  }
0x4de: {  	v12 =	vld [tilespmem:s31+$0xFFFFFE30];
	v15 =	vmul.f32 v27, v23;
	v19 =	vmul.f32 v19, v24;
	v7 =	vadd.f32 v7, v20  }
0x4df: {  	v20 =	vld [tilespmem:s26+$0xFFFFFF80];
	[tilespmem:s24+$0x1B0] =	vst v10  }
0x4e0: {  	v23 =	vld [tilespmem:s26+$0x1C0];
	v15 =	vadd.f32 v19, v15;
	[tilespmem:s12+$0xF0] =	vst v7  }
0x4e1: {  	v10 =	vmul.f32 v25, v35;
	v16 =	vmul.f32 v16, v36;
	v7 =	vld [tilespmem:s29+$0x1C0]  }
0x4e2: {  	v11 =	vmul.f32 v11, v14;
	v19 =	vld [tilespmem:s2+$0x100];
	[tilespmem:s10+$0x30] =	vst v15  }
0x4e3: {  	v1 =	vmul.f32 v26, v1;
	v12 =	vmul.f32 v12, v63;
	v10 =	vadd.f32 v16, v10;
	v15 =	vld [tilespmem:s13+$0x100]  }
0x4e4: {  	v11 =	vadd.f32 v11, v3;
	v16 =	vld [tilespmem:s30+$0x40]  }
0x4e5: {  	v24 =	vbroadcast v4, $0xE;
	v25 =	vbroadcast v29, $0xE;
	v1 =	vadd.f32 v12, v1;
	v12 =	vld [tilespmem:s31+$0x40];
	[tilespmem:s12+$0xFFFFFEE0] =	vst v10  }
0x4e6: {  	v26 =	vbroadcast v6, $0x8;
	v10 =	vbroadcast v5, $0x8;
	v27 =	vld [tilespmem:s2+$0xFFFFFEF0];
	[tilespmem:s21+$0xFFFFFFE0] =	vst v11  }
0x4e7: {  	v23 =	vmul.f32 v23, v24;
	v7 =	vmul.f32 v7, v25;
	[tilespmem:s10+$0xFFFFFE30] =	vst v1  }
0x4e8: {  	v1 =	vbroadcast v50, $0x2;
	v11 =	vbroadcast v49, $0x2;
	v28 =	vld [tilespmem:s13+$0xFFFFFEF0]  }
0x4e9: {  	v63 =	vld [tilespmem:s30+$0xFFFFFE40];
	v19 =	vmul.f32 v19, v10;
	v15 =	vmul.f32 v15, v26  }
0x4ea: {  	[tilespmem:$0x1FDE0] =	vst v56;
	v9 =	vbroadcast v60, $0x7;
	v7 =	vadd.f32 v7, v23;
	v23 =	vld [tilespmem:s31+$0xFFFFFE40]  }
0x4eb: {  	v62 =	vmovc v13;
	v13 =	vld [tilespmem:$0x1FEC0];
	v16 =	vmul.f32 v16, v1;
	v12 =	vmul.f32 v12, v11;
	v15 =	vadd.f32 v15, v19  }
0x4ec: {  	v57 =	vbroadcast v60, $0x2;
	v56 =	vbroadcast v55, $0x2;
	v19 =	vld [tilespmem:s29+$0xFFFFFF80];
	[tilespmem:s24+$0x1C0] =	vst v7  }
0x4ed: {  	v2 =	vbroadcast v55, $0x7;
	v7 =	vmul.f32 v27, v35;
	v27 =	vld [tilespmem:s26+$0x1D0];
	v35 =	vmovc v9;
	v9 =	vadd.f32 v12, v16;
	[tilespmem:s12+$0x100] =	vst v15  }
0x4ee: {  	v12 =	vmul.f32 v28, v36;
	v15 =	vld [tilespmem:s29+$0x1D0]  }
0x4ef: {  	v36 =	vmov v2;
	v2 =	vmul.f32 v63, v57;
	v16 =	vld [tilespmem:s2+$0x110];
	v23 =	vmul.f32 v23, v56;
	[tilespmem:s10+$0x40] =	vst v9  }
0x4f0: {  	v7 =	vadd.f32 v12, v7;
	v9 =	vld [tilespmem:s13+$0x110]  }
0x4f1: {  	v20 =	vmul.f32 v20, v61;
	v12 =	vld [tilespmem:s30+$0x50];
	v19 =	vmul.f32 v19, v17;
	v2 =	vadd.f32 v23, v2  }
0x4f2: {  	v23 =	vld [tilespmem:s31+$0x50];
	[tilespmem:s12+$0xFFFFFEF0] =	vst v7  }
0x4f3: {  	v7 =	vld [tilespmem:s2+$0xFFFFFF00];
	v19 =	vadd.f32 v19, v20;
	[tilespmem:s10+$0xFFFFFE40] =	vst v2  }
0x4f4: {  	v20 =	vmul.f32 v27, v24;
	v15 =	vmul.f32 v15, v25;
	v2 =	vld [tilespmem:s13+$0xFFFFFF00]  }
0x4f5: {  	v24 =	vld [tilespmem:s30+$0xFFFFFE50];
	v10 =	vmul.f32 v16, v10;
	v9 =	vmul.f32 v9, v26;
	[tilespmem:s24+$0xFFFFFF80] =	vst v19  }
0x4f6: {  	v15 =	vadd.f32 v15, v20;
	v16 =	vld [tilespmem:s31+$0xFFFFFE50]  }
0x4f7: {  	v1 =	vmul.f32 v12, v1;
	v11 =	vmul.f32 v23, v11;
	v9 =	vadd.f32 v9, v10  }
0x4f8: {  	v10 =	vld [tilespmem:s26+$0xFFFFFF90];
	[tilespmem:s24+$0x1D0] =	vst v15  }
0x4f9: {  	v1 =	vadd.f32 v11, v1;
	v12 =	vld [tilespmem:s26+$0x1E0];
	[tilespmem:s12+$0x110] =	vst v9  }
0x4fa: {  	v7 =	vmul.f32 v7, v33;
	v2 =	vmul.f32 v2, v34;
	v9 =	vld [tilespmem:s29+$0x1E0]  }
0x4fb: {  	v0 =	vmov v13;
	v11 =	vmul.f32 v24, v57;
	v15 =	vld [tilespmem:s2+$0x120];
	[tilespmem:s10+$0x50] =	vst v1;
	v16 =	vmul.f32 v16, v56  }
0x4fc: {  	[tilespmem:$0x1FEA0] =	vst v0;
	v0 =	vbroadcast v60, $0xC;
	v1 =	vadd.f32 v2, v7;
	v2 =	vld [tilespmem:s13+$0x120]  }
0x4fd: {  	v19 =	vbroadcast v4, $0xF;
	v4 =	vmovc v6;
	v6 =	vmovc v49;
	v20 =	vbroadcast v29, $0xF;
	v7 =	vld [tilespmem:s30+$0x60];
	v11 =	vadd.f32 v16, v11  }
0x4fe: {  	v63 =	vmov v5;
	v23 =	vbroadcast v4, $0x9;
	v25 =	vbroadcast v6, $0x3;
	v16 =	vld [tilespmem:s31+$0x60];
	[tilespmem:s12+$0xFFFFFF00] =	vst v1  }
0x4ff: {  	v5 =	vmov v50;
	v1 =	vbroadcast v63, $0x9;
	v24 =	vld [tilespmem:s2+$0xFFFFFF10];
	v12 =	vmul.f32 v12, v19;
	[tilespmem:s10+$0xFFFFFE50] =	vst v11  }
0x500: {  	v9 =	vmul.f32 v9, v20;
	v11 =	vbroadcast v5, $0x3;
	v26 =	vld [tilespmem:s13+$0xFFFFFF10]  }
0x501: {  	v15 =	vmul.f32 v15, v1;
	v27 =	vld [tilespmem:s30+$0xFFFFFE60];
	v2 =	vmul.f32 v2, v23  }
0x502: {  	v9 =	vadd.f32 v9, v12;
	v12 =	vld [tilespmem:s31+$0xFFFFFE60]  }
0x503: {  	v28 =	vmovc v0;
	v0 =	vmul.f32 v7, v11;
	v7 =	vmul.f32 v16, v25;
	v2 =	vadd.f32 v2, v15  }
0x504: {  	v15 =	vld [tilespmem:s29+$0xFFFFFF90];
	[tilespmem:s24+$0x1E0] =	vst v9  }
0x505: {  	v48 =	vbroadcast v60, $0x3;
	v47 =	vbroadcast v55, $0x3;
	v16 =	vld [tilespmem:s26+$0x1F0];
	v0 =	vadd.f32 v7, v0;
	[tilespmem:s12+$0x120] =	vst v2  }
0x506: {  	v9 =	vmul.f32 v24, v33;
	v7 =	vmul.f32 v26, v34;
	v2 =	vld [tilespmem:s29+$0x1F0]  }
0x507: {  	v24 =	vmul.f32 v27, v48;
	v26 =	vld [tilespmem:s2+$0x130];
	v12 =	vmul.f32 v12, v47;
	[tilespmem:s10+$0x60] =	vst v0  }
0x508: {  	v0 =	vadd.f32 v7, v9;
	v7 =	vld [tilespmem:s13+$0x130]  }
0x509: {  	v10 =	vmul.f32 v10, v61;
	v9 =	vld [tilespmem:s30+$0x70];
	v15 =	vmul.f32 v15, v17;
	v12 =	vadd.f32 v12, v24  }
0x50a: {  	v24 =	vld [tilespmem:s31+$0x70];
	[tilespmem:s12+$0xFFFFFF10] =	vst v0  }
0x50b: {  	v10 =	vadd.f32 v15, v10;
	v0 =	vld [tilespmem:s2+$0xFFFFFF20];
	[tilespmem:s10+$0xFFFFFE60] =	vst v12  }
0x50c: {  	v12 =	vld [tilespmem:s13+$0xFFFFFF20]  }
0x50d: {  	v15 =	vmul.f32 v16, v19;
	v16 =	vld [tilespmem:s30+$0xFFFFFE70];
	[tilespmem:s24+$0xFFFFFF90] =	vst v10  }
0x50e: {  	v2 =	vmul.f32 v2, v20;
	v10 =	vld [tilespmem:s31+$0xFFFFFE70]  }
0x50f: {  	v1 =	vmul.f32 v26, v1;
	v7 =	vmul.f32 v7, v23  }
0x510: {  	v2 =	vadd.f32 v2, v15;
	v9 =	vmul.f32 v9, v11;
	v11 =	vmul.f32 v24, v25  }
0x511: {  	v1 =	vadd.f32 v7, v1;
	v7 =	vld [tilespmem:s26+$0xFFFFFFA0]  }
0x512: {  	[tilespmem:s24+$0x1F0] =	vst v2;
	v2 =	vld [tilespmem:s29+$0xFFFFFFA0];
	v0 =	vmul.f32 v0, v31;
	v9 =	vadd.f32 v11, v9;
	v11 =	vmul.f32 v12, v32  }
0x513: {  	v12 =	vmul.f32 v16, v48;
	v10 =	vmul.f32 v10, v47  }
0x514: {  	v0 =	vadd.f32 v11, v0  }
0x515: {  	[tilespmem:s12+$0x130] =	vst v1;
	v10 =	vadd.f32 v10, v12  }
0x516: {  	v1 =	vld [tilespmem:s22+$0xFFFFFFF0];
	s22 =	smov.u32 s26;
	s26 =	smov.u32 s2;
	[tilespmem:s12+$0xFFFFFF20] =	vst v0  }
0x517: {  	v7 =	vmul.f32 v7, v18;
	v0 =	vmul.f32 v2, v21;
	v2 =	vld [tilespmem:s26+$0xFFFFFF30];
	[tilespmem:s10+$0xFFFFFE70] =	vst v10  }
0x518: {  	v23 =	vld [tilespmem:s13+$0xFFFFFF30]  }
0x519: {  	v0 =	vadd.f32 v0, v7;
	v7 =	vld [tilespmem:s30+$0xFFFFFE80]  }
0x51a: {  	v24 =	vld [tilespmem:s31+$0xFFFFFE80]  }
0x51b: {  	[tilespmem:s24+$0xFFFFFFA0] =	vst v0;
	v0 =	vld [tilespmem:$0x1FDE0];
	_ =	sdelay $0x1  }
0x51c: {  	v15 =	vld [tilespmem:s26+$0x140];
	[tilespmem:s10+$0x70] =	vst v9  }
0x51d: {  	v11 =	vld [tilespmem:s30+$0x80]  }
0x51e: {  	v12 =	vld [tilespmem:s31+$0x80]  }
0x51f: {  	v0 =	vmul.f32 v1, v0;
	v1 =	vld [tilespmem:$0x1FDF0];
	_ =	sdelay $0x2  }
0x520: {  	v20 =	vbroadcast v6, $0x4;
	v9 =	vld [tilespmem:s13+$0x140];
	v10 =	vbroadcast v5, $0x4;
	_ =	sdelay $0x1  }
0x521: {  	v56 =	vmov v1;
	v1 =	vmul.f32 v11, v10;
	v11 =	vmul.f32 v12, v20;
	v12 =	vld [tilespmem:s22+$0xFFFFFFB0]  }
0x522: {  	v19 =	vbroadcast v4, $0xA;
	v16 =	vbroadcast v63, $0xA;
	_ =	sdelay $0x1  }
0x523: {  	v15 =	vmul.f32 v15, v16;
	v9 =	vmul.f32 v9, v19;
	_ =	sdelay $0x1  }
0x524: {  	v42 =	vbroadcast v60, $0x4;
	v9 =	vadd.f32 v9, v15;
	v12 =	vmul.f32 v12, v18;
	v18 =	vmovc v8;
	v8 =	vld [tilespmem:$0x1FE10]  }
0x525: {  	v41 =	vbroadcast v55, $0x4;
	v52 =	vbroadcast v60, $0x9;
	v15 =	vld [tilespmem:s29+$0xFFFFFFB0];
	v1 =	vadd.f32 v11, v1  }
0x526: {  	v2 =	vmul.f32 v2, v31;
	[tilespmem:s12+$0x140] =	vst v9;
	v9 =	vld [tilespmem:s23+$0xFFFFFFF0];
	v11 =	vmul.f32 v23, v32  }
0x527: {  	v53 =	vbroadcast v55, $0xB;
	s23 =	smov.u32 s29;
	s29 =	smov.u32 s13;
	v23 =	vld [tilespmem:s26+$0x150];
	[tilespmem:s10+$0x80] =	vst v1  }
0x528: {  	v7 =	vmul.f32 v7, v42;
	v24 =	vmul.f32 v24, v41;
	v1 =	vadd.f32 v11, v2;
	v2 =	vld [tilespmem:s29+$0x150]  }
0x529: {  	v31 =	vmov v52;
	v52 =	vmov v8;
	v8 =	vld [tilespmem:$0x1FE20]  }
0x52a: {  	v13 =	vmov v53;
	v53 =	vbroadcast v55, $0xD;
	v7 =	vadd.f32 v24, v7;
	v11 =	vld [tilespmem:s30+$0x90]  }
0x52b: {  	v24 =	vld [tilespmem:s31+$0x90];
	[tilespmem:s12+$0xFFFFFF30] =	vst v1  }
0x52c: {  	v1 =	vmul.f32 v15, v21;
	v15 =	vld [tilespmem:s26+$0xFFFFFF40];
	[tilespmem:s10+$0xFFFFFE80] =	vst v7  }
0x52d: {  	v7 =	vld [tilespmem:s29+$0xFFFFFF40]  }
0x52e: {  	v27 =	vmovc v53;
	v9 =	vmul.f32 v9, v14;
	v1 =	vadd.f32 v1, v12;
	v53 =	vmov v8;
	v8 =	vld [tilespmem:$0x1FE30]  }
0x52f: {  	v16 =	vmul.f32 v23, v16;
	v12 =	vld [tilespmem:s30+$0xFFFFFE90];
	v2 =	vmul.f32 v2, v19  }
0x530: {  	v0 =	vadd.f32 v9, v0;
	v9 =	vld [tilespmem:s31+$0xFFFFFE90];
	[tilespmem:s24+$0xFFFFFFB0] =	vst v1;
	v1 =	vmul.f32 v11, v10;
	v10 =	vmul.f32 v24, v20  }
0x531: {  	v14 =	vld [tilespmem:$0x1FE50];
	v2 =	vadd.f32 v2, v16  }
0x532: {  	v11 =	vld [tilespmem:s22+$0xFFFFFFC0];
	[tilespmem:s21+$0xFFFFFFF0] =	vst v0;
	s21 =	smov.u32 s24;
	s24 =	smov.u32 s12;
	v1 =	vadd.f32 v10, v1  }
0x533: {  	[tilespmem:s24+$0x150] =	vst v2;
	v0 =	vmul.f32 v15, v8;
	v15 =	vld [tilespmem:s23+$0xFFFFFFC0]  }
0x534: {  	v7 =	vmul.f32 v7, v30;
	v10 =	vld [tilespmem:s26+$0x160];
	[tilespmem:s10+$0x90] =	vst v1  }
0x535: {  	v1 =	vld [tilespmem:s29+$0x160]  }
0x536: {  	v57 =	vmov v22;
	v22 =	vld [tilespmem:$0x1FE40];
	v16 =	vbroadcast v4, $0xB;
	v0 =	vadd.f32 v7, v0  }
0x537: {  	v3 =	vld [tilespmem:$0x1FDC0];
	[tilespmem:$0x1FEC0] =	vst v13;
	v9 =	vmul.f32 v9, v41;
	v2 =	vmul.f32 v12, v42  }
0x538: {  	v13 =	vld [tilespmem:$0x1FDD0];
	[tilespmem:s24+$0xFFFFFF40] =	vst v0;
	v0 =	vmul.f32 v15, v14;
	v15 =	vbroadcast v63, $0xB  }
0x539: {  	v2 =	vadd.f32 v9, v2;
	v9 =	vld [tilespmem:s31+$0xA0]  }
0x53a: {  	v1 =	vmul.f32 v1, v16;
	v7 =	vld [tilespmem:s30+$0xA0];
	v10 =	vmul.f32 v10, v15  }
0x53b: {  	v11 =	vmul.f32 v11, v22;
	v12 =	vld [tilespmem:s26+$0xFFFFFF50];
	[tilespmem:s10+$0xFFFFFE90] =	vst v2  }
0x53c: {  	v2 =	vld [tilespmem:s29+$0xFFFFFF50];
	v1 =	vadd.f32 v1, v10  }
0x53d: {  	v0 =	vadd.f32 v0, v11;
	v11 =	vld [tilespmem:s30+$0xFFFFFEA0]  }
0x53e: {  	[tilespmem:s24+$0x160] =	vst v1;
	v1 =	vld [tilespmem:$0x1FE60];
	_ =	sdelay $0x1  }
0x53f: {  	v19 =	vbroadcast v5, $0x5;
	v20 =	vbroadcast v6, $0x5  }
0x540: {  	v40 =	vbroadcast v60, $0x5;
	v61 =	vmov v3;
	v3 =	vmov v13;
	v13 =	vld [tilespmem:$0x1FE00]  }
0x541: {  	v23 =	vld [tilespmem:s31+$0xFFFFFEA0];
	[tilespmem:s21+$0xFFFFFFC0] =	vst v0;
	v0 =	vmul.f32 v7, v19;
	v7 =	vmul.f32 v9, v20  }
0x542: {  	v2 =	vmul.f32 v2, v30;
	v30 =	vmov v1;
	v1 =	vmul.f32 v11, v40;
	v11 =	vld [tilespmem:$0x1FE70]  }
0x543: {  	v54 =	vbroadcast v60, $0xD;
	v9 =	vld [tilespmem:s22+$0xFFFFFFD0];
	v0 =	vadd.f32 v7, v0  }
0x544: {  	v39 =	vbroadcast v55, $0x5;
	v10 =	vmul.f32 v12, v8;
	v12 =	vld [tilespmem:s23+$0xFFFFFFD0]  }
0x545: {  	v58 =	vbroadcast v55, $0x8;
	v7 =	vld [tilespmem:s26+$0x170];
	[tilespmem:s10+$0xA0] =	vst v0  }
0x546: {  	v51 =	vbroadcast v55, $0x9;
	v8 =	vmul.f32 v23, v39;
	v0 =	vadd.f32 v2, v10;
	v2 =	vld [tilespmem:s29+$0x170]  }
0x547: {  	[tilespmem:$0x1FE90] =	vst v62;
	v62 =	vbroadcast v55, $0xC;
	v43 =	vbroadcast v60, $0xA;
	v26 =	vmovc v54;
	v54 =	vmov v11;
	v11 =	vld [tilespmem:$0x1FE80]  }
0x548: {  	s15 =	sadd.s32 $0x2, s15;
	v45 =	vbroadcast v55, $0xE;
	v55 =	vbroadcast v55, $0xF;
	v10 =	vld [tilespmem:s30+$0xB0];
	v1 =	vadd.f32 v8, v1  }
0x549: {  	p0 =	slt.u32 s15, $0x6;
	v9 =	vmul.f32 v9, v22;
	[tilespmem:s24+$0xFFFFFF50] =	vst v0;
	v0 =	vmul.f32 v12, v14;
	v8 =	vld [tilespmem:s31+$0xB0]  }
.Ltmp5:
0x54a: {  	v59 =	vbroadcast v60, $0x8;
	v34 =	vmovc v58;
	v58 =	vmov v13;
	v13 =	vmov v43;
	v43 =	vld [tilespmem:s26+$0xFFFFFF60];
	[tilespmem:s10+$0xFFFFFEA0] =	vst v1;
	(pc) =	sbr.rel @p0 .LBB2_12-.Ltmp5, $4  }
0x54b: {  	v46 =	vbroadcast v60, $0xE;
	v60 =	vbroadcast v60, $0xF;
	v0 =	vadd.f32 v0, v9;
	v44 =	vld [tilespmem:s29+$0xFFFFFF60]  }
0x54c: {  	v21 =	vmovc v55;
	v7 =	vmul.f32 v7, v15;
	v1 =	vld [tilespmem:s30+$0xFFFFFEB0];
	v55 =	vmov v11;
	v11 =	vmul.f32 v2, v16  }
0x54d: {  	s16 =	sadd.s32 $0x20, s16;
	v33 =	vmovc v59;
	v17 =	vmovc v62;
	v25 =	vmov v60;
	v32 =	vmov v51;
	v23 =	vmov v45;
	v2 =	vld [tilespmem:s31+$0xFFFFFEB0];
	[tilespmem:s21+$0xFFFFFFD0] =	vst v0  }
0x54e: {  	s2 =	smov.u32 s30;
	s13 =	smov.u32 s31;
	s12 =	smov.u32 s10;
	v22 =	vmovc v46;
	v9 =	vmul.f32 v10, v19;
	v45 =	vmul.f32 v8, v20;
	v41 =	vld [tilespmem:s22+$0xFFFFFFE0];
	v0 =	vadd.f32 v11, v7  }
0x54f: {  	_ = 	snop  }
0x550: {  	v7 =	vadd.f32 v45, v9;
	_ =	sdelay $0x1  }
0x551: {  	[tilespmem:s10+$0xB0] =	vst v7  }
0x552: {  	v7 =	vld [tilespmem:s30+$0xC0]  }
0x553: {  	v12 =	vld [tilespmem:s31+$0xC0]  }
0x554: {  	v1 =	vmul.f32 v1, v40;
	v2 =	vmul.f32 v2, v39;
	_ =	sdelay $0x1  }
0x555: {  	v14 =	vbroadcast v5, $0x6;
	v8 =	vbroadcast v6, $0x6;
	v1 =	vadd.f32 v2, v1;
	_ =	sdelay $0x1  }
0x556: {  	[tilespmem:s10+$0xFFFFFEB0] =	vst v1;
	v7 =	vmul.f32 v7, v14;
	v2 =	vmul.f32 v12, v8  }
0x557: {  	v15 =	vld [tilespmem:s2+$0xFFFFFEC0]  }
0x558: {  	v10 =	vld [tilespmem:s13+$0xFFFFFEC0];
	v2 =	vadd.f32 v2, v7;
	_ =	sdelay $0x1  }
0x559: {  	[tilespmem:s10+$0xC0] =	vst v2  }
0x55a: {  	v20 =	vld [tilespmem:s2+$0xD0]  }
0x55b: {  	v24 =	vld [tilespmem:s13+$0xD0]  }
0x55c: {  	v16 =	vmul.f32 v15, v37;
	v19 =	vmul.f32 v10, v38;
	_ =	sdelay $0x1  }
0x55d: {  	v2 =	vadd.f32 v19, v16;
	_ =	sdelay $0x1  }
0x55e: {  	[tilespmem:s12+$0xFFFFFEC0] =	vst v2;
	v1 =	vmul.f32 v20, v14;
	v8 =	vmul.f32 v24, v8  }
0x55f: {  	v2 =	vld [tilespmem:s2+$0xFFFFFED0]  }
0x560: {  	v29 =	vld [tilespmem:s13+$0xFFFFFED0];
	v1 =	vadd.f32 v8, v1;
	_ =	sdelay $0x1  }
0x561: {  	[tilespmem:s12+$0xD0] =	vst v1  }
0x562: {  	v42 =	vld [tilespmem:s2+$0xE0]  }
0x563: {  	v45 =	vld [tilespmem:s13+$0xE0]  }
0x564: {  	v39 =	vmul.f32 v2, v37;
	v40 =	vmul.f32 v29, v38;
	_ =	sdelay $0x1  }
0x565: {  	v46 =	vbroadcast v5, $0x7;
	v47 =	vbroadcast v6, $0x7;
	v1 =	vadd.f32 v40, v39;
	_ =	sdelay $0x1  }
0x566: {  	[tilespmem:s12+$0xFFFFFED0] =	vst v1;
	v7 =	vmul.f32 v42, v46;
	v8 =	vmul.f32 v45, v47  }
0x567: {  	v48 =	vld [tilespmem:s2+$0xFFFFFEE0]  }
0x568: {  	v49 =	vld [tilespmem:s13+$0xFFFFFEE0];
	v7 =	vadd.f32 v8, v7;
	_ =	sdelay $0x1  }
0x569: {  	[tilespmem:s12+$0xE0] =	vst v7  }
0x56a: {  	v59 =	vld [tilespmem:s2+$0xF0]  }
0x56b: {  	v60 =	vld [tilespmem:s13+$0xF0]  }
0x56c: {  	v50 =	vmul.f32 v48, v35;
	v51 =	vmul.f32 v49, v36;
	_ =	sdelay $0x1  }
0x56d: {  	v7 =	vadd.f32 v51, v50;
	_ =	sdelay $0x1  }
0x56e: {  	[tilespmem:s12+$0xFFFFFEE0] =	vst v7;
	v1 =	vmul.f32 v59, v46;
	v2 =	vmul.f32 v60, v47  }
0x56f: {  	v7 =	vld [tilespmem:s2+$0xFFFFFEF0]  }
0x570: {  	v62 =	vld [tilespmem:s13+$0xFFFFFEF0];
	v1 =	vadd.f32 v2, v1;
	_ =	sdelay $0x1  }
0x571: {  	[tilespmem:s12+$0xF0] =	vst v1  }
0x572: {  	v15 =	vld [tilespmem:s2+$0x100]  }
0x573: {  	v16 =	vld [tilespmem:s13+$0x100]  }
0x574: {  	v12 =	vmul.f32 v7, v35;
	v14 =	vmul.f32 v62, v36;
	_ =	sdelay $0x1  }
0x575: {  	v19 =	vbroadcast v5, $0x8;
	v20 =	vbroadcast v6, $0x8;
	v1 =	vadd.f32 v14, v12;
	_ =	sdelay $0x1  }
0x576: {  	[tilespmem:s12+$0xFFFFFEF0] =	vst v1;
	v7 =	vmul.f32 v15, v19;
	v8 =	vmul.f32 v16, v20  }
0x577: {  	v24 =	vld [tilespmem:s2+$0xFFFFFF00]  }
0x578: {  	v29 =	vld [tilespmem:s13+$0xFFFFFF00];
	v7 =	vadd.f32 v8, v7;
	_ =	sdelay $0x1  }
0x579: {  	[tilespmem:s12+$0x100] =	vst v7  }
0x57a: {  	v37 =	vld [tilespmem:s2+$0x110]  }
0x57b: {  	v38 =	vld [tilespmem:s13+$0x110]  }
0x57c: {  	v35 =	vmul.f32 v24, v33;
	v36 =	vmul.f32 v29, v34;
	_ =	sdelay $0x1  }
0x57d: {  	v7 =	vadd.f32 v36, v35;
	_ =	sdelay $0x1  }
0x57e: {  	[tilespmem:s12+$0xFFFFFF00] =	vst v7;
	v1 =	vmul.f32 v37, v19;
	v2 =	vmul.f32 v38, v20  }
0x57f: {  	v7 =	vld [tilespmem:s2+$0xFFFFFF10]  }
0x580: {  	v39 =	vld [tilespmem:s13+$0xFFFFFF10];
	v1 =	vadd.f32 v2, v1;
	_ =	sdelay $0x1  }
0x581: {  	[tilespmem:s12+$0x110] =	vst v1  }
0x582: {  	v45 =	vld [tilespmem:s2+$0x120]  }
0x583: {  	v46 =	vld [tilespmem:s13+$0x120]  }
0x584: {  	v40 =	vmul.f32 v7, v33;
	v42 =	vmul.f32 v39, v34;
	_ =	sdelay $0x1  }
0x585: {  	v48 =	vbroadcast v6, $0x9;
	v47 =	vbroadcast v5, $0x9;
	v1 =	vadd.f32 v42, v40;
	_ =	sdelay $0x1  }
0x586: {  	[tilespmem:s12+$0xFFFFFF10] =	vst v1;
	v7 =	vmul.f32 v45, v47;
	v8 =	vmul.f32 v46, v48  }
0x587: {  	v49 =	vld [tilespmem:s2+$0xFFFFFF20]  }
0x588: {  	v50 =	vld [tilespmem:s13+$0xFFFFFF20];
	v7 =	vadd.f32 v8, v7;
	_ =	sdelay $0x1  }
0x589: {  	[tilespmem:s12+$0x120] =	vst v7  }
0x58a: {  	v60 =	vld [tilespmem:s2+$0x130]  }
0x58b: {  	v62 =	vld [tilespmem:s13+$0x130]  }
0x58c: {  	v51 =	vmul.f32 v49, v31;
	v59 =	vmul.f32 v50, v32;
	_ =	sdelay $0x1  }
0x58d: {  	v7 =	vadd.f32 v59, v51;
	_ =	sdelay $0x1  }
0x58e: {  	[tilespmem:s12+$0xFFFFFF20] =	vst v7;
	v1 =	vmul.f32 v60, v47;
	v2 =	vmul.f32 v62, v48  }
0x58f: {  	v7 =	vld [tilespmem:s2+$0xFFFFFF30]  }
0x590: {  	v12 =	vld [tilespmem:s13+$0xFFFFFF30];
	v1 =	vadd.f32 v2, v1;
	_ =	sdelay $0x1  }
0x591: {  	[tilespmem:s12+$0x130] =	vst v1  }
0x592: {  	v16 =	vld [tilespmem:s2+$0x140]  }
0x593: {  	v19 =	vld [tilespmem:s13+$0x140]  }
0x594: {  	v14 =	vmul.f32 v7, v31;
	v15 =	vmul.f32 v12, v32;
	_ =	sdelay $0x1  }
0x595: {  	v24 =	vbroadcast v6, $0xA;
	v20 =	vbroadcast v5, $0xA;
	v1 =	vadd.f32 v15, v14;
	_ =	sdelay $0x1  }
0x596: {  	[tilespmem:s12+$0xFFFFFF30] =	vst v1;
	v7 =	vmul.f32 v16, v20;
	v8 =	vmul.f32 v19, v24  }
0x597: {  	v29 =	vld [tilespmem:s2+$0xFFFFFF40]  }
0x598: {  	v31 =	vld [tilespmem:s13+$0xFFFFFF40];
	v7 =	vadd.f32 v8, v7;
	_ =	sdelay $0x1  }
0x599: {  	[tilespmem:s12+$0x140] =	vst v7  }
0x59a: {  	v34 =	vld [tilespmem:s2+$0x150]  }
0x59b: {  	v35 =	vld [tilespmem:s13+$0x150]  }
0x59c: {  	v32 =	vmul.f32 v29, v13;
	v33 =	vmul.f32 v31, v30;
	_ =	sdelay $0x1  }
0x59d: {  	v7 =	vadd.f32 v33, v32;
	_ =	sdelay $0x1  }
0x59e: {  	[tilespmem:s12+$0xFFFFFF40] =	vst v7;
	v1 =	vmul.f32 v34, v20;
	v2 =	vmul.f32 v35, v24  }
0x59f: {  	v7 =	vld [tilespmem:s2+$0xFFFFFF50]  }
0x5a0: {  	v36 =	vld [tilespmem:s13+$0xFFFFFF50];
	v1 =	vadd.f32 v2, v1;
	_ =	sdelay $0x1  }
0x5a1: {  	[tilespmem:s12+$0x150] =	vst v1  }
0x5a2: {  	v39 =	vld [tilespmem:s2+$0x160]  }
0x5a3: {  	v40 =	vld [tilespmem:s13+$0x160]  }
0x5a4: {  	v37 =	vmul.f32 v7, v13;
	v38 =	vmul.f32 v36, v30;
	_ =	sdelay $0x1  }
0x5a5: {  	v42 =	vbroadcast v5, $0xB;
	v45 =	vbroadcast v6, $0xB;
	v1 =	vadd.f32 v38, v37;
	_ =	sdelay $0x1  }
0x5a6: {  	[tilespmem:s12+$0xFFFFFF50] =	vst v1;
	v7 =	vmul.f32 v39, v42;
	v8 =	vmul.f32 v40, v45  }
0x5a7: {  	v46 =	vld [tilespmem:s2+$0xFFFFFF60]  }
0x5a8: {  	v47 =	vld [tilespmem:s13+$0xFFFFFF60];
	v7 =	vadd.f32 v8, v7  }
0x5a9: {  	v48 =	vld [tilespmem:$0x1FE90]  }
0x5aa: {  	v14 =	vld [tilespmem:$0x1FEA0];
	[tilespmem:s12+$0x160] =	vst v7  }
0x5ab: {  	v15 =	vld [tilespmem:$0x1FEB0]  }
0x5ac: {  	v16 =	vld [tilespmem:$0x1FEC0];
	_ =	sdelay $0x2  }
0x5ad: {  	v11 =	vmul.f32 v43, v48;
	v12 =	vmul.f32 v44, v14;
	_ =	sdelay $0x1  }
0x5ae: {  	v49 =	vadd.f32 v12, v11;
	v50 =	vmul.f32 v46, v15;
	v51 =	vmul.f32 v47, v16  }
0x5af: {  	v59 =	vld [tilespmem:s2+$0x170]  }
0x5b0: {  	v60 =	vld [tilespmem:s13+$0x170];
	[tilespmem:s24+$0xFFFFFF60] =	vst v49;
	v7 =	vadd.f32 v51, v50  }
0x5b1: {  	v62 =	vld [tilespmem:s26+$0xFFFFFF70]  }
0x5b2: {  	v19 =	vld [tilespmem:s29+$0xFFFFFF70];
	[tilespmem:s12+$0xFFFFFF60] =	vst v7  }
0x5b3: {  	v7 =	vld [tilespmem:s2+$0xFFFFFF70]  }
0x5b4: {  	v20 =	vld [tilespmem:s13+$0xFFFFFF70]  }
0x5b5: {  	[tilespmem:s24+$0x170] =	vst v0;
	v24 =	vmul.f32 v59, v42;
	v29 =	vmul.f32 v60, v45  }
0x5b6: {  	v30 =	vld [tilespmem:s26+$0x180]  }
0x5b7: {  	v31 =	vld [tilespmem:s29+$0x180];
	v0 =	vadd.f32 v29, v24;
	v9 =	vmul.f32 v62, v48;
	v32 =	vmul.f32 v19, v14;
	_ =	sdelay $0x1  }
0x5b8: {  	[tilespmem:s12+$0x170] =	vst v0;
	v33 =	vadd.f32 v32, v9;
	v34 =	vmul.f32 v7, v15;
	v35 =	vmul.f32 v20, v16  }
0x5b9: {  	v36 =	vbroadcast v63, $0xC;
	v37 =	vbroadcast v4, $0xC;
	v38 =	vld [tilespmem:s2+$0x180]  }
0x5ba: {  	v39 =	vld [tilespmem:s13+$0x180];
	[tilespmem:s24+$0xFFFFFF70] =	vst v33;
	v0 =	vadd.f32 v35, v34  }
0x5bb: {  	v2 =	vmul.f32 v30, v36;
	v40 =	vmul.f32 v31, v37;
	v42 =	vld [tilespmem:s26+$0xFFFFFF80]  }
0x5bc: {  	v43 =	vld [tilespmem:s29+$0xFFFFFF80];
	[tilespmem:s12+$0xFFFFFF70] =	vst v0  }
0x5bd: {  	v45 =	vbroadcast v5, $0xC;
	v46 =	vbroadcast v6, $0xC;
	v44 =	vadd.f32 v40, v2;
	v47 =	vld [tilespmem:s2+$0xFFFFFF80]  }
0x5be: {  	v48 =	vld [tilespmem:s13+$0xFFFFFF80]  }
0x5bf: {  	[tilespmem:s24+$0x180] =	vst v44;
	v49 =	vmul.f32 v38, v45;
	v1 =	vmul.f32 v39, v46  }
0x5c0: {  	v50 =	vld [tilespmem:s26+$0x190]  }
0x5c1: {  	v19 =	vld [tilespmem:s29+$0x190];
	v8 =	vmul.f32 v42, v61;
	v12 =	vmul.f32 v43, v3;
	v0 =	vadd.f32 v1, v49;
	_ =	sdelay $0x1  }
0x5c2: {  	v51 =	vadd.f32 v12, v8;
	[tilespmem:s12+$0x180] =	vst v0;
	v59 =	vmul.f32 v47, v28;
	v60 =	vmul.f32 v48, v17  }
0x5c3: {  	v62 =	vld [tilespmem:s2+$0x190]  }
0x5c4: {  	v14 =	vld [tilespmem:s13+$0x190];
	[tilespmem:s24+$0xFFFFFF80] =	vst v51;
	v0 =	vadd.f32 v60, v59  }
0x5c5: {  	v15 =	vmul.f32 v50, v36;
	v16 =	vmul.f32 v19, v37;
	v19 =	vld [tilespmem:s26+$0xFFFFFF90]  }
0x5c6: {  	v20 =	vld [tilespmem:s29+$0xFFFFFF90];
	[tilespmem:s12+$0xFFFFFF80] =	vst v0  }
0x5c7: {  	v24 =	vadd.f32 v16, v15;
	v29 =	vld [tilespmem:s2+$0xFFFFFF90]  }
0x5c8: {  	v30 =	vld [tilespmem:s13+$0xFFFFFF90]  }
0x5c9: {  	[tilespmem:s24+$0x190] =	vst v24;
	v31 =	vmul.f32 v62, v45;
	v1 =	vmul.f32 v14, v46  }
0x5ca: {  	v32 =	vld [tilespmem:s26+$0x1A0]  }
0x5cb: {  	v33 =	vld [tilespmem:s29+$0x1A0];
	v10 =	vmul.f32 v19, v61;
	v11 =	vmul.f32 v20, v3;
	v0 =	vadd.f32 v1, v31;
	_ =	sdelay $0x1  }
0x5cc: {  	v34 =	vadd.f32 v11, v10;
	[tilespmem:s12+$0x190] =	vst v0;
	v35 =	vmul.f32 v29, v28;
	v36 =	vmul.f32 v30, v17  }
0x5cd: {  	v38 =	vbroadcast v4, $0xD;
	v37 =	vbroadcast v63, $0xD;
	v39 =	vld [tilespmem:s2+$0x1A0]  }
0x5ce: {  	v40 =	vld [tilespmem:s13+$0x1A0];
	[tilespmem:s24+$0xFFFFFF90] =	vst v34;
	v0 =	vadd.f32 v36, v35  }
0x5cf: {  	v2 =	vmul.f32 v32, v37;
	v7 =	vmul.f32 v33, v38;
	v42 =	vld [tilespmem:s26+$0xFFFFFFA0]  }
0x5d0: {  	v43 =	vld [tilespmem:s29+$0xFFFFFFA0];
	[tilespmem:s12+$0xFFFFFF90] =	vst v0  }
0x5d1: {  	v45 =	vbroadcast v5, $0xD;
	v46 =	vbroadcast v6, $0xD;
	v44 =	vadd.f32 v7, v2;
	v47 =	vld [tilespmem:s2+$0xFFFFFFA0]  }
0x5d2: {  	v48 =	vld [tilespmem:s13+$0xFFFFFFA0]  }
0x5d3: {  	[tilespmem:s24+$0x1A0] =	vst v44;
	v49 =	vmul.f32 v39, v45;
	v1 =	vmul.f32 v40, v46  }
0x5d4: {  	v50 =	vld [tilespmem:s26+$0x1B0]  }
0x5d5: {  	v51 =	vld [tilespmem:s29+$0x1B0];
	v8 =	vmul.f32 v42, v58;
	v12 =	vmul.f32 v43, v18;
	v0 =	vadd.f32 v1, v49;
	_ =	sdelay $0x1  }
0x5d6: {  	v59 =	vadd.f32 v12, v8;
	[tilespmem:s12+$0x1A0] =	vst v0;
	v60 =	vmul.f32 v47, v26;
	v61 =	vmul.f32 v48, v27  }
0x5d7: {  	v62 =	vld [tilespmem:s2+$0x1B0]  }
0x5d8: {  	v13 =	vld [tilespmem:s13+$0x1B0];
	[tilespmem:s24+$0xFFFFFFA0] =	vst v59;
	v0 =	vadd.f32 v61, v60  }
0x5d9: {  	v14 =	vmul.f32 v50, v37;
	v15 =	vmul.f32 v51, v38;
	v16 =	vld [tilespmem:s26+$0xFFFFFFB0]  }
0x5da: {  	v17 =	vld [tilespmem:s29+$0xFFFFFFB0];
	[tilespmem:s12+$0xFFFFFFA0] =	vst v0  }
0x5db: {  	v19 =	vadd.f32 v15, v14;
	v20 =	vld [tilespmem:s2+$0xFFFFFFB0]  }
0x5dc: {  	v24 =	vld [tilespmem:s13+$0xFFFFFFB0]  }
0x5dd: {  	[tilespmem:s24+$0x1B0] =	vst v19;
	v28 =	vmul.f32 v62, v45;
	v1 =	vmul.f32 v13, v46  }
0x5de: {  	v29 =	vld [tilespmem:s26+$0x1C0]  }
0x5df: {  	v30 =	vld [tilespmem:s29+$0x1C0];
	v10 =	vmul.f32 v16, v58;
	v11 =	vmul.f32 v17, v18;
	v0 =	vadd.f32 v1, v28;
	_ =	sdelay $0x1  }
0x5e0: {  	v31 =	vadd.f32 v11, v10;
	[tilespmem:s12+$0x1B0] =	vst v0;
	v32 =	vmul.f32 v20, v26;
	v33 =	vmul.f32 v24, v27  }
0x5e1: {  	v34 =	vbroadcast v63, $0xE;
	v35 =	vbroadcast v4, $0xE;
	v36 =	vld [tilespmem:s2+$0x1C0]  }
0x5e2: {  	v37 =	vld [tilespmem:s13+$0x1C0];
	[tilespmem:s24+$0xFFFFFFB0] =	vst v31;
	v0 =	vadd.f32 v33, v32  }
0x5e3: {  	v2 =	vmul.f32 v29, v34;
	v7 =	vmul.f32 v30, v35;
	v38 =	vld [tilespmem:s26+$0xFFFFFFC0]  }
0x5e4: {  	v39 =	vld [tilespmem:s29+$0xFFFFFFC0];
	[tilespmem:s12+$0xFFFFFFB0] =	vst v0  }
0x5e5: {  	v42 =	vbroadcast v5, $0xE;
	v43 =	vbroadcast v6, $0xE;
	v40 =	vadd.f32 v7, v2;
	v44 =	vld [tilespmem:s2+$0xFFFFFFC0]  }
0x5e6: {  	v45 =	vld [tilespmem:s13+$0xFFFFFFC0]  }
0x5e7: {  	[tilespmem:s24+$0x1C0] =	vst v40;
	v46 =	vmul.f32 v36, v42;
	v1 =	vmul.f32 v37, v43  }
0x5e8: {  	v47 =	vld [tilespmem:s26+$0x1D0]  }
0x5e9: {  	v48 =	vld [tilespmem:s29+$0x1D0];
	v8 =	vmul.f32 v38, v54;
	v12 =	vmul.f32 v39, v55;
	v0 =	vadd.f32 v1, v46;
	_ =	sdelay $0x1  }
0x5ea: {  	v49 =	vadd.f32 v12, v8;
	[tilespmem:s12+$0x1C0] =	vst v0;
	v50 =	vmul.f32 v44, v22;
	v51 =	vmul.f32 v45, v23  }
0x5eb: {  	v58 =	vld [tilespmem:s2+$0x1D0]  }
0x5ec: {  	v59 =	vld [tilespmem:s13+$0x1D0];
	[tilespmem:s24+$0xFFFFFFC0] =	vst v49;
	v0 =	vadd.f32 v51, v50  }
0x5ed: {  	v60 =	vmul.f32 v47, v34;
	v61 =	vmul.f32 v48, v35;
	v62 =	vld [tilespmem:s26+$0xFFFFFFD0]  }
0x5ee: {  	v13 =	vld [tilespmem:s29+$0xFFFFFFD0];
	[tilespmem:s12+$0xFFFFFFC0] =	vst v0  }
0x5ef: {  	v14 =	vadd.f32 v61, v60;
	v15 =	vld [tilespmem:s2+$0xFFFFFFD0]  }
0x5f0: {  	v16 =	vld [tilespmem:s13+$0xFFFFFFD0]  }
0x5f1: {  	[tilespmem:s24+$0x1D0] =	vst v14;
	v17 =	vmul.f32 v58, v42;
	v1 =	vmul.f32 v59, v43  }
0x5f2: {  	v18 =	vld [tilespmem:s26+$0x1E0]  }
0x5f3: {  	v19 =	vld [tilespmem:s29+$0x1E0];
	v10 =	vmul.f32 v62, v54;
	v11 =	vmul.f32 v13, v55;
	v0 =	vadd.f32 v1, v17;
	_ =	sdelay $0x1  }
0x5f4: {  	v20 =	vld [tilespmem:s23+$0xFFFFFFE0];
	v10 =	vadd.f32 v11, v10;
	[tilespmem:s12+$0x1D0] =	vst v0;
	v24 =	vmul.f32 v15, v22;
	v26 =	vmul.f32 v16, v23  }
0x5f5: {  	v28 =	vbroadcast v4, $0xF;
	v27 =	vbroadcast v63, $0xF;
	v29 =	vld [tilespmem:s2+$0x1E0]  }
0x5f6: {  	v30 =	vld [tilespmem:s13+$0x1E0];
	[tilespmem:s24+$0xFFFFFFD0] =	vst v10;
	v0 =	vadd.f32 v26, v24  }
0x5f7: {  	v2 =	vmul.f32 v18, v27;
	v7 =	vmul.f32 v19, v28;
	v31 =	vld [tilespmem:s26+$0xFFFFFFE0]  }
0x5f8: {  	v35 =	vbroadcast v5, $0xF;
	v32 =	vmul.f32 v41, v56;
	v33 =	vld [tilespmem:s29+$0xFFFFFFE0];
	[tilespmem:s12+$0xFFFFFFD0] =	vst v0  }
0x5f9: {  	v36 =	vbroadcast v6, $0xF;
	v34 =	vadd.f32 v7, v2;
	v1 =	vmul.f32 v20, v52;
	v37 =	vld [tilespmem:s2+$0xFFFFFFE0]  }
0x5fa: {  	v38 =	vld [tilespmem:s13+$0xFFFFFFE0]  }
0x5fb: {  	[tilespmem:s24+$0x1E0] =	vst v34;
	v1 =	vadd.f32 v1, v32;
	v39 =	vmul.f32 v29, v35;
	v40 =	vmul.f32 v30, v36  }
0x5fc: {  	v41 =	vld [tilespmem:s26+$0x1F0]  }
0x5fd: {  	v42 =	vld [tilespmem:s29+$0x1F0];
	[tilespmem:s21+$0xFFFFFFE0] =	vst v1;
	v8 =	vmul.f32 v31, v57;
	v43 =	vmul.f32 v33, v53;
	v0 =	vadd.f32 v40, v39  }
0x5fe: {  	v44 =	vld [tilespmem:s22+$0xFFFFFFF0]  }
0x5ff: {  	v45 =	vld [tilespmem:s23+$0xFFFFFFF0];
	v8 =	vadd.f32 v43, v8;
	[tilespmem:s12+$0x1E0] =	vst v0;
	v46 =	vmul.f32 v37, v25;
	v47 =	vmul.f32 v38, v21  }
0x600: {  	v48 =	vld [tilespmem:s2+$0x1F0]  }
0x601: {  	v49 =	vld [tilespmem:s13+$0x1F0];
	[tilespmem:s24+$0xFFFFFFE0] =	vst v8;
	v0 =	vadd.f32 v47, v46  }
0x602: {  	v50 =	vld [tilespmem:s26+$0xFFFFFFF0]  }
0x603: {  	v51 =	vld [tilespmem:s29+$0xFFFFFFF0];
	[tilespmem:s12+$0xFFFFFFE0] =	vst v0  }
0x604: {  	v0 =	vld [tilespmem:s2+$0xFFFFFFF0]  }
0x605: {  	v54 =	vld [tilespmem:s13+$0xFFFFFFF0]  }
0x606: {  	v3 =	vmul.f32 v41, v27;
	v1 =	vmul.f32 v42, v28  }
0x607: {  	v55 =	vmul.f32 v44, v56;
	v56 =	vmul.f32 v45, v52  }
0x608: {  	v1 =	vadd.f32 v1, v3;
	v2 =	vmul.f32 v48, v35;
	v58 =	vmul.f32 v49, v36  }
0x609: {  	v4 =	vadd.f32 v56, v55;
	v59 =	vmul.f32 v50, v57;
	v60 =	vmul.f32 v51, v53  }
0x60a: {  	[tilespmem:s24+$0x1F0] =	vst v1;
	v61 =	vadd.f32 v58, v2;
	v0 =	vmul.f32 v0, v25;
	v62 =	vmul.f32 v54, v21  }
0x60b: {  	s0 =	sshll.u32 s8, $0xD;
	[tilespmem:s21+$0xFFFFFFF0] =	vst v4;
	v63 =	vadd.f32 v60, v59  }
0x60c: {  	s0 =	sadd.s32 s7, s0;
	[tilespmem:s12+$0x1F0] =	vst v61;
	v0 =	vadd.f32 v62, v0  }
0x60d: {  	s8 =	sadd.s32 $0x1, s8;
	s0 =	sshrl.u32 s0, $0x3;
	s30 =	rddreg [dreg:$0x1];
	[tilespmem:s24+$0xFFFFFFF0] =	vst v63  }
0x60e: {  	p0 =	sne.s32 s8, $0x64;
	s31 =	simm.s32 $0x4D00;
	s0 =	sadd.s32 s30, s0;
	[tilespmem:s12+$0xFFFFFFF0] =	vst v0  }
0x60f: {  	[hbm4b:s0+s3] =	stream.linear.scatter [tilespmem:s31], [sflag:$0x9], $0x1000, $0x38;
	[tilespmem:$0x6D00] =	vst v63  }
.Ltmp6:
0x610: {  	_ = 	snop;
	(pc) =	sbr.rel @p0 .LBB2_2-.Ltmp6, $4  }
0x611: {  	s0 =	sadd.s32 @!p1 s17, s14  }
0x612: {  	s0 =	sshrl.u32 @!p1 s0, $0x3  }
0x613: {  	s10 =	simm.s32 @!p1 $0x80;
	s2 =	simm.s32 @!p1 $0x0;
	s0 =	sadd.s32 @!p1 s5, s0  }
0x614: {  	[tilespmem:s10], [sflag:$0x2] =	stream.linear.gather @!p1 [hbm4b:s0+s2], $0x80, $0x38;
	[tilespmem:$0x6D00] =	vst v63  }
0x615: {  	s0 =	simm.s32 $0x7  }
0x616: {  	_ =	swait.ge [sflag:s0], $0x1000  }
0x617: {  	[sflag:s0] =	ssyncset.done $0x0  }
0x618: {  	s21 =	simm.s32 $0x8;
	[sflag:s0] =	ssyncadd.s32 $0xFFFFF000  }
0x619: {  	_ =	swait.ge [sflag:s21], $0x1000  }
0x61a: {  	[sflag:s21] =	ssyncset.done $0x0  }
0x61b: {  	s30 =	simm.s32 $0xA;
	[sflag:s21] =	ssyncadd.s32 $0xFFFFF000  }
0x61c: {  	_ =	swait.ge [sflag:s30], $0x1000  }
0x61d: {  	[sflag:s30] =	ssyncset.done $0x0  }
0x61e: {  	s22 =	simm.s32 $0xC10;
	[sflag:s30] =	ssyncadd.s32 $0xFFFFF000  }
0x61f: {  	s2 =	simm.s32 $0xC90;
	v9 =	vld [tilespmem:s22+$0x0]  }
0x620: {  	s17 =	simm.s32 $0x2F00;
	v10 =	vld [tilespmem:s2+$0x0]  }
0x621: {  	s21 =	simm.s32 $0x3F00;
	v0 =	vld [tilespmem:s17+$0x0]  }
0x622: {  	v1 =	vld [tilespmem:s21+$0x0];
	_ =	sdelay $0x2  }
0x623: {  	v2 =	vbroadcast v9, $0x0;
	v3 =	vbroadcast v10, $0x0;
	_ =	sdelay $0x1  }
0x624: {  	v0 =	vmul.f32 v0, v2;
	v1 =	vmul.f32 v1, v3;
	_ =	sdelay $0x1  }
0x625: {  	v0 =	vadd.f32 v1, v0  }
0x626: {  	s8 =	simm.s32 $0x5F00  }
0x627: {  	[tilespmem:s8+$0x0] =	vst v0  }
0x628: {  	v0 =	vld [tilespmem:s17+$0x10]  }
0x629: {  	v1 =	vld [tilespmem:s21+$0x10];
	_ =	sdelay $0x1  }
0x62a: {  	v8 =	vld [tilespmem:s2+$0xFFFFFFF0]  }
0x62b: {  	v7 =	vld [tilespmem:s22+$0xFFFFFFF0]  }
0x62c: {  	v4 =	vld [tilespmem:s17+$0xFFFFFE00]  }
0x62d: {  	v5 =	vld [tilespmem:s21+$0xFFFFFE00];
	v0 =	vmul.f32 v0, v2;
	v1 =	vmul.f32 v1, v3;
	_ =	sdelay $0x1  }
0x62e: {  	v0 =	vadd.f32 v1, v0  }
0x62f: {  	v2 =	vbroadcast v7, $0x0;
	v1 =	vbroadcast v8, $0x0  }
0x630: {  	[tilespmem:s8+$0x10] =	vst v0  }
0x631: {  	v0 =	vmul.f32 v4, v2;
	v3 =	vmul.f32 v5, v1;
	v4 =	vld [tilespmem:s17+$0x20]  }
0x632: {  	v5 =	vld [tilespmem:s21+$0x20]  }
0x633: {  	v0 =	vadd.f32 v3, v0;
	_ =	sdelay $0x1  }
0x634: {  	v3 =	vbroadcast v10, $0x1;
	[tilespmem:s8+$0xFFFFFE00] =	vst v0;
	v0 =	vbroadcast v9, $0x1  }
0x635: {  	v6 =	vld [tilespmem:s17+$0xFFFFFE10]  }
0x636: {  	v11 =	vld [tilespmem:s21+$0xFFFFFE10];
	v4 =	vmul.f32 v4, v0;
	v5 =	vmul.f32 v5, v3;
	_ =	sdelay $0x1  }
0x637: {  	v4 =	vadd.f32 v5, v4;
	_ =	sdelay $0x1  }
0x638: {  	[tilespmem:s8+$0x20] =	vst v4  }
0x639: {  	v2 =	vmul.f32 v6, v2;
	v1 =	vmul.f32 v11, v1;
	v4 =	vld [tilespmem:s17+$0x30]  }
0x63a: {  	v5 =	vld [tilespmem:s21+$0x30]  }
0x63b: {  	v1 =	vadd.f32 v1, v2;
	_ =	sdelay $0x1  }
0x63c: {  	[tilespmem:s8+$0xFFFFFE10] =	vst v1  }
0x63d: {  	v1 =	vld [tilespmem:s17+$0xFFFFFE20]  }
0x63e: {  	v2 =	vld [tilespmem:s21+$0xFFFFFE20];
	v0 =	vmul.f32 v4, v0;
	v3 =	vmul.f32 v5, v3;
	_ =	sdelay $0x1  }
0x63f: {  	v0 =	vadd.f32 v3, v0  }
0x640: {  	v4 =	vbroadcast v7, $0x1;
	v3 =	vbroadcast v8, $0x1  }
0x641: {  	[tilespmem:s8+$0x30] =	vst v0  }
0x642: {  	v0 =	vmul.f32 v1, v4;
	v1 =	vmul.f32 v2, v3;
	v2 =	vld [tilespmem:s17+$0x40]  }
0x643: {  	v5 =	vld [tilespmem:s21+$0x40]  }
0x644: {  	v0 =	vadd.f32 v1, v0;
	_ =	sdelay $0x1  }
0x645: {  	v1 =	vbroadcast v10, $0x2;
	[tilespmem:s8+$0xFFFFFE20] =	vst v0;
	v0 =	vbroadcast v9, $0x2  }
0x646: {  	v6 =	vld [tilespmem:s17+$0xFFFFFE30]  }
0x647: {  	v11 =	vld [tilespmem:s21+$0xFFFFFE30];
	v2 =	vmul.f32 v2, v0;
	v5 =	vmul.f32 v5, v1;
	_ =	sdelay $0x1  }
0x648: {  	v2 =	vadd.f32 v5, v2;
	_ =	sdelay $0x1  }
0x649: {  	[tilespmem:s8+$0x40] =	vst v2  }
0x64a: {  	v2 =	vmul.f32 v6, v4;
	v3 =	vmul.f32 v11, v3;
	v4 =	vld [tilespmem:s17+$0x50]  }
0x64b: {  	v5 =	vld [tilespmem:s21+$0x50]  }
0x64c: {  	v2 =	vadd.f32 v3, v2;
	_ =	sdelay $0x1  }
0x64d: {  	[tilespmem:s8+$0xFFFFFE30] =	vst v2  }
0x64e: {  	v2 =	vld [tilespmem:s17+$0xFFFFFE40]  }
0x64f: {  	v3 =	vld [tilespmem:s21+$0xFFFFFE40];
	v0 =	vmul.f32 v4, v0;
	v1 =	vmul.f32 v5, v1;
	_ =	sdelay $0x1  }
0x650: {  	v0 =	vadd.f32 v1, v0  }
0x651: {  	v4 =	vbroadcast v8, $0x2;
	v1 =	vbroadcast v7, $0x2  }
0x652: {  	[tilespmem:s8+$0x50] =	vst v0  }
0x653: {  	v0 =	vmul.f32 v2, v1;
	v2 =	vmul.f32 v3, v4;
	v3 =	vld [tilespmem:s17+$0x60]  }
0x654: {  	v5 =	vld [tilespmem:s21+$0x60]  }
0x655: {  	v0 =	vadd.f32 v2, v0;
	_ =	sdelay $0x1  }
0x656: {  	v2 =	vbroadcast v10, $0x3;
	[tilespmem:s8+$0xFFFFFE40] =	vst v0;
	v0 =	vbroadcast v9, $0x3  }
0x657: {  	v6 =	vld [tilespmem:s17+$0xFFFFFE50]  }
0x658: {  	v11 =	vld [tilespmem:s21+$0xFFFFFE50];
	v3 =	vmul.f32 v3, v0;
	v5 =	vmul.f32 v5, v2;
	_ =	sdelay $0x1  }
0x659: {  	v3 =	vadd.f32 v5, v3;
	_ =	sdelay $0x1  }
0x65a: {  	[tilespmem:s8+$0x60] =	vst v3  }
0x65b: {  	v1 =	vmul.f32 v6, v1;
	v3 =	vmul.f32 v11, v4;
	v4 =	vld [tilespmem:s17+$0x70]  }
0x65c: {  	v5 =	vld [tilespmem:s21+$0x70]  }
0x65d: {  	v1 =	vadd.f32 v3, v1;
	_ =	sdelay $0x1  }
0x65e: {  	[tilespmem:s8+$0xFFFFFE50] =	vst v1  }
0x65f: {  	v1 =	vld [tilespmem:s17+$0xFFFFFE60]  }
0x660: {  	v3 =	vld [tilespmem:s21+$0xFFFFFE60];
	v0 =	vmul.f32 v4, v0;
	v2 =	vmul.f32 v5, v2;
	_ =	sdelay $0x1  }
0x661: {  	v0 =	vadd.f32 v2, v0  }
0x662: {  	v4 =	vbroadcast v8, $0x3;
	v2 =	vbroadcast v7, $0x3  }
0x663: {  	[tilespmem:s8+$0x70] =	vst v0  }
0x664: {  	v0 =	vmul.f32 v1, v2;
	v1 =	vmul.f32 v3, v4;
	v3 =	vld [tilespmem:s17+$0x80]  }
0x665: {  	v5 =	vld [tilespmem:s21+$0x80]  }
0x666: {  	v0 =	vadd.f32 v1, v0;
	_ =	sdelay $0x1  }
0x667: {  	v1 =	vbroadcast v10, $0x4;
	[tilespmem:s8+$0xFFFFFE60] =	vst v0;
	v0 =	vbroadcast v9, $0x4  }
0x668: {  	v6 =	vld [tilespmem:s17+$0xFFFFFE70]  }
0x669: {  	v11 =	vld [tilespmem:s21+$0xFFFFFE70];
	v3 =	vmul.f32 v3, v0;
	v5 =	vmul.f32 v5, v1;
	_ =	sdelay $0x1  }
0x66a: {  	v3 =	vadd.f32 v5, v3;
	_ =	sdelay $0x1  }
0x66b: {  	[tilespmem:s8+$0x80] =	vst v3  }
0x66c: {  	v2 =	vmul.f32 v6, v2;
	v3 =	vmul.f32 v11, v4;
	v4 =	vld [tilespmem:s17+$0x90]  }
0x66d: {  	v5 =	vld [tilespmem:s21+$0x90]  }
0x66e: {  	v2 =	vadd.f32 v3, v2;
	_ =	sdelay $0x1  }
0x66f: {  	[tilespmem:s8+$0xFFFFFE70] =	vst v2  }
0x670: {  	v2 =	vld [tilespmem:s17+$0xFFFFFE80]  }
0x671: {  	v3 =	vld [tilespmem:s21+$0xFFFFFE80];
	v0 =	vmul.f32 v4, v0;
	v1 =	vmul.f32 v5, v1;
	_ =	sdelay $0x1  }
0x672: {  	v0 =	vadd.f32 v1, v0  }
0x673: {  	v4 =	vbroadcast v8, $0x4;
	v1 =	vbroadcast v7, $0x4  }
0x674: {  	[tilespmem:s8+$0x90] =	vst v0  }
0x675: {  	v0 =	vmul.f32 v2, v1;
	v2 =	vmul.f32 v3, v4;
	v3 =	vld [tilespmem:s17+$0xA0]  }
0x676: {  	v5 =	vld [tilespmem:s21+$0xA0]  }
0x677: {  	v0 =	vadd.f32 v2, v0;
	_ =	sdelay $0x1  }
0x678: {  	v2 =	vbroadcast v10, $0x5;
	[tilespmem:s8+$0xFFFFFE80] =	vst v0;
	v0 =	vbroadcast v9, $0x5;
	_ =	sdelay $0x1  }
0x679: {  	v11 =	vld [tilespmem:s21+$0xFFFFFE90];
	v3 =	vmul.f32 v3, v0;
	v5 =	vmul.f32 v5, v2;
	_ =	sdelay $0x1  }
0x67a: {  	v3 =	vadd.f32 v5, v3;
	_ =	sdelay $0x1  }
0x67b: {  	v6 =	vld [tilespmem:s17+$0xFFFFFE90];
	[tilespmem:s8+$0xA0] =	vst v3  }
0x67c: {  	v3 =	vmul.f32 v11, v4;
	v4 =	vld [tilespmem:s17+$0xB0]  }
0x67d: {  	v5 =	vld [tilespmem:s21+$0xB0];
	_ =	sdelay $0x1  }
0x67e: {  	s23 =	simm.s32 $0xC30  }
0x67f: {  	s26 =	simm.s32 $0xCB0;
	v63 =	vld [tilespmem:s23+$0x0];
	v1 =	vmul.f32 v6, v1  }
0x680: {  	v15 =	vld [tilespmem:s26+$0xFFFFFFF0]  }
0x681: {  	s24 =	simm.s32 $0x4300;
	v1 =	vadd.f32 v3, v1;
	v0 =	vmul.f32 v4, v0;
	v2 =	vmul.f32 v5, v2;
	v4 =	vld [tilespmem:s26+$0x0]  }
0x682: {  	s22 =	simm.s32 $0x3300;
	v5 =	vld [tilespmem:s24+$0x0]  }
0x683: {  	[tilespmem:s8+$0xFFFFFE90] =	vst v1;
	v0 =	vadd.f32 v2, v0;
	v2 =	vld [tilespmem:s22+$0x0]  }
0x684: {  	v1 =	vld [tilespmem:s17+$0xFFFFFEA0]  }
0x685: {  	v6 =	vld [tilespmem:s21+$0xFFFFFEA0]  }
0x686: {  	v16 =	vld [tilespmem:s23+$0xFFFFFFF0];
	v12 =	vbroadcast v63, $0x0;
	[tilespmem:s8+$0xB0] =	vst v0;
	v13 =	vbroadcast v4, $0x0  }
0x687: {  	v14 =	vbroadcast v7, $0x5;
	v17 =	vbroadcast v8, $0x5;
	v0 =	vld [tilespmem:s17+$0xC0]  }
0x688: {  	v11 =	vld [tilespmem:s21+$0xC0];
	v2 =	vmul.f32 v2, v12;
	v5 =	vmul.f32 v5, v13  }
0x689: {  	v21 =	vld [tilespmem:s24+$0xFFFFFE00];
	v19 =	vbroadcast v9, $0x6  }
0x68a: {  	v18 =	vld [tilespmem:s22+$0xFFFFFE00];
	v1 =	vmul.f32 v1, v14;
	v6 =	vmul.f32 v6, v17;
	v2 =	vadd.f32 v5, v2  }
0x68b: {  	s23 =	simm.s32 $0x6300;
	v20 =	vbroadcast v10, $0x6  }
0x68c: {  	v1 =	vadd.f32 v6, v1;
	v6 =	vbroadcast v16, $0x0;
	v0 =	vmul.f32 v0, v19;
	[tilespmem:s23+$0x0] =	vst v2  }
0x68d: {  	v5 =	vmul.f32 v11, v20;
	v2 =	vbroadcast v15, $0x0;
	v11 =	vld [tilespmem:s22+$0x10]  }
0x68e: {  	[tilespmem:s8+$0xFFFFFEA0] =	vst v1;
	v1 =	vld [tilespmem:s24+$0x10]  }
0x68f: {  	v22 =	vld [tilespmem:s17+$0xFFFFFEB0];
	v0 =	vadd.f32 v5, v0;
	v5 =	vmul.f32 v18, v6;
	v18 =	vmul.f32 v21, v2  }
0x690: {  	v21 =	vld [tilespmem:s21+$0xFFFFFEB0]  }
0x691: {  	[tilespmem:s8+$0xC0] =	vst v0;
	v0 =	vadd.f32 v18, v5  }
0x692: {  	v5 =	vld [tilespmem:s17+$0xD0]  }
0x693: {  	v18 =	vld [tilespmem:s21+$0xD0];
	[tilespmem:s23+$0xFFFFFE00] =	vst v0;
	v0 =	vmul.f32 v11, v12;
	v1 =	vmul.f32 v1, v13  }
0x694: {  	v11 =	vld [tilespmem:s22+$0xFFFFFE10]  }
0x695: {  	v12 =	vmul.f32 v22, v14;
	v13 =	vmul.f32 v21, v17;
	v14 =	vld [tilespmem:s24+$0xFFFFFE10];
	v0 =	vadd.f32 v1, v0;
	_ =	sdelay $0x1  }
0x696: {  	v1 =	vadd.f32 v13, v12;
	[tilespmem:s23+$0x10] =	vst v0  }
0x697: {  	v0 =	vmul.f32 v5, v19;
	v5 =	vmul.f32 v18, v20;
	v12 =	vld [tilespmem:s22+$0x20]  }
0x698: {  	[tilespmem:s8+$0xFFFFFEB0] =	vst v1;
	v1 =	vld [tilespmem:s24+$0x20]  }
0x699: {  	v13 =	vld [tilespmem:s17+$0xFFFFFEC0];
	v0 =	vadd.f32 v5, v0;
	v5 =	vmul.f32 v11, v6;
	v2 =	vmul.f32 v14, v2  }
0x69a: {  	v6 =	vld [tilespmem:s21+$0xFFFFFEC0]  }
0x69b: {  	[tilespmem:s8+$0xD0] =	vst v0;
	v0 =	vadd.f32 v2, v5;
	v2 =	vbroadcast v63, $0x1;
	v5 =	vbroadcast v4, $0x1  }
0x69c: {  	v11 =	vbroadcast v7, $0x6;
	v14 =	vbroadcast v8, $0x6;
	v17 =	vld [tilespmem:s17+$0xE0]  }
0x69d: {  	v18 =	vld [tilespmem:s21+$0xE0];
	[tilespmem:s23+$0xFFFFFE10] =	vst v0;
	v0 =	vmul.f32 v12, v2;
	v1 =	vmul.f32 v1, v5  }
0x69e: {  	v12 =	vld [tilespmem:s22+$0xFFFFFE20]  }
0x69f: {  	v13 =	vmul.f32 v13, v11;
	v6 =	vmul.f32 v6, v14;
	v19 =	vld [tilespmem:s24+$0xFFFFFE20];
	v0 =	vadd.f32 v1, v0  }
0x6a0: {  	v20 =	vbroadcast v10, $0x7;
	v1 =	vbroadcast v9, $0x7  }
0x6a1: {  	v22 =	vbroadcast v16, $0x1;
	v21 =	vbroadcast v15, $0x1;
	v6 =	vadd.f32 v6, v13;
	[tilespmem:s23+$0x20] =	vst v0  }
0x6a2: {  	v0 =	vmul.f32 v17, v1;
	v13 =	vmul.f32 v18, v20;
	v17 =	vld [tilespmem:s22+$0x30]  }
0x6a3: {  	[tilespmem:s8+$0xFFFFFEC0] =	vst v6;
	v6 =	vld [tilespmem:s24+$0x30]  }
0x6a4: {  	v18 =	vld [tilespmem:s17+$0xFFFFFED0];
	v0 =	vadd.f32 v13, v0;
	v12 =	vmul.f32 v12, v22;
	v13 =	vmul.f32 v19, v21  }
0x6a5: {  	v19 =	vld [tilespmem:s21+$0xFFFFFED0]  }
0x6a6: {  	[tilespmem:s8+$0xE0] =	vst v0;
	v0 =	vadd.f32 v13, v12  }
0x6a7: {  	v12 =	vld [tilespmem:s17+$0xF0]  }
0x6a8: {  	v13 =	vld [tilespmem:s21+$0xF0];
	[tilespmem:s23+$0xFFFFFE20] =	vst v0;
	v0 =	vmul.f32 v17, v2;
	v2 =	vmul.f32 v6, v5  }
0x6a9: {  	v5 =	vld [tilespmem:s22+$0xFFFFFE30]  }
0x6aa: {  	v6 =	vmul.f32 v18, v11;
	v11 =	vmul.f32 v19, v14;
	v14 =	vld [tilespmem:s24+$0xFFFFFE30];
	v0 =	vadd.f32 v2, v0;
	_ =	sdelay $0x1  }
0x6ab: {  	v2 =	vadd.f32 v11, v6;
	[tilespmem:s23+$0x30] =	vst v0  }
0x6ac: {  	v0 =	vmul.f32 v12, v1;
	v1 =	vmul.f32 v13, v20;
	v6 =	vld [tilespmem:s22+$0x40]  }
0x6ad: {  	[tilespmem:s8+$0xFFFFFED0] =	vst v2;
	v2 =	vld [tilespmem:s24+$0x40]  }
0x6ae: {  	v11 =	vld [tilespmem:s17+$0xFFFFFEE0];
	v0 =	vadd.f32 v1, v0;
	v1 =	vmul.f32 v5, v22;
	v5 =	vmul.f32 v14, v21  }
0x6af: {  	v12 =	vld [tilespmem:s21+$0xFFFFFEE0]  }
0x6b0: {  	[tilespmem:s8+$0xF0] =	vst v0;
	v0 =	vadd.f32 v5, v1;
	v1 =	vbroadcast v63, $0x2;
	v5 =	vbroadcast v4, $0x2  }
0x6b1: {  	v13 =	vbroadcast v7, $0x7;
	v14 =	vbroadcast v8, $0x7;
	v17 =	vld [tilespmem:s17+$0x100]  }
0x6b2: {  	v18 =	vld [tilespmem:s21+$0x100];
	[tilespmem:s23+$0xFFFFFE30] =	vst v0;
	v0 =	vmul.f32 v6, v1;
	v2 =	vmul.f32 v2, v5  }
0x6b3: {  	v6 =	vld [tilespmem:s22+$0xFFFFFE40]  }
0x6b4: {  	v11 =	vmul.f32 v11, v13;
	v12 =	vmul.f32 v12, v14;
	v19 =	vld [tilespmem:s24+$0xFFFFFE40];
	v0 =	vadd.f32 v2, v0  }
0x6b5: {  	v20 =	vbroadcast v10, $0x8;
	v2 =	vbroadcast v9, $0x8  }
0x6b6: {  	v21 =	vbroadcast v16, $0x2;
	v22 =	vbroadcast v15, $0x2;
	v11 =	vadd.f32 v12, v11;
	[tilespmem:s23+$0x40] =	vst v0  }
0x6b7: {  	v0 =	vmul.f32 v17, v2;
	v12 =	vmul.f32 v18, v20;
	v17 =	vld [tilespmem:s22+$0x50]  }
0x6b8: {  	[tilespmem:s8+$0xFFFFFEE0] =	vst v11;
	v11 =	vld [tilespmem:s24+$0x50]  }
0x6b9: {  	v18 =	vld [tilespmem:s17+$0xFFFFFEF0];
	v0 =	vadd.f32 v12, v0;
	v6 =	vmul.f32 v6, v21;
	v12 =	vmul.f32 v19, v22  }
0x6ba: {  	v19 =	vld [tilespmem:s21+$0xFFFFFEF0]  }
0x6bb: {  	[tilespmem:s8+$0x100] =	vst v0;
	v0 =	vadd.f32 v12, v6  }
0x6bc: {  	v6 =	vld [tilespmem:s17+$0x110]  }
0x6bd: {  	v12 =	vld [tilespmem:s21+$0x110];
	[tilespmem:s23+$0xFFFFFE40] =	vst v0;
	v0 =	vmul.f32 v17, v1;
	v1 =	vmul.f32 v11, v5  }
0x6be: {  	v5 =	vld [tilespmem:s22+$0xFFFFFE50]  }
0x6bf: {  	v11 =	vmul.f32 v18, v13;
	v13 =	vmul.f32 v19, v14;
	v14 =	vld [tilespmem:s24+$0xFFFFFE50];
	v0 =	vadd.f32 v1, v0;
	_ =	sdelay $0x1  }
0x6c0: {  	v1 =	vadd.f32 v13, v11;
	[tilespmem:s23+$0x50] =	vst v0  }
0x6c1: {  	v0 =	vmul.f32 v6, v2;
	v2 =	vmul.f32 v12, v20;
	v6 =	vld [tilespmem:s22+$0x60]  }
0x6c2: {  	[tilespmem:s8+$0xFFFFFEF0] =	vst v1;
	v1 =	vld [tilespmem:s24+$0x60]  }
0x6c3: {  	v11 =	vld [tilespmem:s17+$0xFFFFFF00];
	v0 =	vadd.f32 v2, v0;
	v2 =	vmul.f32 v5, v21;
	v5 =	vmul.f32 v14, v22  }
0x6c4: {  	v12 =	vld [tilespmem:s21+$0xFFFFFF00]  }
0x6c5: {  	[tilespmem:s8+$0x110] =	vst v0;
	v0 =	vadd.f32 v5, v2;
	v2 =	vbroadcast v63, $0x3;
	v5 =	vbroadcast v4, $0x3  }
0x6c6: {  	v13 =	vbroadcast v7, $0x8;
	v14 =	vbroadcast v8, $0x8;
	v17 =	vld [tilespmem:s17+$0x120]  }
0x6c7: {  	v18 =	vld [tilespmem:s21+$0x120];
	[tilespmem:s23+$0xFFFFFE50] =	vst v0;
	v0 =	vmul.f32 v6, v2;
	v1 =	vmul.f32 v1, v5  }
0x6c8: {  	v6 =	vld [tilespmem:s22+$0xFFFFFE60]  }
0x6c9: {  	v11 =	vmul.f32 v11, v13;
	v12 =	vmul.f32 v12, v14;
	v19 =	vld [tilespmem:s24+$0xFFFFFE60];
	v0 =	vadd.f32 v1, v0  }
0x6ca: {  	v20 =	vbroadcast v10, $0x9;
	v1 =	vbroadcast v9, $0x9  }
0x6cb: {  	v21 =	vbroadcast v16, $0x3;
	v22 =	vbroadcast v15, $0x3;
	v11 =	vadd.f32 v12, v11;
	[tilespmem:s23+$0x60] =	vst v0  }
0x6cc: {  	v0 =	vmul.f32 v17, v1;
	v12 =	vmul.f32 v18, v20;
	v17 =	vld [tilespmem:s22+$0x70]  }
0x6cd: {  	[tilespmem:s8+$0xFFFFFF00] =	vst v11;
	v11 =	vld [tilespmem:s24+$0x70]  }
0x6ce: {  	v18 =	vld [tilespmem:s17+$0xFFFFFF10];
	v0 =	vadd.f32 v12, v0;
	v6 =	vmul.f32 v6, v21;
	v12 =	vmul.f32 v19, v22  }
0x6cf: {  	v19 =	vld [tilespmem:s21+$0xFFFFFF10]  }
0x6d0: {  	[tilespmem:s8+$0x120] =	vst v0;
	v0 =	vadd.f32 v12, v6  }
0x6d1: {  	v6 =	vld [tilespmem:s17+$0x130]  }
0x6d2: {  	v12 =	vld [tilespmem:s21+$0x130];
	[tilespmem:s23+$0xFFFFFE60] =	vst v0;
	v0 =	vmul.f32 v17, v2;
	v2 =	vmul.f32 v11, v5  }
0x6d3: {  	v5 =	vld [tilespmem:s22+$0xFFFFFE70]  }
0x6d4: {  	v11 =	vmul.f32 v18, v13;
	v13 =	vmul.f32 v19, v14;
	v14 =	vld [tilespmem:s24+$0xFFFFFE70];
	v0 =	vadd.f32 v2, v0;
	_ =	sdelay $0x1  }
0x6d5: {  	v2 =	vadd.f32 v13, v11;
	[tilespmem:s23+$0x70] =	vst v0  }
0x6d6: {  	v0 =	vmul.f32 v6, v1;
	v1 =	vmul.f32 v12, v20;
	v6 =	vld [tilespmem:s22+$0x80]  }
0x6d7: {  	[tilespmem:s8+$0xFFFFFF10] =	vst v2;
	v2 =	vld [tilespmem:s24+$0x80]  }
0x6d8: {  	v0 =	vadd.f32 v1, v0;
	v1 =	vmul.f32 v5, v21;
	v5 =	vmul.f32 v14, v22  }
0x6d9: {  	v11 =	vld [tilespmem:s17+$0xFFFFFF20]  }
0x6da: {  	v12 =	vld [tilespmem:s21+$0xFFFFFF20];
	[tilespmem:s8+$0x130] =	vst v0;
	v0 =	vadd.f32 v5, v1;
	v1 =	vbroadcast v63, $0x4;
	v5 =	vbroadcast v4, $0x4  }
0x6db: {  	v13 =	vbroadcast v7, $0x9;
	v17 =	vld [tilespmem:s17+$0x140]  }
0x6dc: {  	v18 =	vld [tilespmem:s21+$0x140];
	[tilespmem:s23+$0xFFFFFE70] =	vst v0;
	v0 =	vmul.f32 v6, v1;
	v2 =	vmul.f32 v2, v5  }
0x6dd: {  	v14 =	vbroadcast v8, $0x9;
	v6 =	vld [tilespmem:s22+$0xFFFFFE80]  }
0x6de: {  	v20 =	vbroadcast v10, $0xA;
	v11 =	vmul.f32 v11, v13;
	v19 =	vld [tilespmem:s24+$0xFFFFFE80];
	v0 =	vadd.f32 v2, v0  }
0x6df: {  	v12 =	vmul.f32 v12, v14;
	v2 =	vbroadcast v9, $0xA  }
0x6e0: {  	v21 =	vbroadcast v16, $0x4;
	v22 =	vbroadcast v15, $0x4;
	[tilespmem:s23+$0x80] =	vst v0  }
0x6e1: {  	v0 =	vadd.f32 v12, v11;
	v11 =	vmul.f32 v17, v2;
	v12 =	vmul.f32 v18, v20;
	v17 =	vld [tilespmem:s22+$0x90]  }
0x6e2: {  	v18 =	vld [tilespmem:s24+$0x90]  }
0x6e3: {  	[tilespmem:s8+$0xFFFFFF20] =	vst v0;
	v0 =	vadd.f32 v12, v11;
	v6 =	vmul.f32 v6, v21;
	v11 =	vmul.f32 v19, v22  }
0x6e4: {  	v12 =	vld [tilespmem:s17+$0xFFFFFF30]  }
0x6e5: {  	v19 =	vld [tilespmem:s21+$0xFFFFFF30];
	[tilespmem:s8+$0x140] =	vst v0;
	v0 =	vadd.f32 v11, v6  }
0x6e6: {  	v6 =	vld [tilespmem:s17+$0x150]  }
0x6e7: {  	v11 =	vld [tilespmem:s21+$0x150];
	[tilespmem:s23+$0xFFFFFE80] =	vst v0;
	v0 =	vmul.f32 v17, v1;
	v1 =	vmul.f32 v18, v5  }
0x6e8: {  	v5 =	vld [tilespmem:s22+$0xFFFFFE90]  }
0x6e9: {  	v17 =	vld [tilespmem:s24+$0xFFFFFE90];
	v0 =	vadd.f32 v1, v0  }
0x6ea: {  	v1 =	vmul.f32 v12, v13;
	v12 =	vmul.f32 v19, v14  }
0x6eb: {  	[tilespmem:s23+$0x90] =	vst v0  }
0x6ec: {  	v0 =	vadd.f32 v12, v1;
	v1 =	vmul.f32 v6, v2;
	v2 =	vmul.f32 v11, v20;
	v6 =	vld [tilespmem:s22+$0xA0]  }
0x6ed: {  	v11 =	vld [tilespmem:s24+$0xA0]  }
0x6ee: {  	[tilespmem:s8+$0xFFFFFF30] =	vst v0;
	v0 =	vadd.f32 v2, v1;
	v1 =	vmul.f32 v5, v21;
	v2 =	vmul.f32 v17, v22  }
0x6ef: {  	v5 =	vld [tilespmem:s17+$0xFFFFFF40]  }
0x6f0: {  	v12 =	vld [tilespmem:s21+$0xFFFFFF40];
	[tilespmem:s8+$0x150] =	vst v0;
	v0 =	vadd.f32 v2, v1;
	v1 =	vbroadcast v63, $0x5;
	v2 =	vbroadcast v4, $0x5  }
0x6f1: {  	v13 =	vld [tilespmem:s17+$0x160]  }
0x6f2: {  	v14 =	vld [tilespmem:s21+$0x160];
	[tilespmem:s23+$0xFFFFFE90] =	vst v0;
	v0 =	vmul.f32 v6, v1;
	v6 =	vmul.f32 v11, v2  }
0x6f3: {  	v23 =	vbroadcast v10, $0xB;
	v19 =	vbroadcast v16, $0x5;
	v18 =	vld [tilespmem:s22+$0xFFFFFEA0]  }
0x6f4: {  	v17 =	vbroadcast v8, $0xA;
	v11 =	vbroadcast v7, $0xA;
	v21 =	vld [tilespmem:s24+$0xFFFFFEA0];
	v0 =	vadd.f32 v6, v0  }
0x6f5: {  	v20 =	vbroadcast v15, $0x5;
	v22 =	vbroadcast v9, $0xB  }
0x6f6: {  	v5 =	vmul.f32 v5, v11;
	v6 =	vmul.f32 v12, v17;
	[tilespmem:s23+$0xA0] =	vst v0  }
0x6f7: {  	v0 =	vmul.f32 v13, v22;
	v12 =	vmul.f32 v14, v23;
	v13 =	vld [tilespmem:s22+$0xB0]  }
0x6f8: {  	v5 =	vadd.f32 v6, v5;
	v6 =	vld [tilespmem:s24+$0xB0]  }
0x6f9: {  	v0 =	vadd.f32 v12, v0;
	v12 =	vmul.f32 v18, v19;
	v14 =	vmul.f32 v21, v20  }
0x6fa: {  	s0 =	simm.s32 $0xCD0  }
0x6fb: {  	s31 =	simm.s32 $0xC50;
	v41 =	vld [tilespmem:s0+$0xFFFFFFF0];
	[tilespmem:s8+$0x160] =	vst v0;
	v0 =	vadd.f32 v14, v12  }
0x6fc: {  	v42 =	vld [tilespmem:s31+$0xFFFFFFF0];
	[tilespmem:s8+$0xFFFFFF40] =	vst v5  }
0x6fd: {  	s26 =	simm.s32 $0x3700;
	v5 =	vld [tilespmem:s31+$0x0];
	[tilespmem:s23+$0xFFFFFEA0] =	vst v0;
	v0 =	vmul.f32 v13, v1;
	v1 =	vmul.f32 v6, v2  }
0x6fe: {  	v21 =	vld [tilespmem:s26+$0x0]  }
0x6ff: {  	v12 =	vld [tilespmem:s17+$0x170];
	v0 =	vadd.f32 v1, v0  }
0x700: {  	v14 =	vld [tilespmem:s21+$0x170]  }
0x701: {  	v6 =	vld [tilespmem:s0+$0x0];
	[tilespmem:s23+$0xB0] =	vst v0  }
0x702: {  	v0 =	vld [tilespmem:s22+$0xC0]  }
0x703: {  	v1 =	vld [tilespmem:s24+$0xC0]  }
0x704: {  	s29 =	simm.s32 $0x4700;
	v2 =	vld [tilespmem:s22+$0xFFFFFEB0]  }
0x705: {  	v12 =	vmul.f32 v12, v22;
	v14 =	vmul.f32 v14, v23;
	v22 =	vld [tilespmem:s29+$0x0]  }
0x706: {  	v24 =	vbroadcast v4, $0x6;
	v13 =	vld [tilespmem:s24+$0xFFFFFEB0];
	v23 =	vbroadcast v63, $0x6  }
0x707: {  	v26 =	vld [tilespmem:s26+$0xFFFFFE00];
	v25 =	vbroadcast v6, $0x0;
	v12 =	vadd.f32 v14, v12;
	v14 =	vbroadcast v5, $0x0  }
0x708: {  	v18 =	vld [tilespmem:s17+$0xFFFFFF50];
	v0 =	vmul.f32 v0, v23;
	v1 =	vmul.f32 v1, v24  }
0x709: {  	[tilespmem:s8+$0x170] =	vst v12;
	v12 =	vld [tilespmem:s29+$0xFFFFFE00]  }
0x70a: {  	v21 =	vmul.f32 v21, v14;
	v27 =	vld [tilespmem:s17+$0x180];
	v22 =	vmul.f32 v22, v25;
	v0 =	vadd.f32 v1, v0  }
0x70b: {  	v1 =	vmul.f32 v2, v19;
	v2 =	vmul.f32 v13, v20;
	v13 =	vld [tilespmem:s21+$0x180]  }
0x70c: {  	v28 =	vbroadcast v42, $0x0;
	v21 =	vadd.f32 v22, v21;
	v19 =	vld [tilespmem:s21+$0xFFFFFF50];
	v20 =	vbroadcast v41, $0x0;
	[tilespmem:s23+$0xC0] =	vst v0  }
0x70d: {  	s10 =	simm.s32 $0x6700;
	v22 =	vbroadcast v10, $0xC;
	v0 =	vbroadcast v9, $0xC;
	v29 =	vld [tilespmem:s22+$0xD0]  }
0x70e: {  	[tilespmem:s10+$0x0] =	vst v21;
	v1 =	vadd.f32 v2, v1;
	v2 =	vmul.f32 v26, v28;
	v12 =	vmul.f32 v12, v20;
	v21 =	vld [tilespmem:s24+$0xD0]  }
0x70f: {  	v26 =	vld [tilespmem:s26+$0x10]  }
0x710: {  	[tilespmem:s23+$0xFFFFFEB0] =	vst v1;
	v1 =	vmul.f32 v27, v0;
	v2 =	vadd.f32 v12, v2;
	v12 =	vld [tilespmem:s29+$0x10];
	v13 =	vmul.f32 v13, v22  }
0x711: {  	v27 =	vld [tilespmem:s22+$0xFFFFFEC0]  }
0x712: {  	v11 =	vmul.f32 v18, v11;
	v17 =	vmul.f32 v19, v17;
	[tilespmem:s10+$0xFFFFFE00] =	vst v2;
	v1 =	vadd.f32 v13, v1;
	v13 =	vld [tilespmem:s24+$0xFFFFFEC0]  }
0x713: {  	v2 =	vld [tilespmem:s26+$0xFFFFFE10];
	v18 =	vmul.f32 v29, v23;
	v19 =	vmul.f32 v21, v24  }
0x714: {  	v11 =	vadd.f32 v17, v11;
	v14 =	vmul.f32 v26, v14;
	v21 =	vbroadcast v16, $0x6;
	[tilespmem:s8+$0x180] =	vst v1;
	v1 =	vld [tilespmem:s29+$0xFFFFFE10]  }
0x715: {  	v23 =	vbroadcast v15, $0x6;
	v12 =	vmul.f32 v12, v25;
	v17 =	vld [tilespmem:s17+$0x190];
	v18 =	vadd.f32 v19, v18  }
0x716: {  	[tilespmem:s8+$0xFFFFFF50] =	vst v11;
	v11 =	vld [tilespmem:s21+$0x190]  }
0x717: {  	v19 =	vld [tilespmem:s17+$0xFFFFFF60];
	v24 =	vmul.f32 v27, v21;
	v12 =	vadd.f32 v12, v14;
	v13 =	vmul.f32 v13, v23;
	[tilespmem:s23+$0xD0] =	vst v18  }
0x718: {  	v14 =	vld [tilespmem:s22+$0xE0]  }
0x719: {  	v2 =	vmul.f32 v2, v28;
	[tilespmem:s10+$0x10] =	vst v12;
	v12 =	vld [tilespmem:s24+$0xE0];
	v13 =	vadd.f32 v13, v24;
	v1 =	vmul.f32 v1, v20  }
0x71a: {  	v18 =	vld [tilespmem:s26+$0x20]  }
0x71b: {  	v0 =	vmul.f32 v17, v0;
	v11 =	vmul.f32 v11, v22;
	[tilespmem:s23+$0xFFFFFEC0] =	vst v13;
	v1 =	vadd.f32 v1, v2;
	v2 =	vld [tilespmem:s29+$0x20]  }
0x71c: {  	v17 =	vbroadcast v4, $0x7;
	v13 =	vbroadcast v63, $0x7;
	v20 =	vld [tilespmem:s22+$0xFFFFFED0]  }
0x71d: {  	v0 =	vadd.f32 v11, v0;
	v11 =	vbroadcast v6, $0x1;
	v22 =	vld [tilespmem:s24+$0xFFFFFED0];
	[tilespmem:s10+$0xFFFFFE10] =	vst v1;
	v1 =	vbroadcast v5, $0x1  }
0x71e: {  	v14 =	vmul.f32 v14, v13;
	v12 =	vmul.f32 v12, v17;
	v24 =	vld [tilespmem:s26+$0xFFFFFE20]  }
0x71f: {  	[tilespmem:s8+$0x190] =	vst v0;
	v0 =	vld [tilespmem:s29+$0xFFFFFE20]  }
0x720: {  	v25 =	vld [tilespmem:s17+$0x1A0];
	v18 =	vmul.f32 v18, v1;
	v12 =	vadd.f32 v12, v14;
	v2 =	vmul.f32 v2, v11  }
0x721: {  	v26 =	vbroadcast v42, $0x1;
	v14 =	vbroadcast v41, $0x1;
	v27 =	vld [tilespmem:s21+$0x1A0]  }
0x722: {  	v28 =	vld [tilespmem:s21+$0xFFFFFF60];
	v20 =	vmul.f32 v20, v21;
	[tilespmem:s23+$0xE0] =	vst v12;
	v2 =	vadd.f32 v2, v18;
	v18 =	vmul.f32 v22, v23  }
0x723: {  	v12 =	vbroadcast v9, $0xD;
	v21 =	vbroadcast v10, $0xD;
	v22 =	vld [tilespmem:s22+$0xF0]  }
0x724: {  	v23 =	vmul.f32 v24, v26;
	v0 =	vmul.f32 v0, v14;
	[tilespmem:s10+$0x20] =	vst v2;
	v2 =	vadd.f32 v18, v20;
	v18 =	vld [tilespmem:s24+$0xF0]  }
0x725: {  	v24 =	vbroadcast v8, $0xB;
	v20 =	vbroadcast v7, $0xB;
	v29 =	vld [tilespmem:s26+$0x30]  }
0x726: {  	v25 =	vmul.f32 v25, v12;
	v27 =	vmul.f32 v27, v21;
	v0 =	vadd.f32 v0, v23;
	v23 =	vld [tilespmem:s29+$0x30];
	[tilespmem:s23+$0xFFFFFED0] =	vst v2  }
0x727: {  	v2 =	vld [tilespmem:s22+$0xFFFFFEE0]  }
0x728: {  	v28 =	vmul.f32 v28, v24;
	v19 =	vmul.f32 v19, v20;
	v25 =	vadd.f32 v27, v25;
	[tilespmem:s10+$0xFFFFFE20] =	vst v0;
	v0 =	vld [tilespmem:s24+$0xFFFFFEE0]  }
0x729: {  	v13 =	vmul.f32 v22, v13;
	v27 =	vld [tilespmem:s26+$0xFFFFFE30];
	v17 =	vmul.f32 v18, v17  }
0x72a: {  	v22 =	vbroadcast v15, $0x7;
	v19 =	vadd.f32 v28, v19;
	[tilespmem:s8+$0x1A0] =	vst v25;
	v25 =	vld [tilespmem:s29+$0xFFFFFE30];
	v18 =	vbroadcast v16, $0x7  }
0x72b: {  	v28 =	vld [tilespmem:s17+$0x1B0];
	v1 =	vmul.f32 v29, v1;
	v11 =	vmul.f32 v23, v11;
	v13 =	vadd.f32 v17, v13  }
0x72c: {  	[tilespmem:s8+$0xFFFFFF60] =	vst v19;
	v17 =	vld [tilespmem:s21+$0x1B0]  }
0x72d: {  	v19 =	vld [tilespmem:s17+$0xFFFFFF70];
	v2 =	vmul.f32 v2, v18;
	v1 =	vadd.f32 v11, v1;
	v0 =	vmul.f32 v0, v22;
	[tilespmem:s23+$0xF0] =	vst v13  }
0x72e: {  	v11 =	vld [tilespmem:s22+$0x100]  }
0x72f: {  	v13 =	vmul.f32 v27, v26;
	v14 =	vmul.f32 v25, v14;
	[tilespmem:s10+$0x30] =	vst v1;
	v0 =	vadd.f32 v0, v2;
	v1 =	vld [tilespmem:s24+$0x100]  }
0x730: {  	v2 =	vld [tilespmem:s26+$0x40]  }
0x731: {  	v12 =	vmul.f32 v28, v12;
	v13 =	vadd.f32 v14, v13;
	v14 =	vld [tilespmem:s29+$0x40];
	v17 =	vmul.f32 v17, v21;
	[tilespmem:s23+$0xFFFFFEE0] =	vst v0  }
0x732: {  	v0 =	vbroadcast v63, $0x8;
	v21 =	vbroadcast v4, $0x8;
	v23 =	vld [tilespmem:s22+$0xFFFFFEF0]  }
0x733: {  	v25 =	vbroadcast v6, $0x2;
	[tilespmem:s10+$0xFFFFFE30] =	vst v13;
	v13 =	vbroadcast v5, $0x2;
	v26 =	vld [tilespmem:s24+$0xFFFFFEF0]  }
0x734: {  	v12 =	vadd.f32 v17, v12;
	v17 =	vld [tilespmem:s26+$0xFFFFFE40];
	v11 =	vmul.f32 v11, v0;
	v1 =	vmul.f32 v1, v21  }
0x735: {  	v27 =	vld [tilespmem:s29+$0xFFFFFE40]  }
0x736: {  	v28 =	vld [tilespmem:s21+$0xFFFFFF70];
	[tilespmem:s8+$0x1B0] =	vst v12;
	v2 =	vmul.f32 v2, v13;
	v12 =	vmul.f32 v14, v25;
	v1 =	vadd.f32 v1, v11  }
0x737: {  	v14 =	vbroadcast v41, $0x2;
	v11 =	vbroadcast v42, $0x2;
	v29 =	vld [tilespmem:s17+$0x1C0]  }
0x738: {  	v30 =	vld [tilespmem:s21+$0x1C0];
	v18 =	vmul.f32 v23, v18;
	v2 =	vadd.f32 v12, v2;
	v12 =	vmul.f32 v26, v22;
	[tilespmem:s23+$0x100] =	vst v1  }
0x739: {  	v1 =	vld [tilespmem:s22+$0x110]  }
0x73a: {  	v17 =	vmul.f32 v17, v11;
	v22 =	vmul.f32 v27, v14;
	[tilespmem:s10+$0x40] =	vst v2;
	v2 =	vadd.f32 v12, v18;
	v12 =	vld [tilespmem:s24+$0x110]  }
0x73b: {  	v23 =	vbroadcast v9, $0xE;
	v18 =	vmul.f32 v19, v20;
	v20 =	vld [tilespmem:s26+$0x50]  }
0x73c: {  	v19 =	vmul.f32 v28, v24;
	v24 =	vbroadcast v10, $0xE;
	v17 =	vadd.f32 v22, v17;
	v22 =	vld [tilespmem:s29+$0x50];
	[tilespmem:s23+$0xFFFFFEF0] =	vst v2  }
0x73d: {  	v2 =	vld [tilespmem:s22+$0xFFFFFF00]  }
0x73e: {  	v18 =	vadd.f32 v19, v18;
	v19 =	vmul.f32 v29, v23;
	v26 =	vmul.f32 v30, v24;
	[tilespmem:s10+$0xFFFFFE40] =	vst v17;
	v17 =	vld [tilespmem:s24+$0xFFFFFF00]  }
0x73f: {  	v27 =	vld [tilespmem:s26+$0xFFFFFE50];
	v0 =	vmul.f32 v1, v0;
	v1 =	vmul.f32 v12, v21  }
0x740: {  	[tilespmem:s8+$0xFFFFFF70] =	vst v18;
	v18 =	vadd.f32 v26, v19;
	v19 =	vld [tilespmem:s29+$0xFFFFFE50];
	v12 =	vbroadcast v16, $0x8  }
0x741: {  	v26 =	vld [tilespmem:s17+$0xFFFFFF80];
	v13 =	vmul.f32 v20, v13;
	v20 =	vmul.f32 v22, v25;
	v0 =	vadd.f32 v1, v0  }
0x742: {  	v21 =	vbroadcast v15, $0x8;
	[tilespmem:s8+$0x1C0] =	vst v18;
	v1 =	vld [tilespmem:s21+$0xFFFFFF80]  }
0x743: {  	v18 =	vld [tilespmem:s17+$0x1D0];
	v2 =	vmul.f32 v2, v12;
	v13 =	vadd.f32 v20, v13;
	[tilespmem:s23+$0x110] =	vst v0  }
0x744: {  	v17 =	vmul.f32 v17, v21;
	v20 =	vbroadcast v7, $0xC;
	v0 =	vld [tilespmem:s22+$0x120]  }
0x745: {  	v11 =	vmul.f32 v27, v11;
	v14 =	vmul.f32 v19, v14;
	[tilespmem:s10+$0x50] =	vst v13;
	v13 =	vld [tilespmem:s24+$0x120]  }
0x746: {  	v22 =	vbroadcast v8, $0xC;
	v2 =	vadd.f32 v17, v2;
	v17 =	vld [tilespmem:s26+$0x60]  }
0x747: {  	v25 =	vbroadcast v4, $0x9;
	v19 =	vmul.f32 v26, v20;
	v11 =	vadd.f32 v14, v11;
	v14 =	vld [tilespmem:s29+$0x60]  }
0x748: {  	v32 =	vld [tilespmem:s21+$0x1D0];
	v1 =	vmul.f32 v1, v22;
	[tilespmem:s23+$0xFFFFFF00] =	vst v2;
	v2 =	vbroadcast v63, $0x9  }
0x749: {  	v27 =	vbroadcast v6, $0x3;
	v26 =	vld [tilespmem:s22+$0xFFFFFF10];
	[tilespmem:s10+$0xFFFFFE50] =	vst v11;
	v11 =	vbroadcast v5, $0x3  }
0x74a: {  	v1 =	vadd.f32 v1, v19;
	v19 =	vld [tilespmem:s24+$0xFFFFFF10];
	v0 =	vmul.f32 v0, v2;
	v13 =	vmul.f32 v13, v25  }
0x74b: {  	v28 =	vld [tilespmem:s26+$0xFFFFFE60]  }
0x74c: {  	[tilespmem:s8+$0xFFFFFF80] =	vst v1;
	v1 =	vld [tilespmem:s29+$0xFFFFFE60];
	v17 =	vmul.f32 v17, v11;
	v14 =	vmul.f32 v14, v27;
	v0 =	vadd.f32 v13, v0  }
0x74d: {  	v29 =	vld [tilespmem:s17+$0xFFFFFF90]  }
0x74e: {  	v30 =	vbroadcast v41, $0x3;
	v13 =	vbroadcast v42, $0x3;
	v31 =	vld [tilespmem:s21+$0xFFFFFF90];
	v14 =	vadd.f32 v14, v17;
	[tilespmem:s23+$0x120] =	vst v0  }
0x74f: {  	v12 =	vmul.f32 v26, v12;
	v17 =	vmul.f32 v19, v21;
	v21 =	vld [tilespmem:s22+$0x130]  }
0x750: {  	[tilespmem:s10+$0x60] =	vst v14;
	v14 =	vld [tilespmem:s24+$0x130]  }
0x751: {  	v28 =	vmul.f32 v28, v13;
	v1 =	vmul.f32 v1, v30;
	v12 =	vadd.f32 v17, v12  }
0x752: {  	v17 =	vld [tilespmem:s26+$0x70]  }
0x753: {  	v20 =	vmul.f32 v29, v20;
	v22 =	vmul.f32 v31, v22;
	v1 =	vadd.f32 v1, v28;
	v28 =	vld [tilespmem:s29+$0x70];
	[tilespmem:s23+$0xFFFFFF10] =	vst v12  }
0x754: {  	v18 =	vmul.f32 v18, v23;
	v23 =	vmul.f32 v32, v24;
	v12 =	vld [tilespmem:s22+$0xFFFFFF20]  }
0x755: {  	v20 =	vadd.f32 v22, v20;
	v22 =	vld [tilespmem:s24+$0xFFFFFF20];
	[tilespmem:s10+$0xFFFFFE60] =	vst v1;
	v1 =	vmul.f32 v21, v2;
	v2 =	vmul.f32 v14, v25  }
0x756: {  	v33 =	vbroadcast v8, $0xD;
	v14 =	vadd.f32 v23, v18;
	v24 =	vld [tilespmem:s26+$0xFFFFFE70]  }
0x757: {  	v56 =	vbroadcast v7, $0xF;
	v52 =	vbroadcast v8, $0xF;
	[tilespmem:s8+$0xFFFFFF90] =	vst v20;
	v18 =	vld [tilespmem:s29+$0xFFFFFE70];
	v20 =	vadd.f32 v2, v1  }
0x758: {  	v3 =	vbroadcast v16, $0xB;
	v29 =	vbroadcast v15, $0x9;
	v23 =	vld [tilespmem:s17+$0xFFFFFFA0];
	[tilespmem:s8+$0x1D0] =	vst v14  }
0x759: {  	v25 =	vbroadcast v16, $0x9;
	v11 =	vmul.f32 v17, v11;
	v14 =	vld [tilespmem:s21+$0xFFFFFFA0];
	[tilespmem:s23+$0x130] =	vst v20  }
0x75a: {  	v17 =	vmul.f32 v28, v27;
	v27 =	vld [tilespmem:s17+$0x1E0];
	[tilespmem:$0x1FD80] =	vst v3;
	v3 =	vbroadcast v15, $0xB  }
0x75b: {  	v61 =	vbroadcast v16, $0xC;
	v58 =	vbroadcast v16, $0xD  }
0x75c: {  	v12 =	vmul.f32 v12, v25;
	v11 =	vadd.f32 v17, v11;
	v17 =	vmul.f32 v22, v29;
	[tilespmem:$0x1FD90] =	vst v3  }
0x75d: {  	v43 =	vbroadcast v41, $0x4;
	v54 =	vbroadcast v16, $0xE;
	v20 =	vld [tilespmem:s22+$0x140]  }
0x75e: {  	v55 =	vbroadcast v15, $0xE;
	v44 =	vbroadcast v10, $0xF;
	[tilespmem:s10+$0x70] =	vst v11;
	v11 =	vadd.f32 v17, v12;
	v12 =	vld [tilespmem:s24+$0x140]  }
0x75f: {  	v13 =	vmul.f32 v24, v13;
	v24 =	vmul.f32 v18, v30;
	v39 =	vld [tilespmem:s21+$0x1E0]  }
0x760: {  	v57 =	vbroadcast v16, $0xF;
	v26 =	vbroadcast v7, $0xD;
	v28 =	vld [tilespmem:s26+$0x80]  }
0x761: {  	v50 =	vbroadcast v4, $0xA;
	v31 =	vbroadcast v63, $0xA;
	v13 =	vadd.f32 v24, v13;
	v24 =	vld [tilespmem:s29+$0x80];
	[tilespmem:s23+$0xFFFFFF20] =	vst v11  }
0x762: {  	v23 =	vmul.f32 v23, v26;
	v11 =	vmul.f32 v14, v33;
	v30 =	vld [tilespmem:s22+$0xFFFFFF30]  }
0x763: {  	v34 =	vbroadcast v5, $0x4;
	v35 =	vbroadcast v6, $0x4;
	v36 =	vld [tilespmem:s24+$0xFFFFFF30]  }
0x764: {  	[tilespmem:s10+$0xFFFFFE70] =	vst v13;
	v11 =	vadd.f32 v11, v23;
	v20 =	vmul.f32 v20, v31;
	v12 =	vmul.f32 v12, v50  }
0x765: {  	v9 =	vbroadcast v9, $0xF;
	v1 =	vbroadcast v16, $0xA;
	v37 =	vld [tilespmem:s29+$0xFFFFFE80]  }
0x766: {  	v23 =	vld [tilespmem:s26+$0xFFFFFE80];
	[tilespmem:s8+$0xFFFFFFA0] =	vst v11;
	v11 =	vmul.f32 v28, v34;
	v24 =	vmul.f32 v24, v35;
	v12 =	vadd.f32 v12, v20  }
0x767: {  	v16 =	vmul.f32 v27, v9;
	v27 =	vmul.f32 v39, v44;
	v20 =	vld [tilespmem:s17+$0xFFFFFFB0]  }
0x768: {  	v38 =	vld [tilespmem:s21+$0xFFFFFFB0];
	v25 =	vmul.f32 v30, v25;
	v24 =	vadd.f32 v24, v11;
	v29 =	vmul.f32 v36, v29;
	[tilespmem:s23+$0x140] =	vst v12  }
0x769: {  	v53 =	vbroadcast v15, $0xF;
	v28 =	vbroadcast v42, $0x4;
	v30 =	vld [tilespmem:s22+$0x150]  }
0x76a: {  	v40 =	vbroadcast v42, $0x5;
	v16 =	vadd.f32 v27, v16;
	[tilespmem:s10+$0x80] =	vst v24;
	v24 =	vadd.f32 v29, v25;
	v25 =	vld [tilespmem:s24+$0x150]  }
0x76b: {  	v60 =	vmul.f32 v37, v43;
	v23 =	vmul.f32 v23, v28;
	v29 =	vld [tilespmem:s26+$0x90]  }
0x76c: {  	v45 =	vbroadcast v4, $0xB;
	[tilespmem:s8+$0x1E0] =	vst v16;
	v20 =	vmul.f32 v20, v26;
	v26 =	vld [tilespmem:s29+$0x90]  }
0x76d: {  	v2 =	vbroadcast v15, $0xA;
	v62 =	vld [tilespmem:s21+$0x1F0];
	v23 =	vadd.f32 v60, v23;
	[tilespmem:s23+$0xFFFFFF30] =	vst v24;
	v24 =	vmul.f32 v38, v33  }
0x76e: {  	v18 =	vbroadcast v15, $0xD;
	v3 =	vbroadcast v15, $0xC;
	v15 =	vld [tilespmem:s22+$0xFFFFFF40]  }
0x76f: {  	[tilespmem:s10+$0xFFFFFE80] =	vst v23;
	v23 =	vld [tilespmem:s24+$0xFFFFFF40];
	v20 =	vadd.f32 v24, v20;
	v30 =	vmul.f32 v30, v31;
	v25 =	vmul.f32 v25, v50  }
0x770: {  	v46 =	vbroadcast v5, $0x5;
	v47 =	vbroadcast v6, $0x5;
	v24 =	vld [tilespmem:s26+$0xFFFFFE90]  }
0x771: {  	v27 =	vld [tilespmem:s29+$0xFFFFFE90];
	[tilespmem:s8+$0xFFFFFFB0] =	vst v20;
	v20 =	vmul.f32 v29, v34;
	v26 =	vmul.f32 v26, v35;
	v25 =	vadd.f32 v25, v30  }
0x772: {  	v32 =	vbroadcast v41, $0x9;
	v0 =	vbroadcast v7, $0xE;
	v29 =	vld [tilespmem:s17+$0xFFFFFFC0]  }
0x773: {  	v19 =	vbroadcast v8, $0xE;
	v7 =	vbroadcast v42, $0xB;
	v16 =	vld [tilespmem:s21+$0xFFFFFFC0];
	v20 =	vadd.f32 v26, v20;
	[tilespmem:s23+$0x150] =	vst v25  }
0x774: {  	v15 =	vmul.f32 v15, v1;
	v23 =	vmul.f32 v23, v2;
	v25 =	vld [tilespmem:s22+$0x160]  }
0x775: {  	v21 =	vbroadcast v41, $0xF;
	v22 =	vbroadcast v42, $0xE;
	[tilespmem:s10+$0x90] =	vst v20;
	v20 =	vld [tilespmem:s24+$0x160]  }
0x776: {  	v30 =	vld [tilespmem:s17+$0x1F0];
	v24 =	vmul.f32 v24, v28;
	v26 =	vmul.f32 v27, v43;
	v15 =	vadd.f32 v23, v15  }
0x777: {  	v17 =	vbroadcast v41, $0xC;
	v23 =	vld [tilespmem:s26+$0xA0];
	v27 =	vmul.f32 v29, v0  }
0x778: {  	v24 =	vadd.f32 v26, v24;
	v28 =	vld [tilespmem:s29+$0xA0];
	v16 =	vmul.f32 v16, v19;
	[tilespmem:s23+$0xFFFFFF40] =	vst v15;
	v15 =	vbroadcast v63, $0xB  }
0x779: {  	v13 =	vbroadcast v42, $0xA;
	v39 =	vbroadcast v41, $0x5;
	v26 =	vld [tilespmem:s22+$0xFFFFFF50]  }
0x77a: {  	[tilespmem:s10+$0xFFFFFE90] =	vst v24;
	v24 =	vld [tilespmem:s24+$0xFFFFFF50];
	v16 =	vadd.f32 v16, v27;
	v25 =	vmul.f32 v25, v15;
	v20 =	vmul.f32 v20, v45  }
0x77b: {  	v37 =	vbroadcast v42, $0x6;
	v36 =	vbroadcast v41, $0x7;
	v48 =	vld [tilespmem:s26+$0xFFFFFEA0]  }
0x77c: {  	v38 =	vbroadcast v41, $0x6;
	v33 =	vbroadcast v42, $0x8;
	v49 =	vld [tilespmem:s29+$0xFFFFFEA0];
	[tilespmem:s8+$0xFFFFFFC0] =	vst v16;
	v20 =	vadd.f32 v20, v25  }
0x77d: {  	v16 =	vmul.f32 v23, v46;
	v23 =	vmul.f32 v28, v47;
	v50 =	vld [tilespmem:s17+$0xFFFFFFD0];
	[tilespmem:$0x1FDA0] =	vst v7  }
0x77e: {  	v31 =	vbroadcast v42, $0x9;
	v7 =	vbroadcast v41, $0xB;
	[tilespmem:s23+$0x160] =	vst v20;
	v20 =	vld [tilespmem:s21+$0xFFFFFFD0]  }
0x77f: {  	v1 =	vmul.f32 v26, v1;
	v2 =	vmul.f32 v24, v2;
	v16 =	vadd.f32 v23, v16  }
0x780: {  	v51 =	vmul.f32 v62, v44;
	v34 =	vbroadcast v41, $0x8;
	v24 =	vld [tilespmem:s22+$0x170];
	[tilespmem:$0x1FDB0] =	vst v7  }
0x781: {  	v23 =	vmul.f32 v48, v40;
	v26 =	vmul.f32 v49, v39;
	v1 =	vadd.f32 v2, v1;
	[tilespmem:s10+$0xA0] =	vst v16;
	v16 =	vld [tilespmem:s24+$0x170]  }
0x782: {  	v35 =	vbroadcast v42, $0x7;
	v9 =	vmul.f32 v30, v9;
	v2 =	vld [tilespmem:s26+$0xB0]  }
0x783: {  	v59 =	vadd.f32 v26, v23;
	v0 =	vmul.f32 v50, v0;
	[tilespmem:s23+$0xFFFFFF50] =	vst v1;
	v48 =	vld [tilespmem:s29+$0xB0];
	v1 =	vmul.f32 v20, v19  }
0x784: {  	v30 =	vbroadcast v41, $0xA;
	v27 =	vbroadcast v41, $0xD;
	v43 =	vld [tilespmem:s22+$0xFFFFFF60]  }
0x785: {  	v28 =	vbroadcast v42, $0xC;
	v25 =	vbroadcast v42, $0xF;
	[tilespmem:s10+$0xFFFFFEA0] =	vst v59;
	v44 =	vld [tilespmem:s24+$0xFFFFFF60];
	v0 =	vadd.f32 v1, v0  }
0x786: {  	v60 =	vmul.f32 v24, v15;
	v15 =	vadd.f32 v51, v9;
	v62 =	vmul.f32 v16, v45;
	v1 =	vld [tilespmem:s26+$0xFFFFFEB0]  }
0x787: {  	s15 =	simm.s32 $0x4;
	s16 =	simm.s32 $0xC70;
	v26 =	vbroadcast v42, $0xD;
	v9 =	vmul.f32 v2, v46;
	v2 =	vld [tilespmem:s29+$0xFFFFFEB0];
	[tilespmem:s8+$0xFFFFFFD0] =	vst v0  }
0x788: {  	s13 =	simm.s32 $0x4700;
	s12 =	simm.s32 $0x6700;
	s2 =	simm.s32 $0x3700;
	v23 =	vbroadcast v41, $0xE;
	v45 =	vmul.f32 v48, v47;
	[tilespmem:s8+$0x1F0] =	vst v15;
	v0 =	vadd.f32 v62, v60;
	v41 =	vld [tilespmem:s17+$0xFFFFFFE0]  }
.LBB2_15:
0x789: {  	[tilespmem:$0x1FCB0] =	vst v28;
	v28 =	vld [tilespmem:$0x1FD80]  }
0x78a: {  	[tilespmem:$0x1FD20] =	vst v13;
	v13 =	vld [tilespmem:$0x1FD90];
	_ =	sdelay $0x1  }
0x78b: {  	v50 =	vld [tilespmem:s16+$0x0];
	s0 =	sadd.s32 $0x20, s0;
	v9 =	vadd.f32 v45, v9  }
0x78c: {  	v49 =	vld [tilespmem:s0+$0x0];
	[tilespmem:s23+$0x170] =	vst v0  }
0x78d: {  	v0 =	vmul.f32 v1, v40;
	v1 =	vld [tilespmem:s22+$0x180];
	v2 =	vmul.f32 v2, v39;
	[tilespmem:s10+$0xB0] =	vst v9  }
0x78e: {  	v51 =	vld [tilespmem:s24+$0x180];
	v42 =	vmul.f32 v43, v28;
	v48 =	vmul.f32 v44, v13  }
0x78f: {  	[tilespmem:$0x1FCE0] =	vst v57;
	v57 =	vld [tilespmem:s26+$0xC0]  }
0x790: {  	v0 =	vadd.f32 v2, v0;
	v2 =	vld [tilespmem:s29+$0xC0];
	s29 =	sadd.s32 $0x400, s29;
	v9 =	vadd.f32 v48, v42  }
0x791: {  	v45 =	vbroadcast v6, $0x6;
	s26 =	sadd.s32 $0x400, s26;
	v43 =	vbroadcast v63, $0xC;
	v59 =	vld [tilespmem:s29+$0x0]  }
0x792: {  	v44 =	vbroadcast v4, $0xC;
	v46 =	vbroadcast v50, $0x0;
	[tilespmem:s23+$0xFFFFFF60] =	vst v9;
	v9 =	vld [tilespmem:s26+$0x0]  }
0x793: {  	[tilespmem:s10+$0xFFFFFEB0] =	vst v0;
	v0 =	vbroadcast v5, $0x6;
	v1 =	vmul.f32 v1, v43  }
0x794: {  	[tilespmem:$0x1FD40] =	vst v55;
	v39 =	vmul.f32 v51, v44;
	v51 =	vbroadcast v49, $0x0;
	v55 =	vld [tilespmem:s0+$0xFFFFFFF0]  }
0x795: {  	[tilespmem:$0x1FCC0] =	vst v17;
	v40 =	vmul.f32 v57, v0;
	v60 =	vld [tilespmem:s16+$0xFFFFFFF0];
	v2 =	vmul.f32 v2, v45  }
0x796: {  	[tilespmem:$0x1FD10] =	vst v21;
	v17 =	vmov v3;
	v3 =	vmul.f32 v41, v56;
	v47 =	vld [tilespmem:s26+$0xFFFFFE00];
	v1 =	vadd.f32 v39, v1  }
0x797: {  	[tilespmem:$0x1FD00] =	vst v53;
	v48 =	vld [tilespmem:s29+$0xFFFFFE00];
	v41 =	vmul.f32 v59, v51;
	v2 =	vadd.f32 v2, v40;
	v9 =	vmul.f32 v9, v46  }
0x798: {  	[tilespmem:s23+$0x180] =	vst v1  }
0x799: {  	v40 =	vld [tilespmem:s22+$0x190];
	[tilespmem:s10+$0xC0] =	vst v2;
	v9 =	vadd.f32 v41, v9  }
0x79a: {  	[tilespmem:$0x1FD30] =	vst v54;
	s10 =	sadd.s32 $0x400, s10;
	v53 =	vbroadcast v55, $0x0;
	v54 =	vbroadcast v60, $0x0;
	v2 =	vld [tilespmem:s24+$0x190]  }
0x79b: {  	v21 =	vmov v18;
	v18 =	vmov v58;
	v58 =	vld [tilespmem:s2+$0xD0];
	[tilespmem:s10+$0x0] =	vst v9  }
0x79c: {  	v62 =	vmul.f32 v47, v54;
	v39 =	vmul.f32 v48, v53;
	v9 =	vld [tilespmem:s13+$0xD0]  }
0x79d: {  	v59 =	vld [tilespmem:s26+$0x10]  }
0x79e: {  	v39 =	vadd.f32 v39, v62;
	v62 =	vld [tilespmem:s29+$0x10]  }
0x79f: {  	v14 =	vmov v52;
	v52 =	vld [tilespmem:s2+$0xFFFFFEC0]  }
0x7a0: {  	v10 =	vld [tilespmem:s13+$0xFFFFFEC0];
	v43 =	vmul.f32 v40, v43;
	v2 =	vmul.f32 v2, v44;
	[tilespmem:s10+$0xFFFFFE00] =	vst v39  }
0x7a1: {  	v0 =	vmul.f32 v58, v0;
	v15 =	vld [tilespmem:s22+$0xFFFFFF70];
	v9 =	vmul.f32 v9, v45  }
0x7a2: {  	v44 =	vld [tilespmem:s26+$0xFFFFFE10];
	v2 =	vadd.f32 v2, v43  }
0x7a3: {  	v43 =	vld [tilespmem:s29+$0xFFFFFE10];
	v46 =	vmul.f32 v59, v46;
	v51 =	vmul.f32 v62, v51;
	v0 =	vadd.f32 v9, v0  }
0x7a4: {  	v62 =	vld [tilespmem:s24+$0xFFFFFF70];
	[tilespmem:s23+$0x190] =	vst v2  }
0x7a5: {  	v19 =	vld [tilespmem:s22+$0x1A0];
	v46 =	vadd.f32 v51, v46;
	[tilespmem:s12+$0xD0] =	vst v0  }
0x7a6: {  	v52 =	vmul.f32 v52, v37;
	v10 =	vmul.f32 v10, v38;
	v0 =	vld [tilespmem:s24+$0x1A0]  }
0x7a7: {  	v20 =	vbroadcast v5, $0x7;
	v51 =	vld [tilespmem:s2+$0xE0];
	[tilespmem:s10+$0x10] =	vst v46  }
0x7a8: {  	v10 =	vadd.f32 v10, v52;
	v44 =	vmul.f32 v44, v54;
	v43 =	vmul.f32 v43, v53;
	v46 =	vld [tilespmem:s13+$0xE0]  }
0x7a9: {  	[tilespmem:$0x1FD70] =	vst v23;
	v29 =	vmovc v4;
	v7 =	vbroadcast v6, $0x7;
	v4 =	vmov v63;
	v23 =	vbroadcast v50, $0x1;
	v53 =	vld [tilespmem:s26+$0x20]  }
0x7aa: {  	[tilespmem:s12+$0xFFFFFEC0] =	vst v10;
	v10 =	vbroadcast v4, $0xD;
	v54 =	vbroadcast v29, $0xD;
	v43 =	vadd.f32 v43, v44;
	v44 =	vld [tilespmem:s29+$0x20]  }
0x7ab: {  	v24 =	vbroadcast v49, $0x1;
	v1 =	vbroadcast v60, $0x1  }
0x7ac: {  	v8 =	vld [tilespmem:s2+$0xFFFFFED0];
	v19 =	vmul.f32 v19, v10;
	[tilespmem:s10+$0xFFFFFE10] =	vst v43;
	v0 =	vmul.f32 v0, v54  }
0x7ad: {  	[tilespmem:$0x1FD60] =	vst v22;
	v22 =	vmov v25;
	v25 =	vld [tilespmem:s13+$0xFFFFFED0];
	v43 =	vmul.f32 v51, v20;
	v46 =	vmul.f32 v46, v7  }
0x7ae: {  	[tilespmem:$0x1FCF0] =	vst v26;
	v16 =	vbroadcast v55, $0x6;
	v45 =	vbroadcast v60, $0x6;
	v26 =	vld [tilespmem:s26+$0xFFFFFE20];
	v0 =	vadd.f32 v0, v19  }
0x7af: {  	v53 =	vmul.f32 v53, v23;
	v44 =	vmul.f32 v44, v24;
	v19 =	vld [tilespmem:s29+$0xFFFFFE20];
	v46 =	vadd.f32 v46, v43  }
0x7b0: {  	v15 =	vmul.f32 v15, v28;
	v28 =	vmul.f32 v62, v13;
	v13 =	vld [tilespmem:$0x1FDA0];
	[tilespmem:s23+$0x1A0] =	vst v0  }
0x7b1: {  	v44 =	vadd.f32 v44, v53;
	v0 =	vmul.f32 v8, v37;
	v8 =	vbroadcast v55, $0xA;
	v12 =	vld [tilespmem:s22+$0x1B0];
	[tilespmem:s12+$0xE0] =	vst v46  }
0x7b2: {  	v63 =	vbroadcast v55, $0x1;
	v37 =	vmov v45;
	v45 =	vld [tilespmem:s24+$0x1B0]  }
0x7b3: {  	v25 =	vmul.f32 v25, v38;
	v38 =	vmov v16;
	v16 =	vmul.f32 v26, v1;
	v46 =	vld [tilespmem:s2+$0xF0];
	[tilespmem:s10+$0x20] =	vst v44  }
0x7b4: {  	v26 =	vbroadcast v60, $0xB;
	v19 =	vmul.f32 v19, v63;
	v44 =	vld [tilespmem:s13+$0xF0]  }
0x7b5: {  	[tilespmem:$0x1FD50] =	vst v8;
	v25 =	vadd.f32 v25, v0;
	v8 =	vmov v27;
	v27 =	vld [tilespmem:s26+$0x30]  }
0x7b6: {  	v16 =	vadd.f32 v19, v16;
	v19 =	vld [tilespmem:s29+$0x30]  }
0x7b7: {  	v15 =	vadd.f32 v28, v15;
	v11 =	vld [tilespmem:s21+$0xFFFFFFE0];
	[tilespmem:s12+$0xFFFFFED0] =	vst v25  }
0x7b8: {  	v26 =	vmov v26;
	v25 =	vld [tilespmem:s2+$0xFFFFFEE0];
	v10 =	vmul.f32 v12, v10;
	v12 =	vmul.f32 v45, v54;
	[tilespmem:s10+$0xFFFFFE20] =	vst v16  }
0x7b9: {  	[tilespmem:$0x1FDA0] =	vst v26;
	v20 =	vmul.f32 v46, v20;
	v16 =	vld [tilespmem:s13+$0xFFFFFEE0];
	v7 =	vmul.f32 v44, v7  }
0x7ba: {  	v26 =	vld [tilespmem:s26+$0xFFFFFE30];
	[tilespmem:s23+$0xFFFFFF70] =	vst v15;
	v10 =	vadd.f32 v12, v10  }
0x7bb: {  	v12 =	vld [tilespmem:s29+$0xFFFFFE30];
	v15 =	vmul.f32 v27, v23;
	v19 =	vmul.f32 v19, v24;
	v7 =	vadd.f32 v7, v20  }
0x7bc: {  	v20 =	vld [tilespmem:s22+$0xFFFFFF80];
	[tilespmem:s23+$0x1B0] =	vst v10  }
0x7bd: {  	v23 =	vld [tilespmem:s22+$0x1C0];
	v15 =	vadd.f32 v19, v15;
	[tilespmem:s12+$0xF0] =	vst v7  }
0x7be: {  	v10 =	vmul.f32 v25, v35;
	v16 =	vmul.f32 v16, v36;
	v7 =	vld [tilespmem:s24+$0x1C0]  }
0x7bf: {  	v11 =	vmul.f32 v11, v14;
	v19 =	vld [tilespmem:s2+$0x100];
	[tilespmem:s10+$0x30] =	vst v15  }
0x7c0: {  	v1 =	vmul.f32 v26, v1;
	v12 =	vmul.f32 v12, v63;
	v10 =	vadd.f32 v16, v10;
	v15 =	vld [tilespmem:s13+$0x100]  }
0x7c1: {  	v11 =	vadd.f32 v11, v3;
	v16 =	vld [tilespmem:s26+$0x40]  }
0x7c2: {  	v24 =	vbroadcast v4, $0xE;
	v25 =	vbroadcast v29, $0xE;
	v1 =	vadd.f32 v12, v1;
	v12 =	vld [tilespmem:s29+$0x40];
	[tilespmem:s12+$0xFFFFFEE0] =	vst v10  }
0x7c3: {  	v26 =	vbroadcast v6, $0x8;
	v10 =	vbroadcast v5, $0x8;
	v27 =	vld [tilespmem:s2+$0xFFFFFEF0];
	[tilespmem:s8+$0xFFFFFFE0] =	vst v11  }
0x7c4: {  	v23 =	vmul.f32 v23, v24;
	v7 =	vmul.f32 v7, v25;
	[tilespmem:s10+$0xFFFFFE30] =	vst v1  }
0x7c5: {  	v1 =	vbroadcast v50, $0x2;
	v11 =	vbroadcast v49, $0x2;
	v28 =	vld [tilespmem:s13+$0xFFFFFEF0]  }
0x7c6: {  	v63 =	vld [tilespmem:s26+$0xFFFFFE40];
	v19 =	vmul.f32 v19, v10;
	v15 =	vmul.f32 v15, v26  }
0x7c7: {  	[tilespmem:$0x1FCD0] =	vst v56;
	v9 =	vbroadcast v60, $0x7;
	v7 =	vadd.f32 v7, v23;
	v23 =	vld [tilespmem:s29+$0xFFFFFE40]  }
0x7c8: {  	v62 =	vmovc v13;
	v13 =	vld [tilespmem:$0x1FDB0];
	v16 =	vmul.f32 v16, v1;
	v12 =	vmul.f32 v12, v11;
	v15 =	vadd.f32 v15, v19  }
0x7c9: {  	v57 =	vbroadcast v60, $0x2;
	v56 =	vbroadcast v55, $0x2;
	v19 =	vld [tilespmem:s24+$0xFFFFFF80];
	[tilespmem:s23+$0x1C0] =	vst v7  }
0x7ca: {  	v2 =	vbroadcast v55, $0x7;
	v7 =	vmul.f32 v27, v35;
	v27 =	vld [tilespmem:s22+$0x1D0];
	v35 =	vmovc v9;
	v9 =	vadd.f32 v12, v16;
	[tilespmem:s12+$0x100] =	vst v15  }
0x7cb: {  	v12 =	vmul.f32 v28, v36;
	v15 =	vld [tilespmem:s24+$0x1D0]  }
0x7cc: {  	v36 =	vmov v2;
	v2 =	vmul.f32 v63, v57;
	v16 =	vld [tilespmem:s2+$0x110];
	v23 =	vmul.f32 v23, v56;
	[tilespmem:s10+$0x40] =	vst v9  }
0x7cd: {  	v7 =	vadd.f32 v12, v7;
	v9 =	vld [tilespmem:s13+$0x110]  }
0x7ce: {  	v20 =	vmul.f32 v20, v61;
	v12 =	vld [tilespmem:s26+$0x50];
	v19 =	vmul.f32 v19, v17;
	v2 =	vadd.f32 v23, v2  }
0x7cf: {  	v23 =	vld [tilespmem:s29+$0x50];
	[tilespmem:s12+$0xFFFFFEF0] =	vst v7  }
0x7d0: {  	v7 =	vld [tilespmem:s2+$0xFFFFFF00];
	v19 =	vadd.f32 v19, v20;
	[tilespmem:s10+$0xFFFFFE40] =	vst v2  }
0x7d1: {  	v20 =	vmul.f32 v27, v24;
	v15 =	vmul.f32 v15, v25;
	v2 =	vld [tilespmem:s13+$0xFFFFFF00]  }
0x7d2: {  	v24 =	vld [tilespmem:s26+$0xFFFFFE50];
	v10 =	vmul.f32 v16, v10;
	v9 =	vmul.f32 v9, v26;
	[tilespmem:s23+$0xFFFFFF80] =	vst v19  }
0x7d3: {  	v15 =	vadd.f32 v15, v20;
	v16 =	vld [tilespmem:s29+$0xFFFFFE50]  }
0x7d4: {  	v1 =	vmul.f32 v12, v1;
	v11 =	vmul.f32 v23, v11;
	v9 =	vadd.f32 v9, v10  }
0x7d5: {  	v10 =	vld [tilespmem:s22+$0xFFFFFF90];
	[tilespmem:s23+$0x1D0] =	vst v15  }
0x7d6: {  	v1 =	vadd.f32 v11, v1;
	v12 =	vld [tilespmem:s22+$0x1E0];
	[tilespmem:s12+$0x110] =	vst v9  }
0x7d7: {  	v7 =	vmul.f32 v7, v33;
	v2 =	vmul.f32 v2, v34;
	v9 =	vld [tilespmem:s24+$0x1E0]  }
0x7d8: {  	v0 =	vmov v13;
	v11 =	vmul.f32 v24, v57;
	v15 =	vld [tilespmem:s2+$0x120];
	[tilespmem:s10+$0x50] =	vst v1;
	v16 =	vmul.f32 v16, v56  }
0x7d9: {  	[tilespmem:$0x1FD90] =	vst v0;
	v0 =	vbroadcast v60, $0xC;
	v1 =	vadd.f32 v2, v7;
	v2 =	vld [tilespmem:s13+$0x120]  }
0x7da: {  	v19 =	vbroadcast v4, $0xF;
	v4 =	vmovc v6;
	v6 =	vmovc v49;
	v20 =	vbroadcast v29, $0xF;
	v7 =	vld [tilespmem:s26+$0x60];
	v11 =	vadd.f32 v16, v11  }
0x7db: {  	v63 =	vmov v5;
	v23 =	vbroadcast v4, $0x9;
	v25 =	vbroadcast v6, $0x3;
	v16 =	vld [tilespmem:s29+$0x60];
	[tilespmem:s12+$0xFFFFFF00] =	vst v1  }
0x7dc: {  	v5 =	vmov v50;
	v1 =	vbroadcast v63, $0x9;
	v24 =	vld [tilespmem:s2+$0xFFFFFF10];
	v12 =	vmul.f32 v12, v19;
	[tilespmem:s10+$0xFFFFFE50] =	vst v11  }
0x7dd: {  	v9 =	vmul.f32 v9, v20;
	v11 =	vbroadcast v5, $0x3;
	v26 =	vld [tilespmem:s13+$0xFFFFFF10]  }
0x7de: {  	v15 =	vmul.f32 v15, v1;
	v27 =	vld [tilespmem:s26+$0xFFFFFE60];
	v2 =	vmul.f32 v2, v23  }
0x7df: {  	v9 =	vadd.f32 v9, v12;
	v12 =	vld [tilespmem:s29+$0xFFFFFE60]  }
0x7e0: {  	v28 =	vmovc v0;
	v0 =	vmul.f32 v7, v11;
	v7 =	vmul.f32 v16, v25;
	v2 =	vadd.f32 v2, v15  }
0x7e1: {  	v15 =	vld [tilespmem:s24+$0xFFFFFF90];
	[tilespmem:s23+$0x1E0] =	vst v9  }
0x7e2: {  	v48 =	vbroadcast v60, $0x3;
	v47 =	vbroadcast v55, $0x3;
	v16 =	vld [tilespmem:s22+$0x1F0];
	v0 =	vadd.f32 v7, v0;
	[tilespmem:s12+$0x120] =	vst v2  }
0x7e3: {  	v9 =	vmul.f32 v24, v33;
	v7 =	vmul.f32 v26, v34;
	v2 =	vld [tilespmem:s24+$0x1F0]  }
0x7e4: {  	v24 =	vmul.f32 v27, v48;
	v26 =	vld [tilespmem:s2+$0x130];
	v12 =	vmul.f32 v12, v47;
	[tilespmem:s10+$0x60] =	vst v0  }
0x7e5: {  	v0 =	vadd.f32 v7, v9;
	v7 =	vld [tilespmem:s13+$0x130]  }
0x7e6: {  	v10 =	vmul.f32 v10, v61;
	v9 =	vld [tilespmem:s26+$0x70];
	v15 =	vmul.f32 v15, v17;
	v12 =	vadd.f32 v12, v24  }
0x7e7: {  	v24 =	vld [tilespmem:s29+$0x70];
	[tilespmem:s12+$0xFFFFFF10] =	vst v0  }
0x7e8: {  	v10 =	vadd.f32 v15, v10;
	v0 =	vld [tilespmem:s2+$0xFFFFFF20];
	[tilespmem:s10+$0xFFFFFE60] =	vst v12  }
0x7e9: {  	v12 =	vld [tilespmem:s13+$0xFFFFFF20]  }
0x7ea: {  	v15 =	vmul.f32 v16, v19;
	v16 =	vld [tilespmem:s26+$0xFFFFFE70];
	[tilespmem:s23+$0xFFFFFF90] =	vst v10  }
0x7eb: {  	v2 =	vmul.f32 v2, v20;
	v10 =	vld [tilespmem:s29+$0xFFFFFE70]  }
0x7ec: {  	v1 =	vmul.f32 v26, v1;
	v7 =	vmul.f32 v7, v23  }
0x7ed: {  	v2 =	vadd.f32 v2, v15;
	v9 =	vmul.f32 v9, v11;
	v11 =	vmul.f32 v24, v25  }
0x7ee: {  	v1 =	vadd.f32 v7, v1;
	v7 =	vld [tilespmem:s22+$0xFFFFFFA0]  }
0x7ef: {  	[tilespmem:s23+$0x1F0] =	vst v2;
	v2 =	vld [tilespmem:s24+$0xFFFFFFA0];
	v0 =	vmul.f32 v0, v31;
	v9 =	vadd.f32 v11, v9;
	v11 =	vmul.f32 v12, v32  }
0x7f0: {  	v12 =	vmul.f32 v16, v48;
	v10 =	vmul.f32 v10, v47  }
0x7f1: {  	v0 =	vadd.f32 v11, v0  }
0x7f2: {  	[tilespmem:s12+$0x130] =	vst v1;
	v10 =	vadd.f32 v10, v12  }
0x7f3: {  	v1 =	vld [tilespmem:s17+$0xFFFFFFF0];
	s17 =	smov.u32 s22;
	s22 =	smov.u32 s2;
	[tilespmem:s12+$0xFFFFFF20] =	vst v0  }
0x7f4: {  	v7 =	vmul.f32 v7, v18;
	v0 =	vmul.f32 v2, v21;
	v2 =	vld [tilespmem:s22+$0xFFFFFF30];
	[tilespmem:s10+$0xFFFFFE70] =	vst v10  }
0x7f5: {  	v23 =	vld [tilespmem:s13+$0xFFFFFF30]  }
0x7f6: {  	v0 =	vadd.f32 v0, v7;
	v7 =	vld [tilespmem:s26+$0xFFFFFE80]  }
0x7f7: {  	v24 =	vld [tilespmem:s29+$0xFFFFFE80]  }
0x7f8: {  	[tilespmem:s23+$0xFFFFFFA0] =	vst v0;
	v0 =	vld [tilespmem:$0x1FCD0];
	_ =	sdelay $0x1  }
0x7f9: {  	v15 =	vld [tilespmem:s22+$0x140];
	[tilespmem:s10+$0x70] =	vst v9  }
0x7fa: {  	v11 =	vld [tilespmem:s26+$0x80]  }
0x7fb: {  	v12 =	vld [tilespmem:s29+$0x80]  }
0x7fc: {  	v0 =	vmul.f32 v1, v0;
	v1 =	vld [tilespmem:$0x1FCE0];
	_ =	sdelay $0x2  }
0x7fd: {  	v20 =	vbroadcast v6, $0x4;
	v9 =	vld [tilespmem:s13+$0x140];
	v10 =	vbroadcast v5, $0x4;
	_ =	sdelay $0x1  }
0x7fe: {  	v56 =	vmov v1;
	v1 =	vmul.f32 v11, v10;
	v11 =	vmul.f32 v12, v20;
	v12 =	vld [tilespmem:s17+$0xFFFFFFB0]  }
0x7ff: {  	v19 =	vbroadcast v4, $0xA;
	v16 =	vbroadcast v63, $0xA;
	_ =	sdelay $0x1  }
0x800: {  	v15 =	vmul.f32 v15, v16;
	v9 =	vmul.f32 v9, v19;
	_ =	sdelay $0x1  }
0x801: {  	v42 =	vbroadcast v60, $0x4;
	v9 =	vadd.f32 v9, v15;
	v12 =	vmul.f32 v12, v18;
	v18 =	vmovc v8;
	v8 =	vld [tilespmem:$0x1FD00]  }
0x802: {  	v41 =	vbroadcast v55, $0x4;
	v52 =	vbroadcast v60, $0x9;
	v15 =	vld [tilespmem:s24+$0xFFFFFFB0];
	v1 =	vadd.f32 v11, v1  }
0x803: {  	v2 =	vmul.f32 v2, v31;
	[tilespmem:s12+$0x140] =	vst v9;
	v9 =	vld [tilespmem:s21+$0xFFFFFFF0];
	v11 =	vmul.f32 v23, v32  }
0x804: {  	v53 =	vbroadcast v55, $0xB;
	s21 =	smov.u32 s24;
	s24 =	smov.u32 s13;
	v23 =	vld [tilespmem:s22+$0x150];
	[tilespmem:s10+$0x80] =	vst v1  }
0x805: {  	v7 =	vmul.f32 v7, v42;
	v24 =	vmul.f32 v24, v41;
	v1 =	vadd.f32 v11, v2;
	v2 =	vld [tilespmem:s24+$0x150]  }
0x806: {  	v31 =	vmov v52;
	v52 =	vmov v8;
	v8 =	vld [tilespmem:$0x1FD10]  }
0x807: {  	v13 =	vmov v53;
	v53 =	vbroadcast v55, $0xD;
	v7 =	vadd.f32 v24, v7;
	v11 =	vld [tilespmem:s26+$0x90]  }
0x808: {  	v24 =	vld [tilespmem:s29+$0x90];
	[tilespmem:s12+$0xFFFFFF30] =	vst v1  }
0x809: {  	v1 =	vmul.f32 v15, v21;
	v15 =	vld [tilespmem:s22+$0xFFFFFF40];
	[tilespmem:s10+$0xFFFFFE80] =	vst v7  }
0x80a: {  	v7 =	vld [tilespmem:s24+$0xFFFFFF40]  }
0x80b: {  	v27 =	vmovc v53;
	v9 =	vmul.f32 v9, v14;
	v1 =	vadd.f32 v1, v12;
	v53 =	vmov v8;
	v8 =	vld [tilespmem:$0x1FD20]  }
0x80c: {  	v16 =	vmul.f32 v23, v16;
	v12 =	vld [tilespmem:s26+$0xFFFFFE90];
	v2 =	vmul.f32 v2, v19  }
0x80d: {  	v0 =	vadd.f32 v9, v0;
	v9 =	vld [tilespmem:s29+$0xFFFFFE90];
	[tilespmem:s23+$0xFFFFFFB0] =	vst v1;
	v1 =	vmul.f32 v11, v10;
	v10 =	vmul.f32 v24, v20  }
0x80e: {  	v14 =	vld [tilespmem:$0x1FD40];
	v2 =	vadd.f32 v2, v16  }
0x80f: {  	v11 =	vld [tilespmem:s17+$0xFFFFFFC0];
	[tilespmem:s8+$0xFFFFFFF0] =	vst v0;
	s8 =	smov.u32 s23;
	s23 =	smov.u32 s12;
	v1 =	vadd.f32 v10, v1  }
0x810: {  	[tilespmem:s23+$0x150] =	vst v2;
	v0 =	vmul.f32 v15, v8;
	v15 =	vld [tilespmem:s21+$0xFFFFFFC0]  }
0x811: {  	v7 =	vmul.f32 v7, v30;
	v10 =	vld [tilespmem:s22+$0x160];
	[tilespmem:s10+$0x90] =	vst v1  }
0x812: {  	v1 =	vld [tilespmem:s24+$0x160]  }
0x813: {  	v57 =	vmov v22;
	v22 =	vld [tilespmem:$0x1FD30];
	v16 =	vbroadcast v4, $0xB;
	v0 =	vadd.f32 v7, v0  }
0x814: {  	v3 =	vld [tilespmem:$0x1FCB0];
	[tilespmem:$0x1FDB0] =	vst v13;
	v9 =	vmul.f32 v9, v41;
	v2 =	vmul.f32 v12, v42  }
0x815: {  	v13 =	vld [tilespmem:$0x1FCC0];
	[tilespmem:s23+$0xFFFFFF40] =	vst v0;
	v0 =	vmul.f32 v15, v14;
	v15 =	vbroadcast v63, $0xB  }
0x816: {  	v2 =	vadd.f32 v9, v2;
	v9 =	vld [tilespmem:s29+$0xA0]  }
0x817: {  	v1 =	vmul.f32 v1, v16;
	v7 =	vld [tilespmem:s26+$0xA0];
	v10 =	vmul.f32 v10, v15  }
0x818: {  	v11 =	vmul.f32 v11, v22;
	v12 =	vld [tilespmem:s22+$0xFFFFFF50];
	[tilespmem:s10+$0xFFFFFE90] =	vst v2  }
0x819: {  	v2 =	vld [tilespmem:s24+$0xFFFFFF50];
	v1 =	vadd.f32 v1, v10  }
0x81a: {  	v0 =	vadd.f32 v0, v11;
	v11 =	vld [tilespmem:s26+$0xFFFFFEA0]  }
0x81b: {  	[tilespmem:s23+$0x160] =	vst v1;
	v1 =	vld [tilespmem:$0x1FD50];
	_ =	sdelay $0x1  }
0x81c: {  	v19 =	vbroadcast v5, $0x5;
	v20 =	vbroadcast v6, $0x5  }
0x81d: {  	v40 =	vbroadcast v60, $0x5;
	v61 =	vmov v3;
	v3 =	vmov v13;
	v13 =	vld [tilespmem:$0x1FCF0]  }
0x81e: {  	v23 =	vld [tilespmem:s29+$0xFFFFFEA0];
	[tilespmem:s8+$0xFFFFFFC0] =	vst v0;
	v0 =	vmul.f32 v7, v19;
	v7 =	vmul.f32 v9, v20  }
0x81f: {  	v2 =	vmul.f32 v2, v30;
	v30 =	vmov v1;
	v1 =	vmul.f32 v11, v40;
	v11 =	vld [tilespmem:$0x1FD60]  }
0x820: {  	v54 =	vbroadcast v60, $0xD;
	v9 =	vld [tilespmem:s17+$0xFFFFFFD0];
	v0 =	vadd.f32 v7, v0  }
0x821: {  	v39 =	vbroadcast v55, $0x5;
	v10 =	vmul.f32 v12, v8;
	v12 =	vld [tilespmem:s21+$0xFFFFFFD0]  }
0x822: {  	v58 =	vbroadcast v55, $0x8;
	v7 =	vld [tilespmem:s22+$0x170];
	[tilespmem:s10+$0xA0] =	vst v0  }
0x823: {  	v51 =	vbroadcast v55, $0x9;
	v8 =	vmul.f32 v23, v39;
	v0 =	vadd.f32 v2, v10;
	v2 =	vld [tilespmem:s24+$0x170]  }
0x824: {  	[tilespmem:$0x1FD80] =	vst v62;
	v62 =	vbroadcast v55, $0xC;
	v43 =	vbroadcast v60, $0xA;
	v26 =	vmovc v54;
	v54 =	vmov v11;
	v11 =	vld [tilespmem:$0x1FD70]  }
0x825: {  	s15 =	sadd.s32 $0x2, s15;
	v45 =	vbroadcast v55, $0xE;
	v55 =	vbroadcast v55, $0xF;
	v10 =	vld [tilespmem:s26+$0xB0];
	v1 =	vadd.f32 v8, v1  }
0x826: {  	p0 =	slt.u32 s15, $0x6;
	v9 =	vmul.f32 v9, v22;
	[tilespmem:s23+$0xFFFFFF50] =	vst v0;
	v0 =	vmul.f32 v12, v14;
	v8 =	vld [tilespmem:s29+$0xB0]  }
.Ltmp7:
0x827: {  	v59 =	vbroadcast v60, $0x8;
	v34 =	vmovc v58;
	v58 =	vmov v13;
	v13 =	vmov v43;
	v43 =	vld [tilespmem:s22+$0xFFFFFF60];
	[tilespmem:s10+$0xFFFFFEA0] =	vst v1;
	(pc) =	sbr.rel @p0 .LBB2_15-.Ltmp7, $4  }
0x828: {  	v46 =	vbroadcast v60, $0xE;
	v60 =	vbroadcast v60, $0xF;
	v0 =	vadd.f32 v0, v9;
	v44 =	vld [tilespmem:s24+$0xFFFFFF60]  }
0x829: {  	v21 =	vmovc v55;
	v7 =	vmul.f32 v7, v15;
	v1 =	vld [tilespmem:s26+$0xFFFFFEB0];
	v55 =	vmov v11;
	v11 =	vmul.f32 v2, v16  }
0x82a: {  	s16 =	sadd.s32 $0x20, s16;
	v33 =	vmovc v59;
	v17 =	vmovc v62;
	v25 =	vmov v60;
	v32 =	vmov v51;
	v23 =	vmov v45;
	v2 =	vld [tilespmem:s29+$0xFFFFFEB0];
	[tilespmem:s8+$0xFFFFFFD0] =	vst v0  }
0x82b: {  	s2 =	smov.u32 s26;
	s13 =	smov.u32 s29;
	s12 =	smov.u32 s10;
	v22 =	vmovc v46;
	v9 =	vmul.f32 v10, v19;
	v45 =	vmul.f32 v8, v20;
	v41 =	vld [tilespmem:s17+$0xFFFFFFE0];
	v0 =	vadd.f32 v11, v7  }
0x82c: {  	_ = 	snop  }
0x82d: {  	v7 =	vadd.f32 v45, v9;
	_ =	sdelay $0x1  }
0x82e: {  	[tilespmem:s10+$0xB0] =	vst v7  }
0x82f: {  	v7 =	vld [tilespmem:s26+$0xC0]  }
0x830: {  	v12 =	vld [tilespmem:s29+$0xC0]  }
0x831: {  	v1 =	vmul.f32 v1, v40;
	v2 =	vmul.f32 v2, v39;
	_ =	sdelay $0x1  }
0x832: {  	v14 =	vbroadcast v5, $0x6;
	v8 =	vbroadcast v6, $0x6;
	v1 =	vadd.f32 v2, v1;
	_ =	sdelay $0x1  }
0x833: {  	[tilespmem:s10+$0xFFFFFEB0] =	vst v1;
	v7 =	vmul.f32 v7, v14;
	v2 =	vmul.f32 v12, v8  }
0x834: {  	v15 =	vld [tilespmem:s2+$0xFFFFFEC0]  }
0x835: {  	v10 =	vld [tilespmem:s13+$0xFFFFFEC0];
	v2 =	vadd.f32 v2, v7;
	_ =	sdelay $0x1  }
0x836: {  	[tilespmem:s10+$0xC0] =	vst v2  }
0x837: {  	v20 =	vld [tilespmem:s2+$0xD0]  }
0x838: {  	v24 =	vld [tilespmem:s13+$0xD0]  }
0x839: {  	v16 =	vmul.f32 v15, v37;
	v19 =	vmul.f32 v10, v38;
	_ =	sdelay $0x1  }
0x83a: {  	v2 =	vadd.f32 v19, v16;
	_ =	sdelay $0x1  }
0x83b: {  	[tilespmem:s12+$0xFFFFFEC0] =	vst v2;
	v1 =	vmul.f32 v20, v14;
	v8 =	vmul.f32 v24, v8  }
0x83c: {  	v2 =	vld [tilespmem:s2+$0xFFFFFED0]  }
0x83d: {  	v29 =	vld [tilespmem:s13+$0xFFFFFED0];
	v1 =	vadd.f32 v8, v1;
	_ =	sdelay $0x1  }
0x83e: {  	[tilespmem:s12+$0xD0] =	vst v1  }
0x83f: {  	v42 =	vld [tilespmem:s2+$0xE0]  }
0x840: {  	v45 =	vld [tilespmem:s13+$0xE0]  }
0x841: {  	v39 =	vmul.f32 v2, v37;
	v40 =	vmul.f32 v29, v38;
	_ =	sdelay $0x1  }
0x842: {  	v46 =	vbroadcast v5, $0x7;
	v47 =	vbroadcast v6, $0x7;
	v1 =	vadd.f32 v40, v39;
	_ =	sdelay $0x1  }
0x843: {  	[tilespmem:s12+$0xFFFFFED0] =	vst v1;
	v7 =	vmul.f32 v42, v46;
	v8 =	vmul.f32 v45, v47  }
0x844: {  	v48 =	vld [tilespmem:s2+$0xFFFFFEE0]  }
0x845: {  	v49 =	vld [tilespmem:s13+$0xFFFFFEE0];
	v7 =	vadd.f32 v8, v7;
	_ =	sdelay $0x1  }
0x846: {  	[tilespmem:s12+$0xE0] =	vst v7  }
0x847: {  	v59 =	vld [tilespmem:s2+$0xF0]  }
0x848: {  	v60 =	vld [tilespmem:s13+$0xF0]  }
0x849: {  	v50 =	vmul.f32 v48, v35;
	v51 =	vmul.f32 v49, v36;
	_ =	sdelay $0x1  }
0x84a: {  	v7 =	vadd.f32 v51, v50;
	_ =	sdelay $0x1  }
0x84b: {  	[tilespmem:s12+$0xFFFFFEE0] =	vst v7;
	v1 =	vmul.f32 v59, v46;
	v2 =	vmul.f32 v60, v47  }
0x84c: {  	v7 =	vld [tilespmem:s2+$0xFFFFFEF0]  }
0x84d: {  	v62 =	vld [tilespmem:s13+$0xFFFFFEF0];
	v1 =	vadd.f32 v2, v1;
	_ =	sdelay $0x1  }
0x84e: {  	[tilespmem:s12+$0xF0] =	vst v1  }
0x84f: {  	v15 =	vld [tilespmem:s2+$0x100]  }
0x850: {  	v16 =	vld [tilespmem:s13+$0x100]  }
0x851: {  	v12 =	vmul.f32 v7, v35;
	v14 =	vmul.f32 v62, v36;
	_ =	sdelay $0x1  }
0x852: {  	v19 =	vbroadcast v5, $0x8;
	v20 =	vbroadcast v6, $0x8;
	v1 =	vadd.f32 v14, v12;
	_ =	sdelay $0x1  }
0x853: {  	[tilespmem:s12+$0xFFFFFEF0] =	vst v1;
	v7 =	vmul.f32 v15, v19;
	v8 =	vmul.f32 v16, v20  }
0x854: {  	v24 =	vld [tilespmem:s2+$0xFFFFFF00]  }
0x855: {  	v29 =	vld [tilespmem:s13+$0xFFFFFF00];
	v7 =	vadd.f32 v8, v7;
	_ =	sdelay $0x1  }
0x856: {  	[tilespmem:s12+$0x100] =	vst v7  }
0x857: {  	v37 =	vld [tilespmem:s2+$0x110]  }
0x858: {  	v38 =	vld [tilespmem:s13+$0x110]  }
0x859: {  	v35 =	vmul.f32 v24, v33;
	v36 =	vmul.f32 v29, v34;
	_ =	sdelay $0x1  }
0x85a: {  	v7 =	vadd.f32 v36, v35;
	_ =	sdelay $0x1  }
0x85b: {  	[tilespmem:s12+$0xFFFFFF00] =	vst v7;
	v1 =	vmul.f32 v37, v19;
	v2 =	vmul.f32 v38, v20  }
0x85c: {  	v7 =	vld [tilespmem:s2+$0xFFFFFF10]  }
0x85d: {  	v39 =	vld [tilespmem:s13+$0xFFFFFF10];
	v1 =	vadd.f32 v2, v1;
	_ =	sdelay $0x1  }
0x85e: {  	[tilespmem:s12+$0x110] =	vst v1  }
0x85f: {  	v45 =	vld [tilespmem:s2+$0x120]  }
0x860: {  	v46 =	vld [tilespmem:s13+$0x120]  }
0x861: {  	v40 =	vmul.f32 v7, v33;
	v42 =	vmul.f32 v39, v34;
	_ =	sdelay $0x1  }
0x862: {  	v48 =	vbroadcast v6, $0x9;
	v47 =	vbroadcast v5, $0x9;
	v1 =	vadd.f32 v42, v40;
	_ =	sdelay $0x1  }
0x863: {  	[tilespmem:s12+$0xFFFFFF10] =	vst v1;
	v7 =	vmul.f32 v45, v47;
	v8 =	vmul.f32 v46, v48  }
0x864: {  	v49 =	vld [tilespmem:s2+$0xFFFFFF20]  }
0x865: {  	v50 =	vld [tilespmem:s13+$0xFFFFFF20];
	v7 =	vadd.f32 v8, v7;
	_ =	sdelay $0x1  }
0x866: {  	[tilespmem:s12+$0x120] =	vst v7  }
0x867: {  	v60 =	vld [tilespmem:s2+$0x130]  }
0x868: {  	v62 =	vld [tilespmem:s13+$0x130]  }
0x869: {  	v51 =	vmul.f32 v49, v31;
	v59 =	vmul.f32 v50, v32;
	_ =	sdelay $0x1  }
0x86a: {  	v7 =	vadd.f32 v59, v51;
	_ =	sdelay $0x1  }
0x86b: {  	[tilespmem:s12+$0xFFFFFF20] =	vst v7;
	v1 =	vmul.f32 v60, v47;
	v2 =	vmul.f32 v62, v48  }
0x86c: {  	v7 =	vld [tilespmem:s2+$0xFFFFFF30]  }
0x86d: {  	v12 =	vld [tilespmem:s13+$0xFFFFFF30];
	v1 =	vadd.f32 v2, v1;
	_ =	sdelay $0x1  }
0x86e: {  	[tilespmem:s12+$0x130] =	vst v1  }
0x86f: {  	v16 =	vld [tilespmem:s2+$0x140]  }
0x870: {  	v19 =	vld [tilespmem:s13+$0x140]  }
0x871: {  	v14 =	vmul.f32 v7, v31;
	v15 =	vmul.f32 v12, v32;
	_ =	sdelay $0x1  }
0x872: {  	v24 =	vbroadcast v6, $0xA;
	v20 =	vbroadcast v5, $0xA;
	v1 =	vadd.f32 v15, v14;
	_ =	sdelay $0x1  }
0x873: {  	[tilespmem:s12+$0xFFFFFF30] =	vst v1;
	v7 =	vmul.f32 v16, v20;
	v8 =	vmul.f32 v19, v24  }
0x874: {  	v29 =	vld [tilespmem:s2+$0xFFFFFF40]  }
0x875: {  	v31 =	vld [tilespmem:s13+$0xFFFFFF40];
	v7 =	vadd.f32 v8, v7;
	_ =	sdelay $0x1  }
0x876: {  	[tilespmem:s12+$0x140] =	vst v7  }
0x877: {  	v34 =	vld [tilespmem:s2+$0x150]  }
0x878: {  	v35 =	vld [tilespmem:s13+$0x150]  }
0x879: {  	v32 =	vmul.f32 v29, v13;
	v33 =	vmul.f32 v31, v30;
	_ =	sdelay $0x1  }
0x87a: {  	v7 =	vadd.f32 v33, v32;
	_ =	sdelay $0x1  }
0x87b: {  	[tilespmem:s12+$0xFFFFFF40] =	vst v7;
	v1 =	vmul.f32 v34, v20;
	v2 =	vmul.f32 v35, v24  }
0x87c: {  	v7 =	vld [tilespmem:s2+$0xFFFFFF50]  }
0x87d: {  	v36 =	vld [tilespmem:s13+$0xFFFFFF50];
	v1 =	vadd.f32 v2, v1;
	_ =	sdelay $0x1  }
0x87e: {  	[tilespmem:s12+$0x150] =	vst v1  }
0x87f: {  	v39 =	vld [tilespmem:s2+$0x160]  }
0x880: {  	v40 =	vld [tilespmem:s13+$0x160]  }
0x881: {  	v37 =	vmul.f32 v7, v13;
	v38 =	vmul.f32 v36, v30;
	_ =	sdelay $0x1  }
0x882: {  	v42 =	vbroadcast v5, $0xB;
	v45 =	vbroadcast v6, $0xB;
	v1 =	vadd.f32 v38, v37;
	_ =	sdelay $0x1  }
0x883: {  	[tilespmem:s12+$0xFFFFFF50] =	vst v1;
	v7 =	vmul.f32 v39, v42;
	v8 =	vmul.f32 v40, v45  }
0x884: {  	v46 =	vld [tilespmem:s2+$0xFFFFFF60]  }
0x885: {  	v47 =	vld [tilespmem:s13+$0xFFFFFF60];
	v7 =	vadd.f32 v8, v7  }
0x886: {  	v48 =	vld [tilespmem:$0x1FD80]  }
0x887: {  	v14 =	vld [tilespmem:$0x1FD90];
	[tilespmem:s12+$0x160] =	vst v7  }
0x888: {  	v15 =	vld [tilespmem:$0x1FDA0]  }
0x889: {  	v16 =	vld [tilespmem:$0x1FDB0];
	_ =	sdelay $0x2  }
0x88a: {  	v11 =	vmul.f32 v43, v48;
	v12 =	vmul.f32 v44, v14;
	_ =	sdelay $0x1  }
0x88b: {  	v49 =	vadd.f32 v12, v11;
	v50 =	vmul.f32 v46, v15;
	v51 =	vmul.f32 v47, v16  }
0x88c: {  	v59 =	vld [tilespmem:s2+$0x170]  }
0x88d: {  	v60 =	vld [tilespmem:s13+$0x170];
	[tilespmem:s23+$0xFFFFFF60] =	vst v49;
	v7 =	vadd.f32 v51, v50  }
0x88e: {  	v62 =	vld [tilespmem:s22+$0xFFFFFF70]  }
0x88f: {  	v19 =	vld [tilespmem:s24+$0xFFFFFF70];
	[tilespmem:s12+$0xFFFFFF60] =	vst v7  }
0x890: {  	v7 =	vld [tilespmem:s2+$0xFFFFFF70]  }
0x891: {  	v20 =	vld [tilespmem:s13+$0xFFFFFF70]  }
0x892: {  	[tilespmem:s23+$0x170] =	vst v0;
	v24 =	vmul.f32 v59, v42;
	v29 =	vmul.f32 v60, v45  }
0x893: {  	v30 =	vld [tilespmem:s22+$0x180]  }
0x894: {  	v31 =	vld [tilespmem:s24+$0x180];
	v0 =	vadd.f32 v29, v24;
	v9 =	vmul.f32 v62, v48;
	v32 =	vmul.f32 v19, v14;
	_ =	sdelay $0x1  }
0x895: {  	[tilespmem:s12+$0x170] =	vst v0;
	v33 =	vadd.f32 v32, v9;
	v34 =	vmul.f32 v7, v15;
	v35 =	vmul.f32 v20, v16  }
0x896: {  	v36 =	vbroadcast v63, $0xC;
	v37 =	vbroadcast v4, $0xC;
	v38 =	vld [tilespmem:s2+$0x180]  }
0x897: {  	v39 =	vld [tilespmem:s13+$0x180];
	[tilespmem:s23+$0xFFFFFF70] =	vst v33;
	v0 =	vadd.f32 v35, v34  }
0x898: {  	v2 =	vmul.f32 v30, v36;
	v40 =	vmul.f32 v31, v37;
	v42 =	vld [tilespmem:s22+$0xFFFFFF80]  }
0x899: {  	v43 =	vld [tilespmem:s24+$0xFFFFFF80];
	[tilespmem:s12+$0xFFFFFF70] =	vst v0  }
0x89a: {  	v45 =	vbroadcast v5, $0xC;
	v46 =	vbroadcast v6, $0xC;
	v44 =	vadd.f32 v40, v2;
	v47 =	vld [tilespmem:s2+$0xFFFFFF80]  }
0x89b: {  	v48 =	vld [tilespmem:s13+$0xFFFFFF80]  }
0x89c: {  	[tilespmem:s23+$0x180] =	vst v44;
	v49 =	vmul.f32 v38, v45;
	v1 =	vmul.f32 v39, v46  }
0x89d: {  	v50 =	vld [tilespmem:s22+$0x190]  }
0x89e: {  	v19 =	vld [tilespmem:s24+$0x190];
	v8 =	vmul.f32 v42, v61;
	v12 =	vmul.f32 v43, v3;
	v0 =	vadd.f32 v1, v49;
	_ =	sdelay $0x1  }
0x89f: {  	v51 =	vadd.f32 v12, v8;
	[tilespmem:s12+$0x180] =	vst v0;
	v59 =	vmul.f32 v47, v28;
	v60 =	vmul.f32 v48, v17  }
0x8a0: {  	v62 =	vld [tilespmem:s2+$0x190]  }
0x8a1: {  	v14 =	vld [tilespmem:s13+$0x190];
	[tilespmem:s23+$0xFFFFFF80] =	vst v51;
	v0 =	vadd.f32 v60, v59  }
0x8a2: {  	v15 =	vmul.f32 v50, v36;
	v16 =	vmul.f32 v19, v37;
	v19 =	vld [tilespmem:s22+$0xFFFFFF90]  }
0x8a3: {  	v20 =	vld [tilespmem:s24+$0xFFFFFF90];
	[tilespmem:s12+$0xFFFFFF80] =	vst v0  }
0x8a4: {  	v24 =	vadd.f32 v16, v15;
	v29 =	vld [tilespmem:s2+$0xFFFFFF90]  }
0x8a5: {  	v30 =	vld [tilespmem:s13+$0xFFFFFF90]  }
0x8a6: {  	[tilespmem:s23+$0x190] =	vst v24;
	v31 =	vmul.f32 v62, v45;
	v1 =	vmul.f32 v14, v46  }
0x8a7: {  	v32 =	vld [tilespmem:s22+$0x1A0]  }
0x8a8: {  	v33 =	vld [tilespmem:s24+$0x1A0];
	v10 =	vmul.f32 v19, v61;
	v11 =	vmul.f32 v20, v3;
	v0 =	vadd.f32 v1, v31;
	_ =	sdelay $0x1  }
0x8a9: {  	v34 =	vadd.f32 v11, v10;
	[tilespmem:s12+$0x190] =	vst v0;
	v35 =	vmul.f32 v29, v28;
	v36 =	vmul.f32 v30, v17  }
0x8aa: {  	v38 =	vbroadcast v4, $0xD;
	v37 =	vbroadcast v63, $0xD;
	v39 =	vld [tilespmem:s2+$0x1A0]  }
0x8ab: {  	v40 =	vld [tilespmem:s13+$0x1A0];
	[tilespmem:s23+$0xFFFFFF90] =	vst v34;
	v0 =	vadd.f32 v36, v35  }
0x8ac: {  	v2 =	vmul.f32 v32, v37;
	v7 =	vmul.f32 v33, v38;
	v42 =	vld [tilespmem:s22+$0xFFFFFFA0]  }
0x8ad: {  	v43 =	vld [tilespmem:s24+$0xFFFFFFA0];
	[tilespmem:s12+$0xFFFFFF90] =	vst v0  }
0x8ae: {  	v45 =	vbroadcast v5, $0xD;
	v46 =	vbroadcast v6, $0xD;
	v44 =	vadd.f32 v7, v2;
	v47 =	vld [tilespmem:s2+$0xFFFFFFA0]  }
0x8af: {  	v48 =	vld [tilespmem:s13+$0xFFFFFFA0]  }
0x8b0: {  	[tilespmem:s23+$0x1A0] =	vst v44;
	v49 =	vmul.f32 v39, v45;
	v1 =	vmul.f32 v40, v46  }
0x8b1: {  	v50 =	vld [tilespmem:s22+$0x1B0]  }
0x8b2: {  	v51 =	vld [tilespmem:s24+$0x1B0];
	v8 =	vmul.f32 v42, v58;
	v12 =	vmul.f32 v43, v18;
	v0 =	vadd.f32 v1, v49;
	_ =	sdelay $0x1  }
0x8b3: {  	v59 =	vadd.f32 v12, v8;
	[tilespmem:s12+$0x1A0] =	vst v0;
	v60 =	vmul.f32 v47, v26;
	v61 =	vmul.f32 v48, v27  }
0x8b4: {  	v62 =	vld [tilespmem:s2+$0x1B0]  }
0x8b5: {  	v13 =	vld [tilespmem:s13+$0x1B0];
	[tilespmem:s23+$0xFFFFFFA0] =	vst v59;
	v0 =	vadd.f32 v61, v60  }
0x8b6: {  	v14 =	vmul.f32 v50, v37;
	v15 =	vmul.f32 v51, v38;
	v16 =	vld [tilespmem:s22+$0xFFFFFFB0]  }
0x8b7: {  	v17 =	vld [tilespmem:s24+$0xFFFFFFB0];
	[tilespmem:s12+$0xFFFFFFA0] =	vst v0  }
0x8b8: {  	v19 =	vadd.f32 v15, v14;
	v20 =	vld [tilespmem:s2+$0xFFFFFFB0]  }
0x8b9: {  	v24 =	vld [tilespmem:s13+$0xFFFFFFB0]  }
0x8ba: {  	[tilespmem:s23+$0x1B0] =	vst v19;
	v28 =	vmul.f32 v62, v45;
	v1 =	vmul.f32 v13, v46  }
0x8bb: {  	v29 =	vld [tilespmem:s22+$0x1C0]  }
0x8bc: {  	v30 =	vld [tilespmem:s24+$0x1C0];
	v10 =	vmul.f32 v16, v58;
	v11 =	vmul.f32 v17, v18;
	v0 =	vadd.f32 v1, v28;
	_ =	sdelay $0x1  }
0x8bd: {  	v31 =	vadd.f32 v11, v10;
	[tilespmem:s12+$0x1B0] =	vst v0;
	v32 =	vmul.f32 v20, v26;
	v33 =	vmul.f32 v24, v27  }
0x8be: {  	v34 =	vbroadcast v63, $0xE;
	v35 =	vbroadcast v4, $0xE;
	v36 =	vld [tilespmem:s2+$0x1C0]  }
0x8bf: {  	v37 =	vld [tilespmem:s13+$0x1C0];
	[tilespmem:s23+$0xFFFFFFB0] =	vst v31;
	v0 =	vadd.f32 v33, v32  }
0x8c0: {  	v2 =	vmul.f32 v29, v34;
	v7 =	vmul.f32 v30, v35;
	v38 =	vld [tilespmem:s22+$0xFFFFFFC0]  }
0x8c1: {  	v39 =	vld [tilespmem:s24+$0xFFFFFFC0];
	[tilespmem:s12+$0xFFFFFFB0] =	vst v0  }
0x8c2: {  	v42 =	vbroadcast v5, $0xE;
	v43 =	vbroadcast v6, $0xE;
	v40 =	vadd.f32 v7, v2;
	v44 =	vld [tilespmem:s2+$0xFFFFFFC0]  }
0x8c3: {  	v45 =	vld [tilespmem:s13+$0xFFFFFFC0]  }
0x8c4: {  	[tilespmem:s23+$0x1C0] =	vst v40;
	v46 =	vmul.f32 v36, v42;
	v1 =	vmul.f32 v37, v43  }
0x8c5: {  	v47 =	vld [tilespmem:s22+$0x1D0]  }
0x8c6: {  	v48 =	vld [tilespmem:s24+$0x1D0];
	v8 =	vmul.f32 v38, v54;
	v12 =	vmul.f32 v39, v55;
	v0 =	vadd.f32 v1, v46;
	_ =	sdelay $0x1  }
0x8c7: {  	v49 =	vadd.f32 v12, v8;
	[tilespmem:s12+$0x1C0] =	vst v0;
	v50 =	vmul.f32 v44, v22;
	v51 =	vmul.f32 v45, v23  }
0x8c8: {  	v58 =	vld [tilespmem:s2+$0x1D0]  }
0x8c9: {  	v59 =	vld [tilespmem:s13+$0x1D0];
	[tilespmem:s23+$0xFFFFFFC0] =	vst v49;
	v0 =	vadd.f32 v51, v50  }
0x8ca: {  	v60 =	vmul.f32 v47, v34;
	v61 =	vmul.f32 v48, v35;
	v62 =	vld [tilespmem:s22+$0xFFFFFFD0]  }
0x8cb: {  	v13 =	vld [tilespmem:s24+$0xFFFFFFD0];
	[tilespmem:s12+$0xFFFFFFC0] =	vst v0  }
0x8cc: {  	v14 =	vadd.f32 v61, v60;
	v15 =	vld [tilespmem:s2+$0xFFFFFFD0]  }
0x8cd: {  	v16 =	vld [tilespmem:s13+$0xFFFFFFD0]  }
0x8ce: {  	[tilespmem:s23+$0x1D0] =	vst v14;
	v17 =	vmul.f32 v58, v42;
	v1 =	vmul.f32 v59, v43  }
0x8cf: {  	v18 =	vld [tilespmem:s22+$0x1E0]  }
0x8d0: {  	v19 =	vld [tilespmem:s24+$0x1E0];
	v10 =	vmul.f32 v62, v54;
	v11 =	vmul.f32 v13, v55;
	v0 =	vadd.f32 v1, v17;
	_ =	sdelay $0x1  }
0x8d1: {  	v20 =	vld [tilespmem:s21+$0xFFFFFFE0];
	v10 =	vadd.f32 v11, v10;
	[tilespmem:s12+$0x1D0] =	vst v0;
	v24 =	vmul.f32 v15, v22;
	v26 =	vmul.f32 v16, v23  }
0x8d2: {  	v28 =	vbroadcast v4, $0xF;
	v27 =	vbroadcast v63, $0xF;
	v29 =	vld [tilespmem:s2+$0x1E0]  }
0x8d3: {  	v30 =	vld [tilespmem:s13+$0x1E0];
	[tilespmem:s23+$0xFFFFFFD0] =	vst v10;
	v0 =	vadd.f32 v26, v24  }
0x8d4: {  	v2 =	vmul.f32 v18, v27;
	v7 =	vmul.f32 v19, v28;
	v31 =	vld [tilespmem:s22+$0xFFFFFFE0]  }
0x8d5: {  	v35 =	vbroadcast v5, $0xF;
	v32 =	vmul.f32 v41, v56;
	v33 =	vld [tilespmem:s24+$0xFFFFFFE0];
	[tilespmem:s12+$0xFFFFFFD0] =	vst v0  }
0x8d6: {  	v36 =	vbroadcast v6, $0xF;
	v34 =	vadd.f32 v7, v2;
	v1 =	vmul.f32 v20, v52;
	v37 =	vld [tilespmem:s2+$0xFFFFFFE0]  }
0x8d7: {  	v38 =	vld [tilespmem:s13+$0xFFFFFFE0]  }
0x8d8: {  	[tilespmem:s23+$0x1E0] =	vst v34;
	v1 =	vadd.f32 v1, v32;
	v39 =	vmul.f32 v29, v35;
	v40 =	vmul.f32 v30, v36  }
0x8d9: {  	v41 =	vld [tilespmem:s22+$0x1F0]  }
0x8da: {  	v42 =	vld [tilespmem:s24+$0x1F0];
	[tilespmem:s8+$0xFFFFFFE0] =	vst v1;
	v8 =	vmul.f32 v31, v57;
	v43 =	vmul.f32 v33, v53;
	v0 =	vadd.f32 v40, v39  }
0x8db: {  	v44 =	vld [tilespmem:s17+$0xFFFFFFF0]  }
0x8dc: {  	v45 =	vld [tilespmem:s21+$0xFFFFFFF0];
	v8 =	vadd.f32 v43, v8;
	[tilespmem:s12+$0x1E0] =	vst v0;
	v46 =	vmul.f32 v37, v25;
	v47 =	vmul.f32 v38, v21  }
0x8dd: {  	v48 =	vld [tilespmem:s2+$0x1F0]  }
0x8de: {  	v49 =	vld [tilespmem:s13+$0x1F0];
	[tilespmem:s23+$0xFFFFFFE0] =	vst v8;
	v0 =	vadd.f32 v47, v46  }
0x8df: {  	v50 =	vld [tilespmem:s22+$0xFFFFFFF0]  }
0x8e0: {  	v51 =	vld [tilespmem:s24+$0xFFFFFFF0];
	[tilespmem:s12+$0xFFFFFFE0] =	vst v0  }
0x8e1: {  	v0 =	vld [tilespmem:s2+$0xFFFFFFF0]  }
0x8e2: {  	v54 =	vld [tilespmem:s13+$0xFFFFFFF0]  }
0x8e3: {  	v3 =	vmul.f32 v41, v27;
	v1 =	vmul.f32 v42, v28  }
0x8e4: {  	v55 =	vmul.f32 v44, v56;
	v56 =	vmul.f32 v45, v52  }
0x8e5: {  	v1 =	vadd.f32 v1, v3;
	v2 =	vmul.f32 v48, v35;
	v58 =	vmul.f32 v49, v36  }
0x8e6: {  	v4 =	vadd.f32 v56, v55;
	v59 =	vmul.f32 v50, v57;
	v60 =	vmul.f32 v51, v53  }
0x8e7: {  	[tilespmem:s23+$0x1F0] =	vst v1;
	v61 =	vadd.f32 v58, v2;
	v0 =	vmul.f32 v0, v25;
	v62 =	vmul.f32 v54, v21  }
0x8e8: {  	[tilespmem:s8+$0xFFFFFFF0] =	vst v4;
	v63 =	vadd.f32 v60, v59  }
0x8e9: {  	[tilespmem:s12+$0x1F0] =	vst v61;
	v0 =	vadd.f32 v62, v0  }
0x8ea: {  	[tilespmem:s23+$0xFFFFFFF0] =	vst v63  }
0x8eb: {  	[tilespmem:s12+$0xFFFFFFF0] =	vst v0  }
0x8ec: {  	s26 =	simm.s32 $0x9;
	s24 =	simm.s32 $0x5D00;
	s0 =	rddreg [dreg:$0x7]  }
0x8ed: {  	[hbm4b:s0+s3] =	stream.linear.scatter [tilespmem:s24], [sflag:$0xA], $0x1000, $0x38;
	[tilespmem:$0x6D00] =	vst v63  }
0x8ee: {  	_ =	swait.ge [sflag:s26], $0x1000  }
0x8ef: {  	[sflag:s26] =	ssyncset.done $0x0  }
0x8f0: {  	[sflag:s26] =	ssyncadd.s32 $0xFFFFF000  }
0x8f1: {  	_ =	swait.ge [sflag:s30], $0x1000  }
0x8f2: {  	s29 =	rddreg [dreg:$0x9]  }
0x8f3: {  	s31 =	rddreg [dreg:$0x8];
	s2 =	sadd.s32 $0x1, s29  }
0x8f4: {  	p0 =	sne.s32 s2, s31  }
.Ltmp8:
0x8f5: {  	_ = 	snop;
	(pc) =	sbr.rel @p0 .LBB2_1-.Ltmp8, $3  }
0x8f6: {  	_ =	sdelay $0x1  }
0x8f7: {  	[sflag:s30] =	ssyncset.done $0x0  }
0x8f8: {  	[sflag:s30] =	ssyncadd.s32 $0xFFFFF000  }
0x8f9: {  	_ =	sfence.sel $0x180000  }
0x8fa: {  	[bflag:$0x0] =	sbarrier.arrive $0xFFFF  }
0x8fb: {  	_ =	strace $0x90000047  }
0x8fc: {  	s0 =	stileid.u32;
	[bflag:$0x2] =	sbarrier.arrive $0xFFFF  }
0x8fd: {  	p0 =	sne.s32 s0, $0x0;
	s0 =	rddreg [dreg:$0x2]  }
0x8fe: {  	s0 =	sadd.s32 @!p0 $0x100000, s0  }
0x8ff: {  	[sflag:s0] =	ssyncadd.tile.s32 @!p0 $0x1;
	_ =	shalt  }
.Lfunc_end2:
_tile_overlayer_lowered:
.L_overlay_start_2:
0x900: {  	(tag) =	ssettag $0x2  }
0x901: {  	s0 =	rddreg [dreg:$0x0];
	s2 =	stileid.u32  }
0x902: {  	s1 =	rddreg [dreg:$0x1];
	p0 =	sne.s32 s2, $0x0  }
0x903: {  	s3 =	rddreg [dreg:$0x2];
	[bflag:$0x3] =	sbarrier.arrive $0xFFFF;
	s2 =	simm.s32 @!p0 $0x1C0B  }
0x904: {  	[timem:s3], [sflag:s2] =	dma.local @!p0 [hbm:s0], s1  }
0x905: {  	s0 =	simm.s32 @!p0 $0xB  }
0x906: {  	_ =	swait.ge @!p0 [sflag:s0], s1  }
0x907: {  	s1 =	ssub.s32 @!p0 $0x0, s1;
	[sflag:s0] =	ssyncset.done @!p0 $0x0  }
0x908: {  	[sflag:s0] =	ssyncadd.s32 @!p0 s1  }
0x909: {  	[bflag:$0x3] =	sbarrier.arrive $0xFFFF  }
0x90a: {  	_ =	shalt  }

// kernel: sparse-core-data-format-call.cloned.1.call-start
scs
called_computation_lowered:
.L_overlay_start_0:
0x0: {  	s2 =	sld [smem:$0x3FD9]  }
0x1: {  	s3 =	sld [smem:$0x3FFE];
	_ =	sdelay $0x1  }
0x2: {  	s1 =	srdreg.scid  }
0x3: {  	s0 =	sand.u32 $0x1, s1  }
0x4: {  	s18 =	sshll.u32 s0, $0xA;
	s2 =	sadd.s32 s3, s2  }
0x5: {  	s2 =	sadd.s32 s2, s18  }
0x6: {  	[smem:$0x3FC4] =	sst s2  }
0x7: {  	_ = 	snop  }
0x8: {  	s2 =	sld [smem:$0x3FD0];
	(tm) =	ssettm $0x1  }
0x9: {  	s19 =	sld [smem:$0x3FFB];
	_ =	sdelay $0x3  }
0xa: {  	_ =	strace s19  }
0xb: {  	s3 =	sld [smem:$0x3FFC];
	_ =	sdelay $0x3  }
0xc: {  	_ =	strace s3  }
0xd: {  	s3 =	sld [smem:$0x3FFD];
	_ =	sdelay $0x3  }
0xe: {  	_ =	strace s3  }
0xf: {  	_ =	strace $0x8FFFFFFF  }
0x10: {  	s20 =	sld [smem:$0x3FDB];
	_ =	sdelay $0x1  }
0x11: {  	s4 =	simm.s32 $_scs_section_size  }
0x12: {  	s5 =	simm.s32 $_size__tile_overlayer_lowered;
	s6 =	simm.s32 $_tile_overlayer_lowered  }
0x13: {  	s23 =	simm.s32 $0x1BFF;
	s22 =	sshll.u32 s6, $0x1;
	s3 =	sadd.s32 s4, s20  }
0x14: {  	s7 =	simm.s32 $0x0;
	s21 =	sshll.u32 s5, $0x1;
	s5 =	sadd.s32 s22, s3  }
0x15: {  	[timem:s7], [sflag:s23] =	dma.local [hbm:s5], s21  }
0x16: {  	_ =	swait.ge [sflag:s23], s21  }
0x17: {  	s4 =	ssub.s32 $0x0, s21;
	[sflag:s23] =	ssyncset.done $0x0  }
0x18: {  	[sflag:s23] =	ssyncadd.s32 s4;
	_ =	sdelay $0x1  }
0x19: {  	s24 =	simm.s32 $0x1B8B  }
0x1a: {  	_ =	swait.ge [sflag:s24], $0x1  }
0x1b: {  	[sflag:s24] =	ssyncset.done $0x0  }
0x1c: {  	s26 =	simm.s32 $0x1B8E;
	s25 =	sld [smem:$0x3FFE];
	[sflag:s24] =	ssyncadd.s32 $0xFFFFFFFF  }
0x1d: {  	s27 =	simm.s32 $execute0_lowered;
	[smem:$0x3FD2] =	sst s26  }
0x1e: {  	s5 =	sshll.u32 s27, $0x1;
	_ =	strace $0x80000049;
	[dreg:$0x1] =	wrdreg $0xFFFFFFFF  }
0x1f: {  	s28 =	simm.s32 $_size_execute0_lowered;
	s3 =	sadd.s32 s3, s5;
	[dreg:$0x0] =	wrdreg $0x0  }
0x20: {  	s5 =	sshll.u32 s28, $0x1;
	[dreg:$0x2] =	wrdreg s3  }
0x21: {  	[dreg:$0x3] =	wrdreg s5  }
0x22: {  	[dreg:$0x4] =	wrdreg $0xC0  }
0x23: {  	_ =	task [dreg:s7], $0x5FFFF  }
0x24: {  	[dreg:$0x1] =	wrdreg $0xFFFFFFFF  }
0x25: {  	[dreg:$0x0] =	wrdreg $0x60  }
0x26: {  	[dreg:$0x2] =	wrdreg s25  }
0x27: {  	[dreg:$0x3] =	wrdreg s2  }
0x28: {  	[dreg:$0x4] =	wrdreg $0x9  }
0x29: {  	_ =	task.clear_ibuf [dreg:s7], $0x5FFFF;
	_ =	strace $0x90000049  }
0x2a: {  	s29 =	simm.s32 $0x9;
	_ =	strace $0x8000004B  }
0x2b: {  	_ =	swait.ge [sflag:s29], $0x1  }
0x2c: {  	[sflag:s29] =	ssyncadd.s32 $0xFFFFFFFF  }
0x2d: {  	_ =	strace $0x9000004B  }
0x2e: {  	_ =	sfence  }
0x2f: {  	s30 =	sld [smem:$0x0];
	_ =	sdelay $0x2  }
0x30: {  	s31 =	sshll.u32 s1, $0xD;
	s1 =	sshrl.u32 s1, $0x2  }
0x31: {  	s3 =	sand.u32 $0x4000, s31;
	s1 =	sadd.s32 s1, s30  }
0x32: {  	s0 =	sor.u32 s3, s0;
	s1 =	sshll.u32 s1, $0x11  }
0x33: {  	s0 =	sor.u32 s1, s0  }
0x34: {  	s0 =	sadd.s32 $0x8F2B, s0  }
0x35: {  	[sflag:s0] =	ssyncadd.remote.s32 $0x1  }
0x36: {  	_ =	sfence.sel $0xFFFF  }
0x37: {  	[dreg:$0x0] =	wrdreg $0xFFFFFFFF;
	(pc) =	sbr.abs _section_cstart, $3  }
0x38: {  	[dreg:$0x1] =	wrdreg $0xFFFFFFFF  }
0x39: {  	_ =	task.clear_ibuf [dreg:s7], $0x2FFFF;
	_ =	strace $0x9FFFFFFF  }
0x3a: {  	(tm) =	ssettm $0x7FFFFFFF  }
0x3b: {  	_ =	shalt  }
tec
execute0_lowered:
.L_overlay_start_1:
0x0: {  	(tag) =	ssettag $0x1  }
0x1: {  	s0 =	srdreg.scid  }
0x2: {  	s1 =	sshll.u32 s0, $0x4  }
0x3: {  	s0 =	stileid.u32;
	s1 =	sand.u32 $0x10, s1  }
0x4: {  	s1 =	sor.u32 s0, s1  }
0x5: {  	s6 =	rddreg [dreg:$0x0];
	s4 =	simm.s32 $0x1;
	s2 =	sshll.u32 s1, $0x7  }
0x6: {  	s7 =	simm.s32 $0x2;
	s12 =	simm.s32 $0x0;
	s1 =	ssub.s32 $0x1000, s2  }
0x7: {  	s8 =	simm.s32 $0x8000;
	s13 =	simm.s32 $0x0;
	s3 =	sand.u32 $0xF80, s1  }
0x8: {  	s9 =	simm.s32 $0x0;
	s5 =	sshrl.u32 s1, $0xC;
	p0 =	sne.s32 s3, $0x0  }
.Ltmp0:
0x9: {  	s1 =	rddreg [dreg:$0x2];
	s4 =	simm.s32 @!p0 $0x0;
	(pc) =	sbr.rel .LBB1_1-.Ltmp0, $4  }
0xa: {  	s11 =	simm.s32 $0x0;
	s3 =	rddreg [dreg:$0x1];
	s5 =	sadd.s32 s4, s5  }
0xb: {  	_ =	strace $0x8000004A;
	s4 =	simm.s32 $0x1;
	s5 =	smul.u32 $0xC8, s5  }
0xc: {  	s6 =	sadd.s32 $0xC00, s6;
	s10 =	smov.u32 s2;
	[sflag:s4] =	ssyncpa.u1 $0x0  }
0xd: {  	p0 =	por $0x0, $0x0;
	[sflag:s7] =	ssyncpa.u1 $0x0;
	s7 =	sor.u32 $0x1, s5  }
.LBB1_4:
0xe: {  	s16 =	sshll.u32 s13, $0x3;
	s17 =	sand.u32 $0x78, s13  }
0xf: {  	s30 =	sand.u32 $0x3E00, s13;
	s12 =	sshll.u32 s12, $0xE;
	s16 =	sand.u32 $0xC00, s16  }
0x10: {  	s31 =	sand.u32 $0x7, s13;
	s16 =	sor.u32 s17, s16;
	s17 =	sadd.s32 s3, s30  }
0x11: {  	s13 =	sshll.u32 s31, $0x12;
	s16 =	sshrl.u32 s16, $0x3;
	s12 =	sadd.s32 s12, s17  }
0x12: {  	[tilespmem:s15+$0x0 ss:$0x81] =	vst.msk $0xffff, v0;
	s13 =	sor.u32 $0x400, s13;
	s12 =	sadd.s32 s16, s12  }
0x13: {  	[hbm4b:s12+s13] =	stream.strided.scatter [tilespmem:s14], [sflag:$0x2], $0x1000, s8, s13, $0x20;
	[tilespmem:$0x4040] =	vst v63  }
.LBB1_5:
0x14: {  	s14 =	sadd.s32 $0x1, s9  }
0x15: {  	s12 =	sadd.s32 $0x1000, s10;
	s16 =	smov.u32 s10;
	p2 =	sgt.s32 s14, $0xC7  }
0x16: {  	s16 =	smov.u32 @p2 s12  }
0x17: {  	s14 =	simm.s32 @p2 $0x0;
	p2 =	sgt.s32 s16, $0xFFF  }
0x18: {  	s16 =	smov.u32 @p2 s2;
	p2 =	sne.s32 s11, s7  }
.Ltmp1:
0x19: {  	p1 =	slt.u32 s11, $0x2;
	(pc) =	sbr.rel @!p2 .LBB1_6-.Ltmp1, $4  }
0x1a: {  	s15 =	simm.s32 @!p1 $0x2  }
0x1b: {  	s13 =	smov.u32 s10;
	p0 =	por !p0, !p0;
	_ =	swait.ge @!p1 [sflag:s15], $0x1000  }
0x1c: {  	s12 =	smov.u32 s9;
	[sflag:s15] =	ssyncset.done @!p1 $0x0;
	s9 =	smov.u32 s14  }
0x1d: {  	s11 =	sadd.s32 $0x1, s11;
	[sflag:s15] =	ssyncadd.s32 @!p1 $0xFFFFF000;
	s10 =	smov.u32 s16  }
.LBB1_1:
0x1e: {  	p1 =	sge.u32 s11, s5  }
0x1f: {  	s14 =	sand.u32 @!p1 $0x1FFFFFF, s9  }
0x20: {  	s15 =	smulhi.u32 @!p1 $0x147AE15, s14;
	_ =	sdelay $0x1  }
0x21: {  	s15 =	smul.u32 @!p1 $0xC8, s15  }
0x22: {  	s16 =	sxor.u32 @!p1 $0xFFFFFFFF, s11;
	s17 =	smul.u32 @!p1 $0xC80, s10  }
0x23: {  	s31 =	sadd.s32 $0xFFFFFFFF, s11;
	s16 =	sshll.u32 @!p1 s16, $0xC;
	s14 =	ssub.s32 @!p1 s14, s15  }
0x24: {  	s15 =	sand.u32 @!p1 $0x1000, s16;
	s16 =	sadd.s32 @!p1 s6, s17;
	s14 =	sshll.u32 @!p1 s14, $0x4  }
0x25: {  	s17 =	simm.s32 @!p1 $0x6400;
	s14 =	sadd.s32 @!p1 s14, s16;
	s16 =	simm.s32 @!p1 $0x20  }
0x26: {  	[tilespmem:s15], [sflag:$0x1] =	stream.strided.gather @!p1 [hbm4b:s14+s16], $0x1000, s17, s16, $0x38;
	[tilespmem:$0x4040] =	vst v63  }
0x27: {  	p1 =	sge.u32 s31, s5  }
.Ltmp2:
0x28: {  	_ = 	snop;
	(pc) =	sbr.rel @p1 .LBB1_5-.Ltmp2, $1  }
0x29: {  	_ =	sdelay $0x3  }
0x2a: {  	s14 =	simm.s32 $0x1  }
0x2b: {  	_ =	swait.ge [sflag:s4], $0x1000;
	s14 =	simm.s32 @!p0 $0x0  }
0x2c: {  	[sflag:s4] =	ssyncset.done $0x0;
	s15 =	sshll.u32 s14, $0xC  }
0x2d: {  	[sflag:s4] =	ssyncadd.s32 $0xFFFFF000;
	s18 =	sor.u32 $0x10, s15  }
0x2e: {  	s14 =	smul.u32 $0x4080, s14;
	v1 =	vld [tilespmem:s18+$0x0]  }
0x2f: {  	s30 =	sand.u32 $0x1, s11;
	v0 =	vld [tilespmem:s18+$0xFFFFFFF0]  }
0x30: {  	s15 =	smul.u32 $0x4080, s30;
	s14 =	sshrl.u32 s14, $0x2  }
0x31: {  	s16 =	sor.u32 $0x2000, s14  }
0x32: {  	s31 =	sshrl.u32 s15, $0x2;
	s15 =	sadd.s32 $0x0, s16  }
0x33: {  	s17 =	simm.s32 $0x4;
	s18 =	sadd.s32 $0x20, s18;
	s14 =	sor.u32 $0x2000, s31;
	[tilespmem:s15+$0x810 ss:$0x81] =	vst.msk $0xffff, v1  }
.LBB1_3:
0x34: {  	v1 =	vld [tilespmem:s18+$0x0];
	p1 =	sne.s32 s17, $0x1FC;
	[tilespmem:s15+$0x0 ss:$0x81] =	vst.msk $0xffff, v0;
	s15 =	smov.u32 s17;
	s17 =	sadd.s32 $0x4, s17  }
.Ltmp3:
0x35: {  	v0 =	vld [tilespmem:s18+$0xFFFFFFF0];
	(pc) =	sbr.rel @p1 .LBB1_3-.Ltmp3, $4  }
0x36: {  	_ = 	snop  }
0x37: {  	s15 =	sshra.s32 s15, $0x2  }
0x38: {  	s15 =	sadd.s32 s15, s16  }
0x39: {  	s18 =	sadd.s32 $0x20, s18;
	[tilespmem:s15+$0x810 ss:$0x81] =	vst.msk $0xffff, v1  }
.Ltmp4:
0x3a: {  	_ = 	snop;
	(pc) =	sbr.rel .LBB1_4-.Ltmp4, $1  }
0x3b: {  	_ =	sdelay $0x3  }
.LBB1_6:
0x3c: {  	_ =	sfence.sel $0x180000  }
0x3d: {  	s2 =	simm.s32 $0x1;
	[bflag:$0x0] =	sbarrier.arrive $0xFFFF  }
0x3e: {  	s31 =	simm.s32 $0x2;
	[sflag:s2] =	ssyncpa.u1 $0x1  }
0x3f: {  	[sflag:s31] =	ssyncpa.u1 $0x1  }
0x40: {  	p0 =	sne.s32 s0, $0x0;
	_ =	strace $0x9000004A  }
0x41: {  	s0 =	sadd.s32 @!p0 $0x100000, s1;
	[bflag:$0x2] =	sbarrier.arrive $0xFFFF  }
0x42: {  	[sflag:s0] =	ssyncadd.tile.s32 @!p0 $0x1;
	_ =	shalt  }
.Lfunc_end1:
_tile_overlayer_lowered:
.L_overlay_start_2:
0x43: {  	(tag) =	ssettag $0x2  }
0x44: {  	s0 =	rddreg [dreg:$0x0];
	s2 =	stileid.u32  }
0x45: {  	s1 =	rddreg [dreg:$0x1];
	p0 =	sne.s32 s2, $0x0  }
0x46: {  	s3 =	rddreg [dreg:$0x2];
	[bflag:$0x3] =	sbarrier.arrive $0xFFFF;
	s2 =	simm.s32 @!p0 $0x1C01  }
0x47: {  	[timem:s3], [sflag:s2] =	dma.local @!p0 [hbm:s0], s1  }
0x48: {  	s0 =	simm.s32 @!p0 $0x1  }
0x49: {  	_ =	swait.ge @!p0 [sflag:s0], s1  }
0x4a: {  	s1 =	ssub.s32 @!p0 $0x0, s1;
	[sflag:s0] =	ssyncset.done @!p0 $0x0  }
0x4b: {  	[sflag:s0] =	ssyncadd.s32 @!p0 s1  }
0x4c: {  	[bflag:$0x3] =	sbarrier.arrive $0xFFFF  }
0x4d: {  	_ =	shalt  }

</sc_bundles>
